<compile_context>
chip_gen: v7x
topology: tpu7x:2x2x1
jax: 0.10.2.dev20260603
libtpu: 0.0.44.dev20260713+nightly
codegen_flags: <defaults>
</compile_context>

<pallas_src>
import functools

import jax
import jax.numpy as jnp
from jax import lax
from jax.experimental import pallas as pl
from jax.experimental.pallas import tpu as pltpu
from jax.experimental.pallas import tpu_sc as plsc

N = 10000
E = 320000
D = 128
ALPHA = 0.2

NC = 2
NS = 16
NW = NC * NS
L = 16

KB = 96
NB = 105
EPAD = NW * NB * KB
EPT = EPAD // NW
NG = KB // L
NPAD = 10240
NACC = NPAD
RPT = NACC // NS
ZROWS = 32



def _mm_body(x_ref, w_ref, av_ref, h_ref, s_ref):
    hb = jnp.dot(x_ref[...], w_ref[...], preferred_element_type=jnp.float32)
    h_ref[...] = hb
    s_ref[...] = jnp.dot(hb, av_ref[...], preferred_element_type=jnp.float32)


def _stage1(x, W, av):
    nblk = 10
    blk = N // nblk
    return pl.pallas_call(
        _mm_body,
        grid=(nblk,),
        in_specs=[
            pl.BlockSpec((blk, D), lambda i: (i, 0)),
            pl.BlockSpec((D, D), lambda i: (0, 0)),
            pl.BlockSpec((D, 2), lambda i: (0, 0)),
        ],
        out_specs=[
            pl.BlockSpec((blk, D), lambda i: (i, 0)),
            pl.BlockSpec((blk, 2), lambda i: (i, 0)),
        ],
        out_shape=[
            jax.ShapeDtypeStruct((N, D), jnp.float32),
            jax.ShapeDtypeStruct((N, 2), jnp.float32),
        ],
    )(x, W, av)



def _sc_body(s1_hbm, s2_hbm, edges_hbm, h_hbm,
             acc_out, rsum_out,
             eb0, eb1, eb2, rows0, rows1, rows2, wb0, wb1, wb2,
             s1b0, s1b1, s1b2, s2b0, s2b1, s2b2, si0, si1, si2,
             zbuf, zbufr, accs, rsums,
             sg0, sg1, sg2, ss0, ss1, ss2, se0, se1, se2):
    cid = lax.axis_index("c")
    sid = lax.axis_index("s")
    wid = cid * NS + sid

    zero16 = jnp.zeros((L,), jnp.float32)

    def _zb(i, c):
        for j in range(D // L):
            zbuf[i, pl.ds(j * L, L)] = zero16
        return c
    lax.fori_loop(0, ZROWS, _zb, 0)

    def _zbr(i, c):
        zbufr[pl.ds(i * L, L)] = zero16
        return c
    lax.fori_loop(0, RPT // L, _zbr, 0)

    def _za(i, c):
        pltpu.async_copy(zbuf, accs.at[pl.ds(sid * RPT + i * ZROWS, ZROWS), :],
                         sg0)
        return c
    lax.fori_loop(0, RPT // ZROWS, _za, 0)
    pltpu.sync_copy(zbufr, rsums.at[pl.ds(sid * RPT, RPT)])

    def _zaw(i, c):
        pltpu.make_async_copy(
            zbuf, accs.at[pl.ds(sid * RPT + i * ZROWS, ZROWS), :], sg0).wait()
        return c
    lax.fori_loop(0, RPT // ZROWS, _zaw, 0)

    plsc.subcore_barrier()

    ebufs = (eb0, eb1, eb2)
    rbufs = (rows0, rows1, rows2)
    wbufs = (wb0, wb1, wb2)
    s1bufs = (s1b0, s1b1, s1b2)
    s2bufs = (s2b0, s2b1, s2b2)
    sibufs = (si0, si1, si2)
    gsems = (sg0, sg1, sg2)
    ssems = (ss0, ss1, ss2)
    esems = (se0, se1, se2)

    def _erow(b):
        return (wid * NB + b) * 2

    def _issue_edges(b, slot):
        pltpu.async_copy(edges_hbm.at[pl.ds(_erow(b), 2), :], ebufs[slot],
                         esems[slot])

    def _wait_edges(b, slot):
        pltpu.make_async_copy(edges_hbm.at[pl.ds(_erow(b), 2), :],
                              ebufs[slot], esems[slot]).wait()

    def _issue_gathers(slot):
        eb = ebufs[slot]
        pltpu.async_copy(h_hbm.at[eb.at[1]], rbufs[slot], gsems[slot])
        pltpu.async_copy(s1_hbm.at[eb.at[0]], s1bufs[slot], gsems[slot])
        pltpu.async_copy(s2_hbm.at[eb.at[1]], s2bufs[slot], gsems[slot])

    def _wait_gathers(slot):
        eb = ebufs[slot]
        pltpu.make_async_copy(h_hbm.at[eb.at[1]], rbufs[slot],
                              gsems[slot]).wait()
        pltpu.make_async_copy(s1_hbm.at[eb.at[0]], s1bufs[slot],
                              gsems[slot]).wait()
        pltpu.make_async_copy(s2_hbm.at[eb.at[1]], s2bufs[slot],
                              gsems[slot]).wait()

    def _compute(slot):
        eb, rows, wbb = ebufs[slot], rbufs[slot], wbufs[slot]
        lane = lax.iota(jnp.int32, L)
        ws = []
        for g in range(NG):
            e = (s1bufs[slot][pl.ds(g * L, L)]
                 + s2bufs[slot][pl.ds(g * L, L)])
            lr = jnp.where(e > 0.0, e, ALPHA * e)
            w = jnp.exp(-lr)
            wbb[pl.ds(g * L, L)] = w
            sibufs[slot][pl.ds(g * L, L)] = eb[0, pl.ds(g * L, L)]
            ws.append(w)

        @plsc.parallel_loop(0, D // 4, unroll=2)
        def _cols(cb):
            cbase = jnp.full((L,), cb * 4, jnp.int32) + lane
            for j in range(4):
                cvec = (cbase + j) & (D - 1)
                for g in range(NG):
                    kvec = g * L + lane
                    vals = plsc.load_gather(rows, [kvec, cvec])
                    plsc.store_scatter(rows, [kvec, cvec], vals * ws[g])

    def _issue_scatter(slot):
        pltpu.async_copy(rbufs[slot], accs.at[sibufs[slot]], ssems[slot],
                         add=True)
        pltpu.async_copy(wbufs[slot], rsums.at[sibufs[slot]], ssems[slot],
                         add=True)

    def _wait_scatter(slot):
        pltpu.make_async_copy(rbufs[slot], accs.at[sibufs[slot]],
                              ssems[slot]).wait()
        pltpu.make_async_copy(wbufs[slot], rsums.at[sibufs[slot]],
                              ssems[slot]).wait()

    _issue_edges(0, 0)
    _issue_edges(1, 1)
    _wait_edges(0, 0)
    _issue_gathers(0)
    _issue_edges(2, 2)
    _wait_edges(1, 1)
    _issue_gathers(1)

    TK = NB // 3

    def _tri(k, c):
        for sub in range(3):
            b = 3 * k + sub
            s = sub % 3
            s2 = (sub + 2) % 3
            _wait_gathers(s)
            _compute(s)
            _issue_scatter(s)

            if sub == 0:
                @pl.when(k > 0)
                def _():
                    _wait_scatter(s2)
            else:
                _wait_scatter(s2)

            if sub == 0:
                _wait_edges(b + 2, s2)
                _issue_gathers(s2)
            else:
                @pl.when(k < TK - 1)
                def _():
                    _wait_edges(b + 2, s2)
                    _issue_gathers(s2)

            @pl.when(k < TK - 1)
            def _():
                _issue_edges(b + 3, s)
        return c

    lax.fori_loop(0, TK, _tri, 0)
    _wait_scatter(2)

    plsc.subcore_barrier()

    pltpu.sync_copy(accs.at[pl.ds(sid * RPT, RPT), :],
                    acc_out.at[cid, pl.ds(sid * RPT, RPT), :])
    pltpu.sync_copy(rsums.at[pl.ds(sid * RPT, RPT)],
                    rsum_out.at[cid, pl.ds(sid * RPT, RPT)])


def _stage2(s1p, s2p, edges2d, h):
    mesh = plsc.VectorSubcoreMesh(core_axis_name="c", subcore_axis_name="s")
    f = functools.partial(
        pl.kernel,
        mesh=mesh,
        compiler_params=pltpu.CompilerParams(needs_layout_passes=False),
        out_type=[
            jax.ShapeDtypeStruct((NC, NACC, D), jnp.float32),
            jax.ShapeDtypeStruct((NC, NACC), jnp.float32),
        ],
        scratch_types=[
            pltpu.VMEM((2, KB), jnp.int32),
            pltpu.VMEM((2, KB), jnp.int32),
            pltpu.VMEM((2, KB), jnp.int32),
            pltpu.VMEM((KB, D), jnp.float32),
            pltpu.VMEM((KB, D), jnp.float32),
            pltpu.VMEM((KB, D), jnp.float32),
            pltpu.VMEM((KB,), jnp.float32),
            pltpu.VMEM((KB,), jnp.float32),
            pltpu.VMEM((KB,), jnp.float32),
            pltpu.VMEM((KB,), jnp.float32),
            pltpu.VMEM((KB,), jnp.float32),
            pltpu.VMEM((KB,), jnp.float32),
            pltpu.VMEM((KB,), jnp.float32),
            pltpu.VMEM((KB,), jnp.float32),
            pltpu.VMEM((KB,), jnp.float32),
            pltpu.VMEM((KB,), jnp.int32),
            pltpu.VMEM((KB,), jnp.int32),
            pltpu.VMEM((KB,), jnp.int32),
            pltpu.VMEM((ZROWS, D), jnp.float32),
            pltpu.VMEM((RPT,), jnp.float32),
            pltpu.VMEM_SHARED((NACC, D), jnp.float32),
            pltpu.VMEM_SHARED((NACC,), jnp.float32),
            pltpu.SemaphoreType.DMA,
            pltpu.SemaphoreType.DMA,
            pltpu.SemaphoreType.DMA,
            pltpu.SemaphoreType.DMA,
            pltpu.SemaphoreType.DMA,
            pltpu.SemaphoreType.DMA,
            pltpu.SemaphoreType.DMA,
            pltpu.SemaphoreType.DMA,
            pltpu.SemaphoreType.DMA,
        ],
    )(_sc_body)
    return f(s1p, s2p, edges2d, h)



def _fin_body(acc_ref, rsum_ref, out_ref):
    s = acc_ref[0] + acc_ref[1]
    r = rsum_ref[0] + rsum_ref[1] + 1e-8
    hp = s / r[:, None]
    out_ref[...] = jnp.where(hp > 0.0, hp, jnp.exp(jnp.minimum(hp, 0.0)) - 1.0)


def _stage3(acc2, rsum2):
    nblk = 10
    blk = NACC // nblk
    return pl.pallas_call(
        _fin_body,
        grid=(nblk,),
        in_specs=[
            pl.BlockSpec((NC, blk, D), lambda i: (0, i, 0)),
            pl.BlockSpec((NC, blk), lambda i: (0, i)),
        ],
        out_specs=pl.BlockSpec((blk, D), lambda i: (i, 0)),
        out_shape=jax.ShapeDtypeStruct((NACC, D), jnp.float32),
    )(acc2, rsum2)




@jax.jit
def kernel(x, edge_index, W, a):
    av = jnp.stack([a[0, :D], a[0, D:]], axis=1)
    h, s12 = _stage1(x, W, av)
    s1p = jnp.pad(s12[:, 0], (0, NPAD - N))
    s2p = jnp.pad(s12[:, 1], (0, NPAD - N))
    srcp = jnp.pad(edge_index[0].astype(jnp.int32), (0, EPAD - E),
                   constant_values=N + 1)
    dstp = jnp.pad(edge_index[1].astype(jnp.int32), (0, EPAD - E))
    edges2d = (jnp.stack([srcp, dstp])
               .reshape(2, NW, NB, KB)
               .transpose(1, 2, 0, 3)
               .reshape(NW * NB * 2, KB))
    acc2, rsum2 = _stage2(s1p, s2p, edges2d, h)
    return _stage3(acc2, rsum2)[:N]

# --- scband reference (transcript-rebuilt; emitter-appended) ---
"""Pipeline reference for scband-gatstock-prediction-model-22247930593605 (READ-ONLY COPY).

The authoritative reference and input builder live on the scoring server;
editing this copy changes nothing except your own understanding.
"""

import jax, jax.numpy as jnp
import numpy as np

N = 10000
E = 320000
D_IN = 128
D_OUT = 128
ALPHA = 0.2


def setup_inputs(seed: int = 0) -> dict:
    key = jax.random.key(seed)
    k1, k2, k3, k4 = jax.random.split(key, 4)
    x = jax.random.normal(k1, (N, D_IN), dtype=jnp.float32)
    edge_index = jax.random.randint(k2, (2, E), 0, N)
    # Learned parameters (xavier_normal with gain 1.414, as in the torch module)
    W = jax.random.normal(k3, (D_IN, D_OUT), dtype=jnp.float32) * (1.414 * np.sqrt(2.0 / (D_IN + D_OUT)))
    a = jax.random.normal(k4, (1, 2 * D_OUT), dtype=jnp.float32) * (1.414 * np.sqrt(2.0 / (2 * D_OUT + 1)))
    return {"x": x, "edge_index": edge_index, "W": W, "a": a}


def reference(x, edge_index, W, a):
    # Sparse GAT layer (SpGraphAttentionLayer core of GATStockPredictionModel)
    src = edge_index[0]
    dst = edge_index[1]
    h = x @ W  # [N, D_OUT]
    # per-edge attention logits: a . [h_src ; h_dst]
    edge_h = jnp.concatenate([h[src], h[dst]], axis=1)  # [E, 2*D_OUT] (gather)
    e = jnp.squeeze(edge_h @ a.T, axis=-1)  # [E]
    lrelu = jnp.where(e > 0, e, ALPHA * e)
    edge_e = jnp.exp(-lrelu)  # [E]
    # row-wise softmax denominator via scatter-add (sparse A @ ones)
    e_rowsum = jax.ops.segment_sum(edge_e, src, num_segments=N)  # [N]
    # sparse A @ h via scatter-add of weighted messages
    msg = edge_e[:, None] * h[dst]  # [E, D_OUT]
    h_prime = jax.ops.segment_sum(msg, src, num_segments=N)  # [N, D_OUT]
    h_prime = h_prime / (e_rowsum[:, None] + 1e-8)
    # concat=True -> elu activation
    return jax.nn.elu(h_prime)

if __name__ == "__main__":
    import jax
    _d = setup_inputs()
    print(jax.jit(kernel)(*tuple(_d.values())))

</pallas_src>

<mosaic_0001>
#map = affine_map<(d0, d1) -> (0)>
#map1 = affine_map<(d0, d1) -> (0, 0)>
#map2 = affine_map<(d0, d1) -> (0, 0, 0)>
module attributes {stable_mosaic.version = 14 : i64} {
  func.func @_sc_body(%arg0: i32, %arg1: i32, %arg2: memref<10240xf32, #tpu.memory_space<hbm>>, %arg3: memref<10240xf32, #tpu.memory_space<hbm>>, %arg4: memref<6720x96xi32, #tpu.memory_space<hbm>>, %arg5: memref<10000x128xf32, #tpu.memory_space<hbm>>, %arg6: memref<2x10240x128xf32, #tpu.memory_space<hbm>>, %arg7: memref<2x10240xf32, #tpu.memory_space<hbm>>, %arg8: memref<2x96xi32, #tpu.memory_space<vmem>>, %arg9: memref<2x96xi32, #tpu.memory_space<vmem>>, %arg10: memref<2x96xi32, #tpu.memory_space<vmem>>, %arg11: memref<96x128xf32, #tpu.memory_space<vmem>>, %arg12: memref<96x128xf32, #tpu.memory_space<vmem>>, %arg13: memref<96x128xf32, #tpu.memory_space<vmem>>, %arg14: memref<96xf32, #tpu.memory_space<vmem>>, %arg15: memref<96xf32, #tpu.memory_space<vmem>>, %arg16: memref<96xf32, #tpu.memory_space<vmem>>, %arg17: memref<96xf32, #tpu.memory_space<vmem>>, %arg18: memref<96xf32, #tpu.memory_space<vmem>>, %arg19: memref<96xf32, #tpu.memory_space<vmem>>, %arg20: memref<96xf32, #tpu.memory_space<vmem>>, %arg21: memref<96xf32, #tpu.memory_space<vmem>>, %arg22: memref<96xf32, #tpu.memory_space<vmem>>, %arg23: memref<96xi32, #tpu.memory_space<vmem>>, %arg24: memref<96xi32, #tpu.memory_space<vmem>>, %arg25: memref<96xi32, #tpu.memory_space<vmem>>, %arg26: memref<32x128xf32, #tpu.memory_space<vmem>>, %arg27: memref<640xf32, #tpu.memory_space<vmem>>, %arg28: memref<10240x128xf32, #tpu.memory_space<vmem_shared>>, %arg29: memref<10240xf32, #tpu.memory_space<vmem_shared>>, %arg30: memref<!tpu.dma_semaphore, #tpu.memory_space<semaphore_mem>>, %arg31: memref<!tpu.dma_semaphore, #tpu.memory_space<semaphore_mem>>, %arg32: memref<!tpu.dma_semaphore, #tpu.memory_space<semaphore_mem>>, %arg33: memref<!tpu.dma_semaphore, #tpu.memory_space<semaphore_mem>>, %arg34: memref<!tpu.dma_semaphore, #tpu.memory_space<semaphore_mem>>, %arg35: memref<!tpu.dma_semaphore, #tpu.memory_space<semaphore_mem>>, %arg36: memref<!tpu.dma_semaphore, #tpu.memory_space<semaphore_mem>>, %arg37: memref<!tpu.dma_semaphore, #tpu.memory_space<semaphore_mem>>, %arg38: memref<!tpu.dma_semaphore, #tpu.memory_space<semaphore_mem>>) attributes {dimension_semantics = [#tpu.dimension_semantics<core_parallel>, #tpu.dimension_semantics<subcore_parallel>], iteration_bounds = array<i64: 2, 16>, scalar_prefetch = 0 : i64, scratch_operands = 31 : i64, tpu.core_type = #tpu.core_type<sc_vector_subcore>, window_params = [{transform_indices = #map}, {transform_indices = #map}, {transform_indices = #map1}, {transform_indices = #map1}, {transform_indices = #map2}, {transform_indices = #map1}]} {
    %mul3A = arith.constant 16 : i32
    %mul3A_0 = arith.muli %arg0, %mul3A : i32
    %add3A = arith.addi %mul3A_0, %arg1 : i32
    %broadcast_in_dim3A = arith.constant 0.000000e+00 : f32
    %broadcast_in_dim3A_1 = vector.broadcast %broadcast_in_dim3A : f32 to vector<16xf32>
    %scan3A = arith.constant 0 : i32
    %scan3A_2 = arith.constant 0 : i32
    %scan3A_3 = arith.constant 32 : i32
    %scan3A_4 = arith.addi %scan3A_2, %scan3A_3 : i32
    %scan3A_5 = arith.constant 1 : i32
    scf.for %scan3A_133 = %scan3A_2 to %scan3A_4 step %scan3A_5  : i32 {
      %swap3A = arith.index_cast %scan3A_133 : i32 to index
      %swap3A_134 = arith.constant 0 : index
      %swap3A_135 = tpu.vector_load %arg26[%swap3A, %swap3A_134] {strides = array<i32>} : memref<32x128xf32, #tpu.memory_space<vmem>>, vector<16xf32>,
      tpu.vector_store %arg26[%swap3A, %swap3A_134], %broadcast_in_dim3A_1 {strides = array<i32>} : memref<32x128xf32, #tpu.memory_space<vmem>>, vector<16xf32>,
      %swap3A_136 = arith.index_cast %scan3A_133 : i32 to index
      %swap3A_137 = arith.constant 16 : index
      %swap3A_138 = tpu.vector_load %arg26[%swap3A_136, %swap3A_137] {strides = array<i32>} : memref<32x128xf32, #tpu.memory_space<vmem>>, vector<16xf32>,
      tpu.vector_store %arg26[%swap3A_136, %swap3A_137], %broadcast_in_dim3A_1 {strides = array<i32>} : memref<32x128xf32, #tpu.memory_space<vmem>>, vector<16xf32>,
      %swap3A_139 = arith.index_cast %scan3A_133 : i32 to index
      %swap3A_140 = arith.constant 32 : index
      %swap3A_141 = tpu.vector_load %arg26[%swap3A_139, %swap3A_140] {strides = array<i32>} : memref<32x128xf32, #tpu.memory_space<vmem>>, vector<16xf32>,
      tpu.vector_store %arg26[%swap3A_139, %swap3A_140], %broadcast_in_dim3A_1 {strides = array<i32>} : memref<32x128xf32, #tpu.memory_space<vmem>>, vector<16xf32>,
      %swap3A_142 = arith.index_cast %scan3A_133 : i32 to index
      %swap3A_143 = arith.constant 48 : index
      %swap3A_144 = tpu.vector_load %arg26[%swap3A_142, %swap3A_143] {strides = array<i32>} : memref<32x128xf32, #tpu.memory_space<vmem>>, vector<16xf32>,
      tpu.vector_store %arg26[%swap3A_142, %swap3A_143], %broadcast_in_dim3A_1 {strides = array<i32>} : memref<32x128xf32, #tpu.memory_space<vmem>>, vector<16xf32>,
      %swap3A_145 = arith.index_cast %scan3A_133 : i32 to index
      %swap3A_146 = arith.constant 64 : index
      %swap3A_147 = tpu.vector_load %arg26[%swap3A_145, %swap3A_146] {strides = array<i32>} : memref<32x128xf32, #tpu.memory_space<vmem>>, vector<16xf32>,
      tpu.vector_store %arg26[%swap3A_145, %swap3A_146], %broadcast_in_dim3A_1 {strides = array<i32>} : memref<32x128xf32, #tpu.memory_space<vmem>>, vector<16xf32>,
      %swap3A_148 = arith.index_cast %scan3A_133 : i32 to index
      %swap3A_149 = arith.constant 80 : index
      %swap3A_150 = tpu.vector_load %arg26[%swap3A_148, %swap3A_149] {strides = array<i32>} : memref<32x128xf32, #tpu.memory_space<vmem>>, vector<16xf32>,
      tpu.vector_store %arg26[%swap3A_148, %swap3A_149], %broadcast_in_dim3A_1 {strides = array<i32>} : memref<32x128xf32, #tpu.memory_space<vmem>>, vector<16xf32>,
      %swap3A_151 = arith.index_cast %scan3A_133 : i32 to index
      %swap3A_152 = arith.constant 96 : index
      %swap3A_153 = tpu.vector_load %arg26[%swap3A_151, %swap3A_152] {strides = array<i32>} : memref<32x128xf32, #tpu.memory_space<vmem>>, vector<16xf32>,
      tpu.vector_store %arg26[%swap3A_151, %swap3A_152], %broadcast_in_dim3A_1 {strides = array<i32>} : memref<32x128xf32, #tpu.memory_space<vmem>>, vector<16xf32>,
      %swap3A_154 = arith.index_cast %scan3A_133 : i32 to index
      %swap3A_155 = arith.constant 112 : index
      %swap3A_156 = tpu.vector_load %arg26[%swap3A_154, %swap3A_155] {strides = array<i32>} : memref<32x128xf32, #tpu.memory_space<vmem>>, vector<16xf32>,
      tpu.vector_store %arg26[%swap3A_154, %swap3A_155], %broadcast_in_dim3A_1 {strides = array<i32>} : memref<32x128xf32, #tpu.memory_space<vmem>>, vector<16xf32>,
    }
    %scan3A_6 = arith.constant 32 : i32
    %scan3A_7 = arith.constant 0 : i32
    %scan3A_8 = arith.constant 0 : i32
    %scan3A_9 = arith.constant 40 : i32
    %scan3A_10 = arith.addi %scan3A_8, %scan3A_9 : i32
    %scan3A_11 = arith.constant 1 : i32
    scf.for %scan3A_133 = %scan3A_8 to %scan3A_10 step %scan3A_11  : i32 {
      %mul3A_134 = arith.constant 16 : i32
      %mul3A_135 = arith.muli %scan3A_133, %mul3A_134 : i32
      %swap3A = arith.index_cast %mul3A_135 : i32 to index
      %swap3A_136 = tpu.vector_load %arg27[%swap3A] {strides = array<i32>} : memref<640xf32, #tpu.memory_space<vmem>>, vector<16xf32>,
      tpu.vector_store %arg27[%swap3A], %broadcast_in_dim3A_1 {strides = array<i32>} : memref<640xf32, #tpu.memory_space<vmem>>, vector<16xf32>,
    }
    %scan3A_12 = arith.constant 40 : i32
    %scan3A_13 = arith.constant 0 : i32
    %scan3A_14 = arith.constant 0 : i32
    %scan3A_15 = arith.constant 20 : i32
    %scan3A_16 = arith.addi %scan3A_14, %scan3A_15 : i32
    %scan3A_17 = arith.constant 1 : i32
    scf.for %scan3A_133 = %scan3A_14 to %scan3A_16 step %scan3A_17  : i32 {
      %mul3A_134 = arith.constant 640 : i32
      %mul3A_135 = arith.muli %arg1, %mul3A_134 : i32
      %mul3A_136 = arith.constant 32 : i32
      %mul3A_137 = arith.muli %scan3A_133, %mul3A_136 : i32
      %add3A_138 = arith.addi %mul3A_135, %mul3A_137 : i32
      %dma_start3A_139 = arith.constant 0 : i32
      %dma_start3A_140 = tpu.memref_slice %arg28[%add3A_138, %dma_start3A_139] : memref<10240x128xf32, #tpu.memory_space<vmem_shared>> -> memref<32x128xf32, #tpu.memory_space<vmem_shared>>
      %dma_start3A_141 = arith.constant 0 : i32
      %dma_start3A_142 = tpu.memref_slice %arg28[%add3A_138, %dma_start3A_141] : memref<10240x128xf32, #tpu.memory_space<vmem_shared>> -> memref<32x128xf32, #tpu.memory_space<vmem_shared>>
      tpu.enqueue_dma source(%arg26 : memref<32x128xf32, #tpu.memory_space<vmem>>) target(%dma_start3A_142 : memref<32x128xf32, #tpu.memory_space<vmem_shared>>) target_semaphore(%arg30 : memref<!tpu.dma_semaphore, #tpu.memory_space<semaphore_mem>>)
    }
    %scan3A_18 = arith.constant 20 : i32
    %mul3A_19 = arith.constant 640 : i32
    %mul3A_20 = arith.muli %arg1, %mul3A_19 : i32
    "tpu.region"() ({
      %run_scoped3A = tpu.sem_alloc : memref<!tpu.dma_semaphore, #tpu.memory_space<semaphore_mem>>
      %dma_start3A_133 = tpu.memref_slice %arg29[%mul3A_20] : memref<10240xf32, #tpu.memory_space<vmem_shared>> -> memref<640xf32, #tpu.memory_space<vmem_shared>>
      %dma_start3A_134 = tpu.memref_slice %arg29[%mul3A_20] : memref<10240xf32, #tpu.memory_space<vmem_shared>> -> memref<640xf32, #tpu.memory_space<vmem_shared>>
      tpu.enqueue_dma source(%arg27 : memref<640xf32, #tpu.memory_space<vmem>>) target(%dma_start3A_134 : memref<640xf32, #tpu.memory_space<vmem_shared>>) target_semaphore(%run_scoped3A : memref<!tpu.dma_semaphore, #tpu.memory_space<semaphore_mem>>)
      %dma_wait3A_135 = tpu.memref_slice %arg29[%mul3A_20] : memref<10240xf32, #tpu.memory_space<vmem_shared>> -> memref<640xf32, #tpu.memory_space<vmem_shared>>
      %dma_wait3A_136 = tpu.memref_slice %arg29[%mul3A_20] : memref<10240xf32, #tpu.memory_space<vmem_shared>> -> memref<640xf32, #tpu.memory_space<vmem_shared>>
      tpu.wait_dma2 semaphore(%run_scoped3A : memref<!tpu.dma_semaphore, #tpu.memory_space<semaphore_mem>>) src(%arg27 : memref<640xf32, #tpu.memory_space<vmem>>) dst(%dma_wait3A_136 : memref<640xf32, #tpu.memory_space<vmem_shared>>)
      tpu.yield
    }) : () -> ()
    %scan3A_21 = arith.constant 0 : i32
    %scan3A_22 = arith.constant 0 : i32
    %scan3A_23 = arith.constant 20 : i32
    %scan3A_24 = arith.addi %scan3A_22, %scan3A_23 : i32
    %scan3A_25 = arith.constant 1 : i32
    scf.for %scan3A_133 = %scan3A_22 to %scan3A_24 step %scan3A_25  : i32 {
      %mul3A_134 = arith.constant 640 : i32
      %mul3A_135 = arith.muli %arg1, %mul3A_134 : i32
      %mul3A_136 = arith.constant 32 : i32
      %mul3A_137 = arith.muli %scan3A_133, %mul3A_136 : i32
      %add3A_138 = arith.addi %mul3A_135, %mul3A_137 : i32
      %dma_wait3A_139 = arith.constant 0 : i32
      %dma_wait3A_140 = tpu.memref_slice %arg28[%add3A_138, %dma_wait3A_139] : memref<10240x128xf32, #tpu.memory_space<vmem_shared>> -> memref<32x128xf32, #tpu.memory_space<vmem_shared>>
      %dma_wait3A_141 = arith.constant 0 : i32
      %dma_wait3A_142 = tpu.memref_slice %arg28[%add3A_138, %dma_wait3A_141] : memref<10240x128xf32, #tpu.memory_space<vmem_shared>> -> memref<32x128xf32, #tpu.memory_space<vmem_shared>>
      tpu.wait_dma2 semaphore(%arg30 : memref<!tpu.dma_semaphore, #tpu.memory_space<semaphore_mem>>) src(%arg26 : memref<32x128xf32, #tpu.memory_space<vmem>>) dst(%dma_wait3A_142 : memref<32x128xf32, #tpu.memory_space<vmem_shared>>)
    }
    %scan3A_26 = arith.constant 20 : i32
    %barrier3A = arith.constant 0 : index
    tpu.barrier barrier_id(%barrier3A)
    %mul3A_27 = arith.constant 105 : i32
    %mul3A_28 = arith.muli %add3A, %mul3A_27 : i32
    %add3A_29 = arith.constant 0 : i32
    %add3A_30 = arith.addi %mul3A_28, %add3A_29 : i32
    %mul3A_31 = arith.constant 2 : i32
    %mul3A_32 = arith.muli %add3A_30, %mul3A_31 : i32
    %dma_start3A = arith.constant 0 : i32
    %dma_start3A_33 = tpu.memref_slice %arg4[%mul3A_32, %dma_start3A] : memref<6720x96xi32, #tpu.memory_space<hbm>> -> memref<2x96xi32, #tpu.memory_space<hbm>>
    %dma_start3A_34 = arith.constant 0 : i32
    %dma_start3A_35 = tpu.memref_slice %arg4[%mul3A_32, %dma_start3A_34] : memref<6720x96xi32, #tpu.memory_space<hbm>> -> memref<2x96xi32, #tpu.memory_space<hbm>>
    tpu.enqueue_dma source(%dma_start3A_35 : memref<2x96xi32, #tpu.memory_space<hbm>>) target(%arg8 : memref<2x96xi32, #tpu.memory_space<vmem>>) target_semaphore(%arg36 : memref<!tpu.dma_semaphore, #tpu.memory_space<semaphore_mem>>)
    %mul3A_36 = arith.constant 105 : i32
    %mul3A_37 = arith.muli %add3A, %mul3A_36 : i32
    %add3A_38 = arith.constant 1 : i32
    %add3A_39 = arith.addi %mul3A_37, %add3A_38 : i32
    %mul3A_40 = arith.constant 2 : i32
    %mul3A_41 = arith.muli %add3A_39, %mul3A_40 : i32
    %dma_start3A_42 = arith.constant 0 : i32
    %dma_start3A_43 = tpu.memref_slice %arg4[%mul3A_41, %dma_start3A_42] : memref<6720x96xi32, #tpu.memory_space<hbm>> -> memref<2x96xi32, #tpu.memory_space<hbm>>
    %dma_start3A_44 = arith.constant 0 : i32
    %dma_start3A_45 = tpu.memref_slice %arg4[%mul3A_41, %dma_start3A_44] : memref<6720x96xi32, #tpu.memory_space<hbm>> -> memref<2x96xi32, #tpu.memory_space<hbm>>
    tpu.enqueue_dma source(%dma_start3A_45 : memref<2x96xi32, #tpu.memory_space<hbm>>) target(%arg9 : memref<2x96xi32, #tpu.memory_space<vmem>>) target_semaphore(%arg37 : memref<!tpu.dma_semaphore, #tpu.memory_space<semaphore_mem>>)
    %mul3A_46 = arith.constant 105 : i32
    %mul3A_47 = arith.muli %add3A, %mul3A_46 : i32
    %add3A_48 = arith.constant 0 : i32
    %add3A_49 = arith.addi %mul3A_47, %add3A_48 : i32
    %mul3A_50 = arith.constant 2 : i32
    %mul3A_51 = arith.muli %add3A_49, %mul3A_50 : i32
    %dma_wait3A = arith.constant 0 : i32
    %dma_wait3A_52 = tpu.memref_slice %arg4[%mul3A_51, %dma_wait3A] : memref<6720x96xi32, #tpu.memory_space<hbm>> -> memref<2x96xi32, #tpu.memory_space<hbm>>
    %dma_wait3A_53 = arith.constant 0 : i32
    %dma_wait3A_54 = tpu.memref_slice %arg4[%mul3A_51, %dma_wait3A_53] : memref<6720x96xi32, #tpu.memory_space<hbm>> -> memref<2x96xi32, #tpu.memory_space<hbm>>
    tpu.wait_dma2 semaphore(%arg36 : memref<!tpu.dma_semaphore, #tpu.memory_space<semaphore_mem>>) src(%dma_wait3A_54 : memref<2x96xi32, #tpu.memory_space<hbm>>) dst(%arg8 : memref<2x96xi32, #tpu.memory_space<vmem>>)
    %dma_start3A_55 = arith.constant 1 : i32
    %dma_start3A_56 = arith.constant 0 : i32
    %dma_start3A_57 = tpu.memref_slice %arg8[%dma_start3A_55, %dma_start3A_56] : memref<2x96xi32, #tpu.memory_space<vmem>> -> memref<1x96xi32, #tpu.memory_space<vmem>>
    %dma_start3A_58 = tpu.memref_squeeze %dma_start3A_57 : memref<1x96xi32, #tpu.memory_space<vmem>> -> memref<96xi32, #tpu.memory_space<vmem>>
    %dma_start3A_59 = arith.constant 0 : i32
    %dma_start3A_60 = arith.constant 0 : i32
    %dma_start3A_61 = tpu.memref_slice %arg5[%dma_start3A_59, %dma_start3A_60] : memref<10000x128xf32, #tpu.memory_space<hbm>> -> memref<10000x128xf32, #tpu.memory_space<hbm>>
    tpu.enqueue_indirect_dma source(%dma_start3A_61 : memref<10000x128xf32, #tpu.memory_space<hbm>>) target(%arg11 : memref<96x128xf32, #tpu.memory_space<vmem>>) offsets(%dma_start3A_58 : memref<96xi32, #tpu.memory_space<vmem>>) semaphore(%arg30 : memref<!tpu.dma_semaphore, #tpu.memory_space<semaphore_mem>>)
    %dma_start3A_62 = arith.constant 0 : i32
    %dma_start3A_63 = arith.constant 0 : i32
    %dma_start3A_64 = tpu.memref_slice %arg8[%dma_start3A_62, %dma_start3A_63] : memref<2x96xi32, #tpu.memory_space<vmem>> -> memref<1x96xi32, #tpu.memory_space<vmem>>
    %dma_start3A_65 = tpu.memref_squeeze %dma_start3A_64 : memref<1x96xi32, #tpu.memory_space<vmem>> -> memref<96xi32, #tpu.memory_space<vmem>>
    %dma_start3A_66 = arith.constant 0 : i32
    %dma_start3A_67 = tpu.memref_slice %arg2[%dma_start3A_66] : memref<10240xf32, #tpu.memory_space<hbm>> -> memref<10240xf32, #tpu.memory_space<hbm>>
    tpu.enqueue_indirect_dma source(%dma_start3A_67 : memref<10240xf32, #tpu.memory_space<hbm>>) target(%arg17 : memref<96xf32, #tpu.memory_space<vmem>>) offsets(%dma_start3A_65 : memref<96xi32, #tpu.memory_space<vmem>>) semaphore(%arg30 : memref<!tpu.dma_semaphore, #tpu.memory_space<semaphore_mem>>)
    %dma_start3A_68 = arith.constant 1 : i32
    %dma_start3A_69 = arith.constant 0 : i32
    %dma_start3A_70 = tpu.memref_slice %arg8[%dma_start3A_68, %dma_start3A_69] : memref<2x96xi32, #tpu.memory_space<vmem>> -> memref<1x96xi32, #tpu.memory_space<vmem>>
    %dma_start3A_71 = tpu.memref_squeeze %dma_start3A_70 : memref<1x96xi32, #tpu.memory_space<vmem>> -> memref<96xi32, #tpu.memory_space<vmem>>
    %dma_start3A_72 = arith.constant 0 : i32
    %dma_start3A_73 = tpu.memref_slice %arg3[%dma_start3A_72] : memref<10240xf32, #tpu.memory_space<hbm>> -> memref<10240xf32, #tpu.memory_space<hbm>>
    tpu.enqueue_indirect_dma source(%dma_start3A_73 : memref<10240xf32, #tpu.memory_space<hbm>>) target(%arg20 : memref<96xf32, #tpu.memory_space<vmem>>) offsets(%dma_start3A_71 : memref<96xi32, #tpu.memory_space<vmem>>) semaphore(%arg30 : memref<!tpu.dma_semaphore, #tpu.memory_space<semaphore_mem>>)
    %mul3A_74 = arith.constant 105 : i32
    %mul3A_75 = arith.muli %add3A, %mul3A_74 : i32
    %add3A_76 = arith.constant 2 : i32
    %add3A_77 = arith.addi %mul3A_75, %add3A_76 : i32
    %mul3A_78 = arith.constant 2 : i32
    %mul3A_79 = arith.muli %add3A_77, %mul3A_78 : i32
    %dma_start3A_80 = arith.constant 0 : i32
    %dma_start3A_81 = tpu.memref_slice %arg4[%mul3A_79, %dma_start3A_80] : memref<6720x96xi32, #tpu.memory_space<hbm>> -> memref<2x96xi32, #tpu.memory_space<hbm>>
    %dma_start3A_82 = arith.constant 0 : i32
    %dma_start3A_83 = tpu.memref_slice %arg4[%mul3A_79, %dma_start3A_82] : memref<6720x96xi32, #tpu.memory_space<hbm>> -> memref<2x96xi32, #tpu.memory_space<hbm>>
    tpu.enqueue_dma source(%dma_start3A_83 : memref<2x96xi32, #tpu.memory_space<hbm>>) target(%arg10 : memref<2x96xi32, #tpu.memory_space<vmem>>) target_semaphore(%arg38 : memref<!tpu.dma_semaphore, #tpu.memory_space<semaphore_mem>>)
    %mul3A_84 = arith.constant 105 : i32
    %mul3A_85 = arith.muli %add3A, %mul3A_84 : i32
    %add3A_86 = arith.constant 1 : i32
    %add3A_87 = arith.addi %mul3A_85, %add3A_86 : i32
    %mul3A_88 = arith.constant 2 : i32
    %mul3A_89 = arith.muli %add3A_87, %mul3A_88 : i32
    %dma_wait3A_90 = arith.constant 0 : i32
    %dma_wait3A_91 = tpu.memref_slice %arg4[%mul3A_89, %dma_wait3A_90] : memref<6720x96xi32, #tpu.memory_space<hbm>> -> memref<2x96xi32, #tpu.memory_space<hbm>>
    %dma_wait3A_92 = arith.constant 0 : i32
    %dma_wait3A_93 = tpu.memref_slice %arg4[%mul3A_89, %dma_wait3A_92] : memref<6720x96xi32, #tpu.memory_space<hbm>> -> memref<2x96xi32, #tpu.memory_space<hbm>>
    tpu.wait_dma2 semaphore(%arg37 : memref<!tpu.dma_semaphore, #tpu.memory_space<semaphore_mem>>) src(%dma_wait3A_93 : memref<2x96xi32, #tpu.memory_space<hbm>>) dst(%arg9 : memref<2x96xi32, #tpu.memory_space<vmem>>)
    %dma_start3A_94 = arith.constant 1 : i32
    %dma_start3A_95 = arith.constant 0 : i32
    %dma_start3A_96 = tpu.memref_slice %arg9[%dma_start3A_94, %dma_start3A_95] : memref<2x96xi32, #tpu.memory_space<vmem>> -> memref<1x96xi32, #tpu.memory_space<vmem>>
    %dma_start3A_97 = tpu.memref_squeeze %dma_start3A_96 : memref<1x96xi32, #tpu.memory_space<vmem>> -> memref<96xi32, #tpu.memory_space<vmem>>
    %dma_start3A_98 = arith.constant 0 : i32
    %dma_start3A_99 = arith.constant 0 : i32
    %dma_start3A_100 = tpu.memref_slice %arg5[%dma_start3A_98, %dma_start3A_99] : memref<10000x128xf32, #tpu.memory_space<hbm>> -> memref<10000x128xf32, #tpu.memory_space<hbm>>
    tpu.enqueue_indirect_dma source(%dma_start3A_100 : memref<10000x128xf32, #tpu.memory_space<hbm>>) target(%arg12 : memref<96x128xf32, #tpu.memory_space<vmem>>) offsets(%dma_start3A_97 : memref<96xi32, #tpu.memory_space<vmem>>) semaphore(%arg31 : memref<!tpu.dma_semaphore, #tpu.memory_space<semaphore_mem>>)
    %dma_start3A_101 = arith.constant 0 : i32
    %dma_start3A_102 = arith.constant 0 : i32
    %dma_start3A_103 = tpu.memref_slice %arg9[%dma_start3A_101, %dma_start3A_102] : memref<2x96xi32, #tpu.memory_space<vmem>> -> memref<1x96xi32, #tpu.memory_space<vmem>>
    %dma_start3A_104 = tpu.memref_squeeze %dma_start3A_103 : memref<1x96xi32, #tpu.memory_space<vmem>> -> memref<96xi32, #tpu.memory_space<vmem>>
    %dma_start3A_105 = arith.constant 0 : i32
    %dma_start3A_106 = tpu.memref_slice %arg2[%dma_start3A_105] : memref<10240xf32, #tpu.memory_space<hbm>> -> memref<10240xf32, #tpu.memory_space<hbm>>
    tpu.enqueue_indirect_dma source(%dma_start3A_106 : memref<10240xf32, #tpu.memory_space<hbm>>) target(%arg18 : memref<96xf32, #tpu.memory_space<vmem>>) offsets(%dma_start3A_104 : memref<96xi32, #tpu.memory_space<vmem>>) semaphore(%arg31 : memref<!tpu.dma_semaphore, #tpu.memory_space<semaphore_mem>>)
    %dma_start3A_107 = arith.constant 1 : i32
    %dma_start3A_108 = arith.constant 0 : i32
    %dma_start3A_109 = tpu.memref_slice %arg9[%dma_start3A_107, %dma_start3A_108] : memref<2x96xi32, #tpu.memory_space<vmem>> -> memref<1x96xi32, #tpu.memory_space<vmem>>
    %dma_start3A_110 = tpu.memref_squeeze %dma_start3A_109 : memref<1x96xi32, #tpu.memory_space<vmem>> -> memref<96xi32, #tpu.memory_space<vmem>>
    %dma_start3A_111 = arith.constant 0 : i32
    %dma_start3A_112 = tpu.memref_slice %arg3[%dma_start3A_111] : memref<10240xf32, #tpu.memory_space<hbm>> -> memref<10240xf32, #tpu.memory_space<hbm>>
    tpu.enqueue_indirect_dma source(%dma_start3A_112 : memref<10240xf32, #tpu.memory_space<hbm>>) target(%arg21 : memref<96xf32, #tpu.memory_space<vmem>>) offsets(%dma_start3A_110 : memref<96xi32, #tpu.memory_space<vmem>>) semaphore(%arg31 : memref<!tpu.dma_semaphore, #tpu.memory_space<semaphore_mem>>)
    %scan3A_113 = arith.constant 0 : i32
    %scan3A_114 = arith.constant 0 : i32
    %scan3A_115 = arith.constant 35 : i32
    %scan3A_116 = arith.addi %scan3A_114, %scan3A_115 : i32
    %scan3A_117 = arith.constant 1 : i32
    scf.for %scan3A_133 = %scan3A_114 to %scan3A_116 step %scan3A_117  : i32 {
      %mul3A_134 = arith.constant 3 : i32
      %mul3A_135 = arith.muli %mul3A_134, %scan3A_133 : i32
      %add3A_136 = arith.constant 0 : i32
      %add3A_137 = arith.addi %mul3A_135, %add3A_136 : i32
      %dma_wait3A_138 = arith.constant 1 : i32
      %dma_wait3A_139 = arith.constant 0 : i32
      %dma_wait3A_140 = tpu.memref_slice %arg8[%dma_wait3A_138, %dma_wait3A_139] : memref<2x96xi32, #tpu.memory_space<vmem>> -> memref<1x96xi32, #tpu.memory_space<vmem>>
      %dma_wait3A_141 = tpu.memref_squeeze %dma_wait3A_140 : memref<1x96xi32, #tpu.memory_space<vmem>> -> memref<96xi32, #tpu.memory_space<vmem>>
      %dma_wait3A_142 = arith.constant 0 : i32
      %dma_wait3A_143 = arith.constant 0 : i32
      %dma_wait3A_144 = tpu.memref_slice %arg5[%dma_wait3A_142, %dma_wait3A_143] : memref<10000x128xf32, #tpu.memory_space<hbm>> -> memref<10000x128xf32, #tpu.memory_space<hbm>>
      tpu.wait_indirect_dma semaphore(%arg30 : memref<!tpu.dma_semaphore, #tpu.memory_space<semaphore_mem>>) src(%dma_wait3A_144 : memref<10000x128xf32, #tpu.memory_space<hbm>>) dst(%arg11 : memref<96x128xf32, #tpu.memory_space<vmem>>)
      %dma_wait3A_145 = arith.constant 0 : i32
      %dma_wait3A_146 = arith.constant 0 : i32
      %dma_wait3A_147 = tpu.memref_slice %arg8[%dma_wait3A_145, %dma_wait3A_146] : memref<2x96xi32, #tpu.memory_space<vmem>> -> memref<1x96xi32, #tpu.memory_space<vmem>>
      %dma_wait3A_148 = tpu.memref_squeeze %dma_wait3A_147 : memref<1x96xi32, #tpu.memory_space<vmem>> -> memref<96xi32, #tpu.memory_space<vmem>>
      %dma_wait3A_149 = arith.constant 0 : i32
      %dma_wait3A_150 = tpu.memref_slice %arg2[%dma_wait3A_149] : memref<10240xf32, #tpu.memory_space<hbm>> -> memref<10240xf32, #tpu.memory_space<hbm>>
      tpu.wait_indirect_dma semaphore(%arg30 : memref<!tpu.dma_semaphore, #tpu.memory_space<semaphore_mem>>) src(%dma_wait3A_150 : memref<10240xf32, #tpu.memory_space<hbm>>) dst(%arg17 : memref<96xf32, #tpu.memory_space<vmem>>)
      %dma_wait3A_151 = arith.constant 1 : i32
      %dma_wait3A_152 = arith.constant 0 : i32
      %dma_wait3A_153 = tpu.memref_slice %arg8[%dma_wait3A_151, %dma_wait3A_152] : memref<2x96xi32, #tpu.memory_space<vmem>> -> memref<1x96xi32, #tpu.memory_space<vmem>>
      %dma_wait3A_154 = tpu.memref_squeeze %dma_wait3A_153 : memref<1x96xi32, #tpu.memory_space<vmem>> -> memref<96xi32, #tpu.memory_space<vmem>>
      %dma_wait3A_155 = arith.constant 0 : i32
      %dma_wait3A_156 = tpu.memref_slice %arg3[%dma_wait3A_155] : memref<10240xf32, #tpu.memory_space<hbm>> -> memref<10240xf32, #tpu.memory_space<hbm>>
      tpu.wait_indirect_dma semaphore(%arg30 : memref<!tpu.dma_semaphore, #tpu.memory_space<semaphore_mem>>) src(%dma_wait3A_156 : memref<10240xf32, #tpu.memory_space<hbm>>) dst(%arg20 : memref<96xf32, #tpu.memory_space<vmem>>)
      %iota3A = tpu.iota {dimensions = array<i32: 0>} : vector<16xi32>
      %get3A = arith.constant 0 : index
      %get3A_157 = tpu.vector_load %arg17[%get3A] {strides = array<i32>} : memref<96xf32, #tpu.memory_space<vmem>>, vector<16xf32>,
      %get3A_158 = arith.constant 0 : index
      %get3A_159 = tpu.vector_load %arg20[%get3A_158] {strides = array<i32>} : memref<96xf32, #tpu.memory_space<vmem>>, vector<16xf32>,
      %add3A_160 = arith.addf %get3A_157, %get3A_159 : vector<16xf32>
      %gt3A = arith.constant 0.000000e+00 : f32
      %gt3A_161 = vector.broadcast %gt3A : f32 to vector<16xf32>
      %gt3A_162 = arith.cmpf ogt, %add3A_160, %gt3A_161 : vector<16xf32>
      %mul3A_163 = arith.constant 2.000000e-01 : f32
      %mul3A_164 = vector.broadcast %mul3A_163 : f32 to vector<16xf32>
      %mul3A_165 = arith.mulf %mul3A_164, %add3A_160 : vector<16xf32>
      %select_n3A = arith.select %gt3A_162, %add3A_160, %mul3A_165 : vector<16xi1>, vector<16xf32>
      %neg3A = arith.constant 0.000000e+00 : f32
      %neg3A_166 = vector.broadcast %neg3A : f32 to vector<16xf32>
      %neg3A_167 = arith.subf %neg3A_166, %select_n3A : vector<16xf32>
      %exp3A = math.exp %neg3A_167 : vector<16xf32>
      %swap3A = arith.constant 0 : index
      %swap3A_168 = tpu.vector_load %arg14[%swap3A] {strides = array<i32>} : memref<96xf32, #tpu.memory_space<vmem>>, vector<16xf32>,
      tpu.vector_store %arg14[%swap3A], %exp3A {strides = array<i32>} : memref<96xf32, #tpu.memory_space<vmem>>, vector<16xf32>,
      %get3A_169 = arith.constant 0 : i32
      %get3A_170 = arith.index_cast %get3A_169 : i32 to index
      %get3A_171 = arith.constant 0 : index
      %get3A_172 = tpu.vector_load %arg8[%get3A_170, %get3A_171] {strides = array<i32>} : memref<2x96xi32, #tpu.memory_space<vmem>>, vector<16xi32>,
      %swap3A_173 = arith.constant 0 : index
      %swap3A_174 = tpu.vector_load %arg23[%swap3A_173] {strides = array<i32>} : memref<96xi32, #tpu.memory_space<vmem>>, vector<16xi32>,
      tpu.vector_store %arg23[%swap3A_173], %get3A_172 {strides = array<i32>} : memref<96xi32, #tpu.memory_space<vmem>>, vector<16xi32>,
      %get3A_175 = arith.constant 16 : index
      %get3A_176 = tpu.vector_load %arg17[%get3A_175] {strides = array<i32>} : memref<96xf32, #tpu.memory_space<vmem>>, vector<16xf32>,
      %get3A_177 = arith.constant 16 : index
      %get3A_178 = tpu.vector_load %arg20[%get3A_177] {strides = array<i32>} : memref<96xf32, #tpu.memory_space<vmem>>, vector<16xf32>,
      %add3A_179 = arith.addf %get3A_176, %get3A_178 : vector<16xf32>
      %gt3A_180 = arith.constant 0.000000e+00 : f32
      %gt3A_181 = vector.broadcast %gt3A_180 : f32 to vector<16xf32>
      %gt3A_182 = arith.cmpf ogt, %add3A_179, %gt3A_181 : vector<16xf32>
      %mul3A_183 = arith.constant 2.000000e-01 : f32
      %mul3A_184 = vector.broadcast %mul3A_183 : f32 to vector<16xf32>
      %mul3A_185 = arith.mulf %mul3A_184, %add3A_179 : vector<16xf32>
      %select_n3A_186 = arith.select %gt3A_182, %add3A_179, %mul3A_185 : vector<16xi1>, vector<16xf32>
      %neg3A_187 = arith.constant 0.000000e+00 : f32
      %neg3A_188 = vector.broadcast %neg3A_187 : f32 to vector<16xf32>
      %neg3A_189 = arith.subf %neg3A_188, %select_n3A_186 : vector<16xf32>
      %exp3A_190 = math.exp %neg3A_189 : vector<16xf32>
      %swap3A_191 = arith.constant 16 : index
      %swap3A_192 = tpu.vector_load %arg14[%swap3A_191] {strides = array<i32>} : memref<96xf32, #tpu.memory_space<vmem>>, vector<16xf32>,
      tpu.vector_store %arg14[%swap3A_191], %exp3A_190 {strides = array<i32>} : memref<96xf32, #tpu.memory_space<vmem>>, vector<16xf32>,
      %get3A_193 = arith.constant 0 : i32
      %get3A_194 = arith.index_cast %get3A_193 : i32 to index
      %get3A_195 = arith.constant 16 : index
      %get3A_196 = tpu.vector_load %arg8[%get3A_194, %get3A_195] {strides = array<i32>} : memref<2x96xi32, #tpu.memory_space<vmem>>, vector<16xi32>,
      %swap3A_197 = arith.constant 16 : index
      %swap3A_198 = tpu.vector_load %arg23[%swap3A_197] {strides = array<i32>} : memref<96xi32, #tpu.memory_space<vmem>>, vector<16xi32>,
      tpu.vector_store %arg23[%swap3A_197], %get3A_196 {strides = array<i32>} : memref<96xi32, #tpu.memory_space<vmem>>, vector<16xi32>,
      %get3A_199 = arith.constant 32 : index
      %get3A_200 = tpu.vector_load %arg17[%get3A_199] {strides = array<i32>} : memref<96xf32, #tpu.memory_space<vmem>>, vector<16xf32>,
      %get3A_201 = arith.constant 32 : index
      %get3A_202 = tpu.vector_load %arg20[%get3A_201] {strides = array<i32>} : memref<96xf32, #tpu.memory_space<vmem>>, vector<16xf32>,
      %add3A_203 = arith.addf %get3A_200, %get3A_202 : vector<16xf32>
      %gt3A_204 = arith.constant 0.000000e+00 : f32
      %gt3A_205 = vector.broadcast %gt3A_204 : f32 to vector<16xf32>
      %gt3A_206 = arith.cmpf ogt, %add3A_203, %gt3A_205 : vector<16xf32>
      %mul3A_207 = arith.constant 2.000000e-01 : f32
      %mul3A_208 = vector.broadcast %mul3A_207 : f32 to vector<16xf32>
      %mul3A_209 = arith.mulf %mul3A_208, %add3A_203 : vector<16xf32>
      %select_n3A_210 = arith.select %gt3A_206, %add3A_203, %mul3A_209 : vector<16xi1>, vector<16xf32>
      %neg3A_211 = arith.constant 0.000000e+00 : f32
      %neg3A_212 = vector.broadcast %neg3A_211 : f32 to vector<16xf32>
      %neg3A_213 = arith.subf %neg3A_212, %select_n3A_210 : vector<16xf32>
      %exp3A_214 = math.exp %neg3A_213 : vector<16xf32>
      %swap3A_215 = arith.constant 32 : index
      %swap3A_216 = tpu.vector_load %arg14[%swap3A_215] {strides = array<i32>} : memref<96xf32, #tpu.memory_space<vmem>>, vector<16xf32>,
      tpu.vector_store %arg14[%swap3A_215], %exp3A_214 {strides = array<i32>} : memref<96xf32, #tpu.memory_space<vmem>>, vector<16xf32>,
      %get3A_217 = arith.constant 0 : i32
      %get3A_218 = arith.index_cast %get3A_217 : i32 to index
      %get3A_219 = arith.constant 32 : index
      %get3A_220 = tpu.vector_load %arg8[%get3A_218, %get3A_219] {strides = array<i32>} : memref<2x96xi32, #tpu.memory_space<vmem>>, vector<16xi32>,
      %swap3A_221 = arith.constant 32 : index
      %swap3A_222 = tpu.vector_load %arg23[%swap3A_221] {strides = array<i32>} : memref<96xi32, #tpu.memory_space<vmem>>, vector<16xi32>,
      tpu.vector_store %arg23[%swap3A_221], %get3A_220 {strides = array<i32>} : memref<96xi32, #tpu.memory_space<vmem>>, vector<16xi32>,
      %get3A_223 = arith.constant 48 : index
      %get3A_224 = tpu.vector_load %arg17[%get3A_223] {strides = array<i32>} : memref<96xf32, #tpu.memory_space<vmem>>, vector<16xf32>,
      %get3A_225 = arith.constant 48 : index
      %get3A_226 = tpu.vector_load %arg20[%get3A_225] {strides = array<i32>} : memref<96xf32, #tpu.memory_space<vmem>>, vector<16xf32>,
      %add3A_227 = arith.addf %get3A_224, %get3A_226 : vector<16xf32>
      %gt3A_228 = arith.constant 0.000000e+00 : f32
      %gt3A_229 = vector.broadcast %gt3A_228 : f32 to vector<16xf32>
      %gt3A_230 = arith.cmpf ogt, %add3A_227, %gt3A_229 : vector<16xf32>
      %mul3A_231 = arith.constant 2.000000e-01 : f32
      %mul3A_232 = vector.broadcast %mul3A_231 : f32 to vector<16xf32>
      %mul3A_233 = arith.mulf %mul3A_232, %add3A_227 : vector<16xf32>
      %select_n3A_234 = arith.select %gt3A_230, %add3A_227, %mul3A_233 : vector<16xi1>, vector<16xf32>
      %neg3A_235 = arith.constant 0.000000e+00 : f32
      %neg3A_236 = vector.broadcast %neg3A_235 : f32 to vector<16xf32>
      %neg3A_237 = arith.subf %neg3A_236, %select_n3A_234 : vector<16xf32>
      %exp3A_238 = math.exp %neg3A_237 : vector<16xf32>
      %swap3A_239 = arith.constant 48 : index
      %swap3A_240 = tpu.vector_load %arg14[%swap3A_239] {strides = array<i32>} : memref<96xf32, #tpu.memory_space<vmem>>, vector<16xf32>,
      tpu.vector_store %arg14[%swap3A_239], %exp3A_238 {strides = array<i32>} : memref<96xf32, #tpu.memory_space<vmem>>, vector<16xf32>,
      %get3A_241 = arith.constant 0 : i32
      %get3A_242 = arith.index_cast %get3A_241 : i32 to index
      %get3A_243 = arith.constant 48 : index
      %get3A_244 = tpu.vector_load %arg8[%get3A_242, %get3A_243] {strides = array<i32>} : memref<2x96xi32, #tpu.memory_space<vmem>>, vector<16xi32>,
      %swap3A_245 = arith.constant 48 : index
      %swap3A_246 = tpu.vector_load %arg23[%swap3A_245] {strides = array<i32>} : memref<96xi32, #tpu.memory_space<vmem>>, vector<16xi32>,
      tpu.vector_store %arg23[%swap3A_245], %get3A_244 {strides = array<i32>} : memref<96xi32, #tpu.memory_space<vmem>>, vector<16xi32>,
      %get3A_247 = arith.constant 64 : index
      %get3A_248 = tpu.vector_load %arg17[%get3A_247] {strides = array<i32>} : memref<96xf32, #tpu.memory_space<vmem>>, vector<16xf32>,
      %get3A_249 = arith.constant 64 : index
      %get3A_250 = tpu.vector_load %arg20[%get3A_249] {strides = array<i32>} : memref<96xf32, #tpu.memory_space<vmem>>, vector<16xf32>,
      %add3A_251 = arith.addf %get3A_248, %get3A_250 : vector<16xf32>
      %gt3A_252 = arith.constant 0.000000e+00 : f32
      %gt3A_253 = vector.broadcast %gt3A_252 : f32 to vector<16xf32>
      %gt3A_254 = arith.cmpf ogt, %add3A_251, %gt3A_253 : vector<16xf32>
      %mul3A_255 = arith.constant 2.000000e-01 : f32
      %mul3A_256 = vector.broadcast %mul3A_255 : f32 to vector<16xf32>
      %mul3A_257 = arith.mulf %mul3A_256, %add3A_251 : vector<16xf32>
      %select_n3A_258 = arith.select %gt3A_254, %add3A_251, %mul3A_257 : vector<16xi1>, vector<16xf32>
      %neg3A_259 = arith.constant 0.000000e+00 : f32
      %neg3A_260 = vector.broadcast %neg3A_259 : f32 to vector<16xf32>
      %neg3A_261 = arith.subf %neg3A_260, %select_n3A_258 : vector<16xf32>
      %exp3A_262 = math.exp %neg3A_261 : vector<16xf32>
      %swap3A_263 = arith.constant 64 : index
      %swap3A_264 = tpu.vector_load %arg14[%swap3A_263] {strides = array<i32>} : memref<96xf32, #tpu.memory_space<vmem>>, vector<16xf32>,
      tpu.vector_store %arg14[%swap3A_263], %exp3A_262 {strides = array<i32>} : memref<96xf32, #tpu.memory_space<vmem>>, vector<16xf32>,
      %get3A_265 = arith.constant 0 : i32
      %get3A_266 = arith.index_cast %get3A_265 : i32 to index
      %get3A_267 = arith.constant 64 : index
      %get3A_268 = tpu.vector_load %arg8[%get3A_266, %get3A_267] {strides = array<i32>} : memref<2x96xi32, #tpu.memory_space<vmem>>, vector<16xi32>,
      %swap3A_269 = arith.constant 64 : index
      %swap3A_270 = tpu.vector_load %arg23[%swap3A_269] {strides = array<i32>} : memref<96xi32, #tpu.memory_space<vmem>>, vector<16xi32>,
      tpu.vector_store %arg23[%swap3A_269], %get3A_268 {strides = array<i32>} : memref<96xi32, #tpu.memory_space<vmem>>, vector<16xi32>,
      %get3A_271 = arith.constant 80 : index
      %get3A_272 = tpu.vector_load %arg17[%get3A_271] {strides = array<i32>} : memref<96xf32, #tpu.memory_space<vmem>>, vector<16xf32>,
      %get3A_273 = arith.constant 80 : index
      %get3A_274 = tpu.vector_load %arg20[%get3A_273] {strides = array<i32>} : memref<96xf32, #tpu.memory_space<vmem>>, vector<16xf32>,
      %add3A_275 = arith.addf %get3A_272, %get3A_274 : vector<16xf32>
      %gt3A_276 = arith.constant 0.000000e+00 : f32
      %gt3A_277 = vector.broadcast %gt3A_276 : f32 to vector<16xf32>
      %gt3A_278 = arith.cmpf ogt, %add3A_275, %gt3A_277 : vector<16xf32>
      %mul3A_279 = arith.constant 2.000000e-01 : f32
      %mul3A_280 = vector.broadcast %mul3A_279 : f32 to vector<16xf32>
      %mul3A_281 = arith.mulf %mul3A_280, %add3A_275 : vector<16xf32>
      %select_n3A_282 = arith.select %gt3A_278, %add3A_275, %mul3A_281 : vector<16xi1>, vector<16xf32>
      %neg3A_283 = arith.constant 0.000000e+00 : f32
      %neg3A_284 = vector.broadcast %neg3A_283 : f32 to vector<16xf32>
      %neg3A_285 = arith.subf %neg3A_284, %select_n3A_282 : vector<16xf32>
      %exp3A_286 = math.exp %neg3A_285 : vector<16xf32>
      %swap3A_287 = arith.constant 80 : index
      %swap3A_288 = tpu.vector_load %arg14[%swap3A_287] {strides = array<i32>} : memref<96xf32, #tpu.memory_space<vmem>>, vector<16xf32>,
      tpu.vector_store %arg14[%swap3A_287], %exp3A_286 {strides = array<i32>} : memref<96xf32, #tpu.memory_space<vmem>>, vector<16xf32>,
      %get3A_289 = arith.constant 0 : i32
      %get3A_290 = arith.index_cast %get3A_289 : i32 to index
      %get3A_291 = arith.constant 80 : index
      %get3A_292 = tpu.vector_load %arg8[%get3A_290, %get3A_291] {strides = array<i32>} : memref<2x96xi32, #tpu.memory_space<vmem>>, vector<16xi32>,
      %swap3A_293 = arith.constant 80 : index
      %swap3A_294 = tpu.vector_load %arg23[%swap3A_293] {strides = array<i32>} : memref<96xi32, #tpu.memory_space<vmem>>, vector<16xi32>,
      tpu.vector_store %arg23[%swap3A_293], %get3A_292 {strides = array<i32>} : memref<96xi32, #tpu.memory_space<vmem>>, vector<16xi32>,
      %parallel_loop3A = arith.constant 0 : i32
      %parallel_loop3A_295 = arith.constant 32 : i32
      %parallel_loop3A_296 = arith.constant 1 : i32
      scf.for %parallel_loop3A_721 = %parallel_loop3A to %parallel_loop3A_295 step %parallel_loop3A_296  : i32 {
        %parallel_loop3A_722 = arith.constant 4 : i32
        %parallel_loop3A_723 = arith.muli %parallel_loop3A_721, %parallel_loop3A_722 : i32
        %parallel_loop3A_724 = vector.broadcast %parallel_loop3A_723 : i32 to vector<16xi32>
        %parallel_loop3A_725 = arith.addi %parallel_loop3A_724, %iota3A : vector<16xi32>
        %parallel_loop3A_726 = arith.constant 0 : i32
        %parallel_loop3A_727 = vector.broadcast %parallel_loop3A_726 : i32 to vector<16xi32>
        %parallel_loop3A_728 = arith.addi %parallel_loop3A_725, %parallel_loop3A_727 : vector<16xi32>
        %parallel_loop3A_729 = arith.constant 127 : i32
        %parallel_loop3A_730 = vector.broadcast %parallel_loop3A_729 : i32 to vector<16xi32>
        %parallel_loop3A_731 = arith.andi %parallel_loop3A_728, %parallel_loop3A_730 : vector<16xi32>
        %parallel_loop3A_732 = arith.constant 0 : i32
        %parallel_loop3A_733 = vector.broadcast %parallel_loop3A_732 : i32 to vector<16xi32>
        %parallel_loop3A_734 = arith.addi %parallel_loop3A_733, %iota3A : vector<16xi32>
        %parallel_loop3A_735 = tpu.vector_load_idx %arg11[%parallel_loop3A_734, %parallel_loop3A_731] : memref<96x128xf32, #tpu.memory_space<vmem>>[vector<16xi32>, vector<16xi32>], vector<16xf32>,
        %parallel_loop3A_736 = arith.mulf %parallel_loop3A_735, %exp3A : vector<16xf32>
        tpu.vector_store_idx %arg11[%parallel_loop3A_734, %parallel_loop3A_731], %parallel_loop3A_736 : memref<96x128xf32, #tpu.memory_space<vmem>>[vector<16xi32>, vector<16xi32>], vector<16xf32>,
        %parallel_loop3A_737 = arith.constant 16 : i32
        %parallel_loop3A_738 = vector.broadcast %parallel_loop3A_737 : i32 to vector<16xi32>
        %parallel_loop3A_739 = arith.addi %parallel_loop3A_738, %iota3A : vector<16xi32>
        %parallel_loop3A_740 = tpu.vector_load_idx %arg11[%parallel_loop3A_739, %parallel_loop3A_731] : memref<96x128xf32, #tpu.memory_space<vmem>>[vector<16xi32>, vector<16xi32>], vector<16xf32>,
        %parallel_loop3A_741 = arith.mulf %parallel_loop3A_740, %exp3A_190 : vector<16xf32>
        tpu.vector_store_idx %arg11[%parallel_loop3A_739, %parallel_loop3A_731], %parallel_loop3A_741 : memref<96x128xf32, #tpu.memory_space<vmem>>[vector<16xi32>, vector<16xi32>], vector<16xf32>,
        %parallel_loop3A_742 = arith.constant 32 : i32
        %parallel_loop3A_743 = vector.broadcast %parallel_loop3A_742 : i32 to vector<16xi32>
        %parallel_loop3A_744 = arith.addi %parallel_loop3A_743, %iota3A : vector<16xi32>
        %parallel_loop3A_745 = tpu.vector_load_idx %arg11[%parallel_loop3A_744, %parallel_loop3A_731] : memref<96x128xf32, #tpu.memory_space<vmem>>[vector<16xi32>, vector<16xi32>], vector<16xf32>,
        %parallel_loop3A_746 = arith.mulf %parallel_loop3A_745, %exp3A_214 : vector<16xf32>
        tpu.vector_store_idx %arg11[%parallel_loop3A_744, %parallel_loop3A_731], %parallel_loop3A_746 : memref<96x128xf32, #tpu.memory_space<vmem>>[vector<16xi32>, vector<16xi32>], vector<16xf32>,
        %parallel_loop3A_747 = arith.constant 48 : i32
        %parallel_loop3A_748 = vector.broadcast %parallel_loop3A_747 : i32 to vector<16xi32>
        %parallel_loop3A_749 = arith.addi %parallel_loop3A_748, %iota3A : vector<16xi32>
        %parallel_loop3A_750 = tpu.vector_load_idx %arg11[%parallel_loop3A_749, %parallel_loop3A_731] : memref<96x128xf32, #tpu.memory_space<vmem>>[vector<16xi32>, vector<16xi32>], vector<16xf32>,
        %parallel_loop3A_751 = arith.mulf %parallel_loop3A_750, %exp3A_238 : vector<16xf32>
        tpu.vector_store_idx %arg11[%parallel_loop3A_749, %parallel_loop3A_731], %parallel_loop3A_751 : memref<96x128xf32, #tpu.memory_space<vmem>>[vector<16xi32>, vector<16xi32>], vector<16xf32>,
        %parallel_loop3A_752 = arith.constant 64 : i32
        %parallel_loop3A_753 = vector.broadcast %parallel_loop3A_752 : i32 to vector<16xi32>
        %parallel_loop3A_754 = arith.addi %parallel_loop3A_753, %iota3A : vector<16xi32>
        %parallel_loop3A_755 = tpu.vector_load_idx %arg11[%parallel_loop3A_754, %parallel_loop3A_731] : memref<96x128xf32, #tpu.memory_space<vmem>>[vector<16xi32>, vector<16xi32>], vector<16xf32>,
        %parallel_loop3A_756 = arith.mulf %parallel_loop3A_755, %exp3A_262 : vector<16xf32>
        tpu.vector_store_idx %arg11[%parallel_loop3A_754, %parallel_loop3A_731], %parallel_loop3A_756 : memref<96x128xf32, #tpu.memory_space<vmem>>[vector<16xi32>, vector<16xi32>], vector<16xf32>,
        %parallel_loop3A_757 = arith.constant 80 : i32
        %parallel_loop3A_758 = vector.broadcast %parallel_loop3A_757 : i32 to vector<16xi32>
        %parallel_loop3A_759 = arith.addi %parallel_loop3A_758, %iota3A : vector<16xi32>
        %parallel_loop3A_760 = tpu.vector_load_idx %arg11[%parallel_loop3A_759, %parallel_loop3A_731] : memref<96x128xf32, #tpu.memory_space<vmem>>[vector<16xi32>, vector<16xi32>], vector<16xf32>,
        %parallel_loop3A_761 = arith.mulf %parallel_loop3A_760, %exp3A_286 : vector<16xf32>
        tpu.vector_store_idx %arg11[%parallel_loop3A_759, %parallel_loop3A_731], %parallel_loop3A_761 : memref<96x128xf32, #tpu.memory_space<vmem>>[vector<16xi32>, vector<16xi32>], vector<16xf32>,
        %parallel_loop3A_762 = arith.constant 1 : i32
        %parallel_loop3A_763 = vector.broadcast %parallel_loop3A_762 : i32 to vector<16xi32>
        %parallel_loop3A_764 = arith.addi %parallel_loop3A_725, %parallel_loop3A_763 : vector<16xi32>
        %parallel_loop3A_765 = arith.constant 127 : i32
        %parallel_loop3A_766 = vector.broadcast %parallel_loop3A_765 : i32 to vector<16xi32>
        %parallel_loop3A_767 = arith.andi %parallel_loop3A_764, %parallel_loop3A_766 : vector<16xi32>
        %parallel_loop3A_768 = arith.constant 0 : i32
        %parallel_loop3A_769 = vector.broadcast %parallel_loop3A_768 : i32 to vector<16xi32>
        %parallel_loop3A_770 = arith.addi %parallel_loop3A_769, %iota3A : vector<16xi32>
        %parallel_loop3A_771 = tpu.vector_load_idx %arg11[%parallel_loop3A_770, %parallel_loop3A_767] : memref<96x128xf32, #tpu.memory_space<vmem>>[vector<16xi32>, vector<16xi32>], vector<16xf32>,
        %parallel_loop3A_772 = arith.mulf %parallel_loop3A_771, %exp3A : vector<16xf32>
        tpu.vector_store_idx %arg11[%parallel_loop3A_770, %parallel_loop3A_767], %parallel_loop3A_772 : memref<96x128xf32, #tpu.memory_space<vmem>>[vector<16xi32>, vector<16xi32>], vector<16xf32>,
        %parallel_loop3A_773 = arith.constant 16 : i32
        %parallel_loop3A_774 = vector.broadcast %parallel_loop3A_773 : i32 to vector<16xi32>
        %parallel_loop3A_775 = arith.addi %parallel_loop3A_774, %iota3A : vector<16xi32>
        %parallel_loop3A_776 = tpu.vector_load_idx %arg11[%parallel_loop3A_775, %parallel_loop3A_767] : memref<96x128xf32, #tpu.memory_space<vmem>>[vector<16xi32>, vector<16xi32>], vector<16xf32>,
        %parallel_loop3A_777 = arith.mulf %parallel_loop3A_776, %exp3A_190 : vector<16xf32>
        tpu.vector_store_idx %arg11[%parallel_loop3A_775, %parallel_loop3A_767], %parallel_loop3A_777 : memref<96x128xf32, #tpu.memory_space<vmem>>[vector<16xi32>, vector<16xi32>], vector<16xf32>,
        %parallel_loop3A_778 = arith.constant 32 : i32
        %parallel_loop3A_779 = vector.broadcast %parallel_loop3A_778 : i32 to vector<16xi32>
        %parallel_loop3A_780 = arith.addi %parallel_loop3A_779, %iota3A : vector<16xi32>
        %parallel_loop3A_781 = tpu.vector_load_idx %arg11[%parallel_loop3A_780, %parallel_loop3A_767] : memref<96x128xf32, #tpu.memory_space<vmem>>[vector<16xi32>, vector<16xi32>], vector<16xf32>,
        %parallel_loop3A_782 = arith.mulf %parallel_loop3A_781, %exp3A_214 : vector<16xf32>
        tpu.vector_store_idx %arg11[%parallel_loop3A_780, %parallel_loop3A_767], %parallel_loop3A_782 : memref<96x128xf32, #tpu.memory_space<vmem>>[vector<16xi32>, vector<16xi32>], vector<16xf32>,
        %parallel_loop3A_783 = arith.constant 48 : i32
        %parallel_loop3A_784 = vector.broadcast %parallel_loop3A_783 : i32 to vector<16xi32>
        %parallel_loop3A_785 = arith.addi %parallel_loop3A_784, %iota3A : vector<16xi32>
        %parallel_loop3A_786 = tpu.vector_load_idx %arg11[%parallel_loop3A_785, %parallel_loop3A_767] : memref<96x128xf32, #tpu.memory_space<vmem>>[vector<16xi32>, vector<16xi32>], vector<16xf32>,
        %parallel_loop3A_787 = arith.mulf %parallel_loop3A_786, %exp3A_238 : vector<16xf32>
        tpu.vector_store_idx %arg11[%parallel_loop3A_785, %parallel_loop3A_767], %parallel_loop3A_787 : memref<96x128xf32, #tpu.memory_space<vmem>>[vector<16xi32>, vector<16xi32>], vector<16xf32>,
        %parallel_loop3A_788 = arith.constant 64 : i32
        %parallel_loop3A_789 = vector.broadcast %parallel_loop3A_788 : i32 to vector<16xi32>
        %parallel_loop3A_790 = arith.addi %parallel_loop3A_789, %iota3A : vector<16xi32>
        %parallel_loop3A_791 = tpu.vector_load_idx %arg11[%parallel_loop3A_790, %parallel_loop3A_767] : memref<96x128xf32, #tpu.memory_space<vmem>>[vector<16xi32>, vector<16xi32>], vector<16xf32>,
        %parallel_loop3A_792 = arith.mulf %parallel_loop3A_791, %exp3A_262 : vector<16xf32>
        tpu.vector_store_idx %arg11[%parallel_loop3A_790, %parallel_loop3A_767], %parallel_loop3A_792 : memref<96x128xf32, #tpu.memory_space<vmem>>[vector<16xi32>, vector<16xi32>], vector<16xf32>,
        %parallel_loop3A_793 = arith.constant 80 : i32
        %parallel_loop3A_794 = vector.broadcast %parallel_loop3A_793 : i32 to vector<16xi32>
        %parallel_loop3A_795 = arith.addi %parallel_loop3A_794, %iota3A : vector<16xi32>
        %parallel_loop3A_796 = tpu.vector_load_idx %arg11[%parallel_loop3A_795, %parallel_loop3A_767] : memref<96x128xf32, #tpu.memory_space<vmem>>[vector<16xi32>, vector<16xi32>], vector<16xf32>,
        %parallel_loop3A_797 = arith.mulf %parallel_loop3A_796, %exp3A_286 : vector<16xf32>
        tpu.vector_store_idx %arg11[%parallel_loop3A_795, %parallel_loop3A_767], %parallel_loop3A_797 : memref<96x128xf32, #tpu.memory_space<vmem>>[vector<16xi32>, vector<16xi32>], vector<16xf32>,
        %parallel_loop3A_798 = arith.constant 2 : i32
        %parallel_loop3A_799 = vector.broadcast %parallel_loop3A_798 : i32 to vector<16xi32>
        %parallel_loop3A_800 = arith.addi %parallel_loop3A_725, %parallel_loop3A_799 : vector<16xi32>
        %parallel_loop3A_801 = arith.constant 127 : i32
        %parallel_loop3A_802 = vector.broadcast %parallel_loop3A_801 : i32 to vector<16xi32>
        %parallel_loop3A_803 = arith.andi %parallel_loop3A_800, %parallel_loop3A_802 : vector<16xi32>
        %parallel_loop3A_804 = arith.constant 0 : i32
        %parallel_loop3A_805 = vector.broadcast %parallel_loop3A_804 : i32 to vector<16xi32>
        %parallel_loop3A_806 = arith.addi %parallel_loop3A_805, %iota3A : vector<16xi32>
        %parallel_loop3A_807 = tpu.vector_load_idx %arg11[%parallel_loop3A_806, %parallel_loop3A_803] : memref<96x128xf32, #tpu.memory_space<vmem>>[vector<16xi32>, vector<16xi32>], vector<16xf32>,
        %parallel_loop3A_808 = arith.mulf %parallel_loop3A_807, %exp3A : vector<16xf32>
        tpu.vector_store_idx %arg11[%parallel_loop3A_806, %parallel_loop3A_803], %parallel_loop3A_808 : memref<96x128xf32, #tpu.memory_space<vmem>>[vector<16xi32>, vector<16xi32>], vector<16xf32>,
        %parallel_loop3A_809 = arith.constant 16 : i32
        %parallel_loop3A_810 = vector.broadcast %parallel_loop3A_809 : i32 to vector<16xi32>
        %parallel_loop3A_811 = arith.addi %parallel_loop3A_810, %iota3A : vector<16xi32>
        %parallel_loop3A_812 = tpu.vector_load_idx %arg11[%parallel_loop3A_811, %parallel_loop3A_803] : memref<96x128xf32, #tpu.memory_space<vmem>>[vector<16xi32>, vector<16xi32>], vector<16xf32>,
        %parallel_loop3A_813 = arith.mulf %parallel_loop3A_812, %exp3A_190 : vector<16xf32>
        tpu.vector_store_idx %arg11[%parallel_loop3A_811, %parallel_loop3A_803], %parallel_loop3A_813 : memref<96x128xf32, #tpu.memory_space<vmem>>[vector<16xi32>, vector<16xi32>], vector<16xf32>,
        %parallel_loop3A_814 = arith.constant 32 : i32
        %parallel_loop3A_815 = vector.broadcast %parallel_loop3A_814 : i32 to vector<16xi32>
        %parallel_loop3A_816 = arith.addi %parallel_loop3A_815, %iota3A : vector<16xi32>
        %parallel_loop3A_817 = tpu.vector_load_idx %arg11[%parallel_loop3A_816, %parallel_loop3A_803] : memref<96x128xf32, #tpu.memory_space<vmem>>[vector<16xi32>, vector<16xi32>], vector<16xf32>,
        %parallel_loop3A_818 = arith.mulf %parallel_loop3A_817, %exp3A_214 : vector<16xf32>
        tpu.vector_store_idx %arg11[%parallel_loop3A_816, %parallel_loop3A_803], %parallel_loop3A_818 : memref<96x128xf32, #tpu.memory_space<vmem>>[vector<16xi32>, vector<16xi32>], vector<16xf32>,
        %parallel_loop3A_819 = arith.constant 48 : i32
        %parallel_loop3A_820 = vector.broadcast %parallel_loop3A_819 : i32 to vector<16xi32>
        %parallel_loop3A_821 = arith.addi %parallel_loop3A_820, %iota3A : vector<16xi32>
        %parallel_loop3A_822 = tpu.vector_load_idx %arg11[%parallel_loop3A_821, %parallel_loop3A_803] : memref<96x128xf32, #tpu.memory_space<vmem>>[vector<16xi32>, vector<16xi32>], vector<16xf32>,
        %parallel_loop3A_823 = arith.mulf %parallel_loop3A_822, %exp3A_238 : vector<16xf32>
        tpu.vector_store_idx %arg11[%parallel_loop3A_821, %parallel_loop3A_803], %parallel_loop3A_823 : memref<96x128xf32, #tpu.memory_space<vmem>>[vector<16xi32>, vector<16xi32>], vector<16xf32>,
        %parallel_loop3A_824 = arith.constant 64 : i32
        %parallel_loop3A_825 = vector.broadcast %parallel_loop3A_824 : i32 to vector<16xi32>
        %parallel_loop3A_826 = arith.addi %parallel_loop3A_825, %iota3A : vector<16xi32>
        %parallel_loop3A_827 = tpu.vector_load_idx %arg11[%parallel_loop3A_826, %parallel_loop3A_803] : memref<96x128xf32, #tpu.memory_space<vmem>>[vector<16xi32>, vector<16xi32>], vector<16xf32>,
        %parallel_loop3A_828 = arith.mulf %parallel_loop3A_827, %exp3A_262 : vector<16xf32>
        tpu.vector_store_idx %arg11[%parallel_loop3A_826, %parallel_loop3A_803], %parallel_loop3A_828 : memref<96x128xf32, #tpu.memory_space<vmem>>[vector<16xi32>, vector<16xi32>], vector<16xf32>,
        %parallel_loop3A_829 = arith.constant 80 : i32
        %parallel_loop3A_830 = vector.broadcast %parallel_loop3A_829 : i32 to vector<16xi32>
        %parallel_loop3A_831 = arith.addi %parallel_loop3A_830, %iota3A : vector<16xi32>
        %parallel_loop3A_832 = tpu.vector_load_idx %arg11[%parallel_loop3A_831, %parallel_loop3A_803] : memref<96x128xf32, #tpu.memory_space<vmem>>[vector<16xi32>, vector<16xi32>], vector<16xf32>,
        %parallel_loop3A_833 = arith.mulf %parallel_loop3A_832, %exp3A_286 : vector<16xf32>
        tpu.vector_store_idx %arg11[%parallel_loop3A_831, %parallel_loop3A_803], %parallel_loop3A_833 : memref<96x128xf32, #tpu.memory_space<vmem>>[vector<16xi32>, vector<16xi32>], vector<16xf32>,
        %parallel_loop3A_834 = arith.constant 3 : i32
        %parallel_loop3A_835 = vector.broadcast %parallel_loop3A_834 : i32 to vector<16xi32>
        %parallel_loop3A_836 = arith.addi %parallel_loop3A_725, %parallel_loop3A_835 : vector<16xi32>
        %parallel_loop3A_837 = arith.constant 127 : i32
        %parallel_loop3A_838 = vector.broadcast %parallel_loop3A_837 : i32 to vector<16xi32>
        %parallel_loop3A_839 = arith.andi %parallel_loop3A_836, %parallel_loop3A_838 : vector<16xi32>
        %parallel_loop3A_840 = arith.constant 0 : i32
        %parallel_loop3A_841 = vector.broadcast %parallel_loop3A_840 : i32 to vector<16xi32>
        %parallel_loop3A_842 = arith.addi %parallel_loop3A_841, %iota3A : vector<16xi32>
        %parallel_loop3A_843 = tpu.vector_load_idx %arg11[%parallel_loop3A_842, %parallel_loop3A_839] : memref<96x128xf32, #tpu.memory_space<vmem>>[vector<16xi32>, vector<16xi32>], vector<16xf32>,
        %parallel_loop3A_844 = arith.mulf %parallel_loop3A_843, %exp3A : vector<16xf32>
        tpu.vector_store_idx %arg11[%parallel_loop3A_842, %parallel_loop3A_839], %parallel_loop3A_844 : memref<96x128xf32, #tpu.memory_space<vmem>>[vector<16xi32>, vector<16xi32>], vector<16xf32>,
        %parallel_loop3A_845 = arith.constant 16 : i32
        %parallel_loop3A_846 = vector.broadcast %parallel_loop3A_845 : i32 to vector<16xi32>
        %parallel_loop3A_847 = arith.addi %parallel_loop3A_846, %iota3A : vector<16xi32>
        %parallel_loop3A_848 = tpu.vector_load_idx %arg11[%parallel_loop3A_847, %parallel_loop3A_839] : memref<96x128xf32, #tpu.memory_space<vmem>>[vector<16xi32>, vector<16xi32>], vector<16xf32>,
        %parallel_loop3A_849 = arith.mulf %parallel_loop3A_848, %exp3A_190 : vector<16xf32>
        tpu.vector_store_idx %arg11[%parallel_loop3A_847, %parallel_loop3A_839], %parallel_loop3A_849 : memref<96x128xf32, #tpu.memory_space<vmem>>[vector<16xi32>, vector<16xi32>], vector<16xf32>,
        %parallel_loop3A_850 = arith.constant 32 : i32
        %parallel_loop3A_851 = vector.broadcast %parallel_loop3A_850 : i32 to vector<16xi32>
        %parallel_loop3A_852 = arith.addi %parallel_loop3A_851, %iota3A : vector<16xi32>
        %parallel_loop3A_853 = tpu.vector_load_idx %arg11[%parallel_loop3A_852, %parallel_loop3A_839] : memref<96x128xf32, #tpu.memory_space<vmem>>[vector<16xi32>, vector<16xi32>], vector<16xf32>,
        %parallel_loop3A_854 = arith.mulf %parallel_loop3A_853, %exp3A_214 : vector<16xf32>
        tpu.vector_store_idx %arg11[%parallel_loop3A_852, %parallel_loop3A_839], %parallel_loop3A_854 : memref<96x128xf32, #tpu.memory_space<vmem>>[vector<16xi32>, vector<16xi32>], vector<16xf32>,
        %parallel_loop3A_855 = arith.constant 48 : i32
        %parallel_loop3A_856 = vector.broadcast %parallel_loop3A_855 : i32 to vector<16xi32>
        %parallel_loop3A_857 = arith.addi %parallel_loop3A_856, %iota3A : vector<16xi32>
        %parallel_loop3A_858 = tpu.vector_load_idx %arg11[%parallel_loop3A_857, %parallel_loop3A_839] : memref<96x128xf32, #tpu.memory_space<vmem>>[vector<16xi32>, vector<16xi32>], vector<16xf32>,
        %parallel_loop3A_859 = arith.mulf %parallel_loop3A_858, %exp3A_238 : vector<16xf32>
        tpu.vector_store_idx %arg11[%parallel_loop3A_857, %parallel_loop3A_839], %parallel_loop3A_859 : memref<96x128xf32, #tpu.memory_space<vmem>>[vector<16xi32>, vector<16xi32>], vector<16xf32>,
        %parallel_loop3A_860 = arith.constant 64 : i32
        %parallel_loop3A_861 = vector.broadcast %parallel_loop3A_860 : i32 to vector<16xi32>
        %parallel_loop3A_862 = arith.addi %parallel_loop3A_861, %iota3A : vector<16xi32>
        %parallel_loop3A_863 = tpu.vector_load_idx %arg11[%parallel_loop3A_862, %parallel_loop3A_839] : memref<96x128xf32, #tpu.memory_space<vmem>>[vector<16xi32>, vector<16xi32>], vector<16xf32>,
        %parallel_loop3A_864 = arith.mulf %parallel_loop3A_863, %exp3A_262 : vector<16xf32>
        tpu.vector_store_idx %arg11[%parallel_loop3A_862, %parallel_loop3A_839], %parallel_loop3A_864 : memref<96x128xf32, #tpu.memory_space<vmem>>[vector<16xi32>, vector<16xi32>], vector<16xf32>,
        %parallel_loop3A_865 = arith.constant 80 : i32
        %parallel_loop3A_866 = vector.broadcast %parallel_loop3A_865 : i32 to vector<16xi32>
        %parallel_loop3A_867 = arith.addi %parallel_loop3A_866, %iota3A : vector<16xi32>
        %parallel_loop3A_868 = tpu.vector_load_idx %arg11[%parallel_loop3A_867, %parallel_loop3A_839] : memref<96x128xf32, #tpu.memory_space<vmem>>[vector<16xi32>, vector<16xi32>], vector<16xf32>,
        %parallel_loop3A_869 = arith.mulf %parallel_loop3A_868, %exp3A_286 : vector<16xf32>
        tpu.vector_store_idx %arg11[%parallel_loop3A_867, %parallel_loop3A_839], %parallel_loop3A_869 : memref<96x128xf32, #tpu.memory_space<vmem>>[vector<16xi32>, vector<16xi32>], vector<16xf32>,
      } {sc.loop_unroll_factor = 2 : i64, sc.parallel_access}
      %dma_start3A_297 = arith.constant 0 : i32
      %dma_start3A_298 = arith.constant 0 : i32
      %dma_start3A_299 = tpu.memref_slice %arg28[%dma_start3A_297, %dma_start3A_298] : memref<10240x128xf32, #tpu.memory_space<vmem_shared>> -> memref<10240x128xf32, #tpu.memory_space<vmem_shared>>
      tpu.enqueue_indirect_dma source(%arg11 : memref<96x128xf32, #tpu.memory_space<vmem>>) target(%dma_start3A_299 : memref<10240x128xf32, #tpu.memory_space<vmem_shared>>) offsets(%arg23 : memref<96xi32, #tpu.memory_space<vmem>>) semaphore(%arg33 : memref<!tpu.dma_semaphore, #tpu.memory_space<semaphore_mem>>) {add = true}
      %dma_start3A_300 = arith.constant 0 : i32
      %dma_start3A_301 = tpu.memref_slice %arg29[%dma_start3A_300] : memref<10240xf32, #tpu.memory_space<vmem_shared>> -> memref<10240xf32, #tpu.memory_space<vmem_shared>>
      tpu.enqueue_indirect_dma source(%arg14 : memref<96xf32, #tpu.memory_space<vmem>>) target(%dma_start3A_301 : memref<10240xf32, #tpu.memory_space<vmem_shared>>) offsets(%arg23 : memref<96xi32, #tpu.memory_space<vmem>>) semaphore(%arg33 : memref<!tpu.dma_semaphore, #tpu.memory_space<semaphore_mem>>) {add = true}
      %gt3A_302 = arith.constant 0 : i32
      %gt3A_303 = arith.cmpi sgt, %scan3A_133, %gt3A_302 : i32
      %convert_element_type3A = arith.extui %gt3A_303 : i1 to i32
      %cond3A = arith.constant 0 : i32
      %cond3A_304 = arith.cmpi ne, %convert_element_type3A, %cond3A : i32
      scf.if %cond3A_304 {
        %dma_wait3A_721 = arith.constant 0 : i32
        %dma_wait3A_722 = arith.constant 0 : i32
        %dma_wait3A_723 = tpu.memref_slice %arg28[%dma_wait3A_721, %dma_wait3A_722] : memref<10240x128xf32, #tpu.memory_space<vmem_shared>> -> memref<10240x128xf32, #tpu.memory_space<vmem_shared>>
        tpu.wait_indirect_dma semaphore(%arg35 : memref<!tpu.dma_semaphore, #tpu.memory_space<semaphore_mem>>) src(%arg13 : memref<96x128xf32, #tpu.memory_space<vmem>>) dst(%dma_wait3A_723 : memref<10240x128xf32, #tpu.memory_space<vmem_shared>>)
        %dma_wait3A_724 = arith.constant 0 : i32
        %dma_wait3A_725 = tpu.memref_slice %arg29[%dma_wait3A_724] : memref<10240xf32, #tpu.memory_space<vmem_shared>> -> memref<10240xf32, #tpu.memory_space<vmem_shared>>
        tpu.wait_indirect_dma semaphore(%arg35 : memref<!tpu.dma_semaphore, #tpu.memory_space<semaphore_mem>>) src(%arg16 : memref<96xf32, #tpu.memory_space<vmem>>) dst(%dma_wait3A_725 : memref<10240xf32, #tpu.memory_space<vmem_shared>>)
      } else {
      }
      %add3A_305 = arith.constant 2 : i32
      %add3A_306 = arith.addi %add3A_137, %add3A_305 : i32
      %mul3A_307 = arith.constant 105 : i32
      %mul3A_308 = arith.muli %add3A, %mul3A_307 : i32
      %add3A_309 = arith.addi %mul3A_308, %add3A_306 : i32
      %mul3A_310 = arith.constant 2 : i32
      %mul3A_311 = arith.muli %add3A_309, %mul3A_310 : i32
      %dma_wait3A_312 = arith.constant 0 : i32
      %dma_wait3A_313 = tpu.memref_slice %arg4[%mul3A_311, %dma_wait3A_312] : memref<6720x96xi32, #tpu.memory_space<hbm>> -> memref<2x96xi32, #tpu.memory_space<hbm>>
      %dma_wait3A_314 = arith.constant 0 : i32
      %dma_wait3A_315 = tpu.memref_slice %arg4[%mul3A_311, %dma_wait3A_314] : memref<6720x96xi32, #tpu.memory_space<hbm>> -> memref<2x96xi32, #tpu.memory_space<hbm>>
      tpu.wait_dma2 semaphore(%arg38 : memref<!tpu.dma_semaphore, #tpu.memory_space<semaphore_mem>>) src(%dma_wait3A_315 : memref<2x96xi32, #tpu.memory_space<hbm>>) dst(%arg10 : memref<2x96xi32, #tpu.memory_space<vmem>>)
      %dma_start3A_316 = arith.constant 1 : i32
      %dma_start3A_317 = arith.constant 0 : i32
      %dma_start3A_318 = tpu.memref_slice %arg10[%dma_start3A_316, %dma_start3A_317] : memref<2x96xi32, #tpu.memory_space<vmem>> -> memref<1x96xi32, #tpu.memory_space<vmem>>
      %dma_start3A_319 = tpu.memref_squeeze %dma_start3A_318 : memref<1x96xi32, #tpu.memory_space<vmem>> -> memref<96xi32, #tpu.memory_space<vmem>>
      %dma_start3A_320 = arith.constant 0 : i32
      %dma_start3A_321 = arith.constant 0 : i32
      %dma_start3A_322 = tpu.memref_slice %arg5[%dma_start3A_320, %dma_start3A_321] : memref<10000x128xf32, #tpu.memory_space<hbm>> -> memref<10000x128xf32, #tpu.memory_space<hbm>>
      tpu.enqueue_indirect_dma source(%dma_start3A_322 : memref<10000x128xf32, #tpu.memory_space<hbm>>) target(%arg13 : memref<96x128xf32, #tpu.memory_space<vmem>>) offsets(%dma_start3A_319 : memref<96xi32, #tpu.memory_space<vmem>>) semaphore(%arg32 : memref<!tpu.dma_semaphore, #tpu.memory_space<semaphore_mem>>)
      %dma_start3A_323 = arith.constant 0 : i32
      %dma_start3A_324 = arith.constant 0 : i32
      %dma_start3A_325 = tpu.memref_slice %arg10[%dma_start3A_323, %dma_start3A_324] : memref<2x96xi32, #tpu.memory_space<vmem>> -> memref<1x96xi32, #tpu.memory_space<vmem>>
      %dma_start3A_326 = tpu.memref_squeeze %dma_start3A_325 : memref<1x96xi32, #tpu.memory_space<vmem>> -> memref<96xi32, #tpu.memory_space<vmem>>
      %dma_start3A_327 = arith.constant 0 : i32
      %dma_start3A_328 = tpu.memref_slice %arg2[%dma_start3A_327] : memref<10240xf32, #tpu.memory_space<hbm>> -> memref<10240xf32, #tpu.memory_space<hbm>>
      tpu.enqueue_indirect_dma source(%dma_start3A_328 : memref<10240xf32, #tpu.memory_space<hbm>>) target(%arg19 : memref<96xf32, #tpu.memory_space<vmem>>) offsets(%dma_start3A_326 : memref<96xi32, #tpu.memory_space<vmem>>) semaphore(%arg32 : memref<!tpu.dma_semaphore, #tpu.memory_space<semaphore_mem>>)
      %dma_start3A_329 = arith.constant 1 : i32
      %dma_start3A_330 = arith.constant 0 : i32
      %dma_start3A_331 = tpu.memref_slice %arg10[%dma_start3A_329, %dma_start3A_330] : memref<2x96xi32, #tpu.memory_space<vmem>> -> memref<1x96xi32, #tpu.memory_space<vmem>>
      %dma_start3A_332 = tpu.memref_squeeze %dma_start3A_331 : memref<1x96xi32, #tpu.memory_space<vmem>> -> memref<96xi32, #tpu.memory_space<vmem>>
      %dma_start3A_333 = arith.constant 0 : i32
      %dma_start3A_334 = tpu.memref_slice %arg3[%dma_start3A_333] : memref<10240xf32, #tpu.memory_space<hbm>> -> memref<10240xf32, #tpu.memory_space<hbm>>
      tpu.enqueue_indirect_dma source(%dma_start3A_334 : memref<10240xf32, #tpu.memory_space<hbm>>) target(%arg22 : memref<96xf32, #tpu.memory_space<vmem>>) offsets(%dma_start3A_332 : memref<96xi32, #tpu.memory_space<vmem>>) semaphore(%arg32 : memref<!tpu.dma_semaphore, #tpu.memory_space<semaphore_mem>>)
      %lt3A = arith.constant 34 : i32
      %lt3A_335 = arith.cmpi slt, %scan3A_133, %lt3A : i32
      %convert_element_type3A_336 = arith.extui %lt3A_335 : i1 to i32
      %cond3A_337 = arith.constant 0 : i32
      %cond3A_338 = arith.cmpi ne, %convert_element_type3A_336, %cond3A_337 : i32
      scf.if %cond3A_338 {
        %add3A_721 = arith.constant 3 : i32
        %add3A_722 = arith.addi %add3A_137, %add3A_721 : i32
        %mul3A_723 = arith.constant 105 : i32
        %mul3A_724 = arith.muli %add3A, %mul3A_723 : i32
        %add3A_725 = arith.addi %mul3A_724, %add3A_722 : i32
        %mul3A_726 = arith.constant 2 : i32
        %mul3A_727 = arith.muli %add3A_725, %mul3A_726 : i32
        %dma_start3A_728 = arith.constant 0 : i32
        %dma_start3A_729 = tpu.memref_slice %arg4[%mul3A_727, %dma_start3A_728] : memref<6720x96xi32, #tpu.memory_space<hbm>> -> memref<2x96xi32, #tpu.memory_space<hbm>>
        %dma_start3A_730 = arith.constant 0 : i32
        %dma_start3A_731 = tpu.memref_slice %arg4[%mul3A_727, %dma_start3A_730] : memref<6720x96xi32, #tpu.memory_space<hbm>> -> memref<2x96xi32, #tpu.memory_space<hbm>>
        tpu.enqueue_dma source(%dma_start3A_731 : memref<2x96xi32, #tpu.memory_space<hbm>>) target(%arg8 : memref<2x96xi32, #tpu.memory_space<vmem>>) target_semaphore(%arg36 : memref<!tpu.dma_semaphore, #tpu.memory_space<semaphore_mem>>)
      } else {
      }
      %mul3A_339 = arith.constant 3 : i32
      %mul3A_340 = arith.muli %mul3A_339, %scan3A_133 : i32
      %add3A_341 = arith.constant 1 : i32
      %add3A_342 = arith.addi %mul3A_340, %add3A_341 : i32
      %dma_wait3A_343 = arith.constant 1 : i32
      %dma_wait3A_344 = arith.constant 0 : i32
      %dma_wait3A_345 = tpu.memref_slice %arg9[%dma_wait3A_343, %dma_wait3A_344] : memref<2x96xi32, #tpu.memory_space<vmem>> -> memref<1x96xi32, #tpu.memory_space<vmem>>
      %dma_wait3A_346 = tpu.memref_squeeze %dma_wait3A_345 : memref<1x96xi32, #tpu.memory_space<vmem>> -> memref<96xi32, #tpu.memory_space<vmem>>
      %dma_wait3A_347 = arith.constant 0 : i32
      %dma_wait3A_348 = arith.constant 0 : i32
      %dma_wait3A_349 = tpu.memref_slice %arg5[%dma_wait3A_347, %dma_wait3A_348] : memref<10000x128xf32, #tpu.memory_space<hbm>> -> memref<10000x128xf32, #tpu.memory_space<hbm>>
      tpu.wait_indirect_dma semaphore(%arg31 : memref<!tpu.dma_semaphore, #tpu.memory_space<semaphore_mem>>) src(%dma_wait3A_349 : memref<10000x128xf32, #tpu.memory_space<hbm>>) dst(%arg12 : memref<96x128xf32, #tpu.memory_space<vmem>>)
      %dma_wait3A_350 = arith.constant 0 : i32
      %dma_wait3A_351 = arith.constant 0 : i32
      %dma_wait3A_352 = tpu.memref_slice %arg9[%dma_wait3A_350, %dma_wait3A_351] : memref<2x96xi32, #tpu.memory_space<vmem>> -> memref<1x96xi32, #tpu.memory_space<vmem>>
      %dma_wait3A_353 = tpu.memref_squeeze %dma_wait3A_352 : memref<1x96xi32, #tpu.memory_space<vmem>> -> memref<96xi32, #tpu.memory_space<vmem>>
      %dma_wait3A_354 = arith.constant 0 : i32
      %dma_wait3A_355 = tpu.memref_slice %arg2[%dma_wait3A_354] : memref<10240xf32, #tpu.memory_space<hbm>> -> memref<10240xf32, #tpu.memory_space<hbm>>
      tpu.wait_indirect_dma semaphore(%arg31 : memref<!tpu.dma_semaphore, #tpu.memory_space<semaphore_mem>>) src(%dma_wait3A_355 : memref<10240xf32, #tpu.memory_space<hbm>>) dst(%arg18 : memref<96xf32, #tpu.memory_space<vmem>>)
      %dma_wait3A_356 = arith.constant 1 : i32
      %dma_wait3A_357 = arith.constant 0 : i32
      %dma_wait3A_358 = tpu.memref_slice %arg9[%dma_wait3A_356, %dma_wait3A_357] : memref<2x96xi32, #tpu.memory_space<vmem>> -> memref<1x96xi32, #tpu.memory_space<vmem>>
      %dma_wait3A_359 = tpu.memref_squeeze %dma_wait3A_358 : memref<1x96xi32, #tpu.memory_space<vmem>> -> memref<96xi32, #tpu.memory_space<vmem>>
      %dma_wait3A_360 = arith.constant 0 : i32
      %dma_wait3A_361 = tpu.memref_slice %arg3[%dma_wait3A_360] : memref<10240xf32, #tpu.memory_space<hbm>> -> memref<10240xf32, #tpu.memory_space<hbm>>
      tpu.wait_indirect_dma semaphore(%arg31 : memref<!tpu.dma_semaphore, #tpu.memory_space<semaphore_mem>>) src(%dma_wait3A_361 : memref<10240xf32, #tpu.memory_space<hbm>>) dst(%arg21 : memref<96xf32, #tpu.memory_space<vmem>>)
      %iota3A_362 = tpu.iota {dimensions = array<i32: 0>} : vector<16xi32>
      %get3A_363 = arith.constant 0 : index
      %get3A_364 = tpu.vector_load %arg18[%get3A_363] {strides = array<i32>} : memref<96xf32, #tpu.memory_space<vmem>>, vector<16xf32>,
      %get3A_365 = arith.constant 0 : index
      %get3A_366 = tpu.vector_load %arg21[%get3A_365] {strides = array<i32>} : memref<96xf32, #tpu.memory_space<vmem>>, vector<16xf32>,
      %add3A_367 = arith.addf %get3A_364, %get3A_366 : vector<16xf32>
      %gt3A_368 = arith.constant 0.000000e+00 : f32
      %gt3A_369 = vector.broadcast %gt3A_368 : f32 to vector<16xf32>
      %gt3A_370 = arith.cmpf ogt, %add3A_367, %gt3A_369 : vector<16xf32>
      %mul3A_371 = arith.constant 2.000000e-01 : f32
      %mul3A_372 = vector.broadcast %mul3A_371 : f32 to vector<16xf32>
      %mul3A_373 = arith.mulf %mul3A_372, %add3A_367 : vector<16xf32>
      %select_n3A_374 = arith.select %gt3A_370, %add3A_367, %mul3A_373 : vector<16xi1>, vector<16xf32>
      %neg3A_375 = arith.constant 0.000000e+00 : f32
      %neg3A_376 = vector.broadcast %neg3A_375 : f32 to vector<16xf32>
      %neg3A_377 = arith.subf %neg3A_376, %select_n3A_374 : vector<16xf32>
      %exp3A_378 = math.exp %neg3A_377 : vector<16xf32>
      %swap3A_379 = arith.constant 0 : index
      %swap3A_380 = tpu.vector_load %arg15[%swap3A_379] {strides = array<i32>} : memref<96xf32, #tpu.memory_space<vmem>>, vector<16xf32>,
      tpu.vector_store %arg15[%swap3A_379], %exp3A_378 {strides = array<i32>} : memref<96xf32, #tpu.memory_space<vmem>>, vector<16xf32>,
      %get3A_381 = arith.constant 0 : i32
      %get3A_382 = arith.index_cast %get3A_381 : i32 to index
      %get3A_383 = arith.constant 0 : index
      %get3A_384 = tpu.vector_load %arg9[%get3A_382, %get3A_383] {strides = array<i32>} : memref<2x96xi32, #tpu.memory_space<vmem>>, vector<16xi32>,
      %swap3A_385 = arith.constant 0 : index
      %swap3A_386 = tpu.vector_load %arg24[%swap3A_385] {strides = array<i32>} : memref<96xi32, #tpu.memory_space<vmem>>, vector<16xi32>,
      tpu.vector_store %arg24[%swap3A_385], %get3A_384 {strides = array<i32>} : memref<96xi32, #tpu.memory_space<vmem>>, vector<16xi32>,
      %get3A_387 = arith.constant 16 : index
      %get3A_388 = tpu.vector_load %arg18[%get3A_387] {strides = array<i32>} : memref<96xf32, #tpu.memory_space<vmem>>, vector<16xf32>,
      %get3A_389 = arith.constant 16 : index
      %get3A_390 = tpu.vector_load %arg21[%get3A_389] {strides = array<i32>} : memref<96xf32, #tpu.memory_space<vmem>>, vector<16xf32>,
      %add3A_391 = arith.addf %get3A_388, %get3A_390 : vector<16xf32>
      %gt3A_392 = arith.constant 0.000000e+00 : f32
      %gt3A_393 = vector.broadcast %gt3A_392 : f32 to vector<16xf32>
      %gt3A_394 = arith.cmpf ogt, %add3A_391, %gt3A_393 : vector<16xf32>
      %mul3A_395 = arith.constant 2.000000e-01 : f32
      %mul3A_396 = vector.broadcast %mul3A_395 : f32 to vector<16xf32>
      %mul3A_397 = arith.mulf %mul3A_396, %add3A_391 : vector<16xf32>
      %select_n3A_398 = arith.select %gt3A_394, %add3A_391, %mul3A_397 : vector<16xi1>, vector<16xf32>
      %neg3A_399 = arith.constant 0.000000e+00 : f32
      %neg3A_400 = vector.broadcast %neg3A_399 : f32 to vector<16xf32>
      %neg3A_401 = arith.subf %neg3A_400, %select_n3A_398 : vector<16xf32>
      %exp3A_402 = math.exp %neg3A_401 : vector<16xf32>
      %swap3A_403 = arith.constant 16 : index
      %swap3A_404 = tpu.vector_load %arg15[%swap3A_403] {strides = array<i32>} : memref<96xf32, #tpu.memory_space<vmem>>, vector<16xf32>,
      tpu.vector_store %arg15[%swap3A_403], %exp3A_402 {strides = array<i32>} : memref<96xf32, #tpu.memory_space<vmem>>, vector<16xf32>,
      %get3A_405 = arith.constant 0 : i32
      %get3A_406 = arith.index_cast %get3A_405 : i32 to index
      %get3A_407 = arith.constant 16 : index
      %get3A_408 = tpu.vector_load %arg9[%get3A_406, %get3A_407] {strides = array<i32>} : memref<2x96xi32, #tpu.memory_space<vmem>>, vector<16xi32>,
      %swap3A_409 = arith.constant 16 : index
      %swap3A_410 = tpu.vector_load %arg24[%swap3A_409] {strides = array<i32>} : memref<96xi32, #tpu.memory_space<vmem>>, vector<16xi32>,
      tpu.vector_store %arg24[%swap3A_409], %get3A_408 {strides = array<i32>} : memref<96xi32, #tpu.memory_space<vmem>>, vector<16xi32>,
      %get3A_411 = arith.constant 32 : index
      %get3A_412 = tpu.vector_load %arg18[%get3A_411] {strides = array<i32>} : memref<96xf32, #tpu.memory_space<vmem>>, vector<16xf32>,
      %get3A_413 = arith.constant 32 : index
      %get3A_414 = tpu.vector_load %arg21[%get3A_413] {strides = array<i32>} : memref<96xf32, #tpu.memory_space<vmem>>, vector<16xf32>,
      %add3A_415 = arith.addf %get3A_412, %get3A_414 : vector<16xf32>
      %gt3A_416 = arith.constant 0.000000e+00 : f32
      %gt3A_417 = vector.broadcast %gt3A_416 : f32 to vector<16xf32>
      %gt3A_418 = arith.cmpf ogt, %add3A_415, %gt3A_417 : vector<16xf32>
      %mul3A_419 = arith.constant 2.000000e-01 : f32
      %mul3A_420 = vector.broadcast %mul3A_419 : f32 to vector<16xf32>
      %mul3A_421 = arith.mulf %mul3A_420, %add3A_415 : vector<16xf32>
      %select_n3A_422 = arith.select %gt3A_418, %add3A_415, %mul3A_421 : vector<16xi1>, vector<16xf32>
      %neg3A_423 = arith.constant 0.000000e+00 : f32
      %neg3A_424 = vector.broadcast %neg3A_423 : f32 to vector<16xf32>
      %neg3A_425 = arith.subf %neg3A_424, %select_n3A_422 : vector<16xf32>
      %exp3A_426 = math.exp %neg3A_425 : vector<16xf32>
      %swap3A_427 = arith.constant 32 : index
      %swap3A_428 = tpu.vector_load %arg15[%swap3A_427] {strides = array<i32>} : memref<96xf32, #tpu.memory_space<vmem>>, vector<16xf32>,
      tpu.vector_store %arg15[%swap3A_427], %exp3A_426 {strides = array<i32>} : memref<96xf32, #tpu.memory_space<vmem>>, vector<16xf32>,
      %get3A_429 = arith.constant 0 : i32
      %get3A_430 = arith.index_cast %get3A_429 : i32 to index
      %get3A_431 = arith.constant 32 : index
      %get3A_432 = tpu.vector_load %arg9[%get3A_430, %get3A_431] {strides = array<i32>} : memref<2x96xi32, #tpu.memory_space<vmem>>, vector<16xi32>,
      %swap3A_433 = arith.constant 32 : index
      %swap3A_434 = tpu.vector_load %arg24[%swap3A_433] {strides = array<i32>} : memref<96xi32, #tpu.memory_space<vmem>>, vector<16xi32>,
      tpu.vector_store %arg24[%swap3A_433], %get3A_432 {strides = array<i32>} : memref<96xi32, #tpu.memory_space<vmem>>, vector<16xi32>,
      %get3A_435 = arith.constant 48 : index
      %get3A_436 = tpu.vector_load %arg18[%get3A_435] {strides = array<i32>} : memref<96xf32, #tpu.memory_space<vmem>>, vector<16xf32>,
      %get3A_437 = arith.constant 48 : index
      %get3A_438 = tpu.vector_load %arg21[%get3A_437] {strides = array<i32>} : memref<96xf32, #tpu.memory_space<vmem>>, vector<16xf32>,
      %add3A_439 = arith.addf %get3A_436, %get3A_438 : vector<16xf32>
      %gt3A_440 = arith.constant 0.000000e+00 : f32
      %gt3A_441 = vector.broadcast %gt3A_440 : f32 to vector<16xf32>
      %gt3A_442 = arith.cmpf ogt, %add3A_439, %gt3A_441 : vector<16xf32>
      %mul3A_443 = arith.constant 2.000000e-01 : f32
      %mul3A_444 = vector.broadcast %mul3A_443 : f32 to vector<16xf32>
      %mul3A_445 = arith.mulf %mul3A_444, %add3A_439 : vector<16xf32>
      %select_n3A_446 = arith.select %gt3A_442, %add3A_439, %mul3A_445 : vector<16xi1>, vector<16xf32>
      %neg3A_447 = arith.constant 0.000000e+00 : f32
      %neg3A_448 = vector.broadcast %neg3A_447 : f32 to vector<16xf32>
      %neg3A_449 = arith.subf %neg3A_448, %select_n3A_446 : vector<16xf32>
      %exp3A_450 = math.exp %neg3A_449 : vector<16xf32>
      %swap3A_451 = arith.constant 48 : index
      %swap3A_452 = tpu.vector_load %arg15[%swap3A_451] {strides = array<i32>} : memref<96xf32, #tpu.memory_space<vmem>>, vector<16xf32>,
      tpu.vector_store %arg15[%swap3A_451], %exp3A_450 {strides = array<i32>} : memref<96xf32, #tpu.memory_space<vmem>>, vector<16xf32>,
      %get3A_453 = arith.constant 0 : i32
      %get3A_454 = arith.index_cast %get3A_453 : i32 to index
      %get3A_455 = arith.constant 48 : index
      %get3A_456 = tpu.vector_load %arg9[%get3A_454, %get3A_455] {strides = array<i32>} : memref<2x96xi32, #tpu.memory_space<vmem>>, vector<16xi32>,
      %swap3A_457 = arith.constant 48 : index
      %swap3A_458 = tpu.vector_load %arg24[%swap3A_457] {strides = array<i32>} : memref<96xi32, #tpu.memory_space<vmem>>, vector<16xi32>,
      tpu.vector_store %arg24[%swap3A_457], %get3A_456 {strides = array<i32>} : memref<96xi32, #tpu.memory_space<vmem>>, vector<16xi32>,
      %get3A_459 = arith.constant 64 : index
      %get3A_460 = tpu.vector_load %arg18[%get3A_459] {strides = array<i32>} : memref<96xf32, #tpu.memory_space<vmem>>, vector<16xf32>,
      %get3A_461 = arith.constant 64 : index
      %get3A_462 = tpu.vector_load %arg21[%get3A_461] {strides = array<i32>} : memref<96xf32, #tpu.memory_space<vmem>>, vector<16xf32>,
      %add3A_463 = arith.addf %get3A_460, %get3A_462 : vector<16xf32>
      %gt3A_464 = arith.constant 0.000000e+00 : f32
      %gt3A_465 = vector.broadcast %gt3A_464 : f32 to vector<16xf32>
      %gt3A_466 = arith.cmpf ogt, %add3A_463, %gt3A_465 : vector<16xf32>
      %mul3A_467 = arith.constant 2.000000e-01 : f32
      %mul3A_468 = vector.broadcast %mul3A_467 : f32 to vector<16xf32>
      %mul3A_469 = arith.mulf %mul3A_468, %add3A_463 : vector<16xf32>
      %select_n3A_470 = arith.select %gt3A_466, %add3A_463, %mul3A_469 : vector<16xi1>, vector<16xf32>
      %neg3A_471 = arith.constant 0.000000e+00 : f32
      %neg3A_472 = vector.broadcast %neg3A_471 : f32 to vector<16xf32>
      %neg3A_473 = arith.subf %neg3A_472, %select_n3A_470 : vector<16xf32>
      %exp3A_474 = math.exp %neg3A_473 : vector<16xf32>
      %swap3A_475 = arith.constant 64 : index
      %swap3A_476 = tpu.vector_load %arg15[%swap3A_475] {strides = array<i32>} : memref<96xf32, #tpu.memory_space<vmem>>, vector<16xf32>,
      tpu.vector_store %arg15[%swap3A_475], %exp3A_474 {strides = array<i32>} : memref<96xf32, #tpu.memory_space<vmem>>, vector<16xf32>,
      %get3A_477 = arith.constant 0 : i32
      %get3A_478 = arith.index_cast %get3A_477 : i32 to index
      %get3A_479 = arith.constant 64 : index
      %get3A_480 = tpu.vector_load %arg9[%get3A_478, %get3A_479] {strides = array<i32>} : memref<2x96xi32, #tpu.memory_space<vmem>>, vector<16xi32>,
      %swap3A_481 = arith.constant 64 : index
      %swap3A_482 = tpu.vector_load %arg24[%swap3A_481] {strides = array<i32>} : memref<96xi32, #tpu.memory_space<vmem>>, vector<16xi32>,
      tpu.vector_store %arg24[%swap3A_481], %get3A_480 {strides = array<i32>} : memref<96xi32, #tpu.memory_space<vmem>>, vector<16xi32>,
      %get3A_483 = arith.constant 80 : index
      %get3A_484 = tpu.vector_load %arg18[%get3A_483] {strides = array<i32>} : memref<96xf32, #tpu.memory_space<vmem>>, vector<16xf32>,
      %get3A_485 = arith.constant 80 : index
      %get3A_486 = tpu.vector_load %arg21[%get3A_485] {strides = array<i32>} : memref<96xf32, #tpu.memory_space<vmem>>, vector<16xf32>,
      %add3A_487 = arith.addf %get3A_484, %get3A_486 : vector<16xf32>
      %gt3A_488 = arith.constant 0.000000e+00 : f32
      %gt3A_489 = vector.broadcast %gt3A_488 : f32 to vector<16xf32>
      %gt3A_490 = arith.cmpf ogt, %add3A_487, %gt3A_489 : vector<16xf32>
      %mul3A_491 = arith.constant 2.000000e-01 : f32
      %mul3A_492 = vector.broadcast %mul3A_491 : f32 to vector<16xf32>
      %mul3A_493 = arith.mulf %mul3A_492, %add3A_487 : vector<16xf32>
      %select_n3A_494 = arith.select %gt3A_490, %add3A_487, %mul3A_493 : vector<16xi1>, vector<16xf32>
      %neg3A_495 = arith.constant 0.000000e+00 : f32
      %neg3A_496 = vector.broadcast %neg3A_495 : f32 to vector<16xf32>
      %neg3A_497 = arith.subf %neg3A_496, %select_n3A_494 : vector<16xf32>
      %exp3A_498 = math.exp %neg3A_497 : vector<16xf32>
      %swap3A_499 = arith.constant 80 : index
      %swap3A_500 = tpu.vector_load %arg15[%swap3A_499] {strides = array<i32>} : memref<96xf32, #tpu.memory_space<vmem>>, vector<16xf32>,
      tpu.vector_store %arg15[%swap3A_499], %exp3A_498 {strides = array<i32>} : memref<96xf32, #tpu.memory_space<vmem>>, vector<16xf32>,
      %get3A_501 = arith.constant 0 : i32
      %get3A_502 = arith.index_cast %get3A_501 : i32 to index
      %get3A_503 = arith.constant 80 : index
      %get3A_504 = tpu.vector_load %arg9[%get3A_502, %get3A_503] {strides = array<i32>} : memref<2x96xi32, #tpu.memory_space<vmem>>, vector<16xi32>,
      %swap3A_505 = arith.constant 80 : index
      %swap3A_506 = tpu.vector_load %arg24[%swap3A_505] {strides = array<i32>} : memref<96xi32, #tpu.memory_space<vmem>>, vector<16xi32>,
      tpu.vector_store %arg24[%swap3A_505], %get3A_504 {strides = array<i32>} : memref<96xi32, #tpu.memory_space<vmem>>, vector<16xi32>,
      %parallel_loop3A_507 = arith.constant 0 : i32
      %parallel_loop3A_508 = arith.constant 32 : i32
      %parallel_loop3A_509 = arith.constant 1 : i32
      scf.for %parallel_loop3A_721 = %parallel_loop3A_507 to %parallel_loop3A_508 step %parallel_loop3A_509  : i32 {
        %parallel_loop3A_722 = arith.constant 4 : i32
        %parallel_loop3A_723 = arith.muli %parallel_loop3A_721, %parallel_loop3A_722 : i32
        %parallel_loop3A_724 = vector.broadcast %parallel_loop3A_723 : i32 to vector<16xi32>
        %parallel_loop3A_725 = arith.addi %parallel_loop3A_724, %iota3A_362 : vector<16xi32>
        %parallel_loop3A_726 = arith.constant 0 : i32
        %parallel_loop3A_727 = vector.broadcast %parallel_loop3A_726 : i32 to vector<16xi32>
        %parallel_loop3A_728 = arith.addi %parallel_loop3A_725, %parallel_loop3A_727 : vector<16xi32>
        %parallel_loop3A_729 = arith.constant 127 : i32
        %parallel_loop3A_730 = vector.broadcast %parallel_loop3A_729 : i32 to vector<16xi32>
        %parallel_loop3A_731 = arith.andi %parallel_loop3A_728, %parallel_loop3A_730 : vector<16xi32>
        %parallel_loop3A_732 = arith.constant 0 : i32
        %parallel_loop3A_733 = vector.broadcast %parallel_loop3A_732 : i32 to vector<16xi32>
        %parallel_loop3A_734 = arith.addi %parallel_loop3A_733, %iota3A_362 : vector<16xi32>
        %parallel_loop3A_735 = tpu.vector_load_idx %arg12[%parallel_loop3A_734, %parallel_loop3A_731] : memref<96x128xf32, #tpu.memory_space<vmem>>[vector<16xi32>, vector<16xi32>], vector<16xf32>,
        %parallel_loop3A_736 = arith.mulf %parallel_loop3A_735, %exp3A_378 : vector<16xf32>
        tpu.vector_store_idx %arg12[%parallel_loop3A_734, %parallel_loop3A_731], %parallel_loop3A_736 : memref<96x128xf32, #tpu.memory_space<vmem>>[vector<16xi32>, vector<16xi32>], vector<16xf32>,
        %parallel_loop3A_737 = arith.constant 16 : i32
        %parallel_loop3A_738 = vector.broadcast %parallel_loop3A_737 : i32 to vector<16xi32>
        %parallel_loop3A_739 = arith.addi %parallel_loop3A_738, %iota3A_362 : vector<16xi32>
        %parallel_loop3A_740 = tpu.vector_load_idx %arg12[%parallel_loop3A_739, %parallel_loop3A_731] : memref<96x128xf32, #tpu.memory_space<vmem>>[vector<16xi32>, vector<16xi32>], vector<16xf32>,
        %parallel_loop3A_741 = arith.mulf %parallel_loop3A_740, %exp3A_402 : vector<16xf32>
        tpu.vector_store_idx %arg12[%parallel_loop3A_739, %parallel_loop3A_731], %parallel_loop3A_741 : memref<96x128xf32, #tpu.memory_space<vmem>>[vector<16xi32>, vector<16xi32>], vector<16xf32>,
        %parallel_loop3A_742 = arith.constant 32 : i32
        %parallel_loop3A_743 = vector.broadcast %parallel_loop3A_742 : i32 to vector<16xi32>
        %parallel_loop3A_744 = arith.addi %parallel_loop3A_743, %iota3A_362 : vector<16xi32>
        %parallel_loop3A_745 = tpu.vector_load_idx %arg12[%parallel_loop3A_744, %parallel_loop3A_731] : memref<96x128xf32, #tpu.memory_space<vmem>>[vector<16xi32>, vector<16xi32>], vector<16xf32>,
        %parallel_loop3A_746 = arith.mulf %parallel_loop3A_745, %exp3A_426 : vector<16xf32>
        tpu.vector_store_idx %arg12[%parallel_loop3A_744, %parallel_loop3A_731], %parallel_loop3A_746 : memref<96x128xf32, #tpu.memory_space<vmem>>[vector<16xi32>, vector<16xi32>], vector<16xf32>,
        %parallel_loop3A_747 = arith.constant 48 : i32
        %parallel_loop3A_748 = vector.broadcast %parallel_loop3A_747 : i32 to vector<16xi32>
        %parallel_loop3A_749 = arith.addi %parallel_loop3A_748, %iota3A_362 : vector<16xi32>
        %parallel_loop3A_750 = tpu.vector_load_idx %arg12[%parallel_loop3A_749, %parallel_loop3A_731] : memref<96x128xf32, #tpu.memory_space<vmem>>[vector<16xi32>, vector<16xi32>], vector<16xf32>,
        %parallel_loop3A_751 = arith.mulf %parallel_loop3A_750, %exp3A_450 : vector<16xf32>
        tpu.vector_store_idx %arg12[%parallel_loop3A_749, %parallel_loop3A_731], %parallel_loop3A_751 : memref<96x128xf32, #tpu.memory_space<vmem>>[vector<16xi32>, vector<16xi32>], vector<16xf32>,
        %parallel_loop3A_752 = arith.constant 64 : i32
        %parallel_loop3A_753 = vector.broadcast %parallel_loop3A_752 : i32 to vector<16xi32>
        %parallel_loop3A_754 = arith.addi %parallel_loop3A_753, %iota3A_362 : vector<16xi32>
        %parallel_loop3A_755 = tpu.vector_load_idx %arg12[%parallel_loop3A_754, %parallel_loop3A_731] : memref<96x128xf32, #tpu.memory_space<vmem>>[vector<16xi32>, vector<16xi32>], vector<16xf32>,
        %parallel_loop3A_756 = arith.mulf %parallel_loop3A_755, %exp3A_474 : vector<16xf32>
        tpu.vector_store_idx %arg12[%parallel_loop3A_754, %parallel_loop3A_731], %parallel_loop3A_756 : memref<96x128xf32, #tpu.memory_space<vmem>>[vector<16xi32>, vector<16xi32>], vector<16xf32>,
        %parallel_loop3A_757 = arith.constant 80 : i32
        %parallel_loop3A_758 = vector.broadcast %parallel_loop3A_757 : i32 to vector<16xi32>
        %parallel_loop3A_759 = arith.addi %parallel_loop3A_758, %iota3A_362 : vector<16xi32>
        %parallel_loop3A_760 = tpu.vector_load_idx %arg12[%parallel_loop3A_759, %parallel_loop3A_731] : memref<96x128xf32, #tpu.memory_space<vmem>>[vector<16xi32>, vector<16xi32>], vector<16xf32>,
        %parallel_loop3A_761 = arith.mulf %parallel_loop3A_760, %exp3A_498 : vector<16xf32>
        tpu.vector_store_idx %arg12[%parallel_loop3A_759, %parallel_loop3A_731], %parallel_loop3A_761 : memref<96x128xf32, #tpu.memory_space<vmem>>[vector<16xi32>, vector<16xi32>], vector<16xf32>,
        %parallel_loop3A_762 = arith.constant 1 : i32
        %parallel_loop3A_763 = vector.broadcast %parallel_loop3A_762 : i32 to vector<16xi32>
        %parallel_loop3A_764 = arith.addi %parallel_loop3A_725, %parallel_loop3A_763 : vector<16xi32>
        %parallel_loop3A_765 = arith.constant 127 : i32
        %parallel_loop3A_766 = vector.broadcast %parallel_loop3A_765 : i32 to vector<16xi32>
        %parallel_loop3A_767 = arith.andi %parallel_loop3A_764, %parallel_loop3A_766 : vector<16xi32>
        %parallel_loop3A_768 = arith.constant 0 : i32
        %parallel_loop3A_769 = vector.broadcast %parallel_loop3A_768 : i32 to vector<16xi32>
        %parallel_loop3A_770 = arith.addi %parallel_loop3A_769, %iota3A_362 : vector<16xi32>
        %parallel_loop3A_771 = tpu.vector_load_idx %arg12[%parallel_loop3A_770, %parallel_loop3A_767] : memref<96x128xf32, #tpu.memory_space<vmem>>[vector<16xi32>, vector<16xi32>], vector<16xf32>,
        %parallel_loop3A_772 = arith.mulf %parallel_loop3A_771, %exp3A_378 : vector<16xf32>
        tpu.vector_store_idx %arg12[%parallel_loop3A_770, %parallel_loop3A_767], %parallel_loop3A_772 : memref<96x128xf32, #tpu.memory_space<vmem>>[vector<16xi32>, vector<16xi32>], vector<16xf32>,
        %parallel_loop3A_773 = arith.constant 16 : i32
        %parallel_loop3A_774 = vector.broadcast %parallel_loop3A_773 : i32 to vector<16xi32>
        %parallel_loop3A_775 = arith.addi %parallel_loop3A_774, %iota3A_362 : vector<16xi32>
        %parallel_loop3A_776 = tpu.vector_load_idx %arg12[%parallel_loop3A_775, %parallel_loop3A_767] : memref<96x128xf32, #tpu.memory_space<vmem>>[vector<16xi32>, vector<16xi32>], vector<16xf32>,
        %parallel_loop3A_777 = arith.mulf %parallel_loop3A_776, %exp3A_402 : vector<16xf32>
        tpu.vector_store_idx %arg12[%parallel_loop3A_775, %parallel_loop3A_767], %parallel_loop3A_777 : memref<96x128xf32, #tpu.memory_space<vmem>>[vector<16xi32>, vector<16xi32>], vector<16xf32>,
        %parallel_loop3A_778 = arith.constant 32 : i32
        %parallel_loop3A_779 = vector.broadcast %parallel_loop3A_778 : i32 to vector<16xi32>
        %parallel_loop3A_780 = arith.addi %parallel_loop3A_779, %iota3A_362 : vector<16xi32>
        %parallel_loop3A_781 = tpu.vector_load_idx %arg12[%parallel_loop3A_780, %parallel_loop3A_767] : memref<96x128xf32, #tpu.memory_space<vmem>>[vector<16xi32>, vector<16xi32>], vector<16xf32>,
        %parallel_loop3A_782 = arith.mulf %parallel_loop3A_781, %exp3A_426 : vector<16xf32>
        tpu.vector_store_idx %arg12[%parallel_loop3A_780, %parallel_loop3A_767], %parallel_loop3A_782 : memref<96x128xf32, #tpu.memory_space<vmem>>[vector<16xi32>, vector<16xi32>], vector<16xf32>,
        %parallel_loop3A_783 = arith.constant 48 : i32
        %parallel_loop3A_784 = vector.broadcast %parallel_loop3A_783 : i32 to vector<16xi32>
        %parallel_loop3A_785 = arith.addi %parallel_loop3A_784, %iota3A_362 : vector<16xi32>
        %parallel_loop3A_786 = tpu.vector_load_idx %arg12[%parallel_loop3A_785, %parallel_loop3A_767] : memref<96x128xf32, #tpu.memory_space<vmem>>[vector<16xi32>, vector<16xi32>], vector<16xf32>,
        %parallel_loop3A_787 = arith.mulf %parallel_loop3A_786, %exp3A_450 : vector<16xf32>
        tpu.vector_store_idx %arg12[%parallel_loop3A_785, %parallel_loop3A_767], %parallel_loop3A_787 : memref<96x128xf32, #tpu.memory_space<vmem>>[vector<16xi32>, vector<16xi32>], vector<16xf32>,
        %parallel_loop3A_788 = arith.constant 64 : i32
        %parallel_loop3A_789 = vector.broadcast %parallel_loop3A_788 : i32 to vector<16xi32>
        %parallel_loop3A_790 = arith.addi %parallel_loop3A_789, %iota3A_362 : vector<16xi32>
        %parallel_loop3A_791 = tpu.vector_load_idx %arg12[%parallel_loop3A_790, %parallel_loop3A_767] : memref<96x128xf32, #tpu.memory_space<vmem>>[vector<16xi32>, vector<16xi32>], vector<16xf32>,
        %parallel_loop3A_792 = arith.mulf %parallel_loop3A_791, %exp3A_474 : vector<16xf32>
        tpu.vector_store_idx %arg12[%parallel_loop3A_790, %parallel_loop3A_767], %parallel_loop3A_792 : memref<96x128xf32, #tpu.memory_space<vmem>>[vector<16xi32>, vector<16xi32>], vector<16xf32>,
        %parallel_loop3A_793 = arith.constant 80 : i32
        %parallel_loop3A_794 = vector.broadcast %parallel_loop3A_793 : i32 to vector<16xi32>
        %parallel_loop3A_795 = arith.addi %parallel_loop3A_794, %iota3A_362 : vector<16xi32>
        %parallel_loop3A_796 = tpu.vector_load_idx %arg12[%parallel_loop3A_795, %parallel_loop3A_767] : memref<96x128xf32, #tpu.memory_space<vmem>>[vector<16xi32>, vector<16xi32>], vector<16xf32>,
        %parallel_loop3A_797 = arith.mulf %parallel_loop3A_796, %exp3A_498 : vector<16xf32>
        tpu.vector_store_idx %arg12[%parallel_loop3A_795, %parallel_loop3A_767], %parallel_loop3A_797 : memref<96x128xf32, #tpu.memory_space<vmem>>[vector<16xi32>, vector<16xi32>], vector<16xf32>,
        %parallel_loop3A_798 = arith.constant 2 : i32
        %parallel_loop3A_799 = vector.broadcast %parallel_loop3A_798 : i32 to vector<16xi32>
        %parallel_loop3A_800 = arith.addi %parallel_loop3A_725, %parallel_loop3A_799 : vector<16xi32>
        %parallel_loop3A_801 = arith.constant 127 : i32
        %parallel_loop3A_802 = vector.broadcast %parallel_loop3A_801 : i32 to vector<16xi32>
        %parallel_loop3A_803 = arith.andi %parallel_loop3A_800, %parallel_loop3A_802 : vector<16xi32>
        %parallel_loop3A_804 = arith.constant 0 : i32
        %parallel_loop3A_805 = vector.broadcast %parallel_loop3A_804 : i32 to vector<16xi32>
        %parallel_loop3A_806 = arith.addi %parallel_loop3A_805, %iota3A_362 : vector<16xi32>
        %parallel_loop3A_807 = tpu.vector_load_idx %arg12[%parallel_loop3A_806, %parallel_loop3A_803] : memref<96x128xf32, #tpu.memory_space<vmem>>[vector<16xi32>, vector<16xi32>], vector<16xf32>,
        %parallel_loop3A_808 = arith.mulf %parallel_loop3A_807, %exp3A_378 : vector<16xf32>
        tpu.vector_store_idx %arg12[%parallel_loop3A_806, %parallel_loop3A_803], %parallel_loop3A_808 : memref<96x128xf32, #tpu.memory_space<vmem>>[vector<16xi32>, vector<16xi32>], vector<16xf32>,
        %parallel_loop3A_809 = arith.constant 16 : i32
        %parallel_loop3A_810 = vector.broadcast %parallel_loop3A_809 : i32 to vector<16xi32>
        %parallel_loop3A_811 = arith.addi %parallel_loop3A_810, %iota3A_362 : vector<16xi32>
        %parallel_loop3A_812 = tpu.vector_load_idx %arg12[%parallel_loop3A_811, %parallel_loop3A_803] : memref<96x128xf32, #tpu.memory_space<vmem>>[vector<16xi32>, vector<16xi32>], vector<16xf32>,
        %parallel_loop3A_813 = arith.mulf %parallel_loop3A_812, %exp3A_402 : vector<16xf32>
        tpu.vector_store_idx %arg12[%parallel_loop3A_811, %parallel_loop3A_803], %parallel_loop3A_813 : memref<96x128xf32, #tpu.memory_space<vmem>>[vector<16xi32>, vector<16xi32>], vector<16xf32>,
        %parallel_loop3A_814 = arith.constant 32 : i32
        %parallel_loop3A_815 = vector.broadcast %parallel_loop3A_814 : i32 to vector<16xi32>
        %parallel_loop3A_816 = arith.addi %parallel_loop3A_815, %iota3A_362 : vector<16xi32>
        %parallel_loop3A_817 = tpu.vector_load_idx %arg12[%parallel_loop3A_816, %parallel_loop3A_803] : memref<96x128xf32, #tpu.memory_space<vmem>>[vector<16xi32>, vector<16xi32>], vector<16xf32>,
        %parallel_loop3A_818 = arith.mulf %parallel_loop3A_817, %exp3A_426 : vector<16xf32>
        tpu.vector_store_idx %arg12[%parallel_loop3A_816, %parallel_loop3A_803], %parallel_loop3A_818 : memref<96x128xf32, #tpu.memory_space<vmem>>[vector<16xi32>, vector<16xi32>], vector<16xf32>,
        %parallel_loop3A_819 = arith.constant 48 : i32
        %parallel_loop3A_820 = vector.broadcast %parallel_loop3A_819 : i32 to vector<16xi32>
        %parallel_loop3A_821 = arith.addi %parallel_loop3A_820, %iota3A_362 : vector<16xi32>
        %parallel_loop3A_822 = tpu.vector_load_idx %arg12[%parallel_loop3A_821, %parallel_loop3A_803] : memref<96x128xf32, #tpu.memory_space<vmem>>[vector<16xi32>, vector<16xi32>], vector<16xf32>,
        %parallel_loop3A_823 = arith.mulf %parallel_loop3A_822, %exp3A_450 : vector<16xf32>
        tpu.vector_store_idx %arg12[%parallel_loop3A_821, %parallel_loop3A_803], %parallel_loop3A_823 : memref<96x128xf32, #tpu.memory_space<vmem>>[vector<16xi32>, vector<16xi32>], vector<16xf32>,
        %parallel_loop3A_824 = arith.constant 64 : i32
        %parallel_loop3A_825 = vector.broadcast %parallel_loop3A_824 : i32 to vector<16xi32>
        %parallel_loop3A_826 = arith.addi %parallel_loop3A_825, %iota3A_362 : vector<16xi32>
        %parallel_loop3A_827 = tpu.vector_load_idx %arg12[%parallel_loop3A_826, %parallel_loop3A_803] : memref<96x128xf32, #tpu.memory_space<vmem>>[vector<16xi32>, vector<16xi32>], vector<16xf32>,
        %parallel_loop3A_828 = arith.mulf %parallel_loop3A_827, %exp3A_474 : vector<16xf32>
        tpu.vector_store_idx %arg12[%parallel_loop3A_826, %parallel_loop3A_803], %parallel_loop3A_828 : memref<96x128xf32, #tpu.memory_space<vmem>>[vector<16xi32>, vector<16xi32>], vector<16xf32>,
        %parallel_loop3A_829 = arith.constant 80 : i32
        %parallel_loop3A_830 = vector.broadcast %parallel_loop3A_829 : i32 to vector<16xi32>
        %parallel_loop3A_831 = arith.addi %parallel_loop3A_830, %iota3A_362 : vector<16xi32>
        %parallel_loop3A_832 = tpu.vector_load_idx %arg12[%parallel_loop3A_831, %parallel_loop3A_803] : memref<96x128xf32, #tpu.memory_space<vmem>>[vector<16xi32>, vector<16xi32>], vector<16xf32>,
        %parallel_loop3A_833 = arith.mulf %parallel_loop3A_832, %exp3A_498 : vector<16xf32>
        tpu.vector_store_idx %arg12[%parallel_loop3A_831, %parallel_loop3A_803], %parallel_loop3A_833 : memref<96x128xf32, #tpu.memory_space<vmem>>[vector<16xi32>, vector<16xi32>], vector<16xf32>,
        %parallel_loop3A_834 = arith.constant 3 : i32
        %parallel_loop3A_835 = vector.broadcast %parallel_loop3A_834 : i32 to vector<16xi32>
        %parallel_loop3A_836 = arith.addi %parallel_loop3A_725, %parallel_loop3A_835 : vector<16xi32>
        %parallel_loop3A_837 = arith.constant 127 : i32
        %parallel_loop3A_838 = vector.broadcast %parallel_loop3A_837 : i32 to vector<16xi32>
        %parallel_loop3A_839 = arith.andi %parallel_loop3A_836, %parallel_loop3A_838 : vector<16xi32>
        %parallel_loop3A_840 = arith.constant 0 : i32
        %parallel_loop3A_841 = vector.broadcast %parallel_loop3A_840 : i32 to vector<16xi32>
        %parallel_loop3A_842 = arith.addi %parallel_loop3A_841, %iota3A_362 : vector<16xi32>
        %parallel_loop3A_843 = tpu.vector_load_idx %arg12[%parallel_loop3A_842, %parallel_loop3A_839] : memref<96x128xf32, #tpu.memory_space<vmem>>[vector<16xi32>, vector<16xi32>], vector<16xf32>,
        %parallel_loop3A_844 = arith.mulf %parallel_loop3A_843, %exp3A_378 : vector<16xf32>
        tpu.vector_store_idx %arg12[%parallel_loop3A_842, %parallel_loop3A_839], %parallel_loop3A_844 : memref<96x128xf32, #tpu.memory_space<vmem>>[vector<16xi32>, vector<16xi32>], vector<16xf32>,
        %parallel_loop3A_845 = arith.constant 16 : i32
        %parallel_loop3A_846 = vector.broadcast %parallel_loop3A_845 : i32 to vector<16xi32>
        %parallel_loop3A_847 = arith.addi %parallel_loop3A_846, %iota3A_362 : vector<16xi32>
        %parallel_loop3A_848 = tpu.vector_load_idx %arg12[%parallel_loop3A_847, %parallel_loop3A_839] : memref<96x128xf32, #tpu.memory_space<vmem>>[vector<16xi32>, vector<16xi32>], vector<16xf32>,
        %parallel_loop3A_849 = arith.mulf %parallel_loop3A_848, %exp3A_402 : vector<16xf32>
        tpu.vector_store_idx %arg12[%parallel_loop3A_847, %parallel_loop3A_839], %parallel_loop3A_849 : memref<96x128xf32, #tpu.memory_space<vmem>>[vector<16xi32>, vector<16xi32>], vector<16xf32>,
        %parallel_loop3A_850 = arith.constant 32 : i32
        %parallel_loop3A_851 = vector.broadcast %parallel_loop3A_850 : i32 to vector<16xi32>
        %parallel_loop3A_852 = arith.addi %parallel_loop3A_851, %iota3A_362 : vector<16xi32>
        %parallel_loop3A_853 = tpu.vector_load_idx %arg12[%parallel_loop3A_852, %parallel_loop3A_839] : memref<96x128xf32, #tpu.memory_space<vmem>>[vector<16xi32>, vector<16xi32>], vector<16xf32>,
        %parallel_loop3A_854 = arith.mulf %parallel_loop3A_853, %exp3A_426 : vector<16xf32>
        tpu.vector_store_idx %arg12[%parallel_loop3A_852, %parallel_loop3A_839], %parallel_loop3A_854 : memref<96x128xf32, #tpu.memory_space<vmem>>[vector<16xi32>, vector<16xi32>], vector<16xf32>,
        %parallel_loop3A_855 = arith.constant 48 : i32
        %parallel_loop3A_856 = vector.broadcast %parallel_loop3A_855 : i32 to vector<16xi32>
        %parallel_loop3A_857 = arith.addi %parallel_loop3A_856, %iota3A_362 : vector<16xi32>
        %parallel_loop3A_858 = tpu.vector_load_idx %arg12[%parallel_loop3A_857, %parallel_loop3A_839] : memref<96x128xf32, #tpu.memory_space<vmem>>[vector<16xi32>, vector<16xi32>], vector<16xf32>,
        %parallel_loop3A_859 = arith.mulf %parallel_loop3A_858, %exp3A_450 : vector<16xf32>
        tpu.vector_store_idx %arg12[%parallel_loop3A_857, %parallel_loop3A_839], %parallel_loop3A_859 : memref<96x128xf32, #tpu.memory_space<vmem>>[vector<16xi32>, vector<16xi32>], vector<16xf32>,
        %parallel_loop3A_860 = arith.constant 64 : i32
        %parallel_loop3A_861 = vector.broadcast %parallel_loop3A_860 : i32 to vector<16xi32>
        %parallel_loop3A_862 = arith.addi %parallel_loop3A_861, %iota3A_362 : vector<16xi32>
        %parallel_loop3A_863 = tpu.vector_load_idx %arg12[%parallel_loop3A_862, %parallel_loop3A_839] : memref<96x128xf32, #tpu.memory_space<vmem>>[vector<16xi32>, vector<16xi32>], vector<16xf32>,
        %parallel_loop3A_864 = arith.mulf %parallel_loop3A_863, %exp3A_474 : vector<16xf32>
        tpu.vector_store_idx %arg12[%parallel_loop3A_862, %parallel_loop3A_839], %parallel_loop3A_864 : memref<96x128xf32, #tpu.memory_space<vmem>>[vector<16xi32>, vector<16xi32>], vector<16xf32>,
        %parallel_loop3A_865 = arith.constant 80 : i32
        %parallel_loop3A_866 = vector.broadcast %parallel_loop3A_865 : i32 to vector<16xi32>
        %parallel_loop3A_867 = arith.addi %parallel_loop3A_866, %iota3A_362 : vector<16xi32>
        %parallel_loop3A_868 = tpu.vector_load_idx %arg12[%parallel_loop3A_867, %parallel_loop3A_839] : memref<96x128xf32, #tpu.memory_space<vmem>>[vector<16xi32>, vector<16xi32>], vector<16xf32>,
        %parallel_loop3A_869 = arith.mulf %parallel_loop3A_868, %exp3A_498 : vector<16xf32>
        tpu.vector_store_idx %arg12[%parallel_loop3A_867, %parallel_loop3A_839], %parallel_loop3A_869 : memref<96x128xf32, #tpu.memory_space<vmem>>[vector<16xi32>, vector<16xi32>], vector<16xf32>,
      } {sc.loop_unroll_factor = 2 : i64, sc.parallel_access}
      %dma_start3A_510 = arith.constant 0 : i32
      %dma_start3A_511 = arith.constant 0 : i32
      %dma_start3A_512 = tpu.memref_slice %arg28[%dma_start3A_510, %dma_start3A_511] : memref<10240x128xf32, #tpu.memory_space<vmem_shared>> -> memref<10240x128xf32, #tpu.memory_space<vmem_shared>>
      tpu.enqueue_indirect_dma source(%arg12 : memref<96x128xf32, #tpu.memory_space<vmem>>) target(%dma_start3A_512 : memref<10240x128xf32, #tpu.memory_space<vmem_shared>>) offsets(%arg24 : memref<96xi32, #tpu.memory_space<vmem>>) semaphore(%arg34 : memref<!tpu.dma_semaphore, #tpu.memory_space<semaphore_mem>>) {add = true}
      %dma_start3A_513 = arith.constant 0 : i32
      %dma_start3A_514 = tpu.memref_slice %arg29[%dma_start3A_513] : memref<10240xf32, #tpu.memory_space<vmem_shared>> -> memref<10240xf32, #tpu.memory_space<vmem_shared>>
      tpu.enqueue_indirect_dma source(%arg15 : memref<96xf32, #tpu.memory_space<vmem>>) target(%dma_start3A_514 : memref<10240xf32, #tpu.memory_space<vmem_shared>>) offsets(%arg24 : memref<96xi32, #tpu.memory_space<vmem>>) semaphore(%arg34 : memref<!tpu.dma_semaphore, #tpu.memory_space<semaphore_mem>>) {add = true}
      %dma_wait3A_515 = arith.constant 0 : i32
      %dma_wait3A_516 = arith.constant 0 : i32
      %dma_wait3A_517 = tpu.memref_slice %arg28[%dma_wait3A_515, %dma_wait3A_516] : memref<10240x128xf32, #tpu.memory_space<vmem_shared>> -> memref<10240x128xf32, #tpu.memory_space<vmem_shared>>
      tpu.wait_indirect_dma semaphore(%arg33 : memref<!tpu.dma_semaphore, #tpu.memory_space<semaphore_mem>>) src(%arg11 : memref<96x128xf32, #tpu.memory_space<vmem>>) dst(%dma_wait3A_517 : memref<10240x128xf32, #tpu.memory_space<vmem_shared>>)
      %dma_wait3A_518 = arith.constant 0 : i32
      %dma_wait3A_519 = tpu.memref_slice %arg29[%dma_wait3A_518] : memref<10240xf32, #tpu.memory_space<vmem_shared>> -> memref<10240xf32, #tpu.memory_space<vmem_shared>>
      tpu.wait_indirect_dma semaphore(%arg33 : memref<!tpu.dma_semaphore, #tpu.memory_space<semaphore_mem>>) src(%arg14 : memref<96xf32, #tpu.memory_space<vmem>>) dst(%dma_wait3A_519 : memref<10240xf32, #tpu.memory_space<vmem_shared>>)
      %lt3A_520 = arith.constant 34 : i32
      %lt3A_521 = arith.cmpi slt, %scan3A_133, %lt3A_520 : i32
      %convert_element_type3A_522 = arith.extui %lt3A_521 : i1 to i32
      %cond3A_523 = arith.constant 0 : i32
      %cond3A_524 = arith.cmpi ne, %convert_element_type3A_522, %cond3A_523 : i32
      scf.if %cond3A_524 {
        %add3A_721 = arith.constant 2 : i32
        %add3A_722 = arith.addi %add3A_342, %add3A_721 : i32
        %mul3A_723 = arith.constant 105 : i32
        %mul3A_724 = arith.muli %add3A, %mul3A_723 : i32
        %add3A_725 = arith.addi %mul3A_724, %add3A_722 : i32
        %mul3A_726 = arith.constant 2 : i32
        %mul3A_727 = arith.muli %add3A_725, %mul3A_726 : i32
        %dma_wait3A_728 = arith.constant 0 : i32
        %dma_wait3A_729 = tpu.memref_slice %arg4[%mul3A_727, %dma_wait3A_728] : memref<6720x96xi32, #tpu.memory_space<hbm>> -> memref<2x96xi32, #tpu.memory_space<hbm>>
        %dma_wait3A_730 = arith.constant 0 : i32
        %dma_wait3A_731 = tpu.memref_slice %arg4[%mul3A_727, %dma_wait3A_730] : memref<6720x96xi32, #tpu.memory_space<hbm>> -> memref<2x96xi32, #tpu.memory_space<hbm>>
        tpu.wait_dma2 semaphore(%arg36 : memref<!tpu.dma_semaphore, #tpu.memory_space<semaphore_mem>>) src(%dma_wait3A_731 : memref<2x96xi32, #tpu.memory_space<hbm>>) dst(%arg8 : memref<2x96xi32, #tpu.memory_space<vmem>>)
        %dma_start3A_732 = arith.constant 1 : i32
        %dma_start3A_733 = arith.constant 0 : i32
        %dma_start3A_734 = tpu.memref_slice %arg8[%dma_start3A_732, %dma_start3A_733] : memref<2x96xi32, #tpu.memory_space<vmem>> -> memref<1x96xi32, #tpu.memory_space<vmem>>
        %dma_start3A_735 = tpu.memref_squeeze %dma_start3A_734 : memref<1x96xi32, #tpu.memory_space<vmem>> -> memref<96xi32, #tpu.memory_space<vmem>>
        %dma_start3A_736 = arith.constant 0 : i32
        %dma_start3A_737 = arith.constant 0 : i32
        %dma_start3A_738 = tpu.memref_slice %arg5[%dma_start3A_736, %dma_start3A_737] : memref<10000x128xf32, #tpu.memory_space<hbm>> -> memref<10000x128xf32, #tpu.memory_space<hbm>>
        tpu.enqueue_indirect_dma source(%dma_start3A_738 : memref<10000x128xf32, #tpu.memory_space<hbm>>) target(%arg11 : memref<96x128xf32, #tpu.memory_space<vmem>>) offsets(%dma_start3A_735 : memref<96xi32, #tpu.memory_space<vmem>>) semaphore(%arg30 : memref<!tpu.dma_semaphore, #tpu.memory_space<semaphore_mem>>)
        %dma_start3A_739 = arith.constant 0 : i32
        %dma_start3A_740 = arith.constant 0 : i32
        %dma_start3A_741 = tpu.memref_slice %arg8[%dma_start3A_739, %dma_start3A_740] : memref<2x96xi32, #tpu.memory_space<vmem>> -> memref<1x96xi32, #tpu.memory_space<vmem>>
        %dma_start3A_742 = tpu.memref_squeeze %dma_start3A_741 : memref<1x96xi32, #tpu.memory_space<vmem>> -> memref<96xi32, #tpu.memory_space<vmem>>
        %dma_start3A_743 = arith.constant 0 : i32
        %dma_start3A_744 = tpu.memref_slice %arg2[%dma_start3A_743] : memref<10240xf32, #tpu.memory_space<hbm>> -> memref<10240xf32, #tpu.memory_space<hbm>>
        tpu.enqueue_indirect_dma source(%dma_start3A_744 : memref<10240xf32, #tpu.memory_space<hbm>>) target(%arg17 : memref<96xf32, #tpu.memory_space<vmem>>) offsets(%dma_start3A_742 : memref<96xi32, #tpu.memory_space<vmem>>) semaphore(%arg30 : memref<!tpu.dma_semaphore, #tpu.memory_space<semaphore_mem>>)
        %dma_start3A_745 = arith.constant 1 : i32
        %dma_start3A_746 = arith.constant 0 : i32
        %dma_start3A_747 = tpu.memref_slice %arg8[%dma_start3A_745, %dma_start3A_746] : memref<2x96xi32, #tpu.memory_space<vmem>> -> memref<1x96xi32, #tpu.memory_space<vmem>>
        %dma_start3A_748 = tpu.memref_squeeze %dma_start3A_747 : memref<1x96xi32, #tpu.memory_space<vmem>> -> memref<96xi32, #tpu.memory_space<vmem>>
        %dma_start3A_749 = arith.constant 0 : i32
        %dma_start3A_750 = tpu.memref_slice %arg3[%dma_start3A_749] : memref<10240xf32, #tpu.memory_space<hbm>> -> memref<10240xf32, #tpu.memory_space<hbm>>
        tpu.enqueue_indirect_dma source(%dma_start3A_750 : memref<10240xf32, #tpu.memory_space<hbm>>) target(%arg20 : memref<96xf32, #tpu.memory_space<vmem>>) offsets(%dma_start3A_748 : memref<96xi32, #tpu.memory_space<vmem>>) semaphore(%arg30 : memref<!tpu.dma_semaphore, #tpu.memory_space<semaphore_mem>>)
      } else {
      }
      %lt3A_525 = arith.constant 34 : i32
      %lt3A_526 = arith.cmpi slt, %scan3A_133, %lt3A_525 : i32
      %convert_element_type3A_527 = arith.extui %lt3A_526 : i1 to i32
      %cond3A_528 = arith.constant 0 : i32
      %cond3A_529 = arith.cmpi ne, %convert_element_type3A_527, %cond3A_528 : i32
      scf.if %cond3A_529 {
        %add3A_721 = arith.constant 3 : i32
        %add3A_722 = arith.addi %add3A_342, %add3A_721 : i32
        %mul3A_723 = arith.constant 105 : i32
        %mul3A_724 = arith.muli %add3A, %mul3A_723 : i32
        %add3A_725 = arith.addi %mul3A_724, %add3A_722 : i32
        %mul3A_726 = arith.constant 2 : i32
        %mul3A_727 = arith.muli %add3A_725, %mul3A_726 : i32
        %dma_start3A_728 = arith.constant 0 : i32
        %dma_start3A_729 = tpu.memref_slice %arg4[%mul3A_727, %dma_start3A_728] : memref<6720x96xi32, #tpu.memory_space<hbm>> -> memref<2x96xi32, #tpu.memory_space<hbm>>
        %dma_start3A_730 = arith.constant 0 : i32
        %dma_start3A_731 = tpu.memref_slice %arg4[%mul3A_727, %dma_start3A_730] : memref<6720x96xi32, #tpu.memory_space<hbm>> -> memref<2x96xi32, #tpu.memory_space<hbm>>
        tpu.enqueue_dma source(%dma_start3A_731 : memref<2x96xi32, #tpu.memory_space<hbm>>) target(%arg9 : memref<2x96xi32, #tpu.memory_space<vmem>>) target_semaphore(%arg37 : memref<!tpu.dma_semaphore, #tpu.memory_space<semaphore_mem>>)
      } else {
      }
      %mul3A_530 = arith.constant 3 : i32
      %mul3A_531 = arith.muli %mul3A_530, %scan3A_133 : i32
      %add3A_532 = arith.constant 2 : i32
      %add3A_533 = arith.addi %mul3A_531, %add3A_532 : i32
      %dma_wait3A_534 = arith.constant 1 : i32
      %dma_wait3A_535 = arith.constant 0 : i32
      %dma_wait3A_536 = tpu.memref_slice %arg10[%dma_wait3A_534, %dma_wait3A_535] : memref<2x96xi32, #tpu.memory_space<vmem>> -> memref<1x96xi32, #tpu.memory_space<vmem>>
      %dma_wait3A_537 = tpu.memref_squeeze %dma_wait3A_536 : memref<1x96xi32, #tpu.memory_space<vmem>> -> memref<96xi32, #tpu.memory_space<vmem>>
      %dma_wait3A_538 = arith.constant 0 : i32
      %dma_wait3A_539 = arith.constant 0 : i32
      %dma_wait3A_540 = tpu.memref_slice %arg5[%dma_wait3A_538, %dma_wait3A_539] : memref<10000x128xf32, #tpu.memory_space<hbm>> -> memref<10000x128xf32, #tpu.memory_space<hbm>>
      tpu.wait_indirect_dma semaphore(%arg32 : memref<!tpu.dma_semaphore, #tpu.memory_space<semaphore_mem>>) src(%dma_wait3A_540 : memref<10000x128xf32, #tpu.memory_space<hbm>>) dst(%arg13 : memref<96x128xf32, #tpu.memory_space<vmem>>)
      %dma_wait3A_541 = arith.constant 0 : i32
      %dma_wait3A_542 = arith.constant 0 : i32
      %dma_wait3A_543 = tpu.memref_slice %arg10[%dma_wait3A_541, %dma_wait3A_542] : memref<2x96xi32, #tpu.memory_space<vmem>> -> memref<1x96xi32, #tpu.memory_space<vmem>>
      %dma_wait3A_544 = tpu.memref_squeeze %dma_wait3A_543 : memref<1x96xi32, #tpu.memory_space<vmem>> -> memref<96xi32, #tpu.memory_space<vmem>>
      %dma_wait3A_545 = arith.constant 0 : i32
      %dma_wait3A_546 = tpu.memref_slice %arg2[%dma_wait3A_545] : memref<10240xf32, #tpu.memory_space<hbm>> -> memref<10240xf32, #tpu.memory_space<hbm>>
      tpu.wait_indirect_dma semaphore(%arg32 : memref<!tpu.dma_semaphore, #tpu.memory_space<semaphore_mem>>) src(%dma_wait3A_546 : memref<10240xf32, #tpu.memory_space<hbm>>) dst(%arg19 : memref<96xf32, #tpu.memory_space<vmem>>)
      %dma_wait3A_547 = arith.constant 1 : i32
      %dma_wait3A_548 = arith.constant 0 : i32
      %dma_wait3A_549 = tpu.memref_slice %arg10[%dma_wait3A_547, %dma_wait3A_548] : memref<2x96xi32, #tpu.memory_space<vmem>> -> memref<1x96xi32, #tpu.memory_space<vmem>>
      %dma_wait3A_550 = tpu.memref_squeeze %dma_wait3A_549 : memref<1x96xi32, #tpu.memory_space<vmem>> -> memref<96xi32, #tpu.memory_space<vmem>>
      %dma_wait3A_551 = arith.constant 0 : i32
      %dma_wait3A_552 = tpu.memref_slice %arg3[%dma_wait3A_551] : memref<10240xf32, #tpu.memory_space<hbm>> -> memref<10240xf32, #tpu.memory_space<hbm>>
      tpu.wait_indirect_dma semaphore(%arg32 : memref<!tpu.dma_semaphore, #tpu.memory_space<semaphore_mem>>) src(%dma_wait3A_552 : memref<10240xf32, #tpu.memory_space<hbm>>) dst(%arg22 : memref<96xf32, #tpu.memory_space<vmem>>)
      %iota3A_553 = tpu.iota {dimensions = array<i32: 0>} : vector<16xi32>
      %get3A_554 = arith.constant 0 : index
      %get3A_555 = tpu.vector_load %arg19[%get3A_554] {strides = array<i32>} : memref<96xf32, #tpu.memory_space<vmem>>, vector<16xf32>,
      %get3A_556 = arith.constant 0 : index
      %get3A_557 = tpu.vector_load %arg22[%get3A_556] {strides = array<i32>} : memref<96xf32, #tpu.memory_space<vmem>>, vector<16xf32>,
      %add3A_558 = arith.addf %get3A_555, %get3A_557 : vector<16xf32>
      %gt3A_559 = arith.constant 0.000000e+00 : f32
      %gt3A_560 = vector.broadcast %gt3A_559 : f32 to vector<16xf32>
      %gt3A_561 = arith.cmpf ogt, %add3A_558, %gt3A_560 : vector<16xf32>
      %mul3A_562 = arith.constant 2.000000e-01 : f32
      %mul3A_563 = vector.broadcast %mul3A_562 : f32 to vector<16xf32>
      %mul3A_564 = arith.mulf %mul3A_563, %add3A_558 : vector<16xf32>
      %select_n3A_565 = arith.select %gt3A_561, %add3A_558, %mul3A_564 : vector<16xi1>, vector<16xf32>
      %neg3A_566 = arith.constant 0.000000e+00 : f32
      %neg3A_567 = vector.broadcast %neg3A_566 : f32 to vector<16xf32>
      %neg3A_568 = arith.subf %neg3A_567, %select_n3A_565 : vector<16xf32>
      %exp3A_569 = math.exp %neg3A_568 : vector<16xf32>
      %swap3A_570 = arith.constant 0 : index
      %swap3A_571 = tpu.vector_load %arg16[%swap3A_570] {strides = array<i32>} : memref<96xf32, #tpu.memory_space<vmem>>, vector<16xf32>,
      tpu.vector_store %arg16[%swap3A_570], %exp3A_569 {strides = array<i32>} : memref<96xf32, #tpu.memory_space<vmem>>, vector<16xf32>,
      %get3A_572 = arith.constant 0 : i32
      %get3A_573 = arith.index_cast %get3A_572 : i32 to index
      %get3A_574 = arith.constant 0 : index
      %get3A_575 = tpu.vector_load %arg10[%get3A_573, %get3A_574] {strides = array<i32>} : memref<2x96xi32, #tpu.memory_space<vmem>>, vector<16xi32>,
      %swap3A_576 = arith.constant 0 : index
      %swap3A_577 = tpu.vector_load %arg25[%swap3A_576] {strides = array<i32>} : memref<96xi32, #tpu.memory_space<vmem>>, vector<16xi32>,
      tpu.vector_store %arg25[%swap3A_576], %get3A_575 {strides = array<i32>} : memref<96xi32, #tpu.memory_space<vmem>>, vector<16xi32>,
      %get3A_578 = arith.constant 16 : index
      %get3A_579 = tpu.vector_load %arg19[%get3A_578] {strides = array<i32>} : memref<96xf32, #tpu.memory_space<vmem>>, vector<16xf32>,
      %get3A_580 = arith.constant 16 : index
      %get3A_581 = tpu.vector_load %arg22[%get3A_580] {strides = array<i32>} : memref<96xf32, #tpu.memory_space<vmem>>, vector<16xf32>,
      %add3A_582 = arith.addf %get3A_579, %get3A_581 : vector<16xf32>
      %gt3A_583 = arith.constant 0.000000e+00 : f32
      %gt3A_584 = vector.broadcast %gt3A_583 : f32 to vector<16xf32>
      %gt3A_585 = arith.cmpf ogt, %add3A_582, %gt3A_584 : vector<16xf32>
      %mul3A_586 = arith.constant 2.000000e-01 : f32
      %mul3A_587 = vector.broadcast %mul3A_586 : f32 to vector<16xf32>
      %mul3A_588 = arith.mulf %mul3A_587, %add3A_582 : vector<16xf32>
      %select_n3A_589 = arith.select %gt3A_585, %add3A_582, %mul3A_588 : vector<16xi1>, vector<16xf32>
      %neg3A_590 = arith.constant 0.000000e+00 : f32
      %neg3A_591 = vector.broadcast %neg3A_590 : f32 to vector<16xf32>
      %neg3A_592 = arith.subf %neg3A_591, %select_n3A_589 : vector<16xf32>
      %exp3A_593 = math.exp %neg3A_592 : vector<16xf32>
      %swap3A_594 = arith.constant 16 : index
      %swap3A_595 = tpu.vector_load %arg16[%swap3A_594] {strides = array<i32>} : memref<96xf32, #tpu.memory_space<vmem>>, vector<16xf32>,
      tpu.vector_store %arg16[%swap3A_594], %exp3A_593 {strides = array<i32>} : memref<96xf32, #tpu.memory_space<vmem>>, vector<16xf32>,
      %get3A_596 = arith.constant 0 : i32
      %get3A_597 = arith.index_cast %get3A_596 : i32 to index
      %get3A_598 = arith.constant 16 : index
      %get3A_599 = tpu.vector_load %arg10[%get3A_597, %get3A_598] {strides = array<i32>} : memref<2x96xi32, #tpu.memory_space<vmem>>, vector<16xi32>,
      %swap3A_600 = arith.constant 16 : index
      %swap3A_601 = tpu.vector_load %arg25[%swap3A_600] {strides = array<i32>} : memref<96xi32, #tpu.memory_space<vmem>>, vector<16xi32>,
      tpu.vector_store %arg25[%swap3A_600], %get3A_599 {strides = array<i32>} : memref<96xi32, #tpu.memory_space<vmem>>, vector<16xi32>,
      %get3A_602 = arith.constant 32 : index
      %get3A_603 = tpu.vector_load %arg19[%get3A_602] {strides = array<i32>} : memref<96xf32, #tpu.memory_space<vmem>>, vector<16xf32>,
      %get3A_604 = arith.constant 32 : index
      %get3A_605 = tpu.vector_load %arg22[%get3A_604] {strides = array<i32>} : memref<96xf32, #tpu.memory_space<vmem>>, vector<16xf32>,
      %add3A_606 = arith.addf %get3A_603, %get3A_605 : vector<16xf32>
      %gt3A_607 = arith.constant 0.000000e+00 : f32
      %gt3A_608 = vector.broadcast %gt3A_607 : f32 to vector<16xf32>
      %gt3A_609 = arith.cmpf ogt, %add3A_606, %gt3A_608 : vector<16xf32>
      %mul3A_610 = arith.constant 2.000000e-01 : f32
      %mul3A_611 = vector.broadcast %mul3A_610 : f32 to vector<16xf32>
      %mul3A_612 = arith.mulf %mul3A_611, %add3A_606 : vector<16xf32>
      %select_n3A_613 = arith.select %gt3A_609, %add3A_606, %mul3A_612 : vector<16xi1>, vector<16xf32>
      %neg3A_614 = arith.constant 0.000000e+00 : f32
      %neg3A_615 = vector.broadcast %neg3A_614 : f32 to vector<16xf32>
      %neg3A_616 = arith.subf %neg3A_615, %select_n3A_613 : vector<16xf32>
      %exp3A_617 = math.exp %neg3A_616 : vector<16xf32>
      %swap3A_618 = arith.constant 32 : index
      %swap3A_619 = tpu.vector_load %arg16[%swap3A_618] {strides = array<i32>} : memref<96xf32, #tpu.memory_space<vmem>>, vector<16xf32>,
      tpu.vector_store %arg16[%swap3A_618], %exp3A_617 {strides = array<i32>} : memref<96xf32, #tpu.memory_space<vmem>>, vector<16xf32>,
      %get3A_620 = arith.constant 0 : i32
      %get3A_621 = arith.index_cast %get3A_620 : i32 to index
      %get3A_622 = arith.constant 32 : index
      %get3A_623 = tpu.vector_load %arg10[%get3A_621, %get3A_622] {strides = array<i32>} : memref<2x96xi32, #tpu.memory_space<vmem>>, vector<16xi32>,
      %swap3A_624 = arith.constant 32 : index
      %swap3A_625 = tpu.vector_load %arg25[%swap3A_624] {strides = array<i32>} : memref<96xi32, #tpu.memory_space<vmem>>, vector<16xi32>,
      tpu.vector_store %arg25[%swap3A_624], %get3A_623 {strides = array<i32>} : memref<96xi32, #tpu.memory_space<vmem>>, vector<16xi32>,
      %get3A_626 = arith.constant 48 : index
      %get3A_627 = tpu.vector_load %arg19[%get3A_626] {strides = array<i32>} : memref<96xf32, #tpu.memory_space<vmem>>, vector<16xf32>,
      %get3A_628 = arith.constant 48 : index
      %get3A_629 = tpu.vector_load %arg22[%get3A_628] {strides = array<i32>} : memref<96xf32, #tpu.memory_space<vmem>>, vector<16xf32>,
      %add3A_630 = arith.addf %get3A_627, %get3A_629 : vector<16xf32>
      %gt3A_631 = arith.constant 0.000000e+00 : f32
      %gt3A_632 = vector.broadcast %gt3A_631 : f32 to vector<16xf32>
      %gt3A_633 = arith.cmpf ogt, %add3A_630, %gt3A_632 : vector<16xf32>
      %mul3A_634 = arith.constant 2.000000e-01 : f32
      %mul3A_635 = vector.broadcast %mul3A_634 : f32 to vector<16xf32>
      %mul3A_636 = arith.mulf %mul3A_635, %add3A_630 : vector<16xf32>
      %select_n3A_637 = arith.select %gt3A_633, %add3A_630, %mul3A_636 : vector<16xi1>, vector<16xf32>
      %neg3A_638 = arith.constant 0.000000e+00 : f32
      %neg3A_639 = vector.broadcast %neg3A_638 : f32 to vector<16xf32>
      %neg3A_640 = arith.subf %neg3A_639, %select_n3A_637 : vector<16xf32>
      %exp3A_641 = math.exp %neg3A_640 : vector<16xf32>
      %swap3A_642 = arith.constant 48 : index
      %swap3A_643 = tpu.vector_load %arg16[%swap3A_642] {strides = array<i32>} : memref<96xf32, #tpu.memory_space<vmem>>, vector<16xf32>,
      tpu.vector_store %arg16[%swap3A_642], %exp3A_641 {strides = array<i32>} : memref<96xf32, #tpu.memory_space<vmem>>, vector<16xf32>,
      %get3A_644 = arith.constant 0 : i32
      %get3A_645 = arith.index_cast %get3A_644 : i32 to index
      %get3A_646 = arith.constant 48 : index
      %get3A_647 = tpu.vector_load %arg10[%get3A_645, %get3A_646] {strides = array<i32>} : memref<2x96xi32, #tpu.memory_space<vmem>>, vector<16xi32>,
      %swap3A_648 = arith.constant 48 : index
      %swap3A_649 = tpu.vector_load %arg25[%swap3A_648] {strides = array<i32>} : memref<96xi32, #tpu.memory_space<vmem>>, vector<16xi32>,
      tpu.vector_store %arg25[%swap3A_648], %get3A_647 {strides = array<i32>} : memref<96xi32, #tpu.memory_space<vmem>>, vector<16xi32>,
      %get3A_650 = arith.constant 64 : index
      %get3A_651 = tpu.vector_load %arg19[%get3A_650] {strides = array<i32>} : memref<96xf32, #tpu.memory_space<vmem>>, vector<16xf32>,
      %get3A_652 = arith.constant 64 : index
      %get3A_653 = tpu.vector_load %arg22[%get3A_652] {strides = array<i32>} : memref<96xf32, #tpu.memory_space<vmem>>, vector<16xf32>,
      %add3A_654 = arith.addf %get3A_651, %get3A_653 : vector<16xf32>
      %gt3A_655 = arith.constant 0.000000e+00 : f32
      %gt3A_656 = vector.broadcast %gt3A_655 : f32 to vector<16xf32>
      %gt3A_657 = arith.cmpf ogt, %add3A_654, %gt3A_656 : vector<16xf32>
      %mul3A_658 = arith.constant 2.000000e-01 : f32
      %mul3A_659 = vector.broadcast %mul3A_658 : f32 to vector<16xf32>
      %mul3A_660 = arith.mulf %mul3A_659, %add3A_654 : vector<16xf32>
      %select_n3A_661 = arith.select %gt3A_657, %add3A_654, %mul3A_660 : vector<16xi1>, vector<16xf32>
      %neg3A_662 = arith.constant 0.000000e+00 : f32
      %neg3A_663 = vector.broadcast %neg3A_662 : f32 to vector<16xf32>
      %neg3A_664 = arith.subf %neg3A_663, %select_n3A_661 : vector<16xf32>
      %exp3A_665 = math.exp %neg3A_664 : vector<16xf32>
      %swap3A_666 = arith.constant 64 : index
      %swap3A_667 = tpu.vector_load %arg16[%swap3A_666] {strides = array<i32>} : memref<96xf32, #tpu.memory_space<vmem>>, vector<16xf32>,
      tpu.vector_store %arg16[%swap3A_666], %exp3A_665 {strides = array<i32>} : memref<96xf32, #tpu.memory_space<vmem>>, vector<16xf32>,
      %get3A_668 = arith.constant 0 : i32
      %get3A_669 = arith.index_cast %get3A_668 : i32 to index
      %get3A_670 = arith.constant 64 : index
      %get3A_671 = tpu.vector_load %arg10[%get3A_669, %get3A_670] {strides = array<i32>} : memref<2x96xi32, #tpu.memory_space<vmem>>, vector<16xi32>,
      %swap3A_672 = arith.constant 64 : index
      %swap3A_673 = tpu.vector_load %arg25[%swap3A_672] {strides = array<i32>} : memref<96xi32, #tpu.memory_space<vmem>>, vector<16xi32>,
      tpu.vector_store %arg25[%swap3A_672], %get3A_671 {strides = array<i32>} : memref<96xi32, #tpu.memory_space<vmem>>, vector<16xi32>,
      %get3A_674 = arith.constant 80 : index
      %get3A_675 = tpu.vector_load %arg19[%get3A_674] {strides = array<i32>} : memref<96xf32, #tpu.memory_space<vmem>>, vector<16xf32>,
      %get3A_676 = arith.constant 80 : index
      %get3A_677 = tpu.vector_load %arg22[%get3A_676] {strides = array<i32>} : memref<96xf32, #tpu.memory_space<vmem>>, vector<16xf32>,
      %add3A_678 = arith.addf %get3A_675, %get3A_677 : vector<16xf32>
      %gt3A_679 = arith.constant 0.000000e+00 : f32
      %gt3A_680 = vector.broadcast %gt3A_679 : f32 to vector<16xf32>
      %gt3A_681 = arith.cmpf ogt, %add3A_678, %gt3A_680 : vector<16xf32>
      %mul3A_682 = arith.constant 2.000000e-01 : f32
      %mul3A_683 = vector.broadcast %mul3A_682 : f32 to vector<16xf32>
      %mul3A_684 = arith.mulf %mul3A_683, %add3A_678 : vector<16xf32>
      %select_n3A_685 = arith.select %gt3A_681, %add3A_678, %mul3A_684 : vector<16xi1>, vector<16xf32>
      %neg3A_686 = arith.constant 0.000000e+00 : f32
      %neg3A_687 = vector.broadcast %neg3A_686 : f32 to vector<16xf32>
      %neg3A_688 = arith.subf %neg3A_687, %select_n3A_685 : vector<16xf32>
      %exp3A_689 = math.exp %neg3A_688 : vector<16xf32>
      %swap3A_690 = arith.constant 80 : index
      %swap3A_691 = tpu.vector_load %arg16[%swap3A_690] {strides = array<i32>} : memref<96xf32, #tpu.memory_space<vmem>>, vector<16xf32>,
      tpu.vector_store %arg16[%swap3A_690], %exp3A_689 {strides = array<i32>} : memref<96xf32, #tpu.memory_space<vmem>>, vector<16xf32>,
      %get3A_692 = arith.constant 0 : i32
      %get3A_693 = arith.index_cast %get3A_692 : i32 to index
      %get3A_694 = arith.constant 80 : index
      %get3A_695 = tpu.vector_load %arg10[%get3A_693, %get3A_694] {strides = array<i32>} : memref<2x96xi32, #tpu.memory_space<vmem>>, vector<16xi32>,
      %swap3A_696 = arith.constant 80 : index
      %swap3A_697 = tpu.vector_load %arg25[%swap3A_696] {strides = array<i32>} : memref<96xi32, #tpu.memory_space<vmem>>, vector<16xi32>,
      tpu.vector_store %arg25[%swap3A_696], %get3A_695 {strides = array<i32>} : memref<96xi32, #tpu.memory_space<vmem>>, vector<16xi32>,
      %parallel_loop3A_698 = arith.constant 0 : i32
      %parallel_loop3A_699 = arith.constant 32 : i32
      %parallel_loop3A_700 = arith.constant 1 : i32
      scf.for %parallel_loop3A_721 = %parallel_loop3A_698 to %parallel_loop3A_699 step %parallel_loop3A_700  : i32 {
        %parallel_loop3A_722 = arith.constant 4 : i32
        %parallel_loop3A_723 = arith.muli %parallel_loop3A_721, %parallel_loop3A_722 : i32
        %parallel_loop3A_724 = vector.broadcast %parallel_loop3A_723 : i32 to vector<16xi32>
        %parallel_loop3A_725 = arith.addi %parallel_loop3A_724, %iota3A_553 : vector<16xi32>
        %parallel_loop3A_726 = arith.constant 0 : i32
        %parallel_loop3A_727 = vector.broadcast %parallel_loop3A_726 : i32 to vector<16xi32>
        %parallel_loop3A_728 = arith.addi %parallel_loop3A_725, %parallel_loop3A_727 : vector<16xi32>
        %parallel_loop3A_729 = arith.constant 127 : i32
        %parallel_loop3A_730 = vector.broadcast %parallel_loop3A_729 : i32 to vector<16xi32>
        %parallel_loop3A_731 = arith.andi %parallel_loop3A_728, %parallel_loop3A_730 : vector<16xi32>
        %parallel_loop3A_732 = arith.constant 0 : i32
        %parallel_loop3A_733 = vector.broadcast %parallel_loop3A_732 : i32 to vector<16xi32>
        %parallel_loop3A_734 = arith.addi %parallel_loop3A_733, %iota3A_553 : vector<16xi32>
        %parallel_loop3A_735 = tpu.vector_load_idx %arg13[%parallel_loop3A_734, %parallel_loop3A_731] : memref<96x128xf32, #tpu.memory_space<vmem>>[vector<16xi32>, vector<16xi32>], vector<16xf32>,
        %parallel_loop3A_736 = arith.mulf %parallel_loop3A_735, %exp3A_569 : vector<16xf32>
        tpu.vector_store_idx %arg13[%parallel_loop3A_734, %parallel_loop3A_731], %parallel_loop3A_736 : memref<96x128xf32, #tpu.memory_space<vmem>>[vector<16xi32>, vector<16xi32>], vector<16xf32>,
        %parallel_loop3A_737 = arith.constant 16 : i32
        %parallel_loop3A_738 = vector.broadcast %parallel_loop3A_737 : i32 to vector<16xi32>
        %parallel_loop3A_739 = arith.addi %parallel_loop3A_738, %iota3A_553 : vector<16xi32>
        %parallel_loop3A_740 = tpu.vector_load_idx %arg13[%parallel_loop3A_739, %parallel_loop3A_731] : memref<96x128xf32, #tpu.memory_space<vmem>>[vector<16xi32>, vector<16xi32>], vector<16xf32>,
        %parallel_loop3A_741 = arith.mulf %parallel_loop3A_740, %exp3A_593 : vector<16xf32>
        tpu.vector_store_idx %arg13[%parallel_loop3A_739, %parallel_loop3A_731], %parallel_loop3A_741 : memref<96x128xf32, #tpu.memory_space<vmem>>[vector<16xi32>, vector<16xi32>], vector<16xf32>,
        %parallel_loop3A_742 = arith.constant 32 : i32
        %parallel_loop3A_743 = vector.broadcast %parallel_loop3A_742 : i32 to vector<16xi32>
        %parallel_loop3A_744 = arith.addi %parallel_loop3A_743, %iota3A_553 : vector<16xi32>
        %parallel_loop3A_745 = tpu.vector_load_idx %arg13[%parallel_loop3A_744, %parallel_loop3A_731] : memref<96x128xf32, #tpu.memory_space<vmem>>[vector<16xi32>, vector<16xi32>], vector<16xf32>,
        %parallel_loop3A_746 = arith.mulf %parallel_loop3A_745, %exp3A_617 : vector<16xf32>
        tpu.vector_store_idx %arg13[%parallel_loop3A_744, %parallel_loop3A_731], %parallel_loop3A_746 : memref<96x128xf32, #tpu.memory_space<vmem>>[vector<16xi32>, vector<16xi32>], vector<16xf32>,
        %parallel_loop3A_747 = arith.constant 48 : i32
        %parallel_loop3A_748 = vector.broadcast %parallel_loop3A_747 : i32 to vector<16xi32>
        %parallel_loop3A_749 = arith.addi %parallel_loop3A_748, %iota3A_553 : vector<16xi32>
        %parallel_loop3A_750 = tpu.vector_load_idx %arg13[%parallel_loop3A_749, %parallel_loop3A_731] : memref<96x128xf32, #tpu.memory_space<vmem>>[vector<16xi32>, vector<16xi32>], vector<16xf32>,
        %parallel_loop3A_751 = arith.mulf %parallel_loop3A_750, %exp3A_641 : vector<16xf32>
        tpu.vector_store_idx %arg13[%parallel_loop3A_749, %parallel_loop3A_731], %parallel_loop3A_751 : memref<96x128xf32, #tpu.memory_space<vmem>>[vector<16xi32>, vector<16xi32>], vector<16xf32>,
        %parallel_loop3A_752 = arith.constant 64 : i32
        %parallel_loop3A_753 = vector.broadcast %parallel_loop3A_752 : i32 to vector<16xi32>
        %parallel_loop3A_754 = arith.addi %parallel_loop3A_753, %iota3A_553 : vector<16xi32>
        %parallel_loop3A_755 = tpu.vector_load_idx %arg13[%parallel_loop3A_754, %parallel_loop3A_731] : memref<96x128xf32, #tpu.memory_space<vmem>>[vector<16xi32>, vector<16xi32>], vector<16xf32>,
        %parallel_loop3A_756 = arith.mulf %parallel_loop3A_755, %exp3A_665 : vector<16xf32>
        tpu.vector_store_idx %arg13[%parallel_loop3A_754, %parallel_loop3A_731], %parallel_loop3A_756 : memref<96x128xf32, #tpu.memory_space<vmem>>[vector<16xi32>, vector<16xi32>], vector<16xf32>,
        %parallel_loop3A_757 = arith.constant 80 : i32
        %parallel_loop3A_758 = vector.broadcast %parallel_loop3A_757 : i32 to vector<16xi32>
        %parallel_loop3A_759 = arith.addi %parallel_loop3A_758, %iota3A_553 : vector<16xi32>
        %parallel_loop3A_760 = tpu.vector_load_idx %arg13[%parallel_loop3A_759, %parallel_loop3A_731] : memref<96x128xf32, #tpu.memory_space<vmem>>[vector<16xi32>, vector<16xi32>], vector<16xf32>,
        %parallel_loop3A_761 = arith.mulf %parallel_loop3A_760, %exp3A_689 : vector<16xf32>
        tpu.vector_store_idx %arg13[%parallel_loop3A_759, %parallel_loop3A_731], %parallel_loop3A_761 : memref<96x128xf32, #tpu.memory_space<vmem>>[vector<16xi32>, vector<16xi32>], vector<16xf32>,
        %parallel_loop3A_762 = arith.constant 1 : i32
        %parallel_loop3A_763 = vector.broadcast %parallel_loop3A_762 : i32 to vector<16xi32>
        %parallel_loop3A_764 = arith.addi %parallel_loop3A_725, %parallel_loop3A_763 : vector<16xi32>
        %parallel_loop3A_765 = arith.constant 127 : i32
        %parallel_loop3A_766 = vector.broadcast %parallel_loop3A_765 : i32 to vector<16xi32>
        %parallel_loop3A_767 = arith.andi %parallel_loop3A_764, %parallel_loop3A_766 : vector<16xi32>
        %parallel_loop3A_768 = arith.constant 0 : i32
        %parallel_loop3A_769 = vector.broadcast %parallel_loop3A_768 : i32 to vector<16xi32>
        %parallel_loop3A_770 = arith.addi %parallel_loop3A_769, %iota3A_553 : vector<16xi32>
        %parallel_loop3A_771 = tpu.vector_load_idx %arg13[%parallel_loop3A_770, %parallel_loop3A_767] : memref<96x128xf32, #tpu.memory_space<vmem>>[vector<16xi32>, vector<16xi32>], vector<16xf32>,
        %parallel_loop3A_772 = arith.mulf %parallel_loop3A_771, %exp3A_569 : vector<16xf32>
        tpu.vector_store_idx %arg13[%parallel_loop3A_770, %parallel_loop3A_767], %parallel_loop3A_772 : memref<96x128xf32, #tpu.memory_space<vmem>>[vector<16xi32>, vector<16xi32>], vector<16xf32>,
        %parallel_loop3A_773 = arith.constant 16 : i32
        %parallel_loop3A_774 = vector.broadcast %parallel_loop3A_773 : i32 to vector<16xi32>
        %parallel_loop3A_775 = arith.addi %parallel_loop3A_774, %iota3A_553 : vector<16xi32>
        %parallel_loop3A_776 = tpu.vector_load_idx %arg13[%parallel_loop3A_775, %parallel_loop3A_767] : memref<96x128xf32, #tpu.memory_space<vmem>>[vector<16xi32>, vector<16xi32>], vector<16xf32>,
        %parallel_loop3A_777 = arith.mulf %parallel_loop3A_776, %exp3A_593 : vector<16xf32>
        tpu.vector_store_idx %arg13[%parallel_loop3A_775, %parallel_loop3A_767], %parallel_loop3A_777 : memref<96x128xf32, #tpu.memory_space<vmem>>[vector<16xi32>, vector<16xi32>], vector<16xf32>,
        %parallel_loop3A_778 = arith.constant 32 : i32
        %parallel_loop3A_779 = vector.broadcast %parallel_loop3A_778 : i32 to vector<16xi32>
        %parallel_loop3A_780 = arith.addi %parallel_loop3A_779, %iota3A_553 : vector<16xi32>
        %parallel_loop3A_781 = tpu.vector_load_idx %arg13[%parallel_loop3A_780, %parallel_loop3A_767] : memref<96x128xf32, #tpu.memory_space<vmem>>[vector<16xi32>, vector<16xi32>], vector<16xf32>,
        %parallel_loop3A_782 = arith.mulf %parallel_loop3A_781, %exp3A_617 : vector<16xf32>
        tpu.vector_store_idx %arg13[%parallel_loop3A_780, %parallel_loop3A_767], %parallel_loop3A_782 : memref<96x128xf32, #tpu.memory_space<vmem>>[vector<16xi32>, vector<16xi32>], vector<16xf32>,
        %parallel_loop3A_783 = arith.constant 48 : i32
        %parallel_loop3A_784 = vector.broadcast %parallel_loop3A_783 : i32 to vector<16xi32>
        %parallel_loop3A_785 = arith.addi %parallel_loop3A_784, %iota3A_553 : vector<16xi32>
        %parallel_loop3A_786 = tpu.vector_load_idx %arg13[%parallel_loop3A_785, %parallel_loop3A_767] : memref<96x128xf32, #tpu.memory_space<vmem>>[vector<16xi32>, vector<16xi32>], vector<16xf32>,
        %parallel_loop3A_787 = arith.mulf %parallel_loop3A_786, %exp3A_641 : vector<16xf32>
        tpu.vector_store_idx %arg13[%parallel_loop3A_785, %parallel_loop3A_767], %parallel_loop3A_787 : memref<96x128xf32, #tpu.memory_space<vmem>>[vector<16xi32>, vector<16xi32>], vector<16xf32>,
        %parallel_loop3A_788 = arith.constant 64 : i32
        %parallel_loop3A_789 = vector.broadcast %parallel_loop3A_788 : i32 to vector<16xi32>
        %parallel_loop3A_790 = arith.addi %parallel_loop3A_789, %iota3A_553 : vector<16xi32>
        %parallel_loop3A_791 = tpu.vector_load_idx %arg13[%parallel_loop3A_790, %parallel_loop3A_767] : memref<96x128xf32, #tpu.memory_space<vmem>>[vector<16xi32>, vector<16xi32>], vector<16xf32>,
        %parallel_loop3A_792 = arith.mulf %parallel_loop3A_791, %exp3A_665 : vector<16xf32>
        tpu.vector_store_idx %arg13[%parallel_loop3A_790, %parallel_loop3A_767], %parallel_loop3A_792 : memref<96x128xf32, #tpu.memory_space<vmem>>[vector<16xi32>, vector<16xi32>], vector<16xf32>,
        %parallel_loop3A_793 = arith.constant 80 : i32
        %parallel_loop3A_794 = vector.broadcast %parallel_loop3A_793 : i32 to vector<16xi32>
        %parallel_loop3A_795 = arith.addi %parallel_loop3A_794, %iota3A_553 : vector<16xi32>
        %parallel_loop3A_796 = tpu.vector_load_idx %arg13[%parallel_loop3A_795, %parallel_loop3A_767] : memref<96x128xf32, #tpu.memory_space<vmem>>[vector<16xi32>, vector<16xi32>], vector<16xf32>,
        %parallel_loop3A_797 = arith.mulf %parallel_loop3A_796, %exp3A_689 : vector<16xf32>
        tpu.vector_store_idx %arg13[%parallel_loop3A_795, %parallel_loop3A_767], %parallel_loop3A_797 : memref<96x128xf32, #tpu.memory_space<vmem>>[vector<16xi32>, vector<16xi32>], vector<16xf32>,
        %parallel_loop3A_798 = arith.constant 2 : i32
        %parallel_loop3A_799 = vector.broadcast %parallel_loop3A_798 : i32 to vector<16xi32>
        %parallel_loop3A_800 = arith.addi %parallel_loop3A_725, %parallel_loop3A_799 : vector<16xi32>
        %parallel_loop3A_801 = arith.constant 127 : i32
        %parallel_loop3A_802 = vector.broadcast %parallel_loop3A_801 : i32 to vector<16xi32>
        %parallel_loop3A_803 = arith.andi %parallel_loop3A_800, %parallel_loop3A_802 : vector<16xi32>
        %parallel_loop3A_804 = arith.constant 0 : i32
        %parallel_loop3A_805 = vector.broadcast %parallel_loop3A_804 : i32 to vector<16xi32>
        %parallel_loop3A_806 = arith.addi %parallel_loop3A_805, %iota3A_553 : vector<16xi32>
        %parallel_loop3A_807 = tpu.vector_load_idx %arg13[%parallel_loop3A_806, %parallel_loop3A_803] : memref<96x128xf32, #tpu.memory_space<vmem>>[vector<16xi32>, vector<16xi32>], vector<16xf32>,
        %parallel_loop3A_808 = arith.mulf %parallel_loop3A_807, %exp3A_569 : vector<16xf32>
        tpu.vector_store_idx %arg13[%parallel_loop3A_806, %parallel_loop3A_803], %parallel_loop3A_808 : memref<96x128xf32, #tpu.memory_space<vmem>>[vector<16xi32>, vector<16xi32>], vector<16xf32>,
        %parallel_loop3A_809 = arith.constant 16 : i32
        %parallel_loop3A_810 = vector.broadcast %parallel_loop3A_809 : i32 to vector<16xi32>
        %parallel_loop3A_811 = arith.addi %parallel_loop3A_810, %iota3A_553 : vector<16xi32>
        %parallel_loop3A_812 = tpu.vector_load_idx %arg13[%parallel_loop3A_811, %parallel_loop3A_803] : memref<96x128xf32, #tpu.memory_space<vmem>>[vector<16xi32>, vector<16xi32>], vector<16xf32>,
        %parallel_loop3A_813 = arith.mulf %parallel_loop3A_812, %exp3A_593 : vector<16xf32>
        tpu.vector_store_idx %arg13[%parallel_loop3A_811, %parallel_loop3A_803], %parallel_loop3A_813 : memref<96x128xf32, #tpu.memory_space<vmem>>[vector<16xi32>, vector<16xi32>], vector<16xf32>,
        %parallel_loop3A_814 = arith.constant 32 : i32
        %parallel_loop3A_815 = vector.broadcast %parallel_loop3A_814 : i32 to vector<16xi32>
        %parallel_loop3A_816 = arith.addi %parallel_loop3A_815, %iota3A_553 : vector<16xi32>
        %parallel_loop3A_817 = tpu.vector_load_idx %arg13[%parallel_loop3A_816, %parallel_loop3A_803] : memref<96x128xf32, #tpu.memory_space<vmem>>[vector<16xi32>, vector<16xi32>], vector<16xf32>,
        %parallel_loop3A_818 = arith.mulf %parallel_loop3A_817, %exp3A_617 : vector<16xf32>
        tpu.vector_store_idx %arg13[%parallel_loop3A_816, %parallel_loop3A_803], %parallel_loop3A_818 : memref<96x128xf32, #tpu.memory_space<vmem>>[vector<16xi32>, vector<16xi32>], vector<16xf32>,
        %parallel_loop3A_819 = arith.constant 48 : i32
        %parallel_loop3A_820 = vector.broadcast %parallel_loop3A_819 : i32 to vector<16xi32>
        %parallel_loop3A_821 = arith.addi %parallel_loop3A_820, %iota3A_553 : vector<16xi32>
        %parallel_loop3A_822 = tpu.vector_load_idx %arg13[%parallel_loop3A_821, %parallel_loop3A_803] : memref<96x128xf32, #tpu.memory_space<vmem>>[vector<16xi32>, vector<16xi32>], vector<16xf32>,
        %parallel_loop3A_823 = arith.mulf %parallel_loop3A_822, %exp3A_641 : vector<16xf32>
        tpu.vector_store_idx %arg13[%parallel_loop3A_821, %parallel_loop3A_803], %parallel_loop3A_823 : memref<96x128xf32, #tpu.memory_space<vmem>>[vector<16xi32>, vector<16xi32>], vector<16xf32>,
        %parallel_loop3A_824 = arith.constant 64 : i32
        %parallel_loop3A_825 = vector.broadcast %parallel_loop3A_824 : i32 to vector<16xi32>
        %parallel_loop3A_826 = arith.addi %parallel_loop3A_825, %iota3A_553 : vector<16xi32>
        %parallel_loop3A_827 = tpu.vector_load_idx %arg13[%parallel_loop3A_826, %parallel_loop3A_803] : memref<96x128xf32, #tpu.memory_space<vmem>>[vector<16xi32>, vector<16xi32>], vector<16xf32>,
        %parallel_loop3A_828 = arith.mulf %parallel_loop3A_827, %exp3A_665 : vector<16xf32>
        tpu.vector_store_idx %arg13[%parallel_loop3A_826, %parallel_loop3A_803], %parallel_loop3A_828 : memref<96x128xf32, #tpu.memory_space<vmem>>[vector<16xi32>, vector<16xi32>], vector<16xf32>,
        %parallel_loop3A_829 = arith.constant 80 : i32
        %parallel_loop3A_830 = vector.broadcast %parallel_loop3A_829 : i32 to vector<16xi32>
        %parallel_loop3A_831 = arith.addi %parallel_loop3A_830, %iota3A_553 : vector<16xi32>
        %parallel_loop3A_832 = tpu.vector_load_idx %arg13[%parallel_loop3A_831, %parallel_loop3A_803] : memref<96x128xf32, #tpu.memory_space<vmem>>[vector<16xi32>, vector<16xi32>], vector<16xf32>,
        %parallel_loop3A_833 = arith.mulf %parallel_loop3A_832, %exp3A_689 : vector<16xf32>
        tpu.vector_store_idx %arg13[%parallel_loop3A_831, %parallel_loop3A_803], %parallel_loop3A_833 : memref<96x128xf32, #tpu.memory_space<vmem>>[vector<16xi32>, vector<16xi32>], vector<16xf32>,
        %parallel_loop3A_834 = arith.constant 3 : i32
        %parallel_loop3A_835 = vector.broadcast %parallel_loop3A_834 : i32 to vector<16xi32>
        %parallel_loop3A_836 = arith.addi %parallel_loop3A_725, %parallel_loop3A_835 : vector<16xi32>
        %parallel_loop3A_837 = arith.constant 127 : i32
        %parallel_loop3A_838 = vector.broadcast %parallel_loop3A_837 : i32 to vector<16xi32>
        %parallel_loop3A_839 = arith.andi %parallel_loop3A_836, %parallel_loop3A_838 : vector<16xi32>
        %parallel_loop3A_840 = arith.constant 0 : i32
        %parallel_loop3A_841 = vector.broadcast %parallel_loop3A_840 : i32 to vector<16xi32>
        %parallel_loop3A_842 = arith.addi %parallel_loop3A_841, %iota3A_553 : vector<16xi32>
        %parallel_loop3A_843 = tpu.vector_load_idx %arg13[%parallel_loop3A_842, %parallel_loop3A_839] : memref<96x128xf32, #tpu.memory_space<vmem>>[vector<16xi32>, vector<16xi32>], vector<16xf32>,
        %parallel_loop3A_844 = arith.mulf %parallel_loop3A_843, %exp3A_569 : vector<16xf32>
        tpu.vector_store_idx %arg13[%parallel_loop3A_842, %parallel_loop3A_839], %parallel_loop3A_844 : memref<96x128xf32, #tpu.memory_space<vmem>>[vector<16xi32>, vector<16xi32>], vector<16xf32>,
        %parallel_loop3A_845 = arith.constant 16 : i32
        %parallel_loop3A_846 = vector.broadcast %parallel_loop3A_845 : i32 to vector<16xi32>
        %parallel_loop3A_847 = arith.addi %parallel_loop3A_846, %iota3A_553 : vector<16xi32>
        %parallel_loop3A_848 = tpu.vector_load_idx %arg13[%parallel_loop3A_847, %parallel_loop3A_839] : memref<96x128xf32, #tpu.memory_space<vmem>>[vector<16xi32>, vector<16xi32>], vector<16xf32>,
        %parallel_loop3A_849 = arith.mulf %parallel_loop3A_848, %exp3A_593 : vector<16xf32>
        tpu.vector_store_idx %arg13[%parallel_loop3A_847, %parallel_loop3A_839], %parallel_loop3A_849 : memref<96x128xf32, #tpu.memory_space<vmem>>[vector<16xi32>, vector<16xi32>], vector<16xf32>,
        %parallel_loop3A_850 = arith.constant 32 : i32
        %parallel_loop3A_851 = vector.broadcast %parallel_loop3A_850 : i32 to vector<16xi32>
        %parallel_loop3A_852 = arith.addi %parallel_loop3A_851, %iota3A_553 : vector<16xi32>
        %parallel_loop3A_853 = tpu.vector_load_idx %arg13[%parallel_loop3A_852, %parallel_loop3A_839] : memref<96x128xf32, #tpu.memory_space<vmem>>[vector<16xi32>, vector<16xi32>], vector<16xf32>,
        %parallel_loop3A_854 = arith.mulf %parallel_loop3A_853, %exp3A_617 : vector<16xf32>
        tpu.vector_store_idx %arg13[%parallel_loop3A_852, %parallel_loop3A_839], %parallel_loop3A_854 : memref<96x128xf32, #tpu.memory_space<vmem>>[vector<16xi32>, vector<16xi32>], vector<16xf32>,
        %parallel_loop3A_855 = arith.constant 48 : i32
        %parallel_loop3A_856 = vector.broadcast %parallel_loop3A_855 : i32 to vector<16xi32>
        %parallel_loop3A_857 = arith.addi %parallel_loop3A_856, %iota3A_553 : vector<16xi32>
        %parallel_loop3A_858 = tpu.vector_load_idx %arg13[%parallel_loop3A_857, %parallel_loop3A_839] : memref<96x128xf32, #tpu.memory_space<vmem>>[vector<16xi32>, vector<16xi32>], vector<16xf32>,
        %parallel_loop3A_859 = arith.mulf %parallel_loop3A_858, %exp3A_641 : vector<16xf32>
        tpu.vector_store_idx %arg13[%parallel_loop3A_857, %parallel_loop3A_839], %parallel_loop3A_859 : memref<96x128xf32, #tpu.memory_space<vmem>>[vector<16xi32>, vector<16xi32>], vector<16xf32>,
        %parallel_loop3A_860 = arith.constant 64 : i32
        %parallel_loop3A_861 = vector.broadcast %parallel_loop3A_860 : i32 to vector<16xi32>
        %parallel_loop3A_862 = arith.addi %parallel_loop3A_861, %iota3A_553 : vector<16xi32>
        %parallel_loop3A_863 = tpu.vector_load_idx %arg13[%parallel_loop3A_862, %parallel_loop3A_839] : memref<96x128xf32, #tpu.memory_space<vmem>>[vector<16xi32>, vector<16xi32>], vector<16xf32>,
        %parallel_loop3A_864 = arith.mulf %parallel_loop3A_863, %exp3A_665 : vector<16xf32>
        tpu.vector_store_idx %arg13[%parallel_loop3A_862, %parallel_loop3A_839], %parallel_loop3A_864 : memref<96x128xf32, #tpu.memory_space<vmem>>[vector<16xi32>, vector<16xi32>], vector<16xf32>,
        %parallel_loop3A_865 = arith.constant 80 : i32
        %parallel_loop3A_866 = vector.broadcast %parallel_loop3A_865 : i32 to vector<16xi32>
        %parallel_loop3A_867 = arith.addi %parallel_loop3A_866, %iota3A_553 : vector<16xi32>
        %parallel_loop3A_868 = tpu.vector_load_idx %arg13[%parallel_loop3A_867, %parallel_loop3A_839] : memref<96x128xf32, #tpu.memory_space<vmem>>[vector<16xi32>, vector<16xi32>], vector<16xf32>,
        %parallel_loop3A_869 = arith.mulf %parallel_loop3A_868, %exp3A_689 : vector<16xf32>
        tpu.vector_store_idx %arg13[%parallel_loop3A_867, %parallel_loop3A_839], %parallel_loop3A_869 : memref<96x128xf32, #tpu.memory_space<vmem>>[vector<16xi32>, vector<16xi32>], vector<16xf32>,
      } {sc.loop_unroll_factor = 2 : i64, sc.parallel_access}
      %dma_start3A_701 = arith.constant 0 : i32
      %dma_start3A_702 = arith.constant 0 : i32
      %dma_start3A_703 = tpu.memref_slice %arg28[%dma_start3A_701, %dma_start3A_702] : memref<10240x128xf32, #tpu.memory_space<vmem_shared>> -> memref<10240x128xf32, #tpu.memory_space<vmem_shared>>
      tpu.enqueue_indirect_dma source(%arg13 : memref<96x128xf32, #tpu.memory_space<vmem>>) target(%dma_start3A_703 : memref<10240x128xf32, #tpu.memory_space<vmem_shared>>) offsets(%arg25 : memref<96xi32, #tpu.memory_space<vmem>>) semaphore(%arg35 : memref<!tpu.dma_semaphore, #tpu.memory_space<semaphore_mem>>) {add = true}
      %dma_start3A_704 = arith.constant 0 : i32
      %dma_start3A_705 = tpu.memref_slice %arg29[%dma_start3A_704] : memref<10240xf32, #tpu.memory_space<vmem_shared>> -> memref<10240xf32, #tpu.memory_space<vmem_shared>>
      tpu.enqueue_indirect_dma source(%arg16 : memref<96xf32, #tpu.memory_space<vmem>>) target(%dma_start3A_705 : memref<10240xf32, #tpu.memory_space<vmem_shared>>) offsets(%arg25 : memref<96xi32, #tpu.memory_space<vmem>>) semaphore(%arg35 : memref<!tpu.dma_semaphore, #tpu.memory_space<semaphore_mem>>) {add = true}
      %dma_wait3A_706 = arith.constant 0 : i32
      %dma_wait3A_707 = arith.constant 0 : i32
      %dma_wait3A_708 = tpu.memref_slice %arg28[%dma_wait3A_706, %dma_wait3A_707] : memref<10240x128xf32, #tpu.memory_space<vmem_shared>> -> memref<10240x128xf32, #tpu.memory_space<vmem_shared>>
      tpu.wait_indirect_dma semaphore(%arg34 : memref<!tpu.dma_semaphore, #tpu.memory_space<semaphore_mem>>) src(%arg12 : memref<96x128xf32, #tpu.memory_space<vmem>>) dst(%dma_wait3A_708 : memref<10240x128xf32, #tpu.memory_space<vmem_shared>>)
      %dma_wait3A_709 = arith.constant 0 : i32
      %dma_wait3A_710 = tpu.memref_slice %arg29[%dma_wait3A_709] : memref<10240xf32, #tpu.memory_space<vmem_shared>> -> memref<10240xf32, #tpu.memory_space<vmem_shared>>
      tpu.wait_indirect_dma semaphore(%arg34 : memref<!tpu.dma_semaphore, #tpu.memory_space<semaphore_mem>>) src(%arg15 : memref<96xf32, #tpu.memory_space<vmem>>) dst(%dma_wait3A_710 : memref<10240xf32, #tpu.memory_space<vmem_shared>>)
      %lt3A_711 = arith.constant 34 : i32
      %lt3A_712 = arith.cmpi slt, %scan3A_133, %lt3A_711 : i32
      %convert_element_type3A_713 = arith.extui %lt3A_712 : i1 to i32
      %cond3A_714 = arith.constant 0 : i32
      %cond3A_715 = arith.cmpi ne, %convert_element_type3A_713, %cond3A_714 : i32
      scf.if %cond3A_715 {
        %add3A_721 = arith.constant 2 : i32
        %add3A_722 = arith.addi %add3A_533, %add3A_721 : i32
        %mul3A_723 = arith.constant 105 : i32
        %mul3A_724 = arith.muli %add3A, %mul3A_723 : i32
        %add3A_725 = arith.addi %mul3A_724, %add3A_722 : i32
        %mul3A_726 = arith.constant 2 : i32
        %mul3A_727 = arith.muli %add3A_725, %mul3A_726 : i32
        %dma_wait3A_728 = arith.constant 0 : i32
        %dma_wait3A_729 = tpu.memref_slice %arg4[%mul3A_727, %dma_wait3A_728] : memref<6720x96xi32, #tpu.memory_space<hbm>> -> memref<2x96xi32, #tpu.memory_space<hbm>>
        %dma_wait3A_730 = arith.constant 0 : i32
        %dma_wait3A_731 = tpu.memref_slice %arg4[%mul3A_727, %dma_wait3A_730] : memref<6720x96xi32, #tpu.memory_space<hbm>> -> memref<2x96xi32, #tpu.memory_space<hbm>>
        tpu.wait_dma2 semaphore(%arg37 : memref<!tpu.dma_semaphore, #tpu.memory_space<semaphore_mem>>) src(%dma_wait3A_731 : memref<2x96xi32, #tpu.memory_space<hbm>>) dst(%arg9 : memref<2x96xi32, #tpu.memory_space<vmem>>)
        %dma_start3A_732 = arith.constant 1 : i32
        %dma_start3A_733 = arith.constant 0 : i32
        %dma_start3A_734 = tpu.memref_slice %arg9[%dma_start3A_732, %dma_start3A_733] : memref<2x96xi32, #tpu.memory_space<vmem>> -> memref<1x96xi32, #tpu.memory_space<vmem>>
        %dma_start3A_735 = tpu.memref_squeeze %dma_start3A_734 : memref<1x96xi32, #tpu.memory_space<vmem>> -> memref<96xi32, #tpu.memory_space<vmem>>
        %dma_start3A_736 = arith.constant 0 : i32
        %dma_start3A_737 = arith.constant 0 : i32
        %dma_start3A_738 = tpu.memref_slice %arg5[%dma_start3A_736, %dma_start3A_737] : memref<10000x128xf32, #tpu.memory_space<hbm>> -> memref<10000x128xf32, #tpu.memory_space<hbm>>
        tpu.enqueue_indirect_dma source(%dma_start3A_738 : memref<10000x128xf32, #tpu.memory_space<hbm>>) target(%arg12 : memref<96x128xf32, #tpu.memory_space<vmem>>) offsets(%dma_start3A_735 : memref<96xi32, #tpu.memory_space<vmem>>) semaphore(%arg31 : memref<!tpu.dma_semaphore, #tpu.memory_space<semaphore_mem>>)
        %dma_start3A_739 = arith.constant 0 : i32
        %dma_start3A_740 = arith.constant 0 : i32
        %dma_start3A_741 = tpu.memref_slice %arg9[%dma_start3A_739, %dma_start3A_740] : memref<2x96xi32, #tpu.memory_space<vmem>> -> memref<1x96xi32, #tpu.memory_space<vmem>>
        %dma_start3A_742 = tpu.memref_squeeze %dma_start3A_741 : memref<1x96xi32, #tpu.memory_space<vmem>> -> memref<96xi32, #tpu.memory_space<vmem>>
        %dma_start3A_743 = arith.constant 0 : i32
        %dma_start3A_744 = tpu.memref_slice %arg2[%dma_start3A_743] : memref<10240xf32, #tpu.memory_space<hbm>> -> memref<10240xf32, #tpu.memory_space<hbm>>
        tpu.enqueue_indirect_dma source(%dma_start3A_744 : memref<10240xf32, #tpu.memory_space<hbm>>) target(%arg18 : memref<96xf32, #tpu.memory_space<vmem>>) offsets(%dma_start3A_742 : memref<96xi32, #tpu.memory_space<vmem>>) semaphore(%arg31 : memref<!tpu.dma_semaphore, #tpu.memory_space<semaphore_mem>>)
        %dma_start3A_745 = arith.constant 1 : i32
        %dma_start3A_746 = arith.constant 0 : i32
        %dma_start3A_747 = tpu.memref_slice %arg9[%dma_start3A_745, %dma_start3A_746] : memref<2x96xi32, #tpu.memory_space<vmem>> -> memref<1x96xi32, #tpu.memory_space<vmem>>
        %dma_start3A_748 = tpu.memref_squeeze %dma_start3A_747 : memref<1x96xi32, #tpu.memory_space<vmem>> -> memref<96xi32, #tpu.memory_space<vmem>>
        %dma_start3A_749 = arith.constant 0 : i32
        %dma_start3A_750 = tpu.memref_slice %arg3[%dma_start3A_749] : memref<10240xf32, #tpu.memory_space<hbm>> -> memref<10240xf32, #tpu.memory_space<hbm>>
        tpu.enqueue_indirect_dma source(%dma_start3A_750 : memref<10240xf32, #tpu.memory_space<hbm>>) target(%arg21 : memref<96xf32, #tpu.memory_space<vmem>>) offsets(%dma_start3A_748 : memref<96xi32, #tpu.memory_space<vmem>>) semaphore(%arg31 : memref<!tpu.dma_semaphore, #tpu.memory_space<semaphore_mem>>)
      } else {
      }
      %lt3A_716 = arith.constant 34 : i32
      %lt3A_717 = arith.cmpi slt, %scan3A_133, %lt3A_716 : i32
      %convert_element_type3A_718 = arith.extui %lt3A_717 : i1 to i32
      %cond3A_719 = arith.constant 0 : i32
      %cond3A_720 = arith.cmpi ne, %convert_element_type3A_718, %cond3A_719 : i32
      scf.if %cond3A_720 {
        %add3A_721 = arith.constant 3 : i32
        %add3A_722 = arith.addi %add3A_533, %add3A_721 : i32
        %mul3A_723 = arith.constant 105 : i32
        %mul3A_724 = arith.muli %add3A, %mul3A_723 : i32
        %add3A_725 = arith.addi %mul3A_724, %add3A_722 : i32
        %mul3A_726 = arith.constant 2 : i32
        %mul3A_727 = arith.muli %add3A_725, %mul3A_726 : i32
        %dma_start3A_728 = arith.constant 0 : i32
        %dma_start3A_729 = tpu.memref_slice %arg4[%mul3A_727, %dma_start3A_728] : memref<6720x96xi32, #tpu.memory_space<hbm>> -> memref<2x96xi32, #tpu.memory_space<hbm>>
        %dma_start3A_730 = arith.constant 0 : i32
        %dma_start3A_731 = tpu.memref_slice %arg4[%mul3A_727, %dma_start3A_730] : memref<6720x96xi32, #tpu.memory_space<hbm>> -> memref<2x96xi32, #tpu.memory_space<hbm>>
        tpu.enqueue_dma source(%dma_start3A_731 : memref<2x96xi32, #tpu.memory_space<hbm>>) target(%arg10 : memref<2x96xi32, #tpu.memory_space<vmem>>) target_semaphore(%arg38 : memref<!tpu.dma_semaphore, #tpu.memory_space<semaphore_mem>>)
      } else {
      }
    }
    %scan3A_118 = arith.constant 35 : i32
    %dma_wait3A_119 = arith.constant 0 : i32
    %dma_wait3A_120 = arith.constant 0 : i32
    %dma_wait3A_121 = tpu.memref_slice %arg28[%dma_wait3A_119, %dma_wait3A_120] : memref<10240x128xf32, #tpu.memory_space<vmem_shared>> -> memref<10240x128xf32, #tpu.memory_space<vmem_shared>>
    tpu.wait_indirect_dma semaphore(%arg35 : memref<!tpu.dma_semaphore, #tpu.memory_space<semaphore_mem>>) src(%arg13 : memref<96x128xf32, #tpu.memory_space<vmem>>) dst(%dma_wait3A_121 : memref<10240x128xf32, #tpu.memory_space<vmem_shared>>)
    %dma_wait3A_122 = arith.constant 0 : i32
    %dma_wait3A_123 = tpu.memref_slice %arg29[%dma_wait3A_122] : memref<10240xf32, #tpu.memory_space<vmem_shared>> -> memref<10240xf32, #tpu.memory_space<vmem_shared>>
    tpu.wait_indirect_dma semaphore(%arg35 : memref<!tpu.dma_semaphore, #tpu.memory_space<semaphore_mem>>) src(%arg16 : memref<96xf32, #tpu.memory_space<vmem>>) dst(%dma_wait3A_123 : memref<10240xf32, #tpu.memory_space<vmem_shared>>)
    %barrier3A_124 = arith.constant 0 : index
    tpu.barrier barrier_id(%barrier3A_124)
    %mul3A_125 = arith.constant 640 : i32
    %mul3A_126 = arith.muli %arg1, %mul3A_125 : i32
    %mul3A_127 = arith.constant 640 : i32
    %mul3A_128 = arith.muli %arg1, %mul3A_127 : i32
    "tpu.region"() ({
      %run_scoped3A = tpu.sem_alloc : memref<!tpu.dma_semaphore, #tpu.memory_space<semaphore_mem>>
      %dma_start3A_133 = arith.constant 0 : i32
      %dma_start3A_134 = tpu.memref_slice %arg6[%arg0, %mul3A_128, %dma_start3A_133] : memref<2x10240x128xf32, #tpu.memory_space<hbm>> -> memref<1x640x128xf32, #tpu.memory_space<hbm>>
      %dma_start3A_135 = tpu.memref_squeeze %dma_start3A_134 : memref<1x640x128xf32, #tpu.memory_space<hbm>> -> memref<640x128xf32, #tpu.memory_space<hbm>>
      %dma_start3A_136 = arith.constant 0 : i32
      %dma_start3A_137 = tpu.memref_slice %arg28[%mul3A_126, %dma_start3A_136] : memref<10240x128xf32, #tpu.memory_space<vmem_shared>> -> memref<640x128xf32, #tpu.memory_space<vmem_shared>>
      tpu.enqueue_dma source(%dma_start3A_137 : memref<640x128xf32, #tpu.memory_space<vmem_shared>>) target(%dma_start3A_135 : memref<640x128xf32, #tpu.memory_space<hbm>>) target_semaphore(%run_scoped3A : memref<!tpu.dma_semaphore, #tpu.memory_space<semaphore_mem>>)
      %dma_wait3A_138 = arith.constant 0 : i32
      %dma_wait3A_139 = tpu.memref_slice %arg6[%arg0, %mul3A_128, %dma_wait3A_138] : memref<2x10240x128xf32, #tpu.memory_space<hbm>> -> memref<1x640x128xf32, #tpu.memory_space<hbm>>
      %dma_wait3A_140 = tpu.memref_squeeze %dma_wait3A_139 : memref<1x640x128xf32, #tpu.memory_space<hbm>> -> memref<640x128xf32, #tpu.memory_space<hbm>>
      %dma_wait3A_141 = arith.constant 0 : i32
      %dma_wait3A_142 = tpu.memref_slice %arg28[%mul3A_126, %dma_wait3A_141] : memref<10240x128xf32, #tpu.memory_space<vmem_shared>> -> memref<640x128xf32, #tpu.memory_space<vmem_shared>>
      tpu.wait_dma2 semaphore(%run_scoped3A : memref<!tpu.dma_semaphore, #tpu.memory_space<semaphore_mem>>) src(%dma_wait3A_142 : memref<640x128xf32, #tpu.memory_space<vmem_shared>>) dst(%dma_wait3A_140 : memref<640x128xf32, #tpu.memory_space<hbm>>)
      tpu.yield
    }) : () -> ()
    %mul3A_129 = arith.constant 640 : i32
    %mul3A_130 = arith.muli %arg1, %mul3A_129 : i32
    %mul3A_131 = arith.constant 640 : i32
    %mul3A_132 = arith.muli %arg1, %mul3A_131 : i32
    "tpu.region"() ({
      %run_scoped3A = tpu.sem_alloc : memref<!tpu.dma_semaphore, #tpu.memory_space<semaphore_mem>>
      %dma_start3A_133 = tpu.memref_slice %arg7[%arg0, %mul3A_132] : memref<2x10240xf32, #tpu.memory_space<hbm>> -> memref<1x640xf32, #tpu.memory_space<hbm>>
      %dma_start3A_134 = tpu.memref_squeeze %dma_start3A_133 : memref<1x640xf32, #tpu.memory_space<hbm>> -> memref<640xf32, #tpu.memory_space<hbm>>
      %dma_start3A_135 = tpu.memref_slice %arg29[%mul3A_130] : memref<10240xf32, #tpu.memory_space<vmem_shared>> -> memref<640xf32, #tpu.memory_space<vmem_shared>>
      tpu.enqueue_dma source(%dma_start3A_135 : memref<640xf32, #tpu.memory_space<vmem_shared>>) target(%dma_start3A_134 : memref<640xf32, #tpu.memory_space<hbm>>) target_semaphore(%run_scoped3A : memref<!tpu.dma_semaphore, #tpu.memory_space<semaphore_mem>>)
      %dma_wait3A_136 = tpu.memref_slice %arg7[%arg0, %mul3A_132] : memref<2x10240xf32, #tpu.memory_space<hbm>> -> memref<1x640xf32, #tpu.memory_space<hbm>>
      %dma_wait3A_137 = tpu.memref_squeeze %dma_wait3A_136 : memref<1x640xf32, #tpu.memory_space<hbm>> -> memref<640xf32, #tpu.memory_space<hbm>>
      %dma_wait3A_138 = tpu.memref_slice %arg29[%mul3A_130] : memref<10240xf32, #tpu.memory_space<vmem_shared>> -> memref<640xf32, #tpu.memory_space<vmem_shared>>
      tpu.wait_dma2 semaphore(%run_scoped3A : memref<!tpu.dma_semaphore, #tpu.memory_space<semaphore_mem>>) src(%dma_wait3A_138 : memref<640xf32, #tpu.memory_space<vmem_shared>>) dst(%dma_wait3A_137 : memref<640xf32, #tpu.memory_space<hbm>>)
      tpu.yield
    }) : () -> ()
    return
  }
}

module attributes {stable_mosaic.version = 14 : i64} {
  func.func @_mm_body(%arg0: i32, %arg1: memref<1000x128xf32, #tpu.memory_space<vmem>>, %arg2: memref<128x128xf32, #tpu.memory_space<vmem>>, %arg3: memref<128x2xf32, #tpu.memory_space<vmem>>, %arg4: memref<1000x128xf32, #tpu.memory_space<vmem>>, %arg5: memref<1000x2xf32, #tpu.memory_space<vmem>>) attributes {dimension_semantics = [#tpu.dimension_semantics<arbitrary>], iteration_bounds = array<i64: 10>, scalar_prefetch = 0 : i64, scratch_operands = 0 : i64, tpu.core_type = #tpu.core_type<tc>, window_params = [{transform_indices = @transform_0, window_bounds = array<i64: 1000, 128>}, {pipeline_mode = #tpu.pipeline_mode<synchronous>, transform_indices = @transform_1, window_bounds = array<i64: 128, 128>}, {pipeline_mode = #tpu.pipeline_mode<synchronous>, transform_indices = @transform_2, window_bounds = array<i64: 128, 2>}, {transform_indices = @transform_3, window_bounds = array<i64: 1000, 128>}, {transform_indices = @transform_4, window_bounds = array<i64: 1000, 2>}]} {
    %get3A = arith.constant 0 : index
    %get3A_0 = arith.constant 0 : index
    %get3A_1 = vector.load %arg1[%get3A, %get3A_0] : memref<1000x128xf32, #tpu.memory_space<vmem>>, vector<1000x128xf32>
    %get3A_2 = arith.constant 0 : index
    %get3A_3 = arith.constant 0 : index
    %get3A_4 = vector.load %arg2[%get3A_2, %get3A_3] : memref<128x128xf32, #tpu.memory_space<vmem>>, vector<128x128xf32>
    %dot_general3A = arith.constant dense<0.000000e+00> : vector<1000x128xf32>
    %dot_general3A_5 = tpu.matmul %get3A_1, %get3A_4, %dot_general3A {dimension_numbers = #tpu.dot_dimension_numbers<[1], [0], [0], [1], [0, 0, 1, 1], [], []>, transpose_lhs_hint = false} : vector<1000x128xf32>, vector<128x128xf32>, vector<1000x128xf32> -> vector<1000x128xf32>
    %swap3A = arith.constant 0 : index
    %swap3A_6 = arith.constant 0 : index
    %swap3A_7 = vector.load %arg4[%swap3A, %swap3A_6] : memref<1000x128xf32, #tpu.memory_space<vmem>>, vector<1000x128xf32>
    tpu.vector_store %arg4[%swap3A, %swap3A_6], %dot_general3A_5 {strides = array<i32>} : memref<1000x128xf32, #tpu.memory_space<vmem>>, vector<1000x128xf32>,
    %get3A_8 = arith.constant 0 : index
    %get3A_9 = arith.constant 0 : index
    %get3A_10 = vector.load %arg3[%get3A_8, %get3A_9] : memref<128x2xf32, #tpu.memory_space<vmem>>, vector<128x2xf32>
    %dot_general3A_11 = arith.constant dense<0.000000e+00> : vector<1000x2xf32>
    %dot_general3A_12 = tpu.matmul %dot_general3A_5, %get3A_10, %dot_general3A_11 {dimension_numbers = #tpu.dot_dimension_numbers<[1], [0], [0], [1], [0, 0, 1, 1], [], []>, transpose_lhs_hint = false} : vector<1000x128xf32>, vector<128x2xf32>, vector<1000x2xf32> -> vector<1000x2xf32>
    %swap3A_13 = arith.constant 0 : index
    %swap3A_14 = arith.constant 0 : index
    %swap3A_15 = vector.load %arg5[%swap3A_13, %swap3A_14] : memref<1000x2xf32, #tpu.memory_space<vmem>>, vector<1000x2xf32>
    tpu.vector_store %arg5[%swap3A_13, %swap3A_14], %dot_general3A_12 {strides = array<i32>} : memref<1000x2xf32, #tpu.memory_space<vmem>>, vector<1000x2xf32>,
    return
  }
  func.func @transform_0(%arg0: i32) -> (i32, i32) {
    %c0_i32 = arith.constant 0 : i32
    %c0_i32_0 = arith.constant 0 : i32
    return %arg0, %c0_i32 : i32, i32
  }
  func.func @transform_1(%arg0: i32) -> (i32, i32) {
    %c0_i32 = arith.constant 0 : i32
    %c0_i32_0 = arith.constant 0 : i32
    %c0_i32_1 = arith.constant 0 : i32
    return %c0_i32, %c0_i32_0 : i32, i32
  }
  func.func @transform_2(%arg0: i32) -> (i32, i32) {
    %c0_i32 = arith.constant 0 : i32
    %c0_i32_0 = arith.constant 0 : i32
    %c0_i32_1 = arith.constant 0 : i32
    return %c0_i32, %c0_i32_0 : i32, i32
  }
  func.func @transform_3(%arg0: i32) -> (i32, i32) {
    %c0_i32 = arith.constant 0 : i32
    %c0_i32_0 = arith.constant 0 : i32
    return %arg0, %c0_i32 : i32, i32
  }
  func.func @transform_4(%arg0: i32) -> (i32, i32) {
    %c0_i32 = arith.constant 0 : i32
    %c0_i32_0 = arith.constant 0 : i32
    return %arg0, %c0_i32 : i32, i32
  }
}

module attributes {stable_mosaic.version = 14 : i64} {
  func.func @_fin_body(%arg0: i32, %arg1: memref<2x1024x128xf32, #tpu.memory_space<vmem>>, %arg2: memref<2x1024xf32, #tpu.memory_space<vmem>>, %arg3: memref<1024x128xf32, #tpu.memory_space<vmem>>) attributes {dimension_semantics = [#tpu.dimension_semantics<arbitrary>], iteration_bounds = array<i64: 10>, scalar_prefetch = 0 : i64, scratch_operands = 0 : i64, tpu.core_type = #tpu.core_type<tc>, window_params = [{transform_indices = @transform_0, window_bounds = array<i64: 2, 1024, 128>}, {transform_indices = @transform_1, window_bounds = array<i64: 2, 1024>}, {transform_indices = @transform_2, window_bounds = array<i64: 1024, 128>}]} {
    %get3A = arith.constant 0 : index
    %get3A_0 = arith.constant 0 : index
    %get3A_1 = arith.constant 0 : index
    %get3A_2 = vector.load %arg1[%get3A, %get3A_0, %get3A_1] : memref<2x1024x128xf32, #tpu.memory_space<vmem>>, vector<1x1024x128xf32>
    %get3A_3 = vector.shape_cast %get3A_2 : vector<1x1024x128xf32> to vector<1024x128xf32>
    %get3A_4 = arith.constant 1 : index
    %get3A_5 = arith.constant 0 : index
    %get3A_6 = arith.constant 0 : index
    %get3A_7 = vector.load %arg1[%get3A_4, %get3A_5, %get3A_6] : memref<2x1024x128xf32, #tpu.memory_space<vmem>>, vector<1x1024x128xf32>
    %get3A_8 = vector.shape_cast %get3A_7 : vector<1x1024x128xf32> to vector<1024x128xf32>
    %add3A = arith.addf %get3A_3, %get3A_8 : vector<1024x128xf32>
    %get3A_9 = arith.constant 0 : index
    %get3A_10 = arith.constant 0 : index
    %get3A_11 = vector.load %arg2[%get3A_9, %get3A_10] : memref<2x1024xf32, #tpu.memory_space<vmem>>, vector<1x1024xf32>
    %get3A_12 = vector.shape_cast %get3A_11 : vector<1x1024xf32> to vector<1024xf32>
    %get3A_13 = arith.constant 1 : index
    %get3A_14 = arith.constant 0 : index
    %get3A_15 = vector.load %arg2[%get3A_13, %get3A_14] : memref<2x1024xf32, #tpu.memory_space<vmem>>, vector<1x1024xf32>
    %get3A_16 = vector.shape_cast %get3A_15 : vector<1x1024xf32> to vector<1024xf32>
    %add3A_17 = arith.addf %get3A_12, %get3A_16 : vector<1024xf32>
    %add3A_18 = arith.constant 9.99999993E-9 : f32
    %add3A_19 = vector.broadcast %add3A_18 : f32 to vector<1024xf32>
    %add3A_20 = arith.addf %add3A_17, %add3A_19 : vector<1024xf32>
    %broadcast_in_dim3A = vector.shape_cast %add3A_20 : vector<1024xf32> to vector<1024x1xf32>
    %div3A = vector.broadcast %broadcast_in_dim3A : vector<1024x1xf32> to vector<1024x128xf32>
    %div3A_21 = arith.divf %add3A, %div3A : vector<1024x128xf32>
    %gt3A = arith.constant 0.000000e+00 : f32
    %gt3A_22 = vector.broadcast %gt3A : f32 to vector<1024x128xf32>
    %gt3A_23 = arith.cmpf ogt, %div3A_21, %gt3A_22 : vector<1024x128xf32>
    %min3A = arith.constant 0.000000e+00 : f32
    %min3A_24 = vector.broadcast %min3A : f32 to vector<1024x128xf32>
    %min3A_25 = arith.minimumf %div3A_21, %min3A_24 : vector<1024x128xf32>
    %exp3A = math.exp %min3A_25 : vector<1024x128xf32>
    %sub3A = arith.constant 1.000000e+00 : f32
    %sub3A_26 = vector.broadcast %sub3A : f32 to vector<1024x128xf32>
    %sub3A_27 = arith.subf %exp3A, %sub3A_26 : vector<1024x128xf32>
    %select_n3A = arith.select %gt3A_23, %div3A_21, %sub3A_27 : vector<1024x128xi1>, vector<1024x128xf32>
    %swap3A = arith.constant 0 : index
    %swap3A_28 = arith.constant 0 : index
    %swap3A_29 = vector.load %arg3[%swap3A, %swap3A_28] : memref<1024x128xf32, #tpu.memory_space<vmem>>, vector<1024x128xf32>
    tpu.vector_store %arg3[%swap3A, %swap3A_28], %select_n3A {strides = array<i32>} : memref<1024x128xf32, #tpu.memory_space<vmem>>, vector<1024x128xf32>,
    return
  }
  func.func @transform_0(%arg0: i32) -> (i32, i32, i32) {
    %c0_i32 = arith.constant 0 : i32
    %c0_i32_0 = arith.constant 0 : i32
    %c0_i32_1 = arith.constant 0 : i32
    return %c0_i32, %arg0, %c0_i32_0 : i32, i32, i32
  }
  func.func @transform_1(%arg0: i32) -> (i32, i32) {
    %c0_i32 = arith.constant 0 : i32
    %c0_i32_0 = arith.constant 0 : i32
    return %c0_i32, %arg0 : i32, i32
  }
  func.func @transform_2(%arg0: i32) -> (i32, i32) {
    %c0_i32 = arith.constant 0 : i32
    %c0_i32_0 = arith.constant 0 : i32
    return %arg0, %c0_i32 : i32, i32
  }
}

</mosaic_0001>

<sc_bundles>
// kernel: kernel.5.cloned.1.call-start
scs
__scs_entry_jumppad:
0x0: {  	(pc) =	sbr.rel $0x88, $3  }
0x1: {  	(tag) =	ssettag $0x0;
	lr =	simm.s32 $0x1  }
0x2: {  	[smem:$0x3F9D] =	sst lr;
	_ =	strace $0xD0000000  }
0x3: {  	_ = 	snop  }
0x4: {  	_ = 	snop  }
0x5: {  	_ = 	snop  }
0x6: {  	_ = 	snop  }
0x7: {  	_ = 	snop  }
__scs_overlays_trampoline_lowered:
0x8: {  	[smem:$0x3FAC] =	sst s0  }
0x9: {  	[smem:$0x3FAD] =	sst s1  }
0xa: {  	[smem:$0x3FAE] =	sst s2  }
0xb: {  	[smem:$0x3FAF] =	sst s3  }
0xc: {  	[smem:$0x3FB0] =	sst s4  }
0xd: {  	[smem:$0x3FB1] =	sst s5  }
0xe: {  	[smem:$0x3FB2] =	sst s6  }
0xf: {  	[smem:$0x3FB3] =	sst s7  }
0x10: {  	[smem:$0x3FB4] =	sst s8  }
0x11: {  	[smem:$0x3FB5] =	sst s9;
	s0 =	simm.s32 @!p0 $0x0  }
0x12: {  	s1 =	sld [smem:$0x3F9B];
	s0 =	simm.s32 @p0 $0x1  }
0x13: {  	[smem:$0x3FB6] =	sst s0;
	s0 =	simm.s32 @!p1 $0x0  }
0x14: {  	s2 =	sld [smem:$0x3F9A];
	s0 =	simm.s32 @p1 $0x1  }
0x15: {  	[smem:$0x3FB7] =	sst s0;
	s0 =	simm.s32 @!p2 $0x0  }
0x16: {  	s3 =	sld [smem:$0x3FDB];
	s0 =	simm.s32 @p2 $0x1  }
0x17: {  	s4 =	simm.s32 $0x1BF5;
	[smem:$0x3FB9] =	sst s0  }
0x18: {  	s0 =	sld [smem:$0x3F9C];
	_ =	swait.ge [sflag:s4], $0x0  }
0x19: {  	s7 =	sld [smem:$0x3F9D]  }
0x1a: {  	s8 =	sadd.s32 $0xFFFFE003, lr  }
0x1b: {  	s9 =	sadd.s32 $0xFFFFFEF7, lr;
	s5 =	simm.s32 $0xFFFFFFFF;
	p2 =	slt.u32 s8, $0xFFFFF086  }
0x1c: {  	p1 =	slt.u32 s9, $0xF7A;
	s5 =	simm.s32 @!p2 $0x0  }
0x1d: {  	s5 =	simm.s32 @p1 $0x1;
	p0 =	seq.s32 s7, s2  }
0x1e: {  	s7 =	smul.u32 @!p0 $0xF7A, s2;
	p2 =	seq.s32 @!p0 s5, $0x0  }
0x1f: {  	s9 =	smul.u32 $0xF7A, s1;
	s8 =	simm.s32 @!p0 $0x1BF5;
	p2 =	por !p2, p0  }
0x20: {  	[sflag:s8] =	ssyncset.s32 @!p0 $0xFFFFF086;
	s6 =	sadd.s32 @!p0 s3, s7;
	s7 =	simm.s32 @!p0 $0x108  }
0x21: {  	s3 =	sadd.s32 s3, s9;
	s6 =	sadd.s32 @!p0 $0x88, s6;
	s7 =	simm.s32 @p2 $0x1082  }
0x22: {  	[simem:s7], [sflag:s8] =	dma.local @!p0 [hbm:s6], $0xF7A  }
0x23: {  	s9 =	sor.u32 $0xD0000000, s2;
	s6 =	simm.s32 $0x108;
	_ =	swait.ge @!p0 [sflag:s8], $0x0  }
0x24: {  	s3 =	sadd.s32 $0x88, s3;
	s6 =	simm.s32 @!p1 $0x1082;
	[sflag:s4] =	ssyncset.s32 $0xFFFFF086  }
0x25: {  	[simem:s6], [sflag:s4] =	dma.local [hbm:s3], $0xF7A  }
0x26: {  	[smem:$0x3F9D] =	sst s1;
	(tag) =	ssettag s2;
	_ =	strace s9  }
0x27: {  	s1 =	sld [smem:$0x3FAD]  }
0x28: {  	s2 =	sld [smem:$0x3FAE]  }
0x29: {  	s4 =	sld [smem:$0x3FB0]  }
0x2a: {  	p0 =	seq.s32 s5, $0x0;
	s5 =	sld [smem:$0x3FB1]  }
0x2b: {  	s6 =	sld [smem:$0x3FB2]  }
0x2c: {  	s7 =	sld [smem:$0x3FB3]  }
0x2d: {  	s3 =	simm.s32 $0x108;
	s8 =	sld [smem:$0x3FB4]  }
0x2e: {  	s3 =	simm.s32 @!p0 $0x1082;
	s9 =	sld [smem:$0x3FB5]  }
0x2f: {  	lr =	sadd.s32 s0, s3;
	s0 =	sld [smem:$0x3FAC]  }
0x30: {  	s3 =	sld [smem:$0x3FAF]  }
0x31: {  	[smem:$0x3FB8] =	sst s10  }
0x32: {  	s10 =	sld [smem:$0x3FB6];
	_ =	sdelay $0x3  }
0x33: {  	p0 =	seq.s32 s10, $0x1;
	s10 =	sld [smem:$0x3FB8];
	_ =	sdelay $0x3  }
0x34: {  	[smem:$0x3FB8] =	sst s10  }
0x35: {  	s10 =	sld [smem:$0x3FB7];
	_ =	sdelay $0x3  }
0x36: {  	p1 =	seq.s32 s10, $0x1;
	s10 =	sld [smem:$0x3FB8];
	_ =	sdelay $0x3  }
0x37: {  	[smem:$0x3FB8] =	sst s10  }
0x38: {  	s10 =	sld [smem:$0x3FB9]  }
0x39: {  	_ = 	snop;
	(pc) =	sbr.ind lr, $3  }
0x3a: {  	_ = 	snop  }
0x3b: {  	_ = 	snop  }
0x3c: {  	p2 =	seq.s32 s10, $0x1;
	s10 =	sld [smem:$0x3FB8]  }
0x3d: {  	_ =	shalt  }
0x3e: {  	_ =	shalt  }
0x3f: {  	_ =	shalt  }
0x40: {  	_ =	shalt  }
0x41: {  	_ =	shalt  }
0x42: {  	_ =	shalt  }
0x43: {  	_ =	shalt  }
0x44: {  	_ =	shalt  }
0x45: {  	_ =	shalt  }
0x46: {  	_ =	shalt  }
0x47: {  	_ =	shalt  }
0x48: {  	_ =	shalt  }
0x49: {  	_ =	shalt  }
0x4a: {  	_ =	shalt  }
0x4b: {  	_ =	shalt  }
0x4c: {  	_ =	shalt  }
0x4d: {  	_ =	shalt  }
0x4e: {  	_ =	shalt  }
0x4f: {  	_ =	shalt  }
0x50: {  	_ =	shalt  }
0x51: {  	_ =	shalt  }
0x52: {  	_ =	shalt  }
0x53: {  	_ =	shalt  }
0x54: {  	_ =	shalt  }
0x55: {  	_ =	shalt  }
0x56: {  	_ =	shalt  }
0x57: {  	_ =	shalt  }
0x58: {  	_ =	shalt  }
0x59: {  	_ =	shalt  }
0x5a: {  	_ =	shalt  }
0x5b: {  	_ =	shalt  }
0x5c: {  	_ =	shalt  }
0x5d: {  	_ =	shalt  }
0x5e: {  	_ =	shalt  }
0x5f: {  	_ =	shalt  }
0x60: {  	_ =	shalt  }
0x61: {  	_ =	shalt  }
0x62: {  	_ =	shalt  }
0x63: {  	_ =	shalt  }
0x64: {  	_ =	shalt  }
0x65: {  	_ =	shalt  }
0x66: {  	_ =	shalt  }
0x67: {  	_ =	shalt  }
0x68: {  	_ =	shalt  }
0x69: {  	_ =	shalt  }
0x6a: {  	_ =	shalt  }
0x6b: {  	_ =	shalt  }
0x6c: {  	_ =	shalt  }
0x6d: {  	_ =	shalt  }
0x6e: {  	_ =	shalt  }
0x6f: {  	_ =	shalt  }
0x70: {  	_ =	shalt  }
0x71: {  	_ =	shalt  }
0x72: {  	_ =	shalt  }
0x73: {  	_ =	shalt  }
0x74: {  	_ =	shalt  }
0x75: {  	_ =	shalt  }
0x76: {  	_ =	shalt  }
0x77: {  	_ =	shalt  }
0x78: {  	_ =	shalt  }
0x79: {  	_ =	shalt  }
0x7a: {  	_ =	shalt  }
0x7b: {  	_ =	shalt  }
0x7c: {  	_ =	shalt  }
0x7d: {  	_ =	shalt  }
0x7e: {  	_ =	shalt  }
0x7f: {  	_ =	shalt  }
0x80: {  	_ =	shalt  }
0x81: {  	_ =	shalt  }
0x82: {  	_ =	shalt  }
0x83: {  	_ =	shalt  }
0x84: {  	_ =	shalt  }
0x85: {  	_ =	shalt  }
0x86: {  	_ =	shalt  }
0x87: {  	_ =	shalt  }
.Lfunc_end0:
.L_simem_size_0:
called_computation_lowered:
.L_overlay_start_0:
0x88: {  	s2 =	sld [smem:$0x3FD9]  }
0x89: {  	s3 =	sld [smem:$0x3FFE];
	_ =	sdelay $0x1  }
0x8a: {  	s1 =	srdreg.scid  }
0x8b: {  	s0 =	sand.u32 $0x1, s1  }
0x8c: {  	s17 =	sshll.u32 s0, $0xA;
	s2 =	sadd.s32 s3, s2  }
0x8d: {  	s2 =	sadd.s32 s2, s17  }
0x8e: {  	[smem:$0x3FC4] =	sst s2  }
0x8f: {  	_ = 	snop  }
0x90: {  	s2 =	sld [smem:$0x3FD0];
	(tm) =	ssettm $0x1  }
0x91: {  	s18 =	sld [smem:$0x3FFB];
	_ =	sdelay $0x3  }
0x92: {  	_ =	strace s18  }
0x93: {  	s3 =	sld [smem:$0x3FFC];
	_ =	sdelay $0x3  }
0x94: {  	_ =	strace s3  }
0x95: {  	s3 =	sld [smem:$0x3FFD];
	_ =	sdelay $0x3  }
0x96: {  	_ =	strace s3  }
0x97: {  	_ =	strace $0x8FFFFFFF  }
0x98: {  	s19 =	sld [smem:$0x3FDB];
	_ =	sdelay $0x1  }
0x99: {  	s4 =	simm.s32 $_scs_section_size  }
0x9a: {  	s5 =	simm.s32 $_size__tile_overlayer_lowered;
	s6 =	simm.s32 $_tile_overlayer_lowered  }
0x9b: {  	s22 =	simm.s32 $0x1BFF;
	s21 =	sshll.u32 s6, $0x1;
	s3 =	sadd.s32 s4, s19  }
0x9c: {  	s7 =	simm.s32 $0x0;
	s20 =	sshll.u32 s5, $0x1;
	s5 =	sadd.s32 s21, s3  }
0x9d: {  	[timem:s7], [sflag:s22] =	dma.local [hbm:s5], s20  }
0x9e: {  	_ =	swait.ge [sflag:s22], s20  }
0x9f: {  	s4 =	ssub.s32 $0x0, s20;
	[sflag:s22] =	ssyncset.done $0x0  }
0xa0: {  	[sflag:s22] =	ssyncadd.s32 s4;
	_ =	sdelay $0x1  }
0xa1: {  	s23 =	simm.s32 $0x1B8B  }
0xa2: {  	_ =	swait.ge [sflag:s23], $0x1  }
0xa3: {  	[sflag:s23] =	ssyncset.done $0x0  }
0xa4: {  	s25 =	simm.s32 $0x1B8E;
	s24 =	sld [smem:$0x3FFE];
	[sflag:s23] =	ssyncadd.s32 $0xFFFFFFFF  }
0xa5: {  	s26 =	simm.s32 $execute0_lowered;
	[smem:$0x3FD2] =	sst s25  }
0xa6: {  	s5 =	sshll.u32 s26, $0x1;
	_ =	strace $0x80000046;
	[dreg:$0x1] =	wrdreg $0xFFFFFFFF  }
0xa7: {  	s28 =	simm.s32 $_size_execute0_lowered;
	s3 =	sadd.s32 s3, s5;
	[dreg:$0x0] =	wrdreg $0x0  }
0xa8: {  	s5 =	sshll.u32 s28, $0x1;
	[dreg:$0x2] =	wrdreg s3  }
0xa9: {  	[dreg:$0x3] =	wrdreg s5  }
0xaa: {  	[dreg:$0x4] =	wrdreg $0xC0  }
0xab: {  	_ =	task [dreg:s7], $0x5FFFF  }
0xac: {  	[dreg:$0x1] =	wrdreg $0xFFFFFFFF  }
0xad: {  	[dreg:$0x0] =	wrdreg $0x60  }
0xae: {  	[dreg:$0x2] =	wrdreg s24  }
0xaf: {  	[dreg:$0x3] =	wrdreg s2  }
0xb0: {  	[dreg:$0x4] =	wrdreg $0xAB800  }
0xb1: {  	[dreg:$0x5] =	wrdreg $0x1EB800  }
0xb2: {  	[dreg:$0x6] =	wrdreg $0x9  }
0xb3: {  	_ =	task.clear_ibuf [dreg:s7], $0x7FFFF;
	_ =	strace $0x90000046  }
0xb4: {  	s29 =	simm.s32 $0x9;
	_ =	strace $0x80000048  }
0xb5: {  	_ =	swait.ge [sflag:s29], $0x1  }
0xb6: {  	[sflag:s29] =	ssyncadd.s32 $0xFFFFFFFF  }
0xb7: {  	_ =	strace $0x90000048  }
0xb8: {  	_ =	sfence  }
0xb9: {  	s30 =	sld [smem:$0x0];
	_ =	sdelay $0x2  }
0xba: {  	s31 =	sshll.u32 s1, $0xD;
	s1 =	sshrl.u32 s1, $0x2  }
0xbb: {  	s3 =	sand.u32 $0x4000, s31;
	s1 =	sadd.s32 s1, s30  }
0xbc: {  	s0 =	sor.u32 s3, s0;
	s1 =	sshll.u32 s1, $0x11  }
0xbd: {  	s0 =	sor.u32 s1, s0  }
0xbe: {  	s0 =	sadd.s32 $0x8F2B, s0  }
0xbf: {  	[sflag:s0] =	ssyncadd.remote.s32 $0x1  }
0xc0: {  	_ =	sfence.sel $0xFFFF  }
0xc1: {  	[dreg:$0x0] =	wrdreg $0xFFFFFFFF;
	(pc) =	sbr.abs _section_cstart, $3  }
0xc2: {  	[dreg:$0x1] =	wrdreg $0xFFFFFFFF  }
0xc3: {  	_ =	task.clear_ibuf [dreg:s7], $0x2FFFF;
	_ =	strace $0x9FFFFFFF  }
0xc4: {  	(tm) =	ssettm $0x7FFFFFFF  }
0xc5: {  	_ =	shalt  }
tec
execute0_lowered:
.L_overlay_start_1:
0x0: {  	(tag) =	ssettag $0x1  }
0x1: {  	s0 =	rddreg [dreg:$0x0]  }
0x2: {  	s1 =	rddreg [dreg:$0x1]  }
0x3: {  	s2 =	rddreg [dreg:$0x2]  }
0x4: {  	s3 =	rddreg [dreg:$0x3]  }
0x5: {  	s4 =	srdreg.scid;
	s6 =	simm.s32 $0x0;
	s13 =	stileid.u32  }
0x6: {  	s28 =	simm.s32 $0x200;
	s29 =	simm.s32 $0x8;
	s8 =	smul.u32 $0x14000, s13  }
0x7: {  	s30 =	simm.s32 $0x180;
	s31 =	simm.s32 $0x3300;
	s9 =	smul.u32 $0x500, s13  }
0x8: {  	s4 =	sand.u32 $0x1, s4;
	[smem:$0x7FF] =	sst s6;
	s11 =	smul.u32 $0x50000, s13  }
0x9: {  	s6 =	sadd.s32 $0x1B400, s0;
	s7 =	sadd.s32 $0x1AE00, s0;
	s17 =	smul.u32 $0xA00, s13  }
0xa: {  	s5 =	smul.u32 $0x140000, s4;
	_ =	strace $0x80000047;
	s10 =	sshll.u32 s4, $0x7  }
0xb: {  	s15 =	sshll.u32 s4, $0x4;
	s4 =	ssub.s32 $0x2, s4;
	s9 =	sor.u32 s10, s9  }
0xc: {  	s10 =	sor.u32 s13, s15;
	s16 =	sshrl.u32 s4, $0x1;
	s11 =	sshrl.u32 s11, $0x2  }
0xd: {  	s5 =	sadd.s32 s8, s5;
	s4 =	ssub.s32 s4, s16;
	s15 =	sadd.s32 s11, s2  }
0xe: {  	s12 =	smul.u32 $0x6900, s10;
	s25 =	smax.u32 s4, $0x1;
	[dreg:$0x5] =	wrdreg s15  }
0xf: {  	s10 =	smul.u32 $0x69, s10;
	s26 =	sadd.s32 $0x1000, s15;
	[dreg:$0xf] =	wrdreg s25  }
0x10: {  	s8 =	sadd.s32 $0xA00, s0;
	s4 =	sadd.s32 $0x2000, s15;
	[dreg:$0x10] =	wrdreg s26  }
0x11: {  	s9 =	sshrl.u32 s9, $0x3;
	s22 =	sadd.s32 $0x3, s10;
	[dreg:$0x11] =	wrdreg s4  }
0x12: {  	s5 =	sshrl.u32 s5, $0x3;
	s23 =	sadd.s32 $0x4, s10;
	[dreg:$0xa] =	wrdreg s22  }
0x13: {  	s5 =	sadd.s32 s5, s0;
	s24 =	sadd.s32 $0x5, s10;
	[dreg:$0xb] =	wrdreg s23  }
0x14: {  	s0 =	sadd.s32 s9, s0;
	s10 =	sadd.s32 $0x5000, s15;
	[dreg:$0xc] =	wrdreg s24  }
0x15: {  	s9 =	sshrl.u32 s17, $0x2;
	s17 =	sadd.s32 $0xA000, s15;
	[dreg:$0x14] =	wrdreg s10  }
0x16: {  	s13 =	sshll.u32 s13, $0x8;
	s25 =	sadd.s32 $0x12000, s15;
	[dreg:$0x19] =	wrdreg s17  }
0x17: {  	s13 =	sand.u32 $0x300, s13;
	s26 =	sadd.s32 $0x13000, s15;
	[smem:$0x7FC] =	sst s25  }
0x18: {  	s14 =	sand.u32 $0xFFC00, s12;
	s5 =	sadd.s32 $0x1BA00, s5;
	[smem:$0x7FD] =	sst s26  }
0x19: {  	s12 =	sshrl.u32 s12, $0x3;
	s0 =	sadd.s32 $0x6BA00, s0;
	[dreg:$0xd] =	wrdreg s5  }
0x1a: {  	s20 =	sadd.s32 s8, s12;
	s12 =	sadd.s32 $0x7000, s15;
	[dreg:$0xe] =	wrdreg s0  }
0x1b: {  	s18 =	sor.u32 s13, s14;
	s13 =	sadd.s32 $0x8000, s15;
	[dreg:$0x16] =	wrdreg s12  }
0x1c: {  	s16 =	sadd.s32 s9, s3;
	s14 =	sadd.s32 $0x9000, s15;
	[dreg:$0x17] =	wrdreg s13  }
0x1d: {  	s22 =	sadd.s32 $0xF000, s15;
	s23 =	sadd.s32 $0x10000, s15;
	[dreg:$0x18] =	wrdreg s14  }
0x1e: {  	s24 =	sadd.s32 $0x11000, s15;
	s25 =	simm.s32 $0x60;
	[dreg:$0x1e] =	wrdreg s22  }
0x1f: {  	s26 =	simm.s32 $0x300;
	s17 =	simm.s32 $0x280;
	[dreg:$0x1f] =	wrdreg s23  }
0x20: {  	s10 =	simm.s32 $0x2;
	s11 =	sshrl.u32 s18, $0x3;
	[smem:$0x7FB] =	sst s24  }
0x21: {  	s21 =	sadd.s32 $0x20, s20;
	s9 =	sadd.s32 $0x40, s20;
	[dreg:$0x6] =	wrdreg s16  }
0x22: {  	s5 =	sadd.s32 $0x3000, s15;
	s18 =	sadd.s32 $0xB000, s15;
	[dreg:$0x8] =	wrdreg s21  }
0x23: {  	s20 =	sadd.s32 $0xD000, s15;
	s22 =	simm.s32 $0x1;
	[dreg:$0x9] =	wrdreg s9  }
0x24: {  	s13 =	simm.s32 $0x9;
	s0 =	simm.s32 $0x9880;
	[dreg:$0x12] =	wrdreg s5  }
0x25: {  	s12 =	simm.s32 $0x5;
	s14 =	simm.s32 $0x0;
	[dreg:$0x1a] =	wrdreg s18  }
0x26: {  	s19 =	sadd.s32 s8, s11;
	s9 =	sadd.s32 $0x4000, s15;
	[dreg:$0x1c] =	wrdreg s20  }
.Ltmp0:
0x27: {  	v0 =	vlaneseq.u32;
	s11 =	sadd.s32 $0x6000, s15;
	[dreg:$0x7] =	wrdreg s19;
	(pc) =	sbr.rel .LBB2_1-.Ltmp0, $4  }
0x28: {  	v1 =	vmul.u32 $0x80, v0;
	s21 =	sadd.s32 $0xE000, s15;
	s18 =	simm.s32 $0x6300;
	[dreg:$0x13] =	wrdreg s9  }
0x29: {  	v2 =	vimm.f32 $0.0e+00;
	v8 =	vadd.s32 $0x1, v0;
	v9 =	vadd.s32 $0x2, v0;
	s20 =	simm.s32 $0x4;
	s5 =	simm.s32 $0x3;
	[dreg:$0x15] =	wrdreg s11  }
0x2a: {  	v10 =	vadd.s32 $0x3, v0;
	v3 =	vor.u32 $0x800, v1;
	v4 =	vor.u32 $0x1000, v1;
	s19 =	sadd.s32 $0xC000, s15;
	[dreg:$0x1d] =	wrdreg s21;
	s21 =	simm.s32 $0xA  }
0x2b: {  	v5 =	vor.u32 $0x1800, v1;
	v6 =	vor.u32 $0x2000, v1;
	v7 =	vor.u32 $0x2800, v1;
	s11 =	simm.s32 $0x9780;
	s9 =	simm.s32 $0x9800;
	[dreg:$0x1b] =	wrdreg s19  }
.LBB2_12:
0x2c: {  	s4 =	simm.s32 $0x6  }
0x2d: {  	_ =	swait.ge [sflag:s4], $0x3000  }
0x2e: {  	[sflag:s4] =	ssyncset.done $0x0  }
0x2f: {  	[sflag:s4] =	ssyncadd.s32 $0xFFFFD000  }
0x30: {  	_ =	swait.ge [sflag:s4], $0x60  }
0x31: {  	[sflag:s4] =	ssyncset.done $0x0  }
0x32: {  	[sflag:s4] =	ssyncadd.s32 $0xFFFFFFA0  }
0x33: {  	s21 =	stileid.u32;
	[bflag:$0x0] =	sbarrier.arrive $0xFFFF  }
0x34: {  	s4 =	sshll.u32 s21, $0x6;
	s21 =	simm.s32 $0xA;
	s15 =	rddreg [dreg:$0x5]  }
0x35: {  	s4 =	sor.u32 $0x1C0A, s4;
	s16 =	rddreg [dreg:$0xd];
	s14 =	sshrl.u32 s15, $0x3  }
0x36: {  	[hbm:s16], [sflag:s4] =	dma.local [spmem:s14], $0x2800  }
0x37: {  	s23 =	simm.s32 $0x20;
	_ =	swait.ge [sflag:s21], $0x2800  }
0x38: {  	s24 =	simm.s32 $0x10;
	[sflag:s21] =	ssyncset.done $0x0;
	s16 =	rddreg [dreg:$0x6]  }
0x39: {  	s19 =	rddreg [dreg:$0xe];
	[sflag:s21] =	ssyncadd.s32 $0xFFFFD800;
	s14 =	sshrl.u32 s16, $0x3  }
0x3a: {  	[hbm:s19@s23], [sflag:s4] =	dma.strided [spmem:s14@s24], $0x50, s22, $0x10   }
0x3b: {  	_ =	swait.ge [sflag:s21], $0x50  }
0x3c: {  	s23 =	sld [smem:$0x7FA];
	_ =	sdelay $0x2  }
0x3d: {  	s24 =	rddreg [dreg:$0xf];
	s14 =	sadd.s32 $0x1, s23  }
0x3e: {  	p0 =	sne.s32 s14, s24  }
.Ltmp1:
0x3f: {  	_ = 	snop;
	(pc) =	sbr.rel @!p0 .LBB2_13-.Ltmp1, $3  }
0x40: {  	_ =	sdelay $0x1  }
0x41: {  	[sflag:s21] =	ssyncset.done $0x0  }
0x42: {  	[sflag:s21] =	ssyncadd.s32 $0xFFFFFFB0  }
.LBB2_1:
0x43: {  	[smem:$0x7FA] =	sst s14;
	s4 =	simm.s32 $0x0;
	s14 =	simm.s32 $0x200  }
.LBB2_2:
0x44: {  	p0 =	sne.s32 s14, $0x3E00;
	[tilespmem:s4+$0x9970] =	vst v2  }
0x45: {  	[tilespmem:s4+$0x9900] =	vst v2  }
0x46: {  	[tilespmem:s4+$0x9910] =	vst v2  }
.Ltmp2:
0x47: {  	[tilespmem:s4+$0x9920] =	vst v2;
	(pc) =	sbr.rel @p0 .LBB2_2-.Ltmp2, $4  }
0x48: {  	[tilespmem:s4+$0x9930] =	vst v2  }
0x49: {  	[tilespmem:s4+$0x9940] =	vst v2  }
0x4a: {  	[tilespmem:s4+$0x9950] =	vst v2  }
0x4b: {  	[tilespmem:s4+$0x9960] =	vst v2;
	s4 =	sshra.s32 s14, $0x2;
	s14 =	sadd.s32 $0x200, s14  }
0x4c: {  	[tilespmem:s4+$0x9970] =	vst v2  }
0x4d: {  	[tilespmem:s4+$0x9900] =	vst v2  }
0x4e: {  	[tilespmem:s4+$0x9910] =	vst v2  }
0x4f: {  	[tilespmem:s4+$0x9920] =	vst v2  }
0x50: {  	[tilespmem:s4+$0x9930] =	vst v2  }
0x51: {  	[tilespmem:s4+$0x9940] =	vst v2  }
0x52: {  	[tilespmem:s4+$0x9950] =	vst v2  }
0x53: {  	[tilespmem:s4+$0x9960] =	vst v2  }
0x54: {  	[tilespmem:$0xA900] =	vst v2  }
0x55: {  	[tilespmem:$0xA910] =	vst v2  }
0x56: {  	[tilespmem:$0xA920] =	vst v2  }
0x57: {  	[tilespmem:$0xA930] =	vst v2  }
0x58: {  	[tilespmem:$0xA940] =	vst v2  }
0x59: {  	[tilespmem:$0xA950] =	vst v2  }
0x5a: {  	[tilespmem:$0xA960] =	vst v2  }
0x5b: {  	[tilespmem:$0xA970] =	vst v2  }
0x5c: {  	[tilespmem:$0xA980] =	vst v2  }
0x5d: {  	[tilespmem:$0xA990] =	vst v2  }
0x5e: {  	[tilespmem:$0xA9A0] =	vst v2  }
0x5f: {  	[tilespmem:$0xA9B0] =	vst v2  }
0x60: {  	[tilespmem:$0xA9C0] =	vst v2  }
0x61: {  	[tilespmem:$0xA9D0] =	vst v2  }
0x62: {  	[tilespmem:$0xA9E0] =	vst v2  }
0x63: {  	[tilespmem:$0xA9F0] =	vst v2  }
0x64: {  	[tilespmem:$0xAA00] =	vst v2  }
0x65: {  	[tilespmem:$0xAA10] =	vst v2  }
0x66: {  	[tilespmem:$0xAA20] =	vst v2  }
0x67: {  	[tilespmem:$0xAA30] =	vst v2  }
0x68: {  	[tilespmem:$0xAA40] =	vst v2  }
0x69: {  	[tilespmem:$0xAA50] =	vst v2  }
0x6a: {  	[tilespmem:$0xAA60] =	vst v2  }
0x6b: {  	[tilespmem:$0xAA70] =	vst v2  }
0x6c: {  	[tilespmem:$0xAA80] =	vst v2  }
0x6d: {  	[tilespmem:$0xAA90] =	vst v2  }
0x6e: {  	[tilespmem:$0xAAA0] =	vst v2  }
0x6f: {  	[tilespmem:$0xAAB0] =	vst v2  }
0x70: {  	[tilespmem:$0xAAC0] =	vst v2  }
0x71: {  	[tilespmem:$0xAAD0] =	vst v2  }
0x72: {  	[tilespmem:$0xAAE0] =	vst v2  }
0x73: {  	[tilespmem:$0xAAF0] =	vst v2  }
0x74: {  	[tilespmem:$0xAB00] =	vst v2  }
0x75: {  	[tilespmem:$0xAB10] =	vst v2  }
0x76: {  	[tilespmem:$0xAB20] =	vst v2  }
0x77: {  	[tilespmem:$0xAB30] =	vst v2  }
0x78: {  	[tilespmem:$0xAB40] =	vst v2  }
0x79: {  	[tilespmem:$0xAB50] =	vst v2  }
0x7a: {  	[tilespmem:$0xAB60] =	vst v2  }
0x7b: {  	s14 =	simm.s32 $0x9900;
	s19 =	rddreg [dreg:$0x10];
	[tilespmem:$0xAB70] =	vst v2  }
0x7c: {  	[spmem:s15] =	stream.linear.scatter [tilespmem:s14], [sflag:$0x1], $0x1000, $0x38;
	[tilespmem:$0x1EE00] =	vst v63  }
0x7d: {  	s23 =	rddreg [dreg:$0x11]  }
0x7e: {  	[spmem:s19] =	stream.linear.scatter [tilespmem:s14], [sflag:$0x1], $0x1000, $0x38;
	[tilespmem:$0x1EE00] =	vst v63  }
0x7f: {  	s24 =	rddreg [dreg:$0x12]  }
0x80: {  	[spmem:s23] =	stream.linear.scatter [tilespmem:s14], [sflag:$0x1], $0x1000, $0x38;
	[tilespmem:$0x1EE00] =	vst v63  }
0x81: {  	s15 =	rddreg [dreg:$0x13]  }
0x82: {  	[spmem:s24] =	stream.linear.scatter [tilespmem:s14], [sflag:$0x1], $0x1000, $0x38;
	[tilespmem:$0x1EE00] =	vst v63  }
0x83: {  	s19 =	rddreg [dreg:$0x14]  }
0x84: {  	[spmem:s15] =	stream.linear.scatter [tilespmem:s14], [sflag:$0x1], $0x1000, $0x38;
	[tilespmem:$0x1EE00] =	vst v63  }
0x85: {  	s23 =	rddreg [dreg:$0x15]  }
0x86: {  	[spmem:s19] =	stream.linear.scatter [tilespmem:s14], [sflag:$0x1], $0x1000, $0x38;
	[tilespmem:$0x1EE00] =	vst v63  }
0x87: {  	s24 =	rddreg [dreg:$0x16]  }
0x88: {  	[spmem:s23] =	stream.linear.scatter [tilespmem:s14], [sflag:$0x1], $0x1000, $0x38;
	[tilespmem:$0x1EE00] =	vst v63  }
0x89: {  	s15 =	rddreg [dreg:$0x17]  }
0x8a: {  	[spmem:s24] =	stream.linear.scatter [tilespmem:s14], [sflag:$0x1], $0x1000, $0x38;
	[tilespmem:$0x1EE00] =	vst v63  }
0x8b: {  	s19 =	rddreg [dreg:$0x18]  }
0x8c: {  	[spmem:s15] =	stream.linear.scatter [tilespmem:s14], [sflag:$0x1], $0x1000, $0x38;
	[tilespmem:$0x1EE00] =	vst v63  }
0x8d: {  	s23 =	rddreg [dreg:$0x19]  }
0x8e: {  	[spmem:s19] =	stream.linear.scatter [tilespmem:s14], [sflag:$0x1], $0x1000, $0x38;
	[tilespmem:$0x1EE00] =	vst v63  }
0x8f: {  	s24 =	rddreg [dreg:$0x1a]  }
0x90: {  	[spmem:s23] =	stream.linear.scatter [tilespmem:s14], [sflag:$0x1], $0x1000, $0x38;
	[tilespmem:$0x1EE00] =	vst v63  }
0x91: {  	s15 =	rddreg [dreg:$0x1b]  }
0x92: {  	[spmem:s24] =	stream.linear.scatter [tilespmem:s14], [sflag:$0x1], $0x1000, $0x38;
	[tilespmem:$0x1EE00] =	vst v63  }
0x93: {  	s19 =	rddreg [dreg:$0x1c]  }
0x94: {  	[spmem:s15] =	stream.linear.scatter [tilespmem:s14], [sflag:$0x1], $0x1000, $0x38;
	[tilespmem:$0x1EE00] =	vst v63  }
0x95: {  	s23 =	rddreg [dreg:$0x1d]  }
0x96: {  	[spmem:s19] =	stream.linear.scatter [tilespmem:s14], [sflag:$0x1], $0x1000, $0x38;
	[tilespmem:$0x1EE00] =	vst v63  }
0x97: {  	s24 =	rddreg [dreg:$0x1e]  }
0x98: {  	[spmem:s23] =	stream.linear.scatter [tilespmem:s14], [sflag:$0x1], $0x1000, $0x38;
	[tilespmem:$0x1EE00] =	vst v63  }
0x99: {  	s15 =	rddreg [dreg:$0x1f]  }
0x9a: {  	[spmem:s24] =	stream.linear.scatter [tilespmem:s14], [sflag:$0x1], $0x1000, $0x38;
	[tilespmem:$0x1EE00] =	vst v63  }
0x9b: {  	s19 =	sld [smem:$0x7FB]  }
0x9c: {  	[spmem:s15] =	stream.linear.scatter [tilespmem:s14], [sflag:$0x1], $0x1000, $0x38;
	[tilespmem:$0x1EE00] =	vst v63  }
0x9d: {  	s23 =	sld [smem:$0x7FC]  }
0x9e: {  	[spmem:s19] =	stream.linear.scatter [tilespmem:s14], [sflag:$0x1], $0x1000, $0x38;
	[tilespmem:$0x1EE00] =	vst v63  }
0x9f: {  	s24 =	sld [smem:$0x7FD]  }
0xa0: {  	[spmem:s23] =	stream.linear.scatter [tilespmem:s14], [sflag:$0x1], $0x1000, $0x38;
	[tilespmem:$0x1EE00] =	vst v63  }
0xa1: {  	_ = 	snop  }
0xa2: {  	[spmem:s24] =	stream.linear.scatter [tilespmem:s14], [sflag:$0x1], $0x1000, $0x38;
	[tilespmem:$0x1EE00] =	vst v63  }
0xa3: {  	s14 =	simm.s32 $0xA900  }
0xa4: {  	[spmem:s16] =	stream.linear.scatter [tilespmem:s14], [sflag:$0xA], $0x280, $0x38;
	[tilespmem:$0x1EE00] =	vst v63  }
0xa5: {  	_ =	swait.ge [sflag:s21], $0x280  }
0xa6: {  	[sflag:s21] =	ssyncset.done $0x0  }
0xa7: {  	[sflag:s21] =	ssyncadd.s32 $0xFFFFFD80  }
0xa8: {  	_ =	swait.ge [sflag:s22], $0x1000  }
0xa9: {  	[sflag:s22] =	ssyncset.done $0x0  }
0xaa: {  	[sflag:s22] =	ssyncadd.s32 $0xFFFFF000  }
0xab: {  	_ =	swait.ge [sflag:s22], $0x1000  }
0xac: {  	[sflag:s22] =	ssyncset.done $0x0  }
0xad: {  	[sflag:s22] =	ssyncadd.s32 $0xFFFFF000  }
0xae: {  	_ =	swait.ge [sflag:s22], $0x1000  }
0xaf: {  	[sflag:s22] =	ssyncset.done $0x0  }
0xb0: {  	[sflag:s22] =	ssyncadd.s32 $0xFFFFF000  }
0xb1: {  	_ =	swait.ge [sflag:s22], $0x1000  }
0xb2: {  	[sflag:s22] =	ssyncset.done $0x0  }
0xb3: {  	[sflag:s22] =	ssyncadd.s32 $0xFFFFF000  }
0xb4: {  	_ =	swait.ge [sflag:s22], $0x1000  }
0xb5: {  	[sflag:s22] =	ssyncset.done $0x0  }
0xb6: {  	[sflag:s22] =	ssyncadd.s32 $0xFFFFF000  }
0xb7: {  	_ =	swait.ge [sflag:s22], $0x1000  }
0xb8: {  	[sflag:s22] =	ssyncset.done $0x0  }
0xb9: {  	[sflag:s22] =	ssyncadd.s32 $0xFFFFF000  }
0xba: {  	_ =	swait.ge [sflag:s22], $0x1000  }
0xbb: {  	[sflag:s22] =	ssyncset.done $0x0  }
0xbc: {  	[sflag:s22] =	ssyncadd.s32 $0xFFFFF000  }
0xbd: {  	_ =	swait.ge [sflag:s22], $0x1000  }
0xbe: {  	[sflag:s22] =	ssyncset.done $0x0  }
0xbf: {  	[sflag:s22] =	ssyncadd.s32 $0xFFFFF000  }
0xc0: {  	_ =	swait.ge [sflag:s22], $0x1000  }
0xc1: {  	[sflag:s22] =	ssyncset.done $0x0  }
0xc2: {  	[sflag:s22] =	ssyncadd.s32 $0xFFFFF000  }
0xc3: {  	_ =	swait.ge [sflag:s22], $0x1000  }
0xc4: {  	[sflag:s22] =	ssyncset.done $0x0  }
0xc5: {  	[sflag:s22] =	ssyncadd.s32 $0xFFFFF000  }
0xc6: {  	_ =	swait.ge [sflag:s22], $0x1000  }
0xc7: {  	[sflag:s22] =	ssyncset.done $0x0  }
0xc8: {  	[sflag:s22] =	ssyncadd.s32 $0xFFFFF000  }
0xc9: {  	_ =	swait.ge [sflag:s22], $0x1000  }
0xca: {  	[sflag:s22] =	ssyncset.done $0x0  }
0xcb: {  	[sflag:s22] =	ssyncadd.s32 $0xFFFFF000  }
0xcc: {  	_ =	swait.ge [sflag:s22], $0x1000  }
0xcd: {  	[sflag:s22] =	ssyncset.done $0x0  }
0xce: {  	[sflag:s22] =	ssyncadd.s32 $0xFFFFF000  }
0xcf: {  	_ =	swait.ge [sflag:s22], $0x1000  }
0xd0: {  	[sflag:s22] =	ssyncset.done $0x0  }
0xd1: {  	[sflag:s22] =	ssyncadd.s32 $0xFFFFF000  }
0xd2: {  	_ =	swait.ge [sflag:s22], $0x1000  }
0xd3: {  	[sflag:s22] =	ssyncset.done $0x0  }
0xd4: {  	[sflag:s22] =	ssyncadd.s32 $0xFFFFF000  }
0xd5: {  	_ =	swait.ge [sflag:s22], $0x1000  }
0xd6: {  	[sflag:s22] =	ssyncset.done $0x0  }
0xd7: {  	[sflag:s22] =	ssyncadd.s32 $0xFFFFF000  }
0xd8: {  	_ =	swait.ge [sflag:s22], $0x1000  }
0xd9: {  	[sflag:s22] =	ssyncset.done $0x0  }
0xda: {  	[sflag:s22] =	ssyncadd.s32 $0xFFFFF000  }
0xdb: {  	_ =	swait.ge [sflag:s22], $0x1000  }
0xdc: {  	[sflag:s22] =	ssyncset.done $0x0  }
0xdd: {  	[sflag:s22] =	ssyncadd.s32 $0xFFFFF000  }
0xde: {  	_ =	swait.ge [sflag:s22], $0x1000  }
0xdf: {  	[sflag:s22] =	ssyncset.done $0x0  }
0xe0: {  	[sflag:s22] =	ssyncadd.s32 $0xFFFFF000  }
0xe1: {  	_ =	swait.ge [sflag:s22], $0x1000  }
0xe2: {  	[sflag:s22] =	ssyncset.done $0x0  }
0xe3: {  	[sflag:s22] =	ssyncadd.s32 $0xFFFFF000  }
0xe4: {  	[bflag:$0x0] =	sbarrier.arrive $0xFFFF  }
0xe5: {  	s19 =	simm.s32 $0x0;
	s15 =	rddreg [dreg:$0x7]  }
0xe6: {  	[tilespmem:s19], [sflag:$0x7] =	stream.linear.gather [hbm4b:s15+s19], $0x100, $0x38;
	[tilespmem:$0x1EE00] =	vst v63  }
0xe7: {  	s14 =	simm.s32 $0x100;
	s21 =	simm.s32 $0x7;
	s16 =	rddreg [dreg:$0x8]  }
0xe8: {  	[tilespmem:s14], [sflag:$0x8] =	stream.linear.gather [hbm4b:s16+s19], $0x100, $0x38;
	[tilespmem:$0x1EE00] =	vst v63  }
0xe9: {  	_ =	swait.ge [sflag:s21], $0x100  }
0xea: {  	[sflag:s21] =	ssyncset.done $0x0  }
0xeb: {  	s23 =	simm.s32 $0x80;
	[sflag:s21] =	ssyncadd.s32 $0xFFFFFF00  }
0xec: {  	[tilespmem:s26], [sflag:$0x1] =	stream.indirect.gather [hbm4b:s1+s25], $0x80, s23, s25, $0xb8;
	[tilespmem:$0x1EE00] =	vst v63  }
0xed: {  	s24 =	simm.s32 $0x9480  }
0xee: {  	[tilespmem:s24], [sflag:$0x1] =	stream.indirect.gather [hbm4b:s6+s25], $0x1, s19, s25, $0xb8;
	[tilespmem:$0x1EE00] =	vst v63  }
0xef: {  	s16 =	simm.s32 $0x9600  }
0xf0: {  	[tilespmem:s16], [sflag:$0x1] =	stream.indirect.gather [hbm4b:s7+s25], $0x1, s23, s25, $0xb8;
	[tilespmem:$0x1EE00] =	vst v63  }
0xf1: {  	s21 =	rddreg [dreg:$0x9]  }
0xf2: {  	[tilespmem:s28], [sflag:$0x9] =	stream.linear.gather [hbm4b:s21+s19], $0x100, $0x38;
	[tilespmem:$0x1EE00] =	vst v63  }
0xf3: {  	_ =	swait.ge [sflag:s29], $0x100  }
0xf4: {  	[sflag:s29] =	ssyncset.done $0x0  }
0xf5: {  	[sflag:s29] =	ssyncadd.s32 $0xFFFFFF00  }
0xf6: {  	[tilespmem:s31], [sflag:$0x2] =	stream.indirect.gather [hbm4b:s1+s25], $0x80, s30, s25, $0xb8;
	[tilespmem:$0x1EE00] =	vst v63  }
0xf7: {  	s23 =	simm.s32 $0x9500  }
0xf8: {  	[tilespmem:s23], [sflag:$0x2] =	stream.indirect.gather [hbm4b:s6+s25], $0x1, s14, s25, $0xb8;
	[tilespmem:$0x1EE00] =	vst v63  }
0xf9: {  	s24 =	simm.s32 $0x9680  }
0xfa: {  	[tilespmem:s24], [sflag:$0x2] =	stream.indirect.gather [hbm4b:s7+s25], $0x1, s30, s25, $0xb8;
	[tilespmem:$0x1EE00] =	vst v63  }
.LBB2_4:
0xfb: {  	_ =	swait.ge [sflag:s22], $0x3000  }
0xfc: {  	[sflag:s22] =	ssyncset.done $0x0  }
0xfd: {  	[sflag:s22] =	ssyncadd.s32 $0xFFFFD000  }
0xfe: {  	_ =	swait.ge [sflag:s22], $0x60  }
0xff: {  	[sflag:s22] =	ssyncset.done $0x0  }
0x100: {  	[sflag:s22] =	ssyncadd.s32 $0xFFFFFFA0  }
0x101: {  	_ =	swait.ge [sflag:s22], $0x60  }
0x102: {  	[sflag:s22] =	ssyncset.done $0x0  }
0x103: {  	[sflag:s22] =	ssyncadd.s32 $0xFFFFFFA0  }
0x104: {  	v11 =	vld [tilespmem:$0x9480]  }
0x105: {  	v12 =	vld [tilespmem:$0x9600]  }
0x106: {  	v13 =	vld [tilespmem:$0x9490]  }
0x107: {  	v14 =	vld [tilespmem:$0x9610]  }
0x108: {  	v15 =	vld [tilespmem:$0x94A0]  }
0x109: {  	v16 =	vld [tilespmem:$0x9620];
	_ =	sdelay $0x1  }
0x10a: {  	v11 =	vadd.f32 v12, v11  }
0x10b: {  	v12 =	vld [tilespmem:$0x94B0]  }
0x10c: {  	v13 =	vadd.f32 v14, v13;
	v14 =	vld [tilespmem:$0x9630];
	v17 =	vmul.f32 $2.000000030e-01, v11  }
0x10d: {  	v18 =	vld [tilespmem:$0x9640];
	v15 =	vadd.f32 v16, v15;
	vm0 =	vgt.f32 v11, $0.0e+00  }
0x10e: {  	v16 =	vld [tilespmem:$0x94C0];
	v11 =	vsel vm0, v11, v17;
	v17 =	vmul.f32 $2.000000030e-01, v13  }
0x10f: {  	v20 =	vld [tilespmem:$0x94D0];
	vm11 =	vgt.f32 v13, $0.0e+00;
	v19 =	vmul.f32 $2.000000030e-01, v15;
	v11 =	vsub.f32 $0.0e+00, v11  }
0x110: {  	vm12 =	vgt.f32 v15, $0.0e+00;
	v13 =	vsel vm11, v13, v17;
	v17 =	vld [tilespmem:$0x9650]  }
0x111: {  	v15 =	vsel vm12, v15, v19;
	v12 =	vadd.f32 v14, v12;
	v11 =	vmul.f32 $1.442695020e+00, v11  }
0x112: {  	v14 =	vsub.f32 $0.0e+00, v15;
	v13 =	vsub.f32 $0.0e+00, v13  }
0x113: {  	v15 =	vadd.f32 v18, v16;
	(erf) = vpow2.f32 v11;
	v11 =	vmul.f32 $2.000000030e-01, v12  }
0x114: {  	vm13 =	vgt.f32 v12, $0.0e+00;
	v13 =	vmul.f32 $1.442695020e+00, v13  }
0x115: {  	v11 =	vsel vm13, v12, v11;
	v12 =	vmul.f32 $2.000000030e-01, v15;
	v16 =	vadd.f32 v17, v20  }
0x116: {  	v14 =	vmul.f32 $1.442695020e+00, v14;
	vm14 =	vgt.f32 v15, $0.0e+00;
	v11 =	vsub.f32 $0.0e+00, v11  }
0x117: {  	(erf) = vpow2.f32 v13;
	v12 =	vsel vm14, v15, v12;
	v13 =	vmul.f32 $2.000000030e-01, v16  }
0x118: {  	v18 =	vld [tilespmem:$0x50];
	vm15 =	vgt.f32 v16, $0.0e+00;
	v11 =	vmul.f32 $1.442695020e+00, v11;
	v12 =	vsub.f32 $0.0e+00, v12  }
0x119: {  	v17 =	vld [tilespmem:$0x40];
	(erf) = vpow2.f32 v14;
	v13 =	vsel vm15, v16, v13  }
0x11a: {  	v14 =	vld [tilespmem:$0x0];
	(erf) = vpow2.f32 v11;
	v11 =	vmul.f32 $1.442695020e+00, v12;
	v12 =	vsub.f32 $0.0e+00, v13;
	_ =	sdelay $0x1  }
0x11b: {  	(erf) = vpow2.f32 v11;
	v11 =	vmul.f32 $1.442695020e+00, v12  }
0x11c: {  	[tilespmem:$0x97D0] =	vst v18;
	v12 =	vld [tilespmem:$0x20]  }
0x11d: {  	v13 =	vld [tilespmem:$0x10];
	[tilespmem:$0x97C0] =	vst v17;
	v16 =	vpop (erf);
	(erf) = vpow2.f32 v11  }
0x11e: {  	[tilespmem:$0x9780] =	vst v14  }
0x11f: {  	[tilespmem:$0x9300] =	vst v16;
	v15 =	vpop (erf);
	v11 =	vld [tilespmem:$0x30]  }
0x120: {  	s4 =	simm.s32 $0x4;
	[tilespmem:$0x9310] =	vst v15  }
0x121: {  	[tilespmem:$0x97A0] =	vst v12;
	v12 =	vadd.s32 s4, v0  }
0x122: {  	v14 =	vpop (erf);
	[tilespmem:$0x9790] =	vst v13;
	v19 =	vand.u32 $0x7F, v12  }
0x123: {  	[tilespmem:$0x9320] =	vst v14;
	v20 =	vor.u32 v1, v19  }
0x124: {  	v13 =	vpop (erf);
	[tilespmem:$0x97B0] =	vst v11  }
0x125: {  	[tilespmem:$0x9330] =	vst v13;
	v12 =	vpop (erf)  }
0x126: {  	[tilespmem:$0x9340] =	vst v12;
	v11 =	vpop (erf)  }
0x127: {  	[tilespmem:$0x9350] =	vst v11  }
0x128: {  	v17 =	vld.idx.msk [tilespmem:v20+s26+$0x0], $0xffff;
	_ =	sdelay $0x2  }
0x129: {  	v18 =	vor.u32 v3, v19;
	_ =	sdelay $0x1  }
0x12a: {  	v17 =	vmul.f32 v17, v16;
	_ =	sdelay $0x1  }
0x12b: {  	[tilespmem:v20+s26+$0x0] =	vst.idx.msk $0xffff, v17  }
0x12c: {  	v17 =	vld.idx.msk [tilespmem:v18+s26+$0x0], $0xffff;
	_ =	sdelay $0x2  }
0x12d: {  	v20 =	vor.u32 v4, v19;
	_ =	sdelay $0x1  }
0x12e: {  	v17 =	vmul.f32 v17, v15  }
0x12f: {  	s16 =	simm.s32 $0x0  }
0x130: {  	v21 =	vadd.s32 s16, v0;
	[tilespmem:v18+s26+$0x0] =	vst.idx.msk $0xffff, v17  }
0x131: {  	v17 =	vand.u32 $0x7F, v21;
	v18 =	vld.idx.msk [tilespmem:v20+s26+$0x0], $0xffff  }
0x132: {  	v21 =	vor.u32 v1, v17;
	_ =	sdelay $0x1  }
0x133: {  	v22 =	vor.u32 v5, v19;
	_ =	sdelay $0x1  }
0x134: {  	v18 =	vmul.f32 v18, v14  }
0x135: {  	v23 =	vld.idx.msk [tilespmem:v21+s26+$0x0], $0xffff  }
0x136: {  	[tilespmem:v20+s26+$0x0] =	vst.idx.msk $0xffff, v18  }
0x137: {  	v18 =	vld.idx.msk [tilespmem:v22+s26+$0x0], $0xffff  }
0x138: {  	s23 =	simm.s32 $0xC;
	v20 =	vor.u32 v3, v17  }
0x139: {  	v24 =	vadd.s32 s23, v0  }
0x13a: {  	v24 =	vand.u32 $0x7F, v24;
	v25 =	vor.u32 v6, v19;
	v23 =	vmul.f32 v23, v16  }
0x13b: {  	v26 =	vor.u32 v1, v24  }
0x13c: {  	[tilespmem:v21+s26+$0x0] =	vst.idx.msk $0xffff, v23;
	v18 =	vmul.f32 v18, v13  }
0x13d: {  	v21 =	vld.idx.msk [tilespmem:v20+s26+$0x0], $0xffff  }
0x13e: {  	[tilespmem:v22+s26+$0x0] =	vst.idx.msk $0xffff, v18  }
0x13f: {  	v18 =	vld.idx.msk [tilespmem:v25+s26+$0x0], $0xffff  }
0x140: {  	v23 =	vld.idx.msk [tilespmem:v26+s26+$0x0], $0xffff;
	v22 =	vor.u32 v4, v17;
	_ =	sdelay $0x1  }
0x141: {  	v19 =	vor.u32 v7, v19;
	v21 =	vmul.f32 v21, v15  }
0x142: {  	v27 =	vor.u32 v3, v24  }
0x143: {  	[tilespmem:v20+s26+$0x0] =	vst.idx.msk $0xffff, v21;
	v18 =	vmul.f32 v18, v12  }
0x144: {  	v21 =	vmul.f32 v23, v16;
	v20 =	vld.idx.msk [tilespmem:v22+s26+$0x0], $0xffff  }
0x145: {  	[tilespmem:v25+s26+$0x0] =	vst.idx.msk $0xffff, v18  }
0x146: {  	[tilespmem:v26+s26+$0x0] =	vst.idx.msk $0xffff, v21;
	v18 =	vld.idx.msk [tilespmem:v19+s26+$0x0], $0xffff  }
0x147: {  	v23 =	vadd.s32 s4, v8;
	v21 =	vor.u32 v5, v17;
	v25 =	vld.idx.msk [tilespmem:v27+s26+$0x0], $0xffff  }
0x148: {  	v23 =	vand.u32 $0x7F, v23  }
0x149: {  	v26 =	vor.u32 v1, v23;
	v20 =	vmul.f32 v20, v14  }
0x14a: {  	v28 =	vor.u32 v4, v24  }
0x14b: {  	[tilespmem:v22+s26+$0x0] =	vst.idx.msk $0xffff, v20;
	v18 =	vmul.f32 v18, v11  }
0x14c: {  	v22 =	vmul.f32 v25, v15;
	v20 =	vld.idx.msk [tilespmem:v21+s26+$0x0], $0xffff  }
0x14d: {  	[tilespmem:v19+s26+$0x0] =	vst.idx.msk $0xffff, v18  }
0x14e: {  	[tilespmem:v27+s26+$0x0] =	vst.idx.msk $0xffff, v22;
	v18 =	vld.idx.msk [tilespmem:v26+s26+$0x0], $0xffff  }
0x14f: {  	v19 =	vor.u32 v6, v17;
	v22 =	vld.idx.msk [tilespmem:v28+s26+$0x0], $0xffff;
	_ =	sdelay $0x1  }
0x150: {  	v25 =	vor.u32 v3, v23;
	v20 =	vmul.f32 v20, v13  }
0x151: {  	v27 =	vor.u32 v5, v24  }
0x152: {  	[tilespmem:v21+s26+$0x0] =	vst.idx.msk $0xffff, v20;
	v18 =	vmul.f32 v18, v16  }
0x153: {  	v21 =	vmul.f32 v22, v14;
	v20 =	vld.idx.msk [tilespmem:v19+s26+$0x0], $0xffff  }
0x154: {  	[tilespmem:v26+s26+$0x0] =	vst.idx.msk $0xffff, v18  }
0x155: {  	[tilespmem:v28+s26+$0x0] =	vst.idx.msk $0xffff, v21;
	v18 =	vld.idx.msk [tilespmem:v25+s26+$0x0], $0xffff  }
0x156: {  	v17 =	vor.u32 v7, v17;
	v21 =	vld.idx.msk [tilespmem:v27+s26+$0x0], $0xffff;
	_ =	sdelay $0x1  }
0x157: {  	v22 =	vor.u32 v4, v23;
	v20 =	vmul.f32 v20, v12  }
0x158: {  	s15 =	simm.s32 $0x8;
	v26 =	vor.u32 v6, v24  }
0x159: {  	[tilespmem:v19+s26+$0x0] =	vst.idx.msk $0xffff, v20;
	v19 =	vadd.s32 s15, v0;
	v18 =	vmul.f32 v18, v15  }
0x15a: {  	v20 =	vmul.f32 v21, v13;
	v19 =	vand.u32 $0x7F, v19;
	v21 =	vld.idx.msk [tilespmem:v17+s26+$0x0], $0xffff  }
0x15b: {  	v28 =	vadd.s32 s16, v8;
	v29 =	vor.u32 v1, v19;
	[tilespmem:v25+s26+$0x0] =	vst.idx.msk $0xffff, v18  }
0x15c: {  	[tilespmem:v27+s26+$0x0] =	vst.idx.msk $0xffff, v20;
	v25 =	vand.u32 $0x7F, v28;
	v18 =	vld.idx.msk [tilespmem:v22+s26+$0x0], $0xffff  }
0x15d: {  	v20 =	vld.idx.msk [tilespmem:v26+s26+$0x0], $0xffff;
	v27 =	vor.u32 v1, v25;
	_ =	sdelay $0x1  }
0x15e: {  	v28 =	vor.u32 v5, v23;
	v21 =	vmul.f32 v21, v11  }
0x15f: {  	v24 =	vor.u32 v7, v24;
	v30 =	vld.idx.msk [tilespmem:v29+s26+$0x0], $0xffff  }
0x160: {  	s24 =	simm.s32 $0x14;
	[tilespmem:v17+s26+$0x0] =	vst.idx.msk $0xffff, v21;
	v18 =	vmul.f32 v18, v14  }
0x161: {  	v17 =	vmul.f32 v20, v12;
	v21 =	vadd.s32 s24, v0;
	v20 =	vld.idx.msk [tilespmem:v27+s26+$0x0], $0xffff  }
0x162: {  	v31 =	vor.u32 v3, v19;
	v21 =	vand.u32 $0x7F, v21;
	[tilespmem:v22+s26+$0x0] =	vst.idx.msk $0xffff, v18  }
0x163: {  	[tilespmem:v26+s26+$0x0] =	vst.idx.msk $0xffff, v17;
	v17 =	vor.u32 v1, v21;
	v18 =	vld.idx.msk [tilespmem:v28+s26+$0x0], $0xffff  }
0x164: {  	v26 =	vld.idx.msk [tilespmem:v24+s26+$0x0], $0xffff;
	v22 =	vmul.f32 v30, v16;
	v30 =	vor.u32 v3, v25  }
0x165: {  	v32 =	vadd.s32 s23, v8  }
0x166: {  	[tilespmem:v29+s26+$0x0] =	vst.idx.msk $0xffff, v22;
	v22 =	vor.u32 v6, v23;
	v20 =	vmul.f32 v20, v16;
	v29 =	vand.u32 $0x7F, v32  }
0x167: {  	v39 =	vld.idx.msk [tilespmem:v31+s26+$0x0], $0xffff;
	v33 =	vor.u32 v1, v29  }
0x168: {  	[tilespmem:v27+s26+$0x0] =	vst.idx.msk $0xffff, v20;
	v20 =	vld.idx.msk [tilespmem:v17+s26+$0x0], $0xffff;
	v18 =	vmul.f32 v18, v13  }
0x169: {  	v26 =	vmul.f32 v26, v11;
	v27 =	vld.idx.msk [tilespmem:v30+s26+$0x0], $0xffff  }
0x16a: {  	v34 =	vor.u32 v4, v19;
	[tilespmem:v28+s26+$0x0] =	vst.idx.msk $0xffff, v18  }
0x16b: {  	[tilespmem:v24+s26+$0x0] =	vst.idx.msk $0xffff, v26;
	v24 =	vor.u32 v3, v21;
	v18 =	vld.idx.msk [tilespmem:v22+s26+$0x0], $0xffff  }
0x16c: {  	v28 =	vor.u32 v4, v25;
	v26 =	vmul.f32 v39, v15;
	v40 =	vld.idx.msk [tilespmem:v33+s26+$0x0], $0xffff  }
0x16d: {  	v20 =	vmul.f32 v20, v16  }
0x16e: {  	v23 =	vor.u32 v7, v23;
	[tilespmem:v31+s26+$0x0] =	vst.idx.msk $0xffff, v26;
	v26 =	vmul.f32 v27, v15  }
0x16f: {  	v27 =	vld.idx.msk [tilespmem:v34+s26+$0x0], $0xffff;
	[tilespmem:v17+s26+$0x0] =	vst.idx.msk $0xffff, v20;
	v20 =	vor.u32 v3, v29  }
0x170: {  	[tilespmem:v30+s26+$0x0] =	vst.idx.msk $0xffff, v26;
	v17 =	vmul.f32 v18, v12;
	v18 =	vld.idx.msk [tilespmem:v24+s26+$0x0], $0xffff  }
0x171: {  	v26 =	vmul.f32 v40, v16;
	v30 =	vld.idx.msk [tilespmem:v28+s26+$0x0], $0xffff  }
0x172: {  	v31 =	vor.u32 v5, v19;
	[tilespmem:v22+s26+$0x0] =	vst.idx.msk $0xffff, v17  }
0x173: {  	v41 =	vor.u32 v4, v21;
	[tilespmem:v33+s26+$0x0] =	vst.idx.msk $0xffff, v26;
	v22 =	vld.idx.msk [tilespmem:v23+s26+$0x0], $0xffff  }
0x174: {  	v17 =	vadd.s32 s4, v9;
	v26 =	vmul.f32 v27, v14;
	v27 =	vor.u32 v5, v25;
	v33 =	vld.idx.msk [tilespmem:v20+s26+$0x0], $0xffff  }
0x175: {  	s14 =	simm.s32 $0x10;
	v17 =	vand.u32 $0x7F, v17;
	v35 =	vmul.f32 v18, v15  }
0x176: {  	[tilespmem:v34+s26+$0x0] =	vst.idx.msk $0xffff, v26;
	v18 =	vadd.s32 s14, v0;
	v26 =	vor.u32 v1, v17;
	v30 =	vmul.f32 v30, v14  }
0x177: {  	v34 =	vld.idx.msk [tilespmem:v31+s26+$0x0], $0xffff;
	v18 =	vand.u32 $0x7F, v18;
	[tilespmem:v24+s26+$0x0] =	vst.idx.msk $0xffff, v35;
	v24 =	vor.u32 v4, v29  }
0x178: {  	v42 =	vor.u32 v1, v18;
	[tilespmem:v28+s26+$0x0] =	vst.idx.msk $0xffff, v30;
	v22 =	vmul.f32 v22, v11;
	v36 =	vld.idx.msk [tilespmem:v41+s26+$0x0], $0xffff  }
0x179: {  	v28 =	vmul.f32 v33, v15;
	v30 =	vld.idx.msk [tilespmem:v27+s26+$0x0], $0xffff  }
0x17a: {  	v43 =	vor.u32 v6, v19;
	[tilespmem:v23+s26+$0x0] =	vst.idx.msk $0xffff, v22  }
0x17b: {  	v23 =	vor.u32 v5, v21;
	[tilespmem:v20+s26+$0x0] =	vst.idx.msk $0xffff, v28;
	v22 =	vld.idx.msk [tilespmem:v26+s26+$0x0], $0xffff  }
0x17c: {  	v28 =	vor.u32 v6, v25;
	v20 =	vmul.f32 v34, v13;
	v44 =	vld.idx.msk [tilespmem:v24+s26+$0x0], $0xffff  }
0x17d: {  	v37 =	vld.idx.msk [tilespmem:v42+s26+$0x0], $0xffff;
	v36 =	vmul.f32 v36, v14  }
0x17e: {  	[tilespmem:v31+s26+$0x0] =	vst.idx.msk $0xffff, v20;
	v20 =	vor.u32 v3, v17;
	v30 =	vmul.f32 v30, v13  }
0x17f: {  	v45 =	vor.u32 v5, v29;
	v31 =	vld.idx.msk [tilespmem:v43+s26+$0x0], $0xffff;
	[tilespmem:v41+s26+$0x0] =	vst.idx.msk $0xffff, v36  }
0x180: {  	v46 =	vor.u32 v3, v18;
	[tilespmem:v27+s26+$0x0] =	vst.idx.msk $0xffff, v30;
	v22 =	vmul.f32 v22, v16;
	v38 =	vld.idx.msk [tilespmem:v23+s26+$0x0], $0xffff  }
0x181: {  	v30 =	vld.idx.msk [tilespmem:v28+s26+$0x0], $0xffff;
	v27 =	vmul.f32 v44, v14  }
0x182: {  	v19 =	vor.u32 v7, v19;
	v47 =	vmul.f32 v37, v16;
	[tilespmem:v26+s26+$0x0] =	vst.idx.msk $0xffff, v22  }
0x183: {  	v26 =	vor.u32 v6, v21;
	v22 =	vld.idx.msk [tilespmem:v20+s26+$0x0], $0xffff;
	[tilespmem:v24+s26+$0x0] =	vst.idx.msk $0xffff, v27  }
0x184: {  	v25 =	vor.u32 v7, v25;
	v24 =	vmul.f32 v31, v12;
	[tilespmem:v42+s26+$0x0] =	vst.idx.msk $0xffff, v47;
	v27 =	vld.idx.msk [tilespmem:v45+s26+$0x0], $0xffff  }
0x185: {  	v31 =	vld.idx.msk [tilespmem:v46+s26+$0x0], $0xffff;
	v48 =	vmul.f32 v38, v13  }
0x186: {  	[tilespmem:v43+s26+$0x0] =	vst.idx.msk $0xffff, v24;
	v24 =	vor.u32 v4, v17;
	v30 =	vmul.f32 v30, v12  }
0x187: {  	v49 =	vor.u32 v6, v29;
	v33 =	vld.idx.msk [tilespmem:v19+s26+$0x0], $0xffff;
	[tilespmem:v23+s26+$0x0] =	vst.idx.msk $0xffff, v48  }
0x188: {  	v50 =	vor.u32 v4, v18;
	[tilespmem:v28+s26+$0x0] =	vst.idx.msk $0xffff, v30;
	v22 =	vmul.f32 v22, v15;
	v51 =	vld.idx.msk [tilespmem:v26+s26+$0x0], $0xffff  }
0x189: {  	v54 =	vor.u32 v5, v17;
	v23 =	vadd.s32 s15, v8;
	v28 =	vld.idx.msk [tilespmem:v25+s26+$0x0], $0xffff;
	v27 =	vmul.f32 v27, v13  }
0x18a: {  	v30 =	vadd.s32 s16, v9;
	v23 =	vand.u32 $0x7F, v23;
	v31 =	vmul.f32 v31, v15;
	[tilespmem:v20+s26+$0x0] =	vst.idx.msk $0xffff, v22  }
0x18b: {  	v22 =	vand.u32 $0x7F, v30;
	v30 =	vor.u32 v1, v23;
	v20 =	vld.idx.msk [tilespmem:v24+s26+$0x0], $0xffff;
	[tilespmem:v45+s26+$0x0] =	vst.idx.msk $0xffff, v27  }
0x18c: {  	[tilespmem:v46+s26+$0x0] =	vst.idx.msk $0xffff, v31;
	v31 =	vor.u32 v1, v22;
	v27 =	vmul.f32 v33, v11;
	v32 =	vld.idx.msk [tilespmem:v49+s26+$0x0], $0xffff  }
0x18d: {  	v29 =	vor.u32 v7, v29;
	v21 =	vor.u32 v7, v21;
	v52 =	vld.idx.msk [tilespmem:v50+s26+$0x0], $0xffff;
	v53 =	vmul.f32 v51, v12  }
0x18e: {  	s21 =	simm.s32 $0x1C;
	v37 =	vadd.s32 s16, v10;
	v47 =	vor.u32 v6, v18;
	[tilespmem:v19+s26+$0x0] =	vst.idx.msk $0xffff, v27;
	v19 =	vmul.f32 v28, v11  }
0x18f: {  	s16 =	simm.s32 $0x18;
	v41 =	vor.u32 v3, v23;
	v28 =	vor.u32 v5, v18;
	[tilespmem:v26+s26+$0x0] =	vst.idx.msk $0xffff, v53;
	v26 =	vadd.s32 s21, v0  }
0x190: {  	v55 =	vld.idx.msk [tilespmem:v30+s26+$0x0], $0xffff;
	[tilespmem:v25+s26+$0x0] =	vst.idx.msk $0xffff, v19;
	v19 =	vadd.s32 s16, v0;
	v20 =	vmul.f32 v20, v14;
	v27 =	vand.u32 $0x7F, v26  }
0x191: {  	v56 =	vld.idx.msk [tilespmem:v31+s26+$0x0], $0xffff;
	v25 =	vand.u32 $0x7F, v19;
	v26 =	vmul.f32 v32, v12;
	v39 =	vor.u32 v1, v27  }
0x192: {  	v19 =	vmul.f32 v52, v14;
	[tilespmem:v24+s26+$0x0] =	vst.idx.msk $0xffff, v20;
	v20 =	vld.idx.msk [tilespmem:v21+s26+$0x0], $0xffff;
	v24 =	vor.u32 v1, v25  }
0x193: {  	v63 =	vor.u32 v4, v23;
	v40 =	vld.idx.msk [tilespmem:v54+s26+$0x0], $0xffff;
	[tilespmem:v49+s26+$0x0] =	vst.idx.msk $0xffff, v26;
	v26 =	vadd.s32 s24, v8  }
0x194: {  	v57 =	vadd.s32 s15, v9;
	v59 =	vor.u32 v3, v22;
	[tilespmem:v50+s26+$0x0] =	vst.idx.msk $0xffff, v19;
	v42 =	vld.idx.msk [tilespmem:v29+s26+$0x0], $0xffff;
	v26 =	vand.u32 $0x7F, v26  }
0x195: {  	v19 =	vadd.s32 s23, v9;
	v43 =	vld.idx.msk [tilespmem:v28+s26+$0x0], $0xffff;
	v36 =	vmul.f32 v55, v16;
	v44 =	vor.u32 v1, v26  }
0x196: {  	v45 =	vor.u32 v6, v17;
	v19 =	vand.u32 $0x7F, v19;
	v32 =	vmul.f32 v56, v16;
	v46 =	vld.idx.msk [tilespmem:v39+s26+$0x0], $0xffff  }
0x197: {  	v60 =	vor.u32 v1, v19;
	[tilespmem:v30+s26+$0x0] =	vst.idx.msk $0xffff, v36;
	v20 =	vmul.f32 v20, v11;
	v30 =	vld.idx.msk [tilespmem:v24+s26+$0x0], $0xffff  }
0x198: {  	v53 =	vor.u32 v7, v17;
	v48 =	vld.idx.msk [tilespmem:v41+s26+$0x0], $0xffff;
	[tilespmem:v31+s26+$0x0] =	vst.idx.msk $0xffff, v32;
	v40 =	vmul.f32 v40, v13  }
0x199: {  	v61 =	vor.u32 v3, v27;
	[tilespmem:v21+s26+$0x0] =	vst.idx.msk $0xffff, v20;
	v20 =	vmul.f32 v42, v11;
	v21 =	vld.idx.msk [tilespmem:v59+s26+$0x0], $0xffff  }
0x19a: {  	v38 =	vor.u32 v3, v25;
	v31 =	vmul.f32 v43, v13;
	[tilespmem:v54+s26+$0x0] =	vst.idx.msk $0xffff, v40;
	v62 =	vld.idx.msk [tilespmem:v44+s26+$0x0], $0xffff  }
0x19b: {  	v34 =	vor.u32 v4, v25;
	v40 =	vld.idx.msk [tilespmem:v45+s26+$0x0], $0xffff;
	[tilespmem:v29+s26+$0x0] =	vst.idx.msk $0xffff, v20;
	v20 =	vmul.f32 v46, v16  }
0x19c: {  	v52 =	vor.u32 v3, v26;
	[tilespmem:v28+s26+$0x0] =	vst.idx.msk $0xffff, v31;
	v29 =	vmul.f32 v30, v16;
	v30 =	vld.idx.msk [tilespmem:v60+s26+$0x0], $0xffff  }
0x19d: {  	v28 =	vor.u32 v4, v22;
	v46 =	vld.idx.msk [tilespmem:v47+s26+$0x0], $0xffff;
	[tilespmem:v39+s26+$0x0] =	vst.idx.msk $0xffff, v20;
	v20 =	vmul.f32 v48, v15  }
0x19e: {  	v58 =	vadd.s32 s15, v10;
	v32 =	vand.u32 $0x7F, v57;
	v43 =	vor.u32 v7, v22;
	[tilespmem:v24+s26+$0x0] =	vst.idx.msk $0xffff, v29;
	v24 =	vld.idx.msk [tilespmem:v61+s26+$0x0], $0xffff  }
0x19f: {  	v48 =	vor.u32 v6, v27;
	v17 =	vmul.f32 v21, v15;
	v21 =	vld.idx.msk [tilespmem:v38+s26+$0x0], $0xffff;
	[tilespmem:v41+s26+$0x0] =	vst.idx.msk $0xffff, v20  }
0x1a0: {  	v29 =	vor.u32 v3, v19;
	v20 =	vmul.f32 v62, v16;
	v54 =	vmul.f32 v40, v12;
	v55 =	vld.idx.msk [tilespmem:v63+s26+$0x0], $0xffff  }
0x1a1: {  	[tilespmem:v59+s26+$0x0] =	vst.idx.msk $0xffff, v17;
	v40 =	vor.u32 v4, v27;
	v17 =	vand.u32 $0x7F, v58;
	v58 =	vor.u32 v5, v23  }
0x1a2: {  	v59 =	vor.u32 v5, v22;
	v35 =	vld.idx.msk [tilespmem:v28+s26+$0x0], $0xffff;
	[tilespmem:v44+s26+$0x0] =	vst.idx.msk $0xffff, v20;
	v20 =	vmul.f32 v30, v16  }
0x1a3: {  	v31 =	vand.u32 $0x7F, v37;
	v30 =	vadd.s32 s14, v8;
	v44 =	vor.u32 v5, v19;
	[tilespmem:v45+s26+$0x0] =	vst.idx.msk $0xffff, v54;
	v56 =	vld.idx.msk [tilespmem:v52+s26+$0x0], $0xffff  }
0x1a4: {  	v33 =	vand.u32 $0x7F, v30;
	v30 =	vadd.s32 s14, v9;
	v57 =	vld.idx.msk [tilespmem:v53+s26+$0x0], $0xffff;
	v24 =	vmul.f32 v24, v15;
	[tilespmem:v60+s26+$0x0] =	vst.idx.msk $0xffff, v20  }
0x1a5: {  	v45 =	vor.u32 v3, v31;
	v20 =	vadd.s32 s4, v10;
	v21 =	vmul.f32 v21, v15;
	v60 =	vld.idx.msk [tilespmem:v29+s26+$0x0], $0xffff  }
0x1a6: {  	v20 =	vand.u32 $0x7F, v20;
	[tilespmem:v61+s26+$0x0] =	vst.idx.msk $0xffff, v24;
	v24 =	vmul.f32 v55, v14;
	v61 =	vor.u32 v4, v26  }
0x1a7: {  	[tilespmem:v38+s26+$0x0] =	vst.idx.msk $0xffff, v21;
	v21 =	vld.idx.msk [tilespmem:v40+s26+$0x0], $0xffff;
	v35 =	vmul.f32 v35, v14;
	v38 =	vor.u32 v1, v20  }
0x1a8: {  	v62 =	vld.idx.msk [tilespmem:v34+s26+$0x0], $0xffff;
	[tilespmem:v63+s26+$0x0] =	vst.idx.msk $0xffff, v24;
	v24 =	vmul.f32 v56, v15;
	v63 =	vor.u32 v4, v19  }
0x1a9: {  	v50 =	vor.u32 v1, v33;
	v41 =	vmul.f32 v57, v11;
	v49 =	vld.idx.msk [tilespmem:v58+s26+$0x0], $0xffff;
	[tilespmem:v28+s26+$0x0] =	vst.idx.msk $0xffff, v35  }
0x1aa: {  	v35 =	vor.u32 v5, v27;
	v28 =	vld.idx.msk [tilespmem:v59+s26+$0x0], $0xffff;
	[tilespmem:v52+s26+$0x0] =	vst.idx.msk $0xffff, v24;
	v24 =	vmul.f32 v60, v15  }
0x1ab: {  	v52 =	vmul.f32 v46, v12;
	[tilespmem:v53+s26+$0x0] =	vst.idx.msk $0xffff, v41;
	v41 =	vor.u32 v5, v25;
	v53 =	vld.idx.msk [tilespmem:v61+s26+$0x0], $0xffff  }
0x1ac: {  	v46 =	vor.u32 v6, v23;
	v54 =	vmul.f32 v21, v14;
	[tilespmem:v29+s26+$0x0] =	vst.idx.msk $0xffff, v24;
	v24 =	vld.idx.msk [tilespmem:v38+s26+$0x0], $0xffff  }
0x1ad: {  	[tilespmem:v47+s26+$0x0] =	vst.idx.msk $0xffff, v52;
	v29 =	vor.u32 v6, v22;
	v55 =	vmul.f32 v62, v14;
	v56 =	vld.idx.msk [tilespmem:v63+s26+$0x0], $0xffff  }
0x1ae: {  	v21 =	vand.u32 $0x7F, v30;
	[tilespmem:v40+s26+$0x0] =	vst.idx.msk $0xffff, v54;
	v30 =	vmul.f32 v49, v13;
	v40 =	vor.u32 v5, v26  }
0x1af: {  	v47 =	vor.u32 v3, v20;
	[tilespmem:v34+s26+$0x0] =	vst.idx.msk $0xffff, v55;
	v57 =	vld.idx.msk [tilespmem:v35+s26+$0x0], $0xffff;
	v28 =	vmul.f32 v28, v13  }
0x1b0: {  	v37 =	vor.u32 v5, v20;
	v39 =	vld.idx.msk [tilespmem:v41+s26+$0x0], $0xffff;
	[tilespmem:v58+s26+$0x0] =	vst.idx.msk $0xffff, v30;
	v30 =	vmul.f32 v53, v14  }
0x1b1: {  	v58 =	vld.idx.msk [tilespmem:v46+s26+$0x0], $0xffff;
	[tilespmem:v59+s26+$0x0] =	vst.idx.msk $0xffff, v28;
	v28 =	vor.u32 v7, v18;
	v18 =	vmul.f32 v24, v16  }
0x1b2: {  	v60 =	vor.u32 v6, v25;
	v36 =	vld.idx.msk [tilespmem:v29+s26+$0x0], $0xffff;
	[tilespmem:v61+s26+$0x0] =	vst.idx.msk $0xffff, v30;
	v30 =	vmul.f32 v56, v14  }
0x1b3: {  	v23 =	vor.u32 v7, v23;
	v49 =	vor.u32 v1, v32;
	v61 =	vld.idx.msk [tilespmem:v40+s26+$0x0], $0xffff;
	[tilespmem:v38+s26+$0x0] =	vst.idx.msk $0xffff, v18  }
0x1b4: {  	v55 =	vadd.s32 s16, v9;
	v34 =	vmul.f32 v57, v13;
	[tilespmem:v63+s26+$0x0] =	vst.idx.msk $0xffff, v30;
	v30 =	vld.idx.msk [tilespmem:v47+s26+$0x0], $0xffff  }
0x1b5: {  	v24 =	vadd.s32 s14, v10;
	v59 =	vadd.s32 s16, v8;
	v62 =	vmul.f32 v39, v13;
	v63 =	vld.idx.msk [tilespmem:v44+s26+$0x0], $0xffff  }
0x1b6: {  	v18 =	vand.u32 $0x7F, v24;
	v24 =	vand.u32 $0x7F, v59;
	[tilespmem:v35+s26+$0x0] =	vst.idx.msk $0xffff, v34;
	v22 =	vld.idx.msk [tilespmem:v28+s26+$0x0], $0xffff;
	v52 =	vmul.f32 v58, v12  }
0x1b7: {  	v38 =	vor.u32 v6, v26;
	[tilespmem:v41+s26+$0x0] =	vst.idx.msk $0xffff, v62;
	v35 =	vld.idx.msk [tilespmem:v48+s26+$0x0], $0xffff;
	v36 =	vmul.f32 v36, v12  }
0x1b8: {  	v41 =	vor.u32 v4, v20;
	v53 =	vld.idx.msk [tilespmem:v60+s26+$0x0], $0xffff;
	[tilespmem:v46+s26+$0x0] =	vst.idx.msk $0xffff, v52;
	v54 =	vmul.f32 v61, v13  }
0x1b9: {  	v39 =	vor.u32 v7, v27;
	[tilespmem:v29+s26+$0x0] =	vst.idx.msk $0xffff, v36;
	v29 =	vmul.f32 v30, v15;
	v56 =	vld.idx.msk [tilespmem:v23+s26+$0x0], $0xffff  }
0x1ba: {  	s4 =	simm.s32 $0x24;
	v46 =	vor.u32 v1, v31;
	[tilespmem:v40+s26+$0x0] =	vst.idx.msk $0xffff, v54;
	v30 =	vmul.f32 v63, v13;
	v57 =	vld.idx.msk [tilespmem:v43+s26+$0x0], $0xffff  }
0x1bb: {  	v61 =	vadd.s32 s4, v0;
	v27 =	vmul.f32 v22, v11;
	[tilespmem:v47+s26+$0x0] =	vst.idx.msk $0xffff, v29;
	v29 =	vor.u32 v6, v19  }
0x1bc: {  	s15 =	simm.s32 $0x20;
	v52 =	vor.u32 v7, v19;
	v40 =	vld.idx.msk [tilespmem:v38+s26+$0x0], $0xffff;
	v35 =	vmul.f32 v35, v12;
	[tilespmem:v44+s26+$0x0] =	vst.idx.msk $0xffff, v30  }
0x1bd: {  	v36 =	vand.u32 $0x7F, v61;
	v61 =	vadd.s32 s15, v9;
	v58 =	vmul.f32 v53, v12;
	[tilespmem:v28+s26+$0x0] =	vst.idx.msk $0xffff, v27;
	v28 =	vld.idx.msk [tilespmem:v41+s26+$0x0], $0xffff  }
0x1be: {  	v47 =	vor.u32 v3, v32;
	[tilespmem:v48+s26+$0x0] =	vst.idx.msk $0xffff, v35;
	v59 =	vld.idx.msk [tilespmem:v50+s26+$0x0], $0xffff;
	v27 =	vmul.f32 v56, v11  }
0x1bf: {  	v44 =	vor.u32 v7, v26;
	[tilespmem:v60+s26+$0x0] =	vst.idx.msk $0xffff, v58;
	v60 =	vld.idx.msk [tilespmem:v39+s26+$0x0], $0xffff;
	v26 =	vmul.f32 v57, v11  }
0x1c0: {  	v22 =	vand.u32 $0x7F, v55;
	v30 =	vor.u32 v5, v31;
	v62 =	vld.idx.msk [tilespmem:v29+s26+$0x0], $0xffff;
	[tilespmem:v23+s26+$0x0] =	vst.idx.msk $0xffff, v27;
	v23 =	vadd.s32 s15, v0  }
0x1c1: {  	v63 =	vmul.f32 v40, v12;
	v51 =	vld.idx.msk [tilespmem:v49+s26+$0x0], $0xffff;
	[tilespmem:v43+s26+$0x0] =	vst.idx.msk $0xffff, v26;
	v43 =	vor.u32 v1, v36  }
0x1c2: {  	v40 =	vor.u32 v3, v33;
	v27 =	vand.u32 $0x7F, v23;
	v23 =	vld.idx.msk [tilespmem:v46+s26+$0x0], $0xffff;
	v26 =	vmul.f32 v28, v14  }
0x1c3: {  	v56 =	vadd.s32 s16, v10;
	v53 =	vor.u32 v1, v27;
	[tilespmem:v38+s26+$0x0] =	vst.idx.msk $0xffff, v63;
	v28 =	vmul.f32 v59, v16  }
0x1c4: {  	v19 =	vand.u32 $0x7F, v56;
	v58 =	vadd.s32 s21, v8;
	v38 =	vld.idx.msk [tilespmem:v44+s26+$0x0], $0xffff;
	[tilespmem:v41+s26+$0x0] =	vst.idx.msk $0xffff, v26;
	v26 =	vmul.f32 v60, v11  }
0x1c5: {  	v34 =	vand.u32 $0x7F, v58;
	v41 =	vld.idx.msk [tilespmem:v37+s26+$0x0], $0xffff;
	[tilespmem:v50+s26+$0x0] =	vst.idx.msk $0xffff, v28;
	v28 =	vadd.s32 s24, v9;
	v59 =	vmul.f32 v62, v12  }
0x1c6: {  	v48 =	vld.idx.msk [tilespmem:v43+s26+$0x0], $0xffff;
	[tilespmem:v39+s26+$0x0] =	vst.idx.msk $0xffff, v26;
	v39 =	vor.u32 v1, v34;
	v60 =	vmul.f32 v51, v16  }
0x1c7: {  	v57 =	vadd.s32 s15, v8;
	v28 =	vand.u32 $0x7F, v28;
	v62 =	vld.idx.msk [tilespmem:v40+s26+$0x0], $0xffff;
	[tilespmem:v29+s26+$0x0] =	vst.idx.msk $0xffff, v59;
	v29 =	vmul.f32 v23, v16  }
0x1c8: {  	v55 =	vor.u32 v3, v27;
	v54 =	vld.idx.msk [tilespmem:v53+s26+$0x0], $0xffff;
	v42 =	vor.u32 v1, v28;
	[tilespmem:v49+s26+$0x0] =	vst.idx.msk $0xffff, v60  }
0x1c9: {  	v38 =	vmul.f32 v38, v11;
	v49 =	vld.idx.msk [tilespmem:v47+s26+$0x0], $0xffff;
	[tilespmem:v46+s26+$0x0] =	vst.idx.msk $0xffff, v29;
	v29 =	vor.u32 v6, v20  }
0x1ca: {  	v50 =	vor.u32 v4, v33;
	v46 =	vor.u32 v3, v36;
	v63 =	vld.idx.msk [tilespmem:v45+s26+$0x0], $0xffff;
	v41 =	vmul.f32 v41, v13  }
0x1cb: {  	v51 =	vor.u32 v4, v27;
	[tilespmem:v44+s26+$0x0] =	vst.idx.msk $0xffff, v38;
	v56 =	vld.idx.msk [tilespmem:v39+s26+$0x0], $0xffff;
	v58 =	vmul.f32 v48, v16  }
0x1cc: {  	v26 =	vand.u32 $0x7F, v57;
	v23 =	vand.u32 $0x7F, v61;
	v48 =	vld.idx.msk [tilespmem:v52+s26+$0x0], $0xffff;
	v35 =	vmul.f32 v62, v15;
	[tilespmem:v37+s26+$0x0] =	vst.idx.msk $0xffff, v41  }
0x1cd: {  	v44 =	vor.u32 v4, v32;
	v59 =	vmul.f32 v54, v16;
	v54 =	vld.idx.msk [tilespmem:v42+s26+$0x0], $0xffff;
	[tilespmem:v43+s26+$0x0] =	vst.idx.msk $0xffff, v58  }
0x1ce: {  	v41 =	vor.u32 v4, v31;
	[tilespmem:v40+s26+$0x0] =	vst.idx.msk $0xffff, v35;
	v43 =	vld.idx.msk [tilespmem:v29+s26+$0x0], $0xffff;
	v60 =	vmul.f32 v49, v15  }
0x1cf: {  	[tilespmem:v53+s26+$0x0] =	vst.idx.msk $0xffff, v59;
	v61 =	vld.idx.msk [tilespmem:v46+s26+$0x0], $0xffff;
	v53 =	vor.u32 v3, v34;
	v62 =	vmul.f32 v63, v15  }
0x1d0: {  	v40 =	vld.idx.msk [tilespmem:v55+s26+$0x0], $0xffff;
	v63 =	vmul.f32 v56, v16;
	v56 =	vor.u32 v3, v28;
	[tilespmem:v47+s26+$0x0] =	vst.idx.msk $0xffff, v60  }
0x1d1: {  	v37 =	vor.u32 v7, v20;
	v59 =	vld.idx.msk [tilespmem:v50+s26+$0x0], $0xffff;
	v20 =	vmul.f32 v48, v11;
	[tilespmem:v45+s26+$0x0] =	vst.idx.msk $0xffff, v62  }
0x1d2: {  	v35 =	vld.idx.msk [tilespmem:v44+s26+$0x0], $0xffff;
	v45 =	vor.u32 v4, v36;
	v60 =	vmul.f32 v54, v16;
	[tilespmem:v39+s26+$0x0] =	vst.idx.msk $0xffff, v63  }
0x1d3: {  	v38 =	vor.u32 v5, v32;
	v48 =	vld.idx.msk [tilespmem:v41+s26+$0x0], $0xffff;
	[tilespmem:v52+s26+$0x0] =	vst.idx.msk $0xffff, v20;
	v20 =	vmul.f32 v43, v12  }
0x1d4: {  	v43 =	vor.u32 v5, v33;
	v52 =	vld.idx.msk [tilespmem:v53+s26+$0x0], $0xffff;
	v49 =	vmul.f32 v61, v15;
	[tilespmem:v42+s26+$0x0] =	vst.idx.msk $0xffff, v60  }
0x1d5: {  	v62 =	vadd.s32 s23, v10;
	v61 =	vadd.s32 s15, v10;
	v40 =	vmul.f32 v40, v15;
	v63 =	vld.idx.msk [tilespmem:v56+s26+$0x0], $0xffff;
	[tilespmem:v29+s26+$0x0] =	vst.idx.msk $0xffff, v20  }
0x1d6: {  	v57 =	vmul.f32 v59, v14;
	v20 =	vand.u32 $0x7F, v61;
	v29 =	vand.u32 $0x7F, v62;
	[tilespmem:v46+s26+$0x0] =	vst.idx.msk $0xffff, v49;
	v58 =	vld.idx.msk [tilespmem:v37+s26+$0x0], $0xffff  }
0x1d7: {  	v46 =	vor.u32 v4, v34;
	[tilespmem:v55+s26+$0x0] =	vst.idx.msk $0xffff, v40;
	v59 =	vld.idx.msk [tilespmem:v45+s26+$0x0], $0xffff;
	v35 =	vmul.f32 v35, v14  }
0x1d8: {  	[tilespmem:v50+s26+$0x0] =	vst.idx.msk $0xffff, v57;
	v39 =	vor.u32 v1, v29;
	v60 =	vld.idx.msk [tilespmem:v51+s26+$0x0], $0xffff;
	v48 =	vmul.f32 v48, v14  }
0x1d9: {  	v61 =	vmul.f32 v52, v15;
	v50 =	vld.idx.msk [tilespmem:v43+s26+$0x0], $0xffff;
	v52 =	vor.u32 v4, v28;
	[tilespmem:v44+s26+$0x0] =	vst.idx.msk $0xffff, v35  }
0x1da: {  	v44 =	vor.u32 v5, v36;
	v35 =	vld.idx.msk [tilespmem:v38+s26+$0x0], $0xffff;
	[tilespmem:v41+s26+$0x0] =	vst.idx.msk $0xffff, v48;
	v62 =	vmul.f32 v63, v15  }
0x1db: {  	v49 =	vor.u32 v5, v27;
	[tilespmem:v53+s26+$0x0] =	vst.idx.msk $0xffff, v61;
	v48 =	vld.idx.msk [tilespmem:v30+s26+$0x0], $0xffff;
	v42 =	vmul.f32 v58, v11  }
0x1dc: {  	v53 =	vor.u32 v6, v33;
	v63 =	vld.idx.msk [tilespmem:v46+s26+$0x0], $0xffff;
	v40 =	vmul.f32 v59, v14;
	[tilespmem:v56+s26+$0x0] =	vst.idx.msk $0xffff, v62  }
0x1dd: {  	v57 =	vor.u32 v7, v25;
	v41 =	vld.idx.msk [tilespmem:v39+s26+$0x0], $0xffff;
	v47 =	vmul.f32 v60, v14;
	[tilespmem:v37+s26+$0x0] =	vst.idx.msk $0xffff, v42  }
0x1de: {  	v55 =	vor.u32 v6, v32;
	v37 =	vld.idx.msk [tilespmem:v52+s26+$0x0], $0xffff;
	[tilespmem:v45+s26+$0x0] =	vst.idx.msk $0xffff, v40;
	v59 =	vmul.f32 v50, v13  }
0x1df: {  	v54 =	vor.u32 v5, v28;
	v56 =	vor.u32 v6, v31;
	[tilespmem:v51+s26+$0x0] =	vst.idx.msk $0xffff, v47;
	v60 =	vld.idx.msk [tilespmem:v44+s26+$0x0], $0xffff  }
0x1e0: {  	v47 =	vor.u32 v5, v34;
	v35 =	vmul.f32 v35, v13;
	v45 =	vld.idx.msk [tilespmem:v49+s26+$0x0], $0xffff;
	[tilespmem:v43+s26+$0x0] =	vst.idx.msk $0xffff, v59  }
0x1e1: {  	v51 =	vor.u32 v3, v29;
	v61 =	vmul.f32 v48, v13;
	v62 =	vmul.f32 v63, v14;
	v63 =	vld.idx.msk [tilespmem:v53+s26+$0x0], $0xffff  }
0x1e2: {  	v58 =	vor.u32 v6, v36;
	[tilespmem:v38+s26+$0x0] =	vst.idx.msk $0xffff, v35;
	v35 =	vor.u32 v7, v31;
	v31 =	vld.idx.msk [tilespmem:v57+s26+$0x0], $0xffff  }
0x1e3: {  	v42 =	vor.u32 v4, v29;
	v41 =	vmul.f32 v41, v16;
	v25 =	vld.idx.msk [tilespmem:v55+s26+$0x0], $0xffff;
	[tilespmem:v30+s26+$0x0] =	vst.idx.msk $0xffff, v61  }
0x1e4: {  	[tilespmem:v46+s26+$0x0] =	vst.idx.msk $0xffff, v62;
	v37 =	vmul.f32 v37, v14;
	v38 =	vld.idx.msk [tilespmem:v56+s26+$0x0], $0xffff;
	v46 =	vor.u32 v6, v27  }
0x1e5: {  	[tilespmem:v39+s26+$0x0] =	vst.idx.msk $0xffff, v41;
	v41 =	vor.u32 v7, v33;
	v50 =	vld.idx.msk [tilespmem:v47+s26+$0x0], $0xffff;
	v60 =	vmul.f32 v60, v13  }
0x1e6: {  	v43 =	vor.u32 v7, v32;
	v39 =	vld.idx.msk [tilespmem:v51+s26+$0x0], $0xffff;
	[tilespmem:v52+s26+$0x0] =	vst.idx.msk $0xffff, v37;
	v61 =	vmul.f32 v45, v13  }
0x1e7: {  	v40 =	vor.u32 v1, v21;
	v52 =	vld.idx.msk [tilespmem:v54+s26+$0x0], $0xffff;
	[tilespmem:v44+s26+$0x0] =	vst.idx.msk $0xffff, v60;
	v62 =	vmul.f32 v63, v12  }
0x1e8: {  	v45 =	vor.u32 v1, v24;
	[tilespmem:v49+s26+$0x0] =	vst.idx.msk $0xffff, v61;
	v63 =	vld.idx.msk [tilespmem:v58+s26+$0x0], $0xffff;
	v25 =	vmul.f32 v25, v12  }
0x1e9: {  	v37 =	vor.u32 v6, v34;
	v59 =	vld.idx.msk [tilespmem:v46+s26+$0x0], $0xffff;
	[tilespmem:v53+s26+$0x0] =	vst.idx.msk $0xffff, v62;
	v60 =	vmul.f32 v38, v12  }
0x1ea: {  	v30 =	vor.u32 v5, v29;
	v31 =	vmul.f32 v31, v11;
	v53 =	vld.idx.msk [tilespmem:v41+s26+$0x0], $0xffff;
	[tilespmem:v55+s26+$0x0] =	vst.idx.msk $0xffff, v25  }
0x1eb: {  	v38 =	vor.u32 v6, v28;
	v61 =	vmul.f32 v50, v13;
	v55 =	vld.idx.msk [tilespmem:v43+s26+$0x0], $0xffff;
	[tilespmem:v56+s26+$0x0] =	vst.idx.msk $0xffff, v60  }
0x1ec: {  	v44 =	vor.u32 v7, v36;
	[tilespmem:v57+s26+$0x0] =	vst.idx.msk $0xffff, v31;
	v39 =	vmul.f32 v39, v15;
	v36 =	vld.idx.msk [tilespmem:v35+s26+$0x0], $0xffff  }
0x1ed: {  	v33 =	vor.u32 v3, v17;
	[tilespmem:v47+s26+$0x0] =	vst.idx.msk $0xffff, v61;
	v62 =	vmul.f32 v52, v13;
	v52 =	vld.idx.msk [tilespmem:v45+s26+$0x0], $0xffff  }
0x1ee: {  	v25 =	vor.u32 v5, v17;
	[tilespmem:v51+s26+$0x0] =	vst.idx.msk $0xffff, v39;
	v50 =	vld.idx.msk [tilespmem:v37+s26+$0x0], $0xffff;
	v32 =	vmul.f32 v63, v12  }
0x1ef: {  	v47 =	vor.u32 v1, v17;
	v51 =	vld.idx.msk [tilespmem:v42+s26+$0x0], $0xffff;
	[tilespmem:v54+s26+$0x0] =	vst.idx.msk $0xffff, v62;
	v63 =	vmul.f32 v59, v12  }
0x1f0: {  	v39 =	vor.u32 v3, v21;
	v48 =	vld.idx.msk [tilespmem:v38+s26+$0x0], $0xffff;
	[tilespmem:v58+s26+$0x0] =	vst.idx.msk $0xffff, v32;
	v31 =	vmul.f32 v53, v11  }
0x1f1: {  	s16 =	simm.s32 $0x8;
	s23 =	simm.s32 $0x2C;
	[tilespmem:v46+s26+$0x0] =	vst.idx.msk $0xffff, v63;
	v49 =	vld.idx.msk [tilespmem:v44+s26+$0x0], $0xffff;
	v46 =	vor.u32 v7, v34;
	v32 =	vmul.f32 v55, v11  }
.LBB2_5:
0x1f2: {  	s14 =	sadd.s32 $0xFFFFFFFC, s23;
	v55 =	vadd.s32 s23, v0;
	s16 =	sadd.s32 $0x2, s16;
	[tilespmem:v41+s26+$0x0] =	vst.idx.msk $0xffff, v31;
	v41 =	vor.u32 v7, v28;
	v28 =	vmul.f32 v36, v11  }
0x1f3: {  	v50 =	vmul.f32 v50, v12;
	v36 =	vadd.s32 s14, v0;
	v31 =	vand.u32 $0x7F, v55;
	p0 =	slt.u32 s16, $0x1E;
	v53 =	vld.idx.msk [tilespmem:v40+s26+$0x0], $0xffff;
	[tilespmem:v43+s26+$0x0] =	vst.idx.msk $0xffff, v32  }
0x1f4: {  	v34 =	vmovc v22;
	v32 =	vmul.f32 v51, v14;
	v36 =	vand.u32 $0x7F, v36;
	v43 =	vor.u32 v1, v31;
	v54 =	vld.idx.msk [tilespmem:v47+s26+$0x0], $0xffff  }
0x1f5: {  	v22 =	vadd.s32 s14, v8;
	v55 =	vor.u32 v3, v24;
	v51 =	vor.u32 v1, v36;
	[tilespmem:v37+s26+$0x0] =	vst.idx.msk $0xffff, v50  }
0x1f6: {  	v58 =	vadd.s32 s14, v9;
	v37 =	vand.u32 $0x7F, v22;
	v50 =	vmul.f32 v52, v16;
	v52 =	vld.idx.msk [tilespmem:v46+s26+$0x0], $0xffff;
	[tilespmem:v42+s26+$0x0] =	vst.idx.msk $0xffff, v32  }
0x1f7: {  	v57 =	vadd.s32 s4, v8;
	v42 =	vand.u32 $0x7F, v58;
	v49 =	vmul.f32 v49, v11;
	v56 =	vld.idx.msk [tilespmem:v30+s26+$0x0], $0xffff;
	[tilespmem:v35+s26+$0x0] =	vst.idx.msk $0xffff, v28  }
0x1f8: {  	v32 =	vand.u32 $0x7F, v57;
	v22 =	vmovc v23;
	v28 =	vadd.s32 s21, v9;
	v35 =	vmul.f32 v48, v12;
	[tilespmem:v45+s26+$0x0] =	vst.idx.msk $0xffff, v50  }
0x1f9: {  	v53 =	vmul.f32 v53, v16;
	v45 =	vld.idx.msk [tilespmem:v43+s26+$0x0], $0xffff;
	[tilespmem:v44+s26+$0x0] =	vst.idx.msk $0xffff, v49;
	v44 =	vor.u32 v1, v32  }
0x1fa: {  	v28 =	vand.u32 $0x7F, v28;
	v49 =	vadd.s32 s14, v10;
	v48 =	vld.idx.msk [tilespmem:v51+s26+$0x0], $0xffff;
	[tilespmem:v38+s26+$0x0] =	vst.idx.msk $0xffff, v35;
	v35 =	vmul.f32 v54, v16  }
0x1fb: {  	v23 =	vmov v42;
	v50 =	vor.u32 v1, v28;
	v38 =	vand.u32 $0x7F, v49;
	v49 =	vld.idx.msk [tilespmem:v55+s26+$0x0], $0xffff;
	[tilespmem:v40+s26+$0x0] =	vst.idx.msk $0xffff, v53  }
0x1fc: {  	v40 =	vmul.f32 v52, v11;
	v42 =	vld.idx.msk [tilespmem:v39+s26+$0x0], $0xffff;
	[tilespmem:v47+s26+$0x0] =	vst.idx.msk $0xffff, v35;
	v47 =	vor.u32 v6, v29  }
0x1fd: {  	v52 =	vor.u32 v3, v31;
	v53 =	vor.u32 v4, v24;
	v35 =	vmul.f32 v56, v13;
	v54 =	vld.idx.msk [tilespmem:v33+s26+$0x0], $0xffff  }
0x1fe: {  	v56 =	vor.u32 v3, v36;
	v57 =	vld.idx.msk [tilespmem:v44+s26+$0x0], $0xffff;
	[tilespmem:v46+s26+$0x0] =	vst.idx.msk $0xffff, v40;
	v40 =	vor.u32 v4, v21  }
0x1ff: {  	v58 =	vor.u32 v4, v17;
	v45 =	vmul.f32 v45, v16;
	v46 =	vld.idx.msk [tilespmem:v41+s26+$0x0], $0xffff;
	[tilespmem:v30+s26+$0x0] =	vst.idx.msk $0xffff, v35  }
0x200: {  	v59 =	vor.u32 v5, v21;
	v60 =	vor.u32 v7, v29;
	v30 =	vmul.f32 v48, v16;
	v48 =	vld.idx.msk [tilespmem:v50+s26+$0x0], $0xffff  }
0x201: {  	v29 =	vmul.f32 v49, v15;
	v35 =	vmov v17;
	[tilespmem:v43+s26+$0x0] =	vst.idx.msk $0xffff, v45;
	v43 =	vadd.s32 s24, v10;
	v45 =	vld.idx.msk [tilespmem:v47+s26+$0x0], $0xffff;
	s24 =	smov.u32 s21;
	s21 =	smov.u32 s4;
	s4 =	smov.u32 s23  }
0x202: {  	v49 =	vor.u32 v3, v32;
	v42 =	vmul.f32 v42, v15;
	[tilespmem:v51+s26+$0x0] =	vst.idx.msk $0xffff, v30;
	v30 =	vld.idx.msk [tilespmem:v52+s26+$0x0], $0xffff  }
0x203: {  	v17 =	vmov v18;
	v51 =	vld.idx.msk [tilespmem:v56+s26+$0x0], $0xffff;
	[tilespmem:v55+s26+$0x0] =	vst.idx.msk $0xffff, v29;
	v29 =	vand.u32 $0x7F, v43;
	v43 =	vmul.f32 v54, v15  }
0x204: {  	v18 =	vmul.f32 v57, v16;
	v55 =	vor.u32 v3, v28;
	v54 =	vld.idx.msk [tilespmem:v53+s26+$0x0], $0xffff;
	[tilespmem:v39+s26+$0x0] =	vst.idx.msk $0xffff, v42  }
0x205: {  	v39 =	vor.u32 v5, v24;
	v46 =	vmul.f32 v46, v11;
	v42 =	vld.idx.msk [tilespmem:v40+s26+$0x0], $0xffff;
	[tilespmem:v33+s26+$0x0] =	vst.idx.msk $0xffff, v43  }
0x206: {  	v33 =	vor.u32 v4, v31;
	v57 =	vmul.f32 v48, v16;
	[tilespmem:v44+s26+$0x0] =	vst.idx.msk $0xffff, v18;
	v43 =	vld.idx.msk [tilespmem:v58+s26+$0x0], $0xffff  }
0x207: {  	v44 =	vor.u32 v4, v36;
	v48 =	vld.idx.msk [tilespmem:v49+s26+$0x0], $0xffff;
	[tilespmem:v41+s26+$0x0] =	vst.idx.msk $0xffff, v46;
	v41 =	vmul.f32 v45, v12  }
0x208: {  	v45 =	vmul.f32 v30, v15;
	v30 =	vor.u32 v5, v29;
	v18 =	vmov v19;
	[tilespmem:v50+s26+$0x0] =	vst.idx.msk $0xffff, v57  }
0x209: {  	v19 =	vmov v20;
	v20 =	vmov v38;
	v46 =	vmul.f32 v51, v15;
	v50 =	vld.idx.msk [tilespmem:v55+s26+$0x0], $0xffff;
	[tilespmem:v47+s26+$0x0] =	vst.idx.msk $0xffff, v41  }
0x20a: {  	v38 =	vmul.f32 v54, v14;
	[tilespmem:v52+s26+$0x0] =	vst.idx.msk $0xffff, v45;
	v41 =	vld.idx.msk [tilespmem:v60+s26+$0x0], $0xffff  }
0x20b: {  	v42 =	vmul.f32 v42, v14;
	[tilespmem:v56+s26+$0x0] =	vst.idx.msk $0xffff, v46;
	v45 =	vld.idx.msk [tilespmem:v33+s26+$0x0], $0xffff;
	v46 =	vor.u32 v4, v32  }
0x20c: {  	v43 =	vmul.f32 v43, v14;
	v47 =	vld.idx.msk [tilespmem:v44+s26+$0x0], $0xffff;
	[tilespmem:v53+s26+$0x0] =	vst.idx.msk $0xffff, v38;
	v38 =	vor.u32 v1, v29  }
0x20d: {  	v52 =	vor.u32 v4, v28;
	v48 =	vmul.f32 v48, v15;
	v51 =	vld.idx.msk [tilespmem:v39+s26+$0x0], $0xffff;
	[tilespmem:v40+s26+$0x0] =	vst.idx.msk $0xffff, v42  }
0x20e: {  	v40 =	vor.u32 v6, v24;
	v42 =	vld.idx.msk [tilespmem:v59+s26+$0x0], $0xffff;
	[tilespmem:v58+s26+$0x0] =	vst.idx.msk $0xffff, v43  }
0x20f: {  	v53 =	vor.u32 v5, v31;
	v43 =	vmul.f32 v50, v15;
	[tilespmem:v49+s26+$0x0] =	vst.idx.msk $0xffff, v48;
	v48 =	vld.idx.msk [tilespmem:v25+s26+$0x0], $0xffff  }
0x210: {  	v54 =	vor.u32 v6, v21;
	v49 =	vor.u32 v5, v36;
	v41 =	vmul.f32 v41, v11;
	v50 =	vld.idx.msk [tilespmem:v46+s26+$0x0], $0xffff  }
0x211: {  	v45 =	vmul.f32 v45, v14;
	[tilespmem:v55+s26+$0x0] =	vst.idx.msk $0xffff, v43;
	v43 =	vld.idx.msk [tilespmem:v38+s26+$0x0], $0xffff;
	v55 =	vor.u32 v6, v35  }
0x212: {  	v47 =	vmul.f32 v47, v14;
	v56 =	vld.idx.msk [tilespmem:v52+s26+$0x0], $0xffff;
	[tilespmem:v60+s26+$0x0] =	vst.idx.msk $0xffff, v41  }
0x213: {  	[tilespmem:v33+s26+$0x0] =	vst.idx.msk $0xffff, v45;
	v33 =	vmul.f32 v51, v13;
	v51 =	vor.u32 v3, v29  }
0x214: {  	v42 =	vmul.f32 v42, v13;
	[tilespmem:v44+s26+$0x0] =	vst.idx.msk $0xffff, v47;
	v44 =	vld.idx.msk [tilespmem:v53+s26+$0x0], $0xffff;
	v47 =	vor.u32 v5, v32  }
0x215: {  	v41 =	vor.u32 v7, v24;
	v24 =	vmul.f32 v48, v13;
	v45 =	vld.idx.msk [tilespmem:v49+s26+$0x0], $0xffff;
	[tilespmem:v39+s26+$0x0] =	vst.idx.msk $0xffff, v33  }
0x216: {  	v48 =	vor.u32 v5, v28;
	v33 =	vmul.f32 v50, v14;
	v39 =	vld.idx.msk [tilespmem:v40+s26+$0x0], $0xffff;
	[tilespmem:v59+s26+$0x0] =	vst.idx.msk $0xffff, v42  }
0x217: {  	v57 =	vor.u32 v7, v27;
	v42 =	vmul.f32 v43, v16;
	v50 =	vld.idx.msk [tilespmem:v54+s26+$0x0], $0xffff;
	[tilespmem:v25+s26+$0x0] =	vst.idx.msk $0xffff, v24  }
0x218: {  	v58 =	vor.u32 v6, v31;
	v56 =	vmul.f32 v56, v14;
	[tilespmem:v46+s26+$0x0] =	vst.idx.msk $0xffff, v33;
	v25 =	vld.idx.msk [tilespmem:v55+s26+$0x0], $0xffff  }
0x219: {  	v43 =	vor.u32 v7, v21;
	v46 =	vor.u32 v6, v36;
	v33 =	vld.idx.msk [tilespmem:v47+s26+$0x0], $0xffff;
	[tilespmem:v38+s26+$0x0] =	vst.idx.msk $0xffff, v42  }
0x21a: {  	v27 =	vmov v36;
	v24 =	vmov v26;
	v38 =	vmul.f32 v44, v13;
	[tilespmem:v52+s26+$0x0] =	vst.idx.msk $0xffff, v56;
	v44 =	vld.idx.msk [tilespmem:v51+s26+$0x0], $0xffff  }
0x21b: {  	v35 =	vor.u32 v7, v35;
	v21 =	vmovc v34;
	v26 =	vmov v37;
	v36 =	vmul.f32 v45, v13;
	v52 =	vld.idx.msk [tilespmem:v48+s26+$0x0], $0xffff  }
0x21c: {  	v42 =	vor.u32 v4, v29;
	[tilespmem:v53+s26+$0x0] =	vst.idx.msk $0xffff, v38;
	v34 =	vld.idx.msk [tilespmem:v57+s26+$0x0], $0xffff;
	v38 =	vmul.f32 v39, v12  }
0x21d: {  	v37 =	vor.u32 v6, v32;
	[tilespmem:v49+s26+$0x0] =	vst.idx.msk $0xffff, v36;
	v39 =	vld.idx.msk [tilespmem:v58+s26+$0x0], $0xffff;
	v36 =	vmul.f32 v50, v12  }
0x21e: {  	v25 =	vmul.f32 v25, v12;
	v49 =	vld.idx.msk [tilespmem:v46+s26+$0x0], $0xffff;
	[tilespmem:v40+s26+$0x0] =	vst.idx.msk $0xffff, v38;
	v40 =	vor.u32 v1, v21  }
0x21f: {  	v33 =	vmul.f32 v33, v13;
	v38 =	vor.u32 v6, v28;
	v53 =	vld.idx.msk [tilespmem:v41+s26+$0x0], $0xffff;
	[tilespmem:v54+s26+$0x0] =	vst.idx.msk $0xffff, v36  }
0x220: {  	v45 =	vor.u32 v1, v24;
	v56 =	vmul.f32 v44, v15;
	v54 =	vld.idx.msk [tilespmem:v43+s26+$0x0], $0xffff;
	[tilespmem:v55+s26+$0x0] =	vst.idx.msk $0xffff, v25  }
0x221: {  	v44 =	vor.u32 v7, v31;
	v31 =	vmul.f32 v52, v13;
	[tilespmem:v47+s26+$0x0] =	vst.idx.msk $0xffff, v33;
	v36 =	vld.idx.msk [tilespmem:v35+s26+$0x0], $0xffff  }
.Ltmp3:
0x222: {  	v25 =	vor.u32 v5, v17;
	v34 =	vmul.f32 v34, v11;
	v50 =	vld.idx.msk [tilespmem:v37+s26+$0x0], $0xffff;
	[tilespmem:v51+s26+$0x0] =	vst.idx.msk $0xffff, v56;
	(pc) =	sbr.rel @p0 .LBB2_5-.Ltmp3, $4  }
0x223: {  	v33 =	vor.u32 v3, v17;
	v39 =	vmul.f32 v39, v12;
	[tilespmem:v48+s26+$0x0] =	vst.idx.msk $0xffff, v31;
	v51 =	vld.idx.msk [tilespmem:v42+s26+$0x0], $0xffff  }
0x224: {  	v47 =	vor.u32 v1, v17;
	v49 =	vmul.f32 v49, v12;
	[tilespmem:v57+s26+$0x0] =	vst.idx.msk $0xffff, v34;
	v48 =	vld.idx.msk [tilespmem:v38+s26+$0x0], $0xffff  }
0x225: {  	v31 =	vmul.f32 v53, v11;
	[tilespmem:v58+s26+$0x0] =	vst.idx.msk $0xffff, v39;
	v52 =	vld.idx.msk [tilespmem:v45+s26+$0x0], $0xffff;
	v39 =	vor.u32 v3, v21  }
0x226: {  	s23 =	sadd.s32 $0x8, s23;
	[tilespmem:v46+s26+$0x0] =	vst.idx.msk $0xffff, v49;
	v49 =	vld.idx.msk [tilespmem:v44+s26+$0x0], $0xffff;
	v46 =	vor.u32 v7, v32;
	v32 =	vmul.f32 v54, v11  }
0x227: {  	_ =	sdelay $0x3  }
0x228: {  	[tilespmem:v41+s26+$0x0] =	vst.idx.msk $0xffff, v31  }
0x229: {  	v31 =	vld.idx.msk [tilespmem:v40+s26+$0x0], $0xffff;
	[tilespmem:v43+s26+$0x0] =	vst.idx.msk $0xffff, v32  }
0x22a: {  	v55 =	vmul.f32 v50, v12;
	v34 =	vld.idx.msk [tilespmem:v47+s26+$0x0], $0xffff  }
0x22b: {  	v41 =	vor.u32 v3, v24;
	v56 =	vmul.f32 v51, v14  }
0x22c: {  	v58 =	vadd.s32 s4, v8;
	[tilespmem:v37+s26+$0x0] =	vst.idx.msk $0xffff, v55;
	v57 =	vmul.f32 v52, v16  }
0x22d: {  	v37 =	vand.u32 $0x7F, v58;
	[tilespmem:v42+s26+$0x0] =	vst.idx.msk $0xffff, v56;
	v49 =	vmul.f32 v49, v11  }
0x22e: {  	v59 =	vld.idx.msk [tilespmem:v46+s26+$0x0], $0xffff;
	v32 =	vor.u32 v1, v37;
	[tilespmem:v45+s26+$0x0] =	vst.idx.msk $0xffff, v57;
	v60 =	vmul.f32 v31, v16  }
0x22f: {  	v43 =	vld.idx.msk [tilespmem:v30+s26+$0x0], $0xffff;
	v31 =	vadd.s32 s21, v9;
	[tilespmem:v44+s26+$0x0] =	vst.idx.msk $0xffff, v49;
	v34 =	vmul.f32 v34, v16  }
0x230: {  	v45 =	vld.idx.msk [tilespmem:v41+s26+$0x0], $0xffff;
	v49 =	vor.u32 v7, v28;
	v31 =	vand.u32 $0x7F, v31;
	[tilespmem:v40+s26+$0x0] =	vst.idx.msk $0xffff, v60  }
0x231: {  	v40 =	vor.u32 v1, v31;
	v42 =	vld.idx.msk [tilespmem:v39+s26+$0x0], $0xffff;
	[tilespmem:v47+s26+$0x0] =	vst.idx.msk $0xffff, v34  }
0x232: {  	v56 =	vmul.f32 v48, v12;
	v34 =	vor.u32 v6, v29;
	v62 =	vld.idx.msk [tilespmem:v33+s26+$0x0], $0xffff  }
0x233: {  	v50 =	vor.u32 v4, v24;
	v61 =	vmul.f32 v59, v11  }
0x234: {  	[tilespmem:v38+s26+$0x0] =	vst.idx.msk $0xffff, v56;
	v44 =	vor.u32 v4, v21;
	v63 =	vld.idx.msk [tilespmem:v32+s26+$0x0], $0xffff;
	v43 =	vmul.f32 v43, v13  }
0x235: {  	v55 =	vor.u32 v4, v17;
	[tilespmem:v46+s26+$0x0] =	vst.idx.msk $0xffff, v61;
	v28 =	vmul.f32 v45, v15;
	v61 =	vld.idx.msk [tilespmem:v49+s26+$0x0], $0xffff  }
0x236: {  	[tilespmem:v30+s26+$0x0] =	vst.idx.msk $0xffff, v43;
	v30 =	vld.idx.msk [tilespmem:v40+s26+$0x0], $0xffff;
	v42 =	vmul.f32 v42, v15  }
0x237: {  	[tilespmem:v41+s26+$0x0] =	vst.idx.msk $0xffff, v28;
	v57 =	vld.idx.msk [tilespmem:v34+s26+$0x0], $0xffff;
	v59 =	vmul.f32 v62, v15  }
0x238: {  	v36 =	vmul.f32 v36, v11;
	v58 =	vor.u32 v3, v37;
	v60 =	vld.idx.msk [tilespmem:v50+s26+$0x0], $0xffff;
	[tilespmem:v39+s26+$0x0] =	vst.idx.msk $0xffff, v42  }
0x239: {  	v38 =	vor.u32 v3, v31;
	v62 =	vmul.f32 v63, v16;
	v39 =	vld.idx.msk [tilespmem:v44+s26+$0x0], $0xffff;
	[tilespmem:v33+s26+$0x0] =	vst.idx.msk $0xffff, v59  }
0x23a: {  	[tilespmem:v35+s26+$0x0] =	vst.idx.msk $0xffff, v36;
	v28 =	vor.u32 v7, v29;
	v52 =	vmul.f32 v61, v11;
	v63 =	vld.idx.msk [tilespmem:v55+s26+$0x0], $0xffff  }
0x23b: {  	v33 =	vor.u32 v5, v24;
	[tilespmem:v32+s26+$0x0] =	vst.idx.msk $0xffff, v62;
	v30 =	vmul.f32 v30, v16  }
0x23c: {  	v29 =	vor.u32 v5, v21;
	[tilespmem:v49+s26+$0x0] =	vst.idx.msk $0xffff, v52;
	v46 =	vmul.f32 v57, v12  }
0x23d: {  	v51 =	vor.u32 v7, v27;
	v47 =	vld.idx.msk [tilespmem:v58+s26+$0x0], $0xffff;
	[tilespmem:v40+s26+$0x0] =	vst.idx.msk $0xffff, v30;
	v30 =	vmul.f32 v60, v14  }
0x23e: {  	v40 =	vld.idx.msk [tilespmem:v38+s26+$0x0], $0xffff;
	[tilespmem:v34+s26+$0x0] =	vst.idx.msk $0xffff, v46;
	v48 =	vmul.f32 v39, v14  }
0x23f: {  	v27 =	vld.idx.msk [tilespmem:v28+s26+$0x0], $0xffff;
	[tilespmem:v50+s26+$0x0] =	vst.idx.msk $0xffff, v30;
	v30 =	vmul.f32 v63, v14  }
0x240: {  	v53 =	vld.idx.msk [tilespmem:v33+s26+$0x0], $0xffff;
	[tilespmem:v44+s26+$0x0] =	vst.idx.msk $0xffff, v48  }
0x241: {  	v32 =	vld.idx.msk [tilespmem:v29+s26+$0x0], $0xffff;
	[tilespmem:v55+s26+$0x0] =	vst.idx.msk $0xffff, v30  }
0x242: {  	v30 =	vld.idx.msk [tilespmem:v51+s26+$0x0], $0xffff;
	_ =	sdelay $0x2  }
0x243: {  	v54 =	vor.u32 v1, v26;
	_ =	sdelay $0x1  }
0x244: {  	v30 =	vmul.f32 v30, v11;
	_ =	sdelay $0x1  }
0x245: {  	[tilespmem:v51+s26+$0x0] =	vst.idx.msk $0xffff, v30  }
0x246: {  	v30 =	vld.idx.msk [tilespmem:v54+s26+$0x0], $0xffff;
	_ =	sdelay $0x2  }
0x247: {  	v55 =	vor.u32 v3, v26;
	_ =	sdelay $0x1  }
0x248: {  	v30 =	vmul.f32 v30, v16;
	_ =	sdelay $0x1  }
0x249: {  	[tilespmem:v54+s26+$0x0] =	vst.idx.msk $0xffff, v30  }
0x24a: {  	v30 =	vld.idx.msk [tilespmem:v55+s26+$0x0], $0xffff;
	_ =	sdelay $0x1  }
0x24b: {  	v56 =	vor.u32 v4, v37  }
0x24c: {  	v57 =	vor.u32 v4, v26  }
0x24d: {  	v36 =	vmul.f32 v47, v15  }
0x24e: {  	v30 =	vmul.f32 v30, v15  }
0x24f: {  	[tilespmem:v58+s26+$0x0] =	vst.idx.msk $0xffff, v36  }
0x250: {  	v36 =	vld.idx.msk [tilespmem:v56+s26+$0x0], $0xffff;
	[tilespmem:v55+s26+$0x0] =	vst.idx.msk $0xffff, v30  }
0x251: {  	v30 =	vld.idx.msk [tilespmem:v57+s26+$0x0], $0xffff;
	_ =	sdelay $0x1  }
0x252: {  	v58 =	vor.u32 v5, v37  }
0x253: {  	v59 =	vor.u32 v5, v26  }
0x254: {  	v36 =	vmul.f32 v36, v14  }
0x255: {  	v30 =	vmul.f32 v30, v14  }
0x256: {  	[tilespmem:v56+s26+$0x0] =	vst.idx.msk $0xffff, v36  }
0x257: {  	v36 =	vld.idx.msk [tilespmem:v58+s26+$0x0], $0xffff;
	[tilespmem:v57+s26+$0x0] =	vst.idx.msk $0xffff, v30  }
0x258: {  	v30 =	vld.idx.msk [tilespmem:v59+s26+$0x0], $0xffff  }
0x259: {  	v60 =	vor.u32 v6, v24  }
0x25a: {  	v61 =	vor.u32 v6, v37  }
0x25b: {  	v62 =	vor.u32 v6, v26;
	v35 =	vmul.f32 v53, v13  }
0x25c: {  	v36 =	vmul.f32 v36, v13  }
0x25d: {  	[tilespmem:v33+s26+$0x0] =	vst.idx.msk $0xffff, v35;
	v30 =	vmul.f32 v30, v13  }
0x25e: {  	v33 =	vld.idx.msk [tilespmem:v60+s26+$0x0], $0xffff;
	[tilespmem:v58+s26+$0x0] =	vst.idx.msk $0xffff, v36  }
0x25f: {  	v34 =	vld.idx.msk [tilespmem:v61+s26+$0x0], $0xffff;
	[tilespmem:v59+s26+$0x0] =	vst.idx.msk $0xffff, v30  }
0x260: {  	v30 =	vld.idx.msk [tilespmem:v62+s26+$0x0], $0xffff  }
0x261: {  	v24 =	vor.u32 v7, v24  }
0x262: {  	v63 =	vor.u32 v7, v37  }
0x263: {  	v26 =	vor.u32 v7, v26;
	v33 =	vmul.f32 v33, v12  }
0x264: {  	v34 =	vmul.f32 v34, v12  }
0x265: {  	[tilespmem:v60+s26+$0x0] =	vst.idx.msk $0xffff, v33;
	v30 =	vmul.f32 v30, v12  }
0x266: {  	v33 =	vld.idx.msk [tilespmem:v24+s26+$0x0], $0xffff;
	[tilespmem:v61+s26+$0x0] =	vst.idx.msk $0xffff, v34  }
0x267: {  	v34 =	vld.idx.msk [tilespmem:v63+s26+$0x0], $0xffff;
	[tilespmem:v62+s26+$0x0] =	vst.idx.msk $0xffff, v30  }
0x268: {  	v30 =	vadd.s32 s4, v9;
	v44 =	vld.idx.msk [tilespmem:v26+s26+$0x0], $0xffff  }
0x269: {  	v45 =	vor.u32 v1, v22;
	v30 =	vand.u32 $0x7F, v30  }
0x26a: {  	v46 =	vor.u32 v1, v30  }
0x26b: {  	v47 =	vor.u32 v1, v23;
	v33 =	vmul.f32 v33, v11  }
0x26c: {  	v34 =	vmul.f32 v34, v11  }
0x26d: {  	[tilespmem:v24+s26+$0x0] =	vst.idx.msk $0xffff, v33;
	v24 =	vmul.f32 v44, v11  }
0x26e: {  	v33 =	vld.idx.msk [tilespmem:v45+s26+$0x0], $0xffff;
	[tilespmem:v63+s26+$0x0] =	vst.idx.msk $0xffff, v34  }
0x26f: {  	v34 =	vld.idx.msk [tilespmem:v46+s26+$0x0], $0xffff;
	[tilespmem:v26+s26+$0x0] =	vst.idx.msk $0xffff, v24  }
0x270: {  	v24 =	vld.idx.msk [tilespmem:v47+s26+$0x0], $0xffff  }
0x271: {  	v26 =	vor.u32 v3, v22  }
0x272: {  	v48 =	vor.u32 v3, v30  }
0x273: {  	v49 =	vor.u32 v3, v23;
	v33 =	vmul.f32 v33, v16  }
0x274: {  	v34 =	vmul.f32 v34, v16  }
0x275: {  	[tilespmem:v45+s26+$0x0] =	vst.idx.msk $0xffff, v33;
	v24 =	vmul.f32 v24, v16  }
0x276: {  	v33 =	vld.idx.msk [tilespmem:v26+s26+$0x0], $0xffff;
	[tilespmem:v46+s26+$0x0] =	vst.idx.msk $0xffff, v34  }
0x277: {  	v34 =	vld.idx.msk [tilespmem:v48+s26+$0x0], $0xffff;
	[tilespmem:v47+s26+$0x0] =	vst.idx.msk $0xffff, v24  }
0x278: {  	v24 =	vor.u32 v4, v31;
	v50 =	vld.idx.msk [tilespmem:v49+s26+$0x0], $0xffff  }
0x279: {  	v51 =	vor.u32 v4, v22  }
0x27a: {  	v40 =	vmul.f32 v40, v15;
	v52 =	vor.u32 v4, v30  }
0x27b: {  	v53 =	vor.u32 v4, v23;
	v33 =	vmul.f32 v33, v15  }
0x27c: {  	[tilespmem:v38+s26+$0x0] =	vst.idx.msk $0xffff, v40;
	v34 =	vmul.f32 v34, v15  }
0x27d: {  	[tilespmem:v26+s26+$0x0] =	vst.idx.msk $0xffff, v33;
	v38 =	vld.idx.msk [tilespmem:v24+s26+$0x0], $0xffff;
	v26 =	vmul.f32 v50, v15  }
0x27e: {  	v33 =	vld.idx.msk [tilespmem:v51+s26+$0x0], $0xffff;
	[tilespmem:v48+s26+$0x0] =	vst.idx.msk $0xffff, v34  }
0x27f: {  	v34 =	vld.idx.msk [tilespmem:v52+s26+$0x0], $0xffff;
	[tilespmem:v49+s26+$0x0] =	vst.idx.msk $0xffff, v26  }
0x280: {  	v26 =	vor.u32 v5, v31;
	v54 =	vld.idx.msk [tilespmem:v53+s26+$0x0], $0xffff  }
0x281: {  	v55 =	vor.u32 v5, v22  }
0x282: {  	v57 =	vor.u32 v5, v30;
	v56 =	vmul.f32 v38, v14  }
0x283: {  	v58 =	vor.u32 v5, v23;
	v33 =	vmul.f32 v33, v14  }
0x284: {  	[tilespmem:v24+s26+$0x0] =	vst.idx.msk $0xffff, v56;
	v24 =	vmul.f32 v34, v14  }
0x285: {  	[tilespmem:v51+s26+$0x0] =	vst.idx.msk $0xffff, v33;
	v59 =	vld.idx.msk [tilespmem:v26+s26+$0x0], $0xffff;
	v60 =	vmul.f32 v54, v14  }
0x286: {  	v61 =	vld.idx.msk [tilespmem:v55+s26+$0x0], $0xffff;
	[tilespmem:v52+s26+$0x0] =	vst.idx.msk $0xffff, v24  }
0x287: {  	v24 =	vor.u32 v6, v21;
	v62 =	vld.idx.msk [tilespmem:v57+s26+$0x0], $0xffff;
	[tilespmem:v53+s26+$0x0] =	vst.idx.msk $0xffff, v60  }
0x288: {  	v63 =	vor.u32 v6, v31;
	v45 =	vld.idx.msk [tilespmem:v58+s26+$0x0], $0xffff  }
0x289: {  	v32 =	vmul.f32 v32, v13;
	v46 =	vor.u32 v6, v22  }
0x28a: {  	v47 =	vor.u32 v6, v30;
	v34 =	vmul.f32 v59, v13  }
0x28b: {  	[tilespmem:v29+s26+$0x0] =	vst.idx.msk $0xffff, v32;
	v48 =	vor.u32 v6, v23;
	v29 =	vmul.f32 v61, v13  }
0x28c: {  	v49 =	vld.idx.msk [tilespmem:v24+s26+$0x0], $0xffff;
	[tilespmem:v26+s26+$0x0] =	vst.idx.msk $0xffff, v34;
	v26 =	vmul.f32 v62, v13  }
0x28d: {  	[tilespmem:v55+s26+$0x0] =	vst.idx.msk $0xffff, v29;
	v34 =	vld.idx.msk [tilespmem:v63+s26+$0x0], $0xffff;
	v29 =	vmul.f32 v45, v13  }
0x28e: {  	v36 =	vld.idx.msk [tilespmem:v46+s26+$0x0], $0xffff;
	[tilespmem:v57+s26+$0x0] =	vst.idx.msk $0xffff, v26  }
0x28f: {  	v26 =	vor.u32 v7, v21;
	v21 =	vld.idx.msk [tilespmem:v47+s26+$0x0], $0xffff;
	[tilespmem:v58+s26+$0x0] =	vst.idx.msk $0xffff, v29  }
0x290: {  	v29 =	vor.u32 v7, v31;
	v31 =	vld.idx.msk [tilespmem:v48+s26+$0x0], $0xffff  }
0x291: {  	v50 =	vor.u32 v7, v22;
	v35 =	vmul.f32 v49, v12  }
0x292: {  	v30 =	vor.u32 v7, v30;
	v22 =	vmul.f32 v34, v12  }
0x293: {  	v51 =	vor.u32 v7, v23;
	[tilespmem:v24+s26+$0x0] =	vst.idx.msk $0xffff, v35;
	v24 =	vmul.f32 v36, v12  }
0x294: {  	v23 =	vadd.s32 s24, v10;
	v35 =	vld.idx.msk [tilespmem:v26+s26+$0x0], $0xffff;
	[tilespmem:v63+s26+$0x0] =	vst.idx.msk $0xffff, v22;
	v22 =	vmul.f32 v21, v12  }
0x295: {  	v21 =	vand.u32 $0x7F, v23;
	[tilespmem:v46+s26+$0x0] =	vst.idx.msk $0xffff, v24;
	v33 =	vld.idx.msk [tilespmem:v29+s26+$0x0], $0xffff;
	v24 =	vmul.f32 v31, v12  }
0x296: {  	v23 =	vadd.s32 s21, v10;
	v52 =	vld.idx.msk [tilespmem:v50+s26+$0x0], $0xffff;
	v31 =	vor.u32 v1, v21;
	[tilespmem:v47+s26+$0x0] =	vst.idx.msk $0xffff, v22  }
0x297: {  	v53 =	vor.u32 v1, v18;
	v23 =	vand.u32 $0x7F, v23;
	v54 =	vld.idx.msk [tilespmem:v30+s26+$0x0], $0xffff;
	[tilespmem:v48+s26+$0x0] =	vst.idx.msk $0xffff, v24  }
0x298: {  	v22 =	vadd.s32 s4, v10;
	v24 =	vor.u32 v1, v23;
	v32 =	vld.idx.msk [tilespmem:v51+s26+$0x0], $0xffff  }
0x299: {  	v55 =	vor.u32 v1, v19;
	v22 =	vand.u32 $0x7F, v22;
	v35 =	vmul.f32 v35, v11  }
0x29a: {  	v56 =	vor.u32 v1, v22;
	v33 =	vmul.f32 v33, v11  }
0x29b: {  	v58 =	vor.u32 v1, v20;
	[tilespmem:v26+s26+$0x0] =	vst.idx.msk $0xffff, v35;
	v26 =	vmul.f32 v52, v11;
	v57 =	vld.idx.msk [tilespmem:v31+s26+$0x0], $0xffff  }
0x29c: {  	v59 =	vld.idx.msk [tilespmem:v53+s26+$0x0], $0xffff;
	[tilespmem:v29+s26+$0x0] =	vst.idx.msk $0xffff, v33;
	v29 =	vmul.f32 v54, v11  }
0x29d: {  	[tilespmem:v50+s26+$0x0] =	vst.idx.msk $0xffff, v26;
	v33 =	vld.idx.msk [tilespmem:v24+s26+$0x0], $0xffff;
	v26 =	vmul.f32 v32, v11  }
0x29e: {  	v60 =	vor.u32 v3, v21;
	v37 =	vld.idx.msk [tilespmem:v55+s26+$0x0], $0xffff;
	[tilespmem:v30+s26+$0x0] =	vst.idx.msk $0xffff, v29  }
0x29f: {  	v29 =	vor.u32 v3, v18;
	v30 =	vld.idx.msk [tilespmem:v56+s26+$0x0], $0xffff;
	[tilespmem:v51+s26+$0x0] =	vst.idx.msk $0xffff, v26  }
0x2a0: {  	v61 =	vor.u32 v3, v23;
	v26 =	vmul.f32 v57, v16;
	v62 =	vld.idx.msk [tilespmem:v58+s26+$0x0], $0xffff  }
0x2a1: {  	v63 =	vor.u32 v3, v19;
	v36 =	vmul.f32 v59, v16  }
0x2a2: {  	[tilespmem:v31+s26+$0x0] =	vst.idx.msk $0xffff, v26;
	v26 =	vmul.f32 v33, v16;
	v31 =	vor.u32 v3, v22  }
0x2a3: {  	v45 =	vor.u32 v3, v20;
	[tilespmem:v53+s26+$0x0] =	vst.idx.msk $0xffff, v36;
	v44 =	vmul.f32 v37, v16;
	v43 =	vld.idx.msk [tilespmem:v60+s26+$0x0], $0xffff  }
0x2a4: {  	v38 =	vld.idx.msk [tilespmem:v29+s26+$0x0], $0xffff;
	[tilespmem:v24+s26+$0x0] =	vst.idx.msk $0xffff, v26;
	v24 =	vmul.f32 v30, v16  }
0x2a5: {  	[tilespmem:v55+s26+$0x0] =	vst.idx.msk $0xffff, v44;
	v26 =	vld.idx.msk [tilespmem:v61+s26+$0x0], $0xffff;
	v16 =	vmul.f32 v62, v16  }
0x2a6: {  	v30 =	vor.u32 v4, v21;
	v36 =	vld.idx.msk [tilespmem:v63+s26+$0x0], $0xffff;
	[tilespmem:v56+s26+$0x0] =	vst.idx.msk $0xffff, v24  }
0x2a7: {  	v24 =	vor.u32 v4, v18;
	v46 =	vld.idx.msk [tilespmem:v31+s26+$0x0], $0xffff;
	[tilespmem:v58+s26+$0x0] =	vst.idx.msk $0xffff, v16  }
0x2a8: {  	v47 =	vor.u32 v4, v23;
	v16 =	vmul.f32 v43, v15;
	v35 =	vld.idx.msk [tilespmem:v45+s26+$0x0], $0xffff  }
0x2a9: {  	v48 =	vor.u32 v4, v19;
	v38 =	vmul.f32 v38, v15  }
0x2aa: {  	[tilespmem:v60+s26+$0x0] =	vst.idx.msk $0xffff, v16;
	v16 =	vmul.f32 v26, v15;
	v26 =	vor.u32 v4, v22  }
0x2ab: {  	v49 =	vor.u32 v4, v20;
	[tilespmem:v29+s26+$0x0] =	vst.idx.msk $0xffff, v38;
	v29 =	vmul.f32 v36, v15;
	v32 =	vld.idx.msk [tilespmem:v30+s26+$0x0], $0xffff  }
0x2ac: {  	v38 =	vld.idx.msk [tilespmem:v24+s26+$0x0], $0xffff;
	[tilespmem:v61+s26+$0x0] =	vst.idx.msk $0xffff, v16;
	v16 =	vmul.f32 v46, v15  }
0x2ad: {  	[tilespmem:v63+s26+$0x0] =	vst.idx.msk $0xffff, v29;
	v34 =	vld.idx.msk [tilespmem:v47+s26+$0x0], $0xffff;
	v15 =	vmul.f32 v35, v15  }
0x2ae: {  	v29 =	vor.u32 v5, v21;
	v50 =	vld.idx.msk [tilespmem:v48+s26+$0x0], $0xffff;
	[tilespmem:v31+s26+$0x0] =	vst.idx.msk $0xffff, v16  }
0x2af: {  	v16 =	vor.u32 v5, v18;
	v31 =	vld.idx.msk [tilespmem:v26+s26+$0x0], $0xffff;
	[tilespmem:v45+s26+$0x0] =	vst.idx.msk $0xffff, v15  }
0x2b0: {  	v51 =	vor.u32 v5, v23;
	v15 =	vmul.f32 v32, v14;
	v37 =	vld.idx.msk [tilespmem:v49+s26+$0x0], $0xffff  }
0x2b1: {  	v52 =	vor.u32 v5, v19;
	v38 =	vmul.f32 v38, v14  }
0x2b2: {  	v53 =	vld.idx.msk [tilespmem:v25+s26+$0x0], $0xffff;
	[tilespmem:v30+s26+$0x0] =	vst.idx.msk $0xffff, v15;
	v15 =	vmul.f32 v34, v14;
	v30 =	vor.u32 v5, v22  }
0x2b3: {  	v55 =	vor.u32 v5, v20;
	[tilespmem:v24+s26+$0x0] =	vst.idx.msk $0xffff, v38;
	v24 =	vmul.f32 v50, v14;
	v54 =	vld.idx.msk [tilespmem:v29+s26+$0x0], $0xffff  }
0x2b4: {  	v38 =	vld.idx.msk [tilespmem:v16+s26+$0x0], $0xffff;
	[tilespmem:v47+s26+$0x0] =	vst.idx.msk $0xffff, v15;
	v15 =	vmul.f32 v31, v14  }
0x2b5: {  	v31 =	vor.u32 v6, v17;
	[tilespmem:v48+s26+$0x0] =	vst.idx.msk $0xffff, v24;
	v33 =	vld.idx.msk [tilespmem:v51+s26+$0x0], $0xffff;
	v14 =	vmul.f32 v37, v14  }
0x2b6: {  	v24 =	vor.u32 v6, v21;
	v56 =	vld.idx.msk [tilespmem:v52+s26+$0x0], $0xffff;
	[tilespmem:v26+s26+$0x0] =	vst.idx.msk $0xffff, v15  }
0x2b7: {  	v15 =	vmul.f32 v53, v13;
	v26 =	vor.u32 v6, v18;
	v57 =	vld.idx.msk [tilespmem:v30+s26+$0x0], $0xffff;
	[tilespmem:v49+s26+$0x0] =	vst.idx.msk $0xffff, v14  }
0x2b8: {  	v58 =	vor.u32 v6, v23;
	v14 =	vmul.f32 v54, v13;
	v36 =	vld.idx.msk [tilespmem:v55+s26+$0x0], $0xffff  }
0x2b9: {  	[tilespmem:v25+s26+$0x0] =	vst.idx.msk $0xffff, v15;
	v15 =	vmul.f32 v38, v13;
	v25 =	vor.u32 v6, v19  }
0x2ba: {  	v59 =	vld.idx.msk [tilespmem:v31+s26+$0x0], $0xffff;
	[tilespmem:v29+s26+$0x0] =	vst.idx.msk $0xffff, v14;
	v14 =	vmul.f32 v33, v13;
	v29 =	vor.u32 v6, v22  }
0x2bb: {  	[tilespmem:v16+s26+$0x0] =	vst.idx.msk $0xffff, v15;
	v15 =	vmul.f32 v56, v13;
	v16 =	vor.u32 v6, v20;
	v60 =	vld.idx.msk [tilespmem:v24+s26+$0x0], $0xffff  }
0x2bc: {  	v61 =	vld.idx.msk [tilespmem:v26+s26+$0x0], $0xffff;
	[tilespmem:v51+s26+$0x0] =	vst.idx.msk $0xffff, v14;
	v14 =	vmul.f32 v57, v13  }
0x2bd: {  	v17 =	vor.u32 v7, v17;
	[tilespmem:v52+s26+$0x0] =	vst.idx.msk $0xffff, v15;
	v32 =	vld.idx.msk [tilespmem:v58+s26+$0x0], $0xffff;
	v13 =	vmul.f32 v36, v13  }
0x2be: {  	v15 =	vor.u32 v7, v21;
	v21 =	vld.idx.msk [tilespmem:v25+s26+$0x0], $0xffff;
	[tilespmem:v30+s26+$0x0] =	vst.idx.msk $0xffff, v14  }
0x2bf: {  	v18 =	vor.u32 v7, v18;
	v14 =	vmul.f32 v59, v12;
	v30 =	vld.idx.msk [tilespmem:v29+s26+$0x0], $0xffff;
	[tilespmem:v55+s26+$0x0] =	vst.idx.msk $0xffff, v13  }
0x2c0: {  	v23 =	vor.u32 v7, v23;
	v13 =	vmul.f32 v60, v12;
	v62 =	vld.idx.msk [tilespmem:v16+s26+$0x0], $0xffff  }
0x2c1: {  	v19 =	vor.u32 v7, v19;
	[tilespmem:v31+s26+$0x0] =	vst.idx.msk $0xffff, v14;
	v14 =	vmul.f32 v61, v12  }
0x2c2: {  	v22 =	vor.u32 v7, v22;
	v31 =	vld.idx.msk [tilespmem:v17+s26+$0x0], $0xffff;
	[tilespmem:v24+s26+$0x0] =	vst.idx.msk $0xffff, v13;
	v13 =	vmul.f32 v32, v12  }
0x2c3: {  	v20 =	vor.u32 v7, v20;
	[tilespmem:v26+s26+$0x0] =	vst.idx.msk $0xffff, v14;
	v14 =	vmul.f32 v21, v12;
	v24 =	vld.idx.msk [tilespmem:v15+s26+$0x0], $0xffff  }
0x2c4: {  	v21 =	vld.idx.msk [tilespmem:v18+s26+$0x0], $0xffff;
	[tilespmem:v58+s26+$0x0] =	vst.idx.msk $0xffff, v13;
	v13 =	vmul.f32 v30, v12  }
0x2c5: {  	[tilespmem:v25+s26+$0x0] =	vst.idx.msk $0xffff, v14;
	v26 =	vld.idx.msk [tilespmem:v23+s26+$0x0], $0xffff;
	v12 =	vmul.f32 v62, v12  }
0x2c6: {  	v14 =	vmul.f32 v27, v11;
	v25 =	vld.idx.msk [tilespmem:v19+s26+$0x0], $0xffff;
	[tilespmem:v29+s26+$0x0] =	vst.idx.msk $0xffff, v13  }
0x2c7: {  	v13 =	vmul.f32 v31, v11;
	v27 =	vld.idx.msk [tilespmem:v22+s26+$0x0], $0xffff;
	[tilespmem:v16+s26+$0x0] =	vst.idx.msk $0xffff, v12  }
0x2c8: {  	[tilespmem:v28+s26+$0x0] =	vst.idx.msk $0xffff, v14;
	v12 =	vmul.f32 v24, v11;
	v14 =	vld.idx.msk [tilespmem:v20+s26+$0x0], $0xffff  }
0x2c9: {  	[tilespmem:v17+s26+$0x0] =	vst.idx.msk $0xffff, v13;
	v13 =	vmul.f32 v21, v11  }
0x2ca: {  	[tilespmem:v15+s26+$0x0] =	vst.idx.msk $0xffff, v12;
	v12 =	vmul.f32 v26, v11  }
0x2cb: {  	[tilespmem:v18+s26+$0x0] =	vst.idx.msk $0xffff, v13;
	v13 =	vmul.f32 v25, v11  }
0x2cc: {  	[tilespmem:v23+s26+$0x0] =	vst.idx.msk $0xffff, v12;
	v12 =	vmul.f32 v27, v11  }
0x2cd: {  	[tilespmem:v19+s26+$0x0] =	vst.idx.msk $0xffff, v13;
	v11 =	vmul.f32 v14, v11  }
0x2ce: {  	[tilespmem:v22+s26+$0x0] =	vst.idx.msk $0xffff, v12  }
0x2cf: {  	p0 =	seq.s32 s19, $0x0;
	[tilespmem:v20+s26+$0x0] =	vst.idx.msk $0xffff, v11  }
0x2d0: {  	[spmem:s2] =	stream.indirect.scatter.add.f32 [tilespmem:s26], [sflag:$0x4], $0x80, s11, s25, $0xb8;
	[tilespmem:$0x1EE00] =	vst v63  }
0x2d1: {  	s23 =	simm.s32 $0x9300;
	s4 =	simm.s32 @!p0 $0x6  }
0x2d2: {  	[spmem:s3] =	stream.indirect.scatter.add.f32 [tilespmem:s23], [sflag:$0x4], $0x1, s11, s25, $0xb8;
	[tilespmem:$0x1EE00] =	vst v63  }
0x2d3: {  	_ =	swait.ge @!p0 [sflag:s4], $0x3000  }
0x2d4: {  	[sflag:s4] =	ssyncset.done @!p0 $0x0  }
0x2d5: {  	[sflag:s4] =	ssyncadd.s32 @!p0 $0xFFFFD000  }
0x2d6: {  	_ =	swait.ge @!p0 [sflag:s4], $0x60  }
0x2d7: {  	[sflag:s4] =	ssyncset.done @!p0 $0x0  }
0x2d8: {  	[sflag:s4] =	ssyncadd.s32 @!p0 $0xFFFFFFA0  }
0x2d9: {  	_ =	swait.ge [sflag:s13], $0x100  }
0x2da: {  	[sflag:s13] =	ssyncset.done $0x0  }
0x2db: {  	[sflag:s13] =	ssyncadd.s32 $0xFFFFFF00  }
0x2dc: {  	[tilespmem:s18], [sflag:$0x3] =	stream.indirect.gather [hbm4b:s1+s25], $0x80, s17, s25, $0xb8;
	[tilespmem:$0x1EE00] =	vst v63  }
0x2dd: {  	s14 =	simm.s32 $0x9700;
	s24 =	simm.s32 $0x9580  }
0x2de: {  	[tilespmem:s24], [sflag:$0x3] =	stream.indirect.gather [hbm4b:s6+s25], $0x1, s28, s25, $0xb8;
	[tilespmem:$0x1EE00] =	vst v63  }
0x2df: {  	p0 =	seq.s32 s19, $0x22;
	s4 =	rddreg [dreg:$0xa];
	s24 =	smul.u32 $0x3, s19  }
0x2e0: {  	[tilespmem:s14], [sflag:$0x3] =	stream.indirect.gather [hbm4b:s7+s25], $0x1, s17, s25, $0xb8;
	[tilespmem:$0x1EE00] =	vst v63  }
0x2e1: {  	s4 =	sadd.s32 @!p0 s24, s4  }
0x2e2: {  	s4 =	sshll.u32 @!p0 s4, $0x5  }
0x2e3: {  	s4 =	sand.u32 @!p0 $0xFFFFFE0, s4  }
0x2e4: {  	s14 =	simm.s32 @!p0 $0x0;
	s4 =	sadd.s32 @!p0 s8, s4  }
0x2e5: {  	[tilespmem:s14], [sflag:$0x7] =	stream.linear.gather @!p0 [hbm4b:s4+s14], $0x100, $0x38;
	[tilespmem:$0x1EE00] =	vst v63  }
0x2e6: {  	_ =	swait.ge [sflag:s10], $0x3000  }
0x2e7: {  	[sflag:s10] =	ssyncset.done $0x0  }
0x2e8: {  	[sflag:s10] =	ssyncadd.s32 $0xFFFFD000  }
0x2e9: {  	_ =	swait.ge [sflag:s10], $0x60  }
0x2ea: {  	[sflag:s10] =	ssyncset.done $0x0  }
0x2eb: {  	[sflag:s10] =	ssyncadd.s32 $0xFFFFFFA0  }
0x2ec: {  	_ =	swait.ge [sflag:s10], $0x60  }
0x2ed: {  	[sflag:s10] =	ssyncset.done $0x0  }
0x2ee: {  	[sflag:s10] =	ssyncadd.s32 $0xFFFFFFA0  }
0x2ef: {  	v11 =	vld [tilespmem:$0x9500]  }
0x2f0: {  	v12 =	vld [tilespmem:$0x9680]  }
0x2f1: {  	v13 =	vld [tilespmem:$0x9510]  }
0x2f2: {  	v14 =	vld [tilespmem:$0x9690]  }
0x2f3: {  	v15 =	vld [tilespmem:$0x9520]  }
0x2f4: {  	v16 =	vld [tilespmem:$0x96A0];
	_ =	sdelay $0x1  }
0x2f5: {  	v11 =	vadd.f32 v12, v11  }
0x2f6: {  	v12 =	vld [tilespmem:$0x9530]  }
0x2f7: {  	v13 =	vadd.f32 v14, v13;
	v14 =	vld [tilespmem:$0x96B0];
	v17 =	vmul.f32 $2.000000030e-01, v11  }
0x2f8: {  	v18 =	vld [tilespmem:$0x96C0];
	v15 =	vadd.f32 v16, v15;
	vm0 =	vgt.f32 v11, $0.0e+00  }
0x2f9: {  	v16 =	vld [tilespmem:$0x9540];
	v11 =	vsel vm0, v11, v17;
	v17 =	vmul.f32 $2.000000030e-01, v13  }
0x2fa: {  	v20 =	vld [tilespmem:$0x9550];
	vm11 =	vgt.f32 v13, $0.0e+00;
	v19 =	vmul.f32 $2.000000030e-01, v15;
	v11 =	vsub.f32 $0.0e+00, v11  }
0x2fb: {  	vm12 =	vgt.f32 v15, $0.0e+00;
	v13 =	vsel vm11, v13, v17;
	v17 =	vld [tilespmem:$0x96D0]  }
0x2fc: {  	v15 =	vsel vm12, v15, v19;
	v12 =	vadd.f32 v14, v12;
	v11 =	vmul.f32 $1.442695020e+00, v11  }
0x2fd: {  	v14 =	vsub.f32 $0.0e+00, v15;
	v13 =	vsub.f32 $0.0e+00, v13  }
0x2fe: {  	v15 =	vadd.f32 v18, v16;
	(erf) = vpow2.f32 v11;
	v11 =	vmul.f32 $2.000000030e-01, v12  }
0x2ff: {  	vm13 =	vgt.f32 v12, $0.0e+00;
	v13 =	vmul.f32 $1.442695020e+00, v13  }
0x300: {  	v11 =	vsel vm13, v12, v11;
	v12 =	vmul.f32 $2.000000030e-01, v15;
	v16 =	vadd.f32 v17, v20  }
0x301: {  	v14 =	vmul.f32 $1.442695020e+00, v14;
	vm14 =	vgt.f32 v15, $0.0e+00;
	v11 =	vsub.f32 $0.0e+00, v11  }
0x302: {  	(erf) = vpow2.f32 v13;
	v12 =	vsel vm14, v15, v12;
	v13 =	vmul.f32 $2.000000030e-01, v16  }
0x303: {  	v18 =	vld [tilespmem:$0x150];
	vm15 =	vgt.f32 v16, $0.0e+00;
	v11 =	vmul.f32 $1.442695020e+00, v11;
	v12 =	vsub.f32 $0.0e+00, v12  }
0x304: {  	v17 =	vld [tilespmem:$0x140];
	(erf) = vpow2.f32 v14;
	v13 =	vsel vm15, v16, v13  }
0x305: {  	v14 =	vld [tilespmem:$0x100];
	(erf) = vpow2.f32 v11;
	v11 =	vmul.f32 $1.442695020e+00, v12;
	v12 =	vsub.f32 $0.0e+00, v13;
	_ =	sdelay $0x1  }
0x306: {  	(erf) = vpow2.f32 v11;
	v11 =	vmul.f32 $1.442695020e+00, v12  }
0x307: {  	[tilespmem:$0x9850] =	vst v18;
	v12 =	vld [tilespmem:$0x120]  }
0x308: {  	v13 =	vld [tilespmem:$0x110];
	[tilespmem:$0x9840] =	vst v17;
	v16 =	vpop (erf);
	(erf) = vpow2.f32 v11  }
0x309: {  	[tilespmem:$0x9800] =	vst v14  }
0x30a: {  	[tilespmem:$0x9380] =	vst v16;
	v15 =	vpop (erf);
	v11 =	vld [tilespmem:$0x130]  }
0x30b: {  	s23 =	simm.s32 $0x4;
	[tilespmem:$0x9390] =	vst v15  }
0x30c: {  	[tilespmem:$0x9820] =	vst v12;
	v12 =	vadd.s32 s23, v0  }
0x30d: {  	v14 =	vpop (erf);
	[tilespmem:$0x9810] =	vst v13;
	v19 =	vand.u32 $0x7F, v12  }
0x30e: {  	[tilespmem:$0x93A0] =	vst v14;
	v20 =	vor.u32 v1, v19  }
0x30f: {  	v13 =	vpop (erf);
	[tilespmem:$0x9830] =	vst v11  }
0x310: {  	[tilespmem:$0x93B0] =	vst v13;
	v12 =	vpop (erf)  }
0x311: {  	[tilespmem:$0x93C0] =	vst v12;
	v11 =	vpop (erf)  }
0x312: {  	[tilespmem:$0x93D0] =	vst v11  }
0x313: {  	v17 =	vld.idx.msk [tilespmem:v20+s31+$0x0], $0xffff;
	_ =	sdelay $0x2  }
0x314: {  	v18 =	vor.u32 v3, v19;
	_ =	sdelay $0x1  }
0x315: {  	v17 =	vmul.f32 v17, v16;
	_ =	sdelay $0x1  }
0x316: {  	[tilespmem:v20+s31+$0x0] =	vst.idx.msk $0xffff, v17  }
0x317: {  	v17 =	vld.idx.msk [tilespmem:v18+s31+$0x0], $0xffff;
	_ =	sdelay $0x2  }
0x318: {  	v20 =	vor.u32 v4, v19;
	_ =	sdelay $0x1  }
0x319: {  	v17 =	vmul.f32 v17, v15  }
0x31a: {  	s15 =	simm.s32 $0x0  }
0x31b: {  	v21 =	vadd.s32 s15, v0;
	[tilespmem:v18+s31+$0x0] =	vst.idx.msk $0xffff, v17  }
0x31c: {  	v17 =	vand.u32 $0x7F, v21;
	v18 =	vld.idx.msk [tilespmem:v20+s31+$0x0], $0xffff  }
0x31d: {  	v21 =	vor.u32 v1, v17;
	_ =	sdelay $0x1  }
0x31e: {  	v22 =	vor.u32 v5, v19;
	_ =	sdelay $0x1  }
0x31f: {  	v18 =	vmul.f32 v18, v14  }
0x320: {  	v23 =	vld.idx.msk [tilespmem:v21+s31+$0x0], $0xffff  }
0x321: {  	[tilespmem:v20+s31+$0x0] =	vst.idx.msk $0xffff, v18  }
0x322: {  	v18 =	vld.idx.msk [tilespmem:v22+s31+$0x0], $0xffff  }
0x323: {  	s16 =	simm.s32 $0xC;
	v20 =	vor.u32 v3, v17  }
0x324: {  	v24 =	vadd.s32 s16, v0  }
0x325: {  	v24 =	vand.u32 $0x7F, v24;
	v25 =	vor.u32 v6, v19;
	v23 =	vmul.f32 v23, v16  }
0x326: {  	v26 =	vor.u32 v1, v24  }
0x327: {  	[tilespmem:v21+s31+$0x0] =	vst.idx.msk $0xffff, v23;
	v18 =	vmul.f32 v18, v13  }
0x328: {  	v21 =	vld.idx.msk [tilespmem:v20+s31+$0x0], $0xffff  }
0x329: {  	[tilespmem:v22+s31+$0x0] =	vst.idx.msk $0xffff, v18  }
0x32a: {  	v18 =	vld.idx.msk [tilespmem:v25+s31+$0x0], $0xffff  }
0x32b: {  	v23 =	vld.idx.msk [tilespmem:v26+s31+$0x0], $0xffff;
	v22 =	vor.u32 v4, v17;
	_ =	sdelay $0x1  }
0x32c: {  	v19 =	vor.u32 v7, v19;
	v21 =	vmul.f32 v21, v15  }
0x32d: {  	v27 =	vor.u32 v3, v24  }
0x32e: {  	[tilespmem:v20+s31+$0x0] =	vst.idx.msk $0xffff, v21;
	v18 =	vmul.f32 v18, v12  }
0x32f: {  	v21 =	vmul.f32 v23, v16;
	v20 =	vld.idx.msk [tilespmem:v22+s31+$0x0], $0xffff  }
0x330: {  	[tilespmem:v25+s31+$0x0] =	vst.idx.msk $0xffff, v18  }
0x331: {  	[tilespmem:v26+s31+$0x0] =	vst.idx.msk $0xffff, v21;
	v18 =	vld.idx.msk [tilespmem:v19+s31+$0x0], $0xffff  }
0x332: {  	v23 =	vadd.s32 s23, v8;
	v21 =	vor.u32 v5, v17;
	v25 =	vld.idx.msk [tilespmem:v27+s31+$0x0], $0xffff  }
0x333: {  	v23 =	vand.u32 $0x7F, v23  }
0x334: {  	v26 =	vor.u32 v1, v23;
	v20 =	vmul.f32 v20, v14  }
0x335: {  	v28 =	vor.u32 v4, v24  }
0x336: {  	[tilespmem:v22+s31+$0x0] =	vst.idx.msk $0xffff, v20;
	v18 =	vmul.f32 v18, v11  }
0x337: {  	v22 =	vmul.f32 v25, v15;
	v20 =	vld.idx.msk [tilespmem:v21+s31+$0x0], $0xffff  }
0x338: {  	[tilespmem:v19+s31+$0x0] =	vst.idx.msk $0xffff, v18  }
0x339: {  	[tilespmem:v27+s31+$0x0] =	vst.idx.msk $0xffff, v22;
	v18 =	vld.idx.msk [tilespmem:v26+s31+$0x0], $0xffff  }
0x33a: {  	v19 =	vor.u32 v6, v17;
	v22 =	vld.idx.msk [tilespmem:v28+s31+$0x0], $0xffff;
	_ =	sdelay $0x1  }
0x33b: {  	v25 =	vor.u32 v3, v23;
	v20 =	vmul.f32 v20, v13  }
0x33c: {  	v27 =	vor.u32 v5, v24  }
0x33d: {  	[tilespmem:v21+s31+$0x0] =	vst.idx.msk $0xffff, v20;
	v18 =	vmul.f32 v18, v16  }
0x33e: {  	v21 =	vmul.f32 v22, v14;
	v20 =	vld.idx.msk [tilespmem:v19+s31+$0x0], $0xffff  }
0x33f: {  	[tilespmem:v26+s31+$0x0] =	vst.idx.msk $0xffff, v18  }
0x340: {  	[tilespmem:v28+s31+$0x0] =	vst.idx.msk $0xffff, v21;
	v18 =	vld.idx.msk [tilespmem:v25+s31+$0x0], $0xffff  }
0x341: {  	v17 =	vor.u32 v7, v17;
	v21 =	vld.idx.msk [tilespmem:v27+s31+$0x0], $0xffff;
	_ =	sdelay $0x1  }
0x342: {  	v22 =	vor.u32 v4, v23;
	v20 =	vmul.f32 v20, v12  }
0x343: {  	s28 =	simm.s32 $0x8;
	v26 =	vor.u32 v6, v24  }
0x344: {  	[tilespmem:v19+s31+$0x0] =	vst.idx.msk $0xffff, v20;
	v19 =	vadd.s32 s28, v0;
	v18 =	vmul.f32 v18, v15  }
0x345: {  	v20 =	vmul.f32 v21, v13;
	v19 =	vand.u32 $0x7F, v19;
	v21 =	vld.idx.msk [tilespmem:v17+s31+$0x0], $0xffff  }
0x346: {  	v28 =	vadd.s32 s15, v8;
	v29 =	vor.u32 v1, v19;
	[tilespmem:v25+s31+$0x0] =	vst.idx.msk $0xffff, v18  }
0x347: {  	[tilespmem:v27+s31+$0x0] =	vst.idx.msk $0xffff, v20;
	v25 =	vand.u32 $0x7F, v28;
	v18 =	vld.idx.msk [tilespmem:v22+s31+$0x0], $0xffff  }
0x348: {  	v20 =	vld.idx.msk [tilespmem:v26+s31+$0x0], $0xffff;
	v27 =	vor.u32 v1, v25;
	_ =	sdelay $0x1  }
0x349: {  	v28 =	vor.u32 v5, v23;
	v21 =	vmul.f32 v21, v11  }
0x34a: {  	v24 =	vor.u32 v7, v24;
	v30 =	vld.idx.msk [tilespmem:v29+s31+$0x0], $0xffff  }
0x34b: {  	s21 =	simm.s32 $0x14;
	[tilespmem:v17+s31+$0x0] =	vst.idx.msk $0xffff, v21;
	v18 =	vmul.f32 v18, v14  }
0x34c: {  	v17 =	vmul.f32 v20, v12;
	v21 =	vadd.s32 s21, v0;
	v20 =	vld.idx.msk [tilespmem:v27+s31+$0x0], $0xffff  }
0x34d: {  	v31 =	vor.u32 v3, v19;
	v21 =	vand.u32 $0x7F, v21;
	[tilespmem:v22+s31+$0x0] =	vst.idx.msk $0xffff, v18  }
0x34e: {  	[tilespmem:v26+s31+$0x0] =	vst.idx.msk $0xffff, v17;
	v17 =	vor.u32 v1, v21;
	v18 =	vld.idx.msk [tilespmem:v28+s31+$0x0], $0xffff  }
0x34f: {  	v26 =	vld.idx.msk [tilespmem:v24+s31+$0x0], $0xffff;
	v22 =	vmul.f32 v30, v16;
	v30 =	vor.u32 v3, v25  }
0x350: {  	v63 =	vadd.s32 s16, v8  }
0x351: {  	[tilespmem:v29+s31+$0x0] =	vst.idx.msk $0xffff, v22;
	v22 =	vor.u32 v6, v23;
	v20 =	vmul.f32 v20, v16;
	v29 =	vand.u32 $0x7F, v63  }
0x352: {  	v36 =	vld.idx.msk [tilespmem:v31+s31+$0x0], $0xffff;
	v37 =	vor.u32 v1, v29  }
0x353: {  	[tilespmem:v27+s31+$0x0] =	vst.idx.msk $0xffff, v20;
	v20 =	vld.idx.msk [tilespmem:v17+s31+$0x0], $0xffff;
	v18 =	vmul.f32 v18, v13  }
0x354: {  	v26 =	vmul.f32 v26, v11;
	v27 =	vld.idx.msk [tilespmem:v30+s31+$0x0], $0xffff  }
0x355: {  	v38 =	vor.u32 v4, v19;
	[tilespmem:v28+s31+$0x0] =	vst.idx.msk $0xffff, v18  }
0x356: {  	[tilespmem:v24+s31+$0x0] =	vst.idx.msk $0xffff, v26;
	v24 =	vor.u32 v3, v21;
	v18 =	vld.idx.msk [tilespmem:v22+s31+$0x0], $0xffff  }
0x357: {  	v28 =	vor.u32 v4, v25;
	v26 =	vmul.f32 v36, v15;
	v39 =	vld.idx.msk [tilespmem:v37+s31+$0x0], $0xffff  }
0x358: {  	v20 =	vmul.f32 v20, v16  }
0x359: {  	v23 =	vor.u32 v7, v23;
	[tilespmem:v31+s31+$0x0] =	vst.idx.msk $0xffff, v26;
	v26 =	vmul.f32 v27, v15  }
0x35a: {  	v27 =	vld.idx.msk [tilespmem:v38+s31+$0x0], $0xffff;
	[tilespmem:v17+s31+$0x0] =	vst.idx.msk $0xffff, v20;
	v20 =	vor.u32 v3, v29  }
0x35b: {  	[tilespmem:v30+s31+$0x0] =	vst.idx.msk $0xffff, v26;
	v17 =	vmul.f32 v18, v12;
	v18 =	vld.idx.msk [tilespmem:v24+s31+$0x0], $0xffff  }
0x35c: {  	v26 =	vmul.f32 v39, v16;
	v30 =	vld.idx.msk [tilespmem:v28+s31+$0x0], $0xffff  }
0x35d: {  	v31 =	vor.u32 v5, v19;
	[tilespmem:v22+s31+$0x0] =	vst.idx.msk $0xffff, v17  }
0x35e: {  	v40 =	vor.u32 v4, v21;
	[tilespmem:v37+s31+$0x0] =	vst.idx.msk $0xffff, v26;
	v22 =	vld.idx.msk [tilespmem:v23+s31+$0x0], $0xffff  }
0x35f: {  	v17 =	vadd.s32 s23, v9;
	v26 =	vmul.f32 v27, v14;
	v27 =	vor.u32 v5, v25;
	v33 =	vld.idx.msk [tilespmem:v20+s31+$0x0], $0xffff  }
0x360: {  	s14 =	simm.s32 $0x10;
	v17 =	vand.u32 $0x7F, v17;
	v41 =	vmul.f32 v18, v15  }
0x361: {  	[tilespmem:v38+s31+$0x0] =	vst.idx.msk $0xffff, v26;
	v18 =	vadd.s32 s14, v0;
	v26 =	vor.u32 v1, v17;
	v30 =	vmul.f32 v30, v14  }
0x362: {  	v34 =	vld.idx.msk [tilespmem:v31+s31+$0x0], $0xffff;
	v18 =	vand.u32 $0x7F, v18;
	[tilespmem:v24+s31+$0x0] =	vst.idx.msk $0xffff, v41;
	v24 =	vor.u32 v4, v29  }
0x363: {  	v42 =	vor.u32 v1, v18;
	[tilespmem:v28+s31+$0x0] =	vst.idx.msk $0xffff, v30;
	v22 =	vmul.f32 v22, v11;
	v43 =	vld.idx.msk [tilespmem:v40+s31+$0x0], $0xffff  }
0x364: {  	v28 =	vmul.f32 v33, v15;
	v30 =	vld.idx.msk [tilespmem:v27+s31+$0x0], $0xffff  }
0x365: {  	v44 =	vor.u32 v6, v19;
	[tilespmem:v23+s31+$0x0] =	vst.idx.msk $0xffff, v22  }
0x366: {  	v23 =	vor.u32 v5, v21;
	[tilespmem:v20+s31+$0x0] =	vst.idx.msk $0xffff, v28;
	v22 =	vld.idx.msk [tilespmem:v26+s31+$0x0], $0xffff  }
0x367: {  	v28 =	vor.u32 v6, v25;
	v20 =	vmul.f32 v34, v13;
	v45 =	vld.idx.msk [tilespmem:v24+s31+$0x0], $0xffff  }
0x368: {  	v46 =	vld.idx.msk [tilespmem:v42+s31+$0x0], $0xffff;
	v36 =	vmul.f32 v43, v14  }
0x369: {  	[tilespmem:v31+s31+$0x0] =	vst.idx.msk $0xffff, v20;
	v20 =	vor.u32 v3, v17;
	v30 =	vmul.f32 v30, v13  }
0x36a: {  	v47 =	vor.u32 v5, v29;
	v31 =	vld.idx.msk [tilespmem:v44+s31+$0x0], $0xffff;
	[tilespmem:v40+s31+$0x0] =	vst.idx.msk $0xffff, v36  }
0x36b: {  	v48 =	vor.u32 v3, v18;
	[tilespmem:v27+s31+$0x0] =	vst.idx.msk $0xffff, v30;
	v22 =	vmul.f32 v22, v16;
	v49 =	vld.idx.msk [tilespmem:v23+s31+$0x0], $0xffff  }
0x36c: {  	v30 =	vld.idx.msk [tilespmem:v28+s31+$0x0], $0xffff;
	v27 =	vmul.f32 v45, v14  }
0x36d: {  	v19 =	vor.u32 v7, v19;
	v50 =	vmul.f32 v46, v16;
	[tilespmem:v26+s31+$0x0] =	vst.idx.msk $0xffff, v22  }
0x36e: {  	v26 =	vor.u32 v6, v21;
	v22 =	vld.idx.msk [tilespmem:v20+s31+$0x0], $0xffff;
	[tilespmem:v24+s31+$0x0] =	vst.idx.msk $0xffff, v27  }
0x36f: {  	v25 =	vor.u32 v7, v25;
	v24 =	vmul.f32 v31, v12;
	[tilespmem:v42+s31+$0x0] =	vst.idx.msk $0xffff, v50;
	v27 =	vld.idx.msk [tilespmem:v47+s31+$0x0], $0xffff  }
0x370: {  	v31 =	vld.idx.msk [tilespmem:v48+s31+$0x0], $0xffff;
	v51 =	vmul.f32 v49, v13  }
0x371: {  	[tilespmem:v44+s31+$0x0] =	vst.idx.msk $0xffff, v24;
	v24 =	vor.u32 v4, v17;
	v30 =	vmul.f32 v30, v12  }
0x372: {  	v52 =	vor.u32 v6, v29;
	v33 =	vld.idx.msk [tilespmem:v19+s31+$0x0], $0xffff;
	[tilespmem:v23+s31+$0x0] =	vst.idx.msk $0xffff, v51  }
0x373: {  	v53 =	vor.u32 v4, v18;
	[tilespmem:v28+s31+$0x0] =	vst.idx.msk $0xffff, v30;
	v22 =	vmul.f32 v22, v15;
	v54 =	vld.idx.msk [tilespmem:v26+s31+$0x0], $0xffff  }
0x374: {  	v57 =	vor.u32 v5, v17;
	v23 =	vadd.s32 s28, v8;
	v28 =	vld.idx.msk [tilespmem:v25+s31+$0x0], $0xffff;
	v27 =	vmul.f32 v27, v13  }
0x375: {  	v30 =	vadd.s32 s15, v9;
	v23 =	vand.u32 $0x7F, v23;
	v31 =	vmul.f32 v31, v15;
	[tilespmem:v20+s31+$0x0] =	vst.idx.msk $0xffff, v22  }
0x376: {  	v22 =	vand.u32 $0x7F, v30;
	v30 =	vor.u32 v1, v23;
	v20 =	vld.idx.msk [tilespmem:v24+s31+$0x0], $0xffff;
	[tilespmem:v47+s31+$0x0] =	vst.idx.msk $0xffff, v27  }
0x377: {  	[tilespmem:v48+s31+$0x0] =	vst.idx.msk $0xffff, v31;
	v31 =	vor.u32 v1, v22;
	v27 =	vmul.f32 v33, v11;
	v32 =	vld.idx.msk [tilespmem:v52+s31+$0x0], $0xffff  }
0x378: {  	v29 =	vor.u32 v7, v29;
	v21 =	vor.u32 v7, v21;
	v55 =	vld.idx.msk [tilespmem:v53+s31+$0x0], $0xffff;
	v56 =	vmul.f32 v54, v12  }
0x379: {  	v62 =	vor.u32 v3, v23;
	[tilespmem:v19+s31+$0x0] =	vst.idx.msk $0xffff, v27;
	v19 =	vmul.f32 v28, v11  }
0x37a: {  	s4 =	simm.s32 $0x1C;
	v37 =	vadd.s32 s15, v10;
	s15 =	simm.s32 $0x18;
	v35 =	vor.u32 v3, v22;
	v28 =	vor.u32 v5, v18;
	[tilespmem:v26+s31+$0x0] =	vst.idx.msk $0xffff, v56  }
0x37b: {  	v26 =	vadd.s32 s4, v0;
	v58 =	vld.idx.msk [tilespmem:v30+s31+$0x0], $0xffff;
	[tilespmem:v25+s31+$0x0] =	vst.idx.msk $0xffff, v19;
	v19 =	vadd.s32 s15, v0;
	v20 =	vmul.f32 v20, v14  }
0x37c: {  	v27 =	vand.u32 $0x7F, v26;
	v59 =	vld.idx.msk [tilespmem:v31+s31+$0x0], $0xffff;
	v25 =	vand.u32 $0x7F, v19;
	v26 =	vmul.f32 v32, v12  }
0x37d: {  	v60 =	vor.u32 v1, v27;
	v19 =	vmul.f32 v55, v14;
	[tilespmem:v24+s31+$0x0] =	vst.idx.msk $0xffff, v20;
	v20 =	vld.idx.msk [tilespmem:v21+s31+$0x0], $0xffff  }
0x37e: {  	v47 =	vor.u32 v6, v18;
	v24 =	vor.u32 v1, v25;
	v61 =	vld.idx.msk [tilespmem:v57+s31+$0x0], $0xffff;
	[tilespmem:v52+s31+$0x0] =	vst.idx.msk $0xffff, v26  }
0x37f: {  	v34 =	vadd.s32 s28, v10;
	v42 =	vor.u32 v3, v27;
	v26 =	vadd.s32 s21, v8;
	[tilespmem:v53+s31+$0x0] =	vst.idx.msk $0xffff, v19;
	v63 =	vld.idx.msk [tilespmem:v29+s31+$0x0], $0xffff  }
0x380: {  	v19 =	vadd.s32 s16, v9;
	v26 =	vand.u32 $0x7F, v26;
	v52 =	vld.idx.msk [tilespmem:v28+s31+$0x0], $0xffff;
	v36 =	vmul.f32 v58, v16  }
0x381: {  	v53 =	vor.u32 v6, v17;
	v44 =	vor.u32 v1, v26;
	v32 =	vmul.f32 v59, v16  }
0x382: {  	v33 =	vadd.s32 s28, v9;
	v19 =	vand.u32 $0x7F, v19;
	v54 =	vld.idx.msk [tilespmem:v60+s31+$0x0], $0xffff;
	[tilespmem:v30+s31+$0x0] =	vst.idx.msk $0xffff, v36;
	v20 =	vmul.f32 v20, v11  }
0x383: {  	v55 =	vor.u32 v1, v19;
	v30 =	vld.idx.msk [tilespmem:v24+s31+$0x0], $0xffff;
	[tilespmem:v31+s31+$0x0] =	vst.idx.msk $0xffff, v32;
	v40 =	vmul.f32 v61, v13  }
0x384: {  	v49 =	vor.u32 v4, v27;
	v56 =	vld.idx.msk [tilespmem:v62+s31+$0x0], $0xffff;
	[tilespmem:v21+s31+$0x0] =	vst.idx.msk $0xffff, v20;
	v20 =	vmul.f32 v63, v11  }
0x385: {  	v48 =	vor.u32 v6, v27;
	v21 =	vld.idx.msk [tilespmem:v35+s31+$0x0], $0xffff;
	v31 =	vmul.f32 v52, v13;
	[tilespmem:v57+s31+$0x0] =	vst.idx.msk $0xffff, v40  }
0x386: {  	v59 =	vor.u32 v4, v23;
	v57 =	vor.u32 v3, v25;
	v58 =	vld.idx.msk [tilespmem:v44+s31+$0x0], $0xffff;
	[tilespmem:v29+s31+$0x0] =	vst.idx.msk $0xffff, v20  }
0x387: {  	v61 =	vor.u32 v7, v17;
	v40 =	vld.idx.msk [tilespmem:v53+s31+$0x0], $0xffff;
	v20 =	vmul.f32 v54, v16;
	[tilespmem:v28+s31+$0x0] =	vst.idx.msk $0xffff, v31  }
0x388: {  	v28 =	vor.u32 v4, v22;
	v31 =	vand.u32 $0x7F, v37;
	v29 =	vmul.f32 v30, v16;
	v30 =	vld.idx.msk [tilespmem:v55+s31+$0x0], $0xffff  }
0x389: {  	v46 =	vld.idx.msk [tilespmem:v47+s31+$0x0], $0xffff;
	[tilespmem:v60+s31+$0x0] =	vst.idx.msk $0xffff, v20;
	v20 =	vmul.f32 v56, v15;
	v60 =	vor.u32 v3, v26  }
0x38a: {  	v37 =	vor.u32 v5, v23;
	[tilespmem:v24+s31+$0x0] =	vst.idx.msk $0xffff, v29;
	v24 =	vld.idx.msk [tilespmem:v42+s31+$0x0], $0xffff;
	v17 =	vmul.f32 v21, v15  }
0x38b: {  	v29 =	vor.u32 v3, v19;
	v21 =	vld.idx.msk [tilespmem:v57+s31+$0x0], $0xffff;
	[tilespmem:v62+s31+$0x0] =	vst.idx.msk $0xffff, v20;
	v20 =	vmul.f32 v58, v16  }
0x38c: {  	v50 =	vor.u32 v1, v31;
	v63 =	vmul.f32 v40, v12;
	v52 =	vld.idx.msk [tilespmem:v59+s31+$0x0], $0xffff;
	[tilespmem:v35+s31+$0x0] =	vst.idx.msk $0xffff, v17  }
0x38d: {  	v32 =	vand.u32 $0x7F, v33;
	v62 =	vadd.s32 s23, v10;
	v35 =	vld.idx.msk [tilespmem:v28+s31+$0x0], $0xffff;
	[tilespmem:v44+s31+$0x0] =	vst.idx.msk $0xffff, v20;
	v20 =	vmul.f32 v30, v16  }
0x38e: {  	v58 =	vor.u32 v4, v19;
	v30 =	vor.u32 v4, v25;
	[tilespmem:v53+s31+$0x0] =	vst.idx.msk $0xffff, v63;
	v53 =	vld.idx.msk [tilespmem:v60+s31+$0x0], $0xffff  }
0x38f: {  	v40 =	vor.u32 v4, v26;
	v54 =	vld.idx.msk [tilespmem:v61+s31+$0x0], $0xffff;
	v24 =	vmul.f32 v24, v15;
	[tilespmem:v55+s31+$0x0] =	vst.idx.msk $0xffff, v20  }
0x390: {  	v44 =	vor.u32 v5, v22;
	v20 =	vand.u32 $0x7F, v62;
	v21 =	vmul.f32 v21, v15;
	v56 =	vld.idx.msk [tilespmem:v29+s31+$0x0], $0xffff  }
0x391: {  	v55 =	vadd.s32 s14, v8;
	v38 =	vor.u32 v1, v20;
	[tilespmem:v42+s31+$0x0] =	vst.idx.msk $0xffff, v24;
	v24 =	vmul.f32 v52, v14  }
0x392: {  	v17 =	vand.u32 $0x7F, v34;
	v33 =	vand.u32 $0x7F, v55;
	[tilespmem:v57+s31+$0x0] =	vst.idx.msk $0xffff, v21;
	v21 =	vld.idx.msk [tilespmem:v49+s31+$0x0], $0xffff;
	v35 =	vmul.f32 v35, v14  }
0x393: {  	v42 =	vor.u32 v7, v22;
	v57 =	vld.idx.msk [tilespmem:v30+s31+$0x0], $0xffff;
	[tilespmem:v59+s31+$0x0] =	vst.idx.msk $0xffff, v24;
	v24 =	vmul.f32 v53, v15  }
0x394: {  	v34 =	vmul.f32 v54, v11;
	v43 =	vld.idx.msk [tilespmem:v37+s31+$0x0], $0xffff;
	[tilespmem:v28+s31+$0x0] =	vst.idx.msk $0xffff, v35;
	v35 =	vor.u32 v5, v27  }
0x395: {  	v28 =	vld.idx.msk [tilespmem:v44+s31+$0x0], $0xffff;
	[tilespmem:v60+s31+$0x0] =	vst.idx.msk $0xffff, v24;
	v24 =	vmul.f32 v56, v15;
	v60 =	vmul.f32 v46, v12  }
0x396: {  	v46 =	vor.u32 v6, v23;
	[tilespmem:v61+s31+$0x0] =	vst.idx.msk $0xffff, v34;
	v61 =	vor.u32 v5, v25;
	v62 =	vld.idx.msk [tilespmem:v40+s31+$0x0], $0xffff  }
0x397: {  	v59 =	vadd.s32 s14, v9;
	v56 =	vor.u32 v5, v19;
	v63 =	vmul.f32 v21, v14;
	[tilespmem:v29+s31+$0x0] =	vst.idx.msk $0xffff, v24  }
0x398: {  	v24 =	vld.idx.msk [tilespmem:v38+s31+$0x0], $0xffff;
	[tilespmem:v47+s31+$0x0] =	vst.idx.msk $0xffff, v60;
	v29 =	vor.u32 v6, v22;
	v52 =	vmul.f32 v57, v14  }
0x399: {  	v53 =	vld.idx.msk [tilespmem:v58+s31+$0x0], $0xffff;
	[tilespmem:v49+s31+$0x0] =	vst.idx.msk $0xffff, v63;
	v54 =	vmul.f32 v43, v13;
	v43 =	vor.u32 v5, v26  }
0x39a: {  	v23 =	vor.u32 v7, v23;
	[tilespmem:v30+s31+$0x0] =	vst.idx.msk $0xffff, v52;
	v30 =	vld.idx.msk [tilespmem:v35+s31+$0x0], $0xffff;
	v28 =	vmul.f32 v28, v13  }
0x39b: {  	v47 =	vor.u32 v3, v20;
	v39 =	vld.idx.msk [tilespmem:v61+s31+$0x0], $0xffff;
	[tilespmem:v37+s31+$0x0] =	vst.idx.msk $0xffff, v54;
	v55 =	vmul.f32 v62, v14  }
0x39c: {  	v21 =	vand.u32 $0x7F, v59;
	v49 =	vor.u32 v1, v32;
	v62 =	vld.idx.msk [tilespmem:v46+s31+$0x0], $0xffff;
	[tilespmem:v44+s31+$0x0] =	vst.idx.msk $0xffff, v28  }
0x39d: {  	v28 =	vor.u32 v7, v18;
	v18 =	vmul.f32 v24, v16;
	v44 =	vld.idx.msk [tilespmem:v29+s31+$0x0], $0xffff;
	[tilespmem:v40+s31+$0x0] =	vst.idx.msk $0xffff, v55  }
0x39e: {  	v52 =	vadd.s32 s15, v8;
	v37 =	vor.u32 v3, v33;
	v63 =	vmul.f32 v53, v14;
	v57 =	vld.idx.msk [tilespmem:v43+s31+$0x0], $0xffff  }
0x39f: {  	v24 =	vadd.s32 s14, v10;
	v53 =	vor.u32 v6, v25;
	[tilespmem:v38+s31+$0x0] =	vst.idx.msk $0xffff, v18;
	v30 =	vmul.f32 v30, v13  }
0x3a0: {  	v18 =	vand.u32 $0x7F, v24;
	v24 =	vand.u32 $0x7F, v52;
	[tilespmem:v58+s31+$0x0] =	vst.idx.msk $0xffff, v63;
	v58 =	vld.idx.msk [tilespmem:v47+s31+$0x0], $0xffff;
	v39 =	vmul.f32 v39, v13  }
0x3a1: {  	v38 =	vor.u32 v5, v20;
	v59 =	vld.idx.msk [tilespmem:v56+s31+$0x0], $0xffff;
	[tilespmem:v35+s31+$0x0] =	vst.idx.msk $0xffff, v30;
	v30 =	vmul.f32 v62, v12  }
0x3a2: {  	v22 =	vld.idx.msk [tilespmem:v28+s31+$0x0], $0xffff;
	v35 =	vor.u32 v6, v26;
	[tilespmem:v61+s31+$0x0] =	vst.idx.msk $0xffff, v39;
	v61 =	vmul.f32 v44, v12  }
0x3a3: {  	v52 =	vor.u32 v7, v19;
	v60 =	vld.idx.msk [tilespmem:v48+s31+$0x0], $0xffff;
	[tilespmem:v46+s31+$0x0] =	vst.idx.msk $0xffff, v30;
	v30 =	vmul.f32 v57, v13  }
0x3a4: {  	v63 =	vadd.s32 s15, v9;
	v44 =	vor.u32 v4, v20;
	v62 =	vld.idx.msk [tilespmem:v53+s31+$0x0], $0xffff;
	[tilespmem:v29+s31+$0x0] =	vst.idx.msk $0xffff, v61  }
0x3a5: {  	s23 =	simm.s32 $0x24;
	v39 =	vor.u32 v1, v33;
	v29 =	vmul.f32 v58, v15;
	v54 =	vld.idx.msk [tilespmem:v23+s31+$0x0], $0xffff;
	[tilespmem:v43+s31+$0x0] =	vst.idx.msk $0xffff, v30  }
0x3a6: {  	v30 =	vmul.f32 v59, v13;
	v55 =	vld.idx.msk [tilespmem:v42+s31+$0x0], $0xffff;
	v43 =	vor.u32 v7, v27;
	v59 =	vadd.s32 s23, v0  }
0x3a7: {  	v22 =	vmul.f32 v22, v11;
	[tilespmem:v47+s31+$0x0] =	vst.idx.msk $0xffff, v29;
	v29 =	vor.u32 v6, v19;
	v27 =	vld.idx.msk [tilespmem:v35+s31+$0x0], $0xffff  }
0x3a8: {  	s28 =	simm.s32 $0x20;
	v47 =	vor.u32 v3, v31;
	v36 =	vand.u32 $0x7F, v59;
	v34 =	vmul.f32 v60, v12;
	[tilespmem:v56+s31+$0x0] =	vst.idx.msk $0xffff, v30  }
0x3a9: {  	v59 =	vadd.s32 s28, v9;
	v56 =	vadd.s32 s15, v10;
	v45 =	vmul.f32 v62, v12;
	[tilespmem:v28+s31+$0x0] =	vst.idx.msk $0xffff, v22;
	v28 =	vld.idx.msk [tilespmem:v44+s31+$0x0], $0xffff  }
0x3aa: {  	v30 =	vor.u32 v5, v31;
	[tilespmem:v48+s31+$0x0] =	vst.idx.msk $0xffff, v34;
	v57 =	vld.idx.msk [tilespmem:v39+s31+$0x0], $0xffff;
	v22 =	vmul.f32 v54, v11  }
0x3ab: {  	[tilespmem:v53+s31+$0x0] =	vst.idx.msk $0xffff, v45;
	v58 =	vld.idx.msk [tilespmem:v43+s31+$0x0], $0xffff;
	v45 =	vor.u32 v7, v26;
	v26 =	vmul.f32 v55, v11  }
0x3ac: {  	v19 =	vand.u32 $0x7F, v56;
	v56 =	vadd.s32 s4, v8;
	v60 =	vld.idx.msk [tilespmem:v29+s31+$0x0], $0xffff;
	[tilespmem:v23+s31+$0x0] =	vst.idx.msk $0xffff, v22;
	v23 =	vadd.s32 s28, v0  }
0x3ad: {  	v61 =	vmul.f32 v27, v12;
	v62 =	vld.idx.msk [tilespmem:v49+s31+$0x0], $0xffff;
	[tilespmem:v42+s31+$0x0] =	vst.idx.msk $0xffff, v26;
	v42 =	vor.u32 v1, v36  }
0x3ae: {  	v48 =	vor.u32 v3, v32;
	v27 =	vand.u32 $0x7F, v23;
	v23 =	vld.idx.msk [tilespmem:v50+s31+$0x0], $0xffff;
	v26 =	vmul.f32 v28, v14  }
0x3af: {  	v34 =	vand.u32 $0x7F, v56;
	v53 =	vor.u32 v1, v27;
	[tilespmem:v35+s31+$0x0] =	vst.idx.msk $0xffff, v61;
	v28 =	vmul.f32 v57, v16  }
0x3b0: {  	v55 =	vor.u32 v3, v27;
	v51 =	vld.idx.msk [tilespmem:v45+s31+$0x0], $0xffff;
	[tilespmem:v44+s31+$0x0] =	vst.idx.msk $0xffff, v26;
	v26 =	vmul.f32 v58, v11  }
0x3b1: {  	v22 =	vand.u32 $0x7F, v63;
	v41 =	vld.idx.msk [tilespmem:v38+s31+$0x0], $0xffff;
	[tilespmem:v39+s31+$0x0] =	vst.idx.msk $0xffff, v28;
	v28 =	vadd.s32 s21, v9;
	v57 =	vmul.f32 v60, v12  }
0x3b2: {  	v40 =	vld.idx.msk [tilespmem:v42+s31+$0x0], $0xffff;
	[tilespmem:v43+s31+$0x0] =	vst.idx.msk $0xffff, v26;
	v43 =	vor.u32 v1, v34;
	v58 =	vmul.f32 v62, v16  }
0x3b3: {  	v63 =	vadd.s32 s28, v8;
	v28 =	vand.u32 $0x7F, v28;
	v60 =	vld.idx.msk [tilespmem:v37+s31+$0x0], $0xffff;
	[tilespmem:v29+s31+$0x0] =	vst.idx.msk $0xffff, v57;
	v29 =	vmul.f32 v23, v16  }
0x3b4: {  	v44 =	vor.u32 v4, v32;
	v54 =	vld.idx.msk [tilespmem:v53+s31+$0x0], $0xffff;
	v39 =	vor.u32 v1, v28;
	[tilespmem:v49+s31+$0x0] =	vst.idx.msk $0xffff, v58  }
0x3b5: {  	v61 =	vmul.f32 v51, v11;
	v62 =	vld.idx.msk [tilespmem:v48+s31+$0x0], $0xffff;
	[tilespmem:v50+s31+$0x0] =	vst.idx.msk $0xffff, v29;
	v29 =	vor.u32 v6, v20  }
0x3b6: {  	v26 =	vand.u32 $0x7F, v63;
	v49 =	vor.u32 v3, v36;
	v63 =	vld.idx.msk [tilespmem:v47+s31+$0x0], $0xffff;
	v41 =	vmul.f32 v41, v13  }
0x3b7: {  	v23 =	vand.u32 $0x7F, v59;
	v56 =	vld.idx.msk [tilespmem:v43+s31+$0x0], $0xffff;
	[tilespmem:v45+s31+$0x0] =	vst.idx.msk $0xffff, v61;
	v40 =	vmul.f32 v40, v16  }
0x3b8: {  	v50 =	vor.u32 v4, v33;
	v45 =	vld.idx.msk [tilespmem:v52+s31+$0x0], $0xffff;
	v35 =	vmul.f32 v60, v15;
	[tilespmem:v38+s31+$0x0] =	vst.idx.msk $0xffff, v41  }
0x3b9: {  	v51 =	vor.u32 v4, v27;
	v59 =	vmul.f32 v54, v16;
	v54 =	vld.idx.msk [tilespmem:v39+s31+$0x0], $0xffff;
	[tilespmem:v42+s31+$0x0] =	vst.idx.msk $0xffff, v40  }
0x3ba: {  	v41 =	vor.u32 v4, v31;
	[tilespmem:v37+s31+$0x0] =	vst.idx.msk $0xffff, v35;
	v42 =	vld.idx.msk [tilespmem:v29+s31+$0x0], $0xffff;
	v60 =	vmul.f32 v62, v15  }
0x3bb: {  	[tilespmem:v53+s31+$0x0] =	vst.idx.msk $0xffff, v59;
	v61 =	vld.idx.msk [tilespmem:v49+s31+$0x0], $0xffff;
	v53 =	vor.u32 v3, v34;
	v62 =	vmul.f32 v63, v15  }
0x3bc: {  	v37 =	vld.idx.msk [tilespmem:v55+s31+$0x0], $0xffff;
	v63 =	vmul.f32 v56, v16;
	v56 =	vor.u32 v3, v28;
	[tilespmem:v48+s31+$0x0] =	vst.idx.msk $0xffff, v60  }
0x3bd: {  	v38 =	vor.u32 v7, v20;
	v59 =	vld.idx.msk [tilespmem:v50+s31+$0x0], $0xffff;
	v20 =	vmul.f32 v45, v11;
	[tilespmem:v47+s31+$0x0] =	vst.idx.msk $0xffff, v62  }
0x3be: {  	v45 =	vor.u32 v4, v36;
	v35 =	vld.idx.msk [tilespmem:v44+s31+$0x0], $0xffff;
	v60 =	vmul.f32 v54, v16;
	[tilespmem:v43+s31+$0x0] =	vst.idx.msk $0xffff, v63  }
0x3bf: {  	v40 =	vor.u32 v5, v32;
	v47 =	vld.idx.msk [tilespmem:v41+s31+$0x0], $0xffff;
	[tilespmem:v52+s31+$0x0] =	vst.idx.msk $0xffff, v20;
	v20 =	vmul.f32 v42, v12  }
0x3c0: {  	v42 =	vor.u32 v5, v33;
	v52 =	vld.idx.msk [tilespmem:v53+s31+$0x0], $0xffff;
	v46 =	vmul.f32 v61, v15;
	[tilespmem:v39+s31+$0x0] =	vst.idx.msk $0xffff, v60  }
0x3c1: {  	v62 =	vadd.s32 s16, v10;
	v61 =	vadd.s32 s28, v10;
	v37 =	vmul.f32 v37, v15;
	v63 =	vld.idx.msk [tilespmem:v56+s31+$0x0], $0xffff;
	[tilespmem:v29+s31+$0x0] =	vst.idx.msk $0xffff, v20  }
0x3c2: {  	v57 =	vmul.f32 v59, v14;
	v20 =	vand.u32 $0x7F, v61;
	v29 =	vand.u32 $0x7F, v62;
	[tilespmem:v49+s31+$0x0] =	vst.idx.msk $0xffff, v46;
	v58 =	vld.idx.msk [tilespmem:v38+s31+$0x0], $0xffff  }
0x3c3: {  	v46 =	vor.u32 v4, v34;
	[tilespmem:v55+s31+$0x0] =	vst.idx.msk $0xffff, v37;
	v59 =	vld.idx.msk [tilespmem:v45+s31+$0x0], $0xffff;
	v35 =	vmul.f32 v35, v14  }
0x3c4: {  	[tilespmem:v50+s31+$0x0] =	vst.idx.msk $0xffff, v57;
	v39 =	vor.u32 v1, v29;
	v60 =	vld.idx.msk [tilespmem:v51+s31+$0x0], $0xffff;
	v47 =	vmul.f32 v47, v14  }
0x3c5: {  	v61 =	vmul.f32 v52, v15;
	v50 =	vld.idx.msk [tilespmem:v42+s31+$0x0], $0xffff;
	v52 =	vor.u32 v4, v28;
	[tilespmem:v44+s31+$0x0] =	vst.idx.msk $0xffff, v35  }
0x3c6: {  	v44 =	vor.u32 v5, v36;
	v35 =	vld.idx.msk [tilespmem:v40+s31+$0x0], $0xffff;
	[tilespmem:v41+s31+$0x0] =	vst.idx.msk $0xffff, v47;
	v62 =	vmul.f32 v63, v15  }
0x3c7: {  	v49 =	vor.u32 v5, v27;
	[tilespmem:v53+s31+$0x0] =	vst.idx.msk $0xffff, v61;
	v47 =	vld.idx.msk [tilespmem:v30+s31+$0x0], $0xffff;
	v43 =	vmul.f32 v58, v11  }
0x3c8: {  	v53 =	vor.u32 v6, v33;
	v63 =	vld.idx.msk [tilespmem:v46+s31+$0x0], $0xffff;
	v37 =	vmul.f32 v59, v14;
	[tilespmem:v56+s31+$0x0] =	vst.idx.msk $0xffff, v62  }
0x3c9: {  	v57 =	vor.u32 v7, v25;
	v41 =	vld.idx.msk [tilespmem:v39+s31+$0x0], $0xffff;
	v48 =	vmul.f32 v60, v14;
	[tilespmem:v38+s31+$0x0] =	vst.idx.msk $0xffff, v43  }
0x3ca: {  	v55 =	vor.u32 v6, v32;
	v38 =	vld.idx.msk [tilespmem:v52+s31+$0x0], $0xffff;
	[tilespmem:v45+s31+$0x0] =	vst.idx.msk $0xffff, v37;
	v59 =	vmul.f32 v50, v13  }
0x3cb: {  	v54 =	vor.u32 v5, v28;
	v56 =	vor.u32 v6, v31;
	[tilespmem:v51+s31+$0x0] =	vst.idx.msk $0xffff, v48;
	v60 =	vld.idx.msk [tilespmem:v44+s31+$0x0], $0xffff  }
0x3cc: {  	v48 =	vor.u32 v5, v34;
	v35 =	vmul.f32 v35, v13;
	v45 =	vld.idx.msk [tilespmem:v49+s31+$0x0], $0xffff;
	[tilespmem:v42+s31+$0x0] =	vst.idx.msk $0xffff, v59  }
0x3cd: {  	v51 =	vor.u32 v3, v29;
	v61 =	vmul.f32 v47, v13;
	v62 =	vmul.f32 v63, v14;
	v63 =	vld.idx.msk [tilespmem:v53+s31+$0x0], $0xffff  }
0x3ce: {  	v58 =	vor.u32 v6, v36;
	[tilespmem:v40+s31+$0x0] =	vst.idx.msk $0xffff, v35;
	v35 =	vor.u32 v7, v31;
	v31 =	vld.idx.msk [tilespmem:v57+s31+$0x0], $0xffff  }
0x3cf: {  	v43 =	vor.u32 v7, v32;
	v41 =	vmul.f32 v41, v16;
	v25 =	vld.idx.msk [tilespmem:v55+s31+$0x0], $0xffff;
	[tilespmem:v30+s31+$0x0] =	vst.idx.msk $0xffff, v61  }
0x3d0: {  	[tilespmem:v46+s31+$0x0] =	vst.idx.msk $0xffff, v62;
	v59 =	vmul.f32 v38, v14;
	v38 =	vld.idx.msk [tilespmem:v56+s31+$0x0], $0xffff;
	v46 =	vor.u32 v6, v27  }
0x3d1: {  	[tilespmem:v39+s31+$0x0] =	vst.idx.msk $0xffff, v41;
	v41 =	vor.u32 v7, v33;
	v50 =	vld.idx.msk [tilespmem:v48+s31+$0x0], $0xffff;
	v60 =	vmul.f32 v60, v13  }
0x3d2: {  	v37 =	vor.u32 v6, v34;
	v39 =	vld.idx.msk [tilespmem:v51+s31+$0x0], $0xffff;
	[tilespmem:v52+s31+$0x0] =	vst.idx.msk $0xffff, v59;
	v61 =	vmul.f32 v45, v13  }
0x3d3: {  	v42 =	vor.u32 v4, v29;
	v52 =	vld.idx.msk [tilespmem:v54+s31+$0x0], $0xffff;
	[tilespmem:v44+s31+$0x0] =	vst.idx.msk $0xffff, v60;
	v62 =	vmul.f32 v63, v12  }
0x3d4: {  	v45 =	vor.u32 v1, v24;
	[tilespmem:v49+s31+$0x0] =	vst.idx.msk $0xffff, v61;
	v63 =	vld.idx.msk [tilespmem:v58+s31+$0x0], $0xffff;
	v25 =	vmul.f32 v25, v12  }
0x3d5: {  	v47 =	vor.u32 v1, v17;
	v59 =	vld.idx.msk [tilespmem:v46+s31+$0x0], $0xffff;
	[tilespmem:v53+s31+$0x0] =	vst.idx.msk $0xffff, v62;
	v60 =	vmul.f32 v38, v12  }
0x3d6: {  	v40 =	vor.u32 v1, v21;
	v31 =	vmul.f32 v31, v11;
	v53 =	vld.idx.msk [tilespmem:v41+s31+$0x0], $0xffff;
	[tilespmem:v55+s31+$0x0] =	vst.idx.msk $0xffff, v25  }
0x3d7: {  	v38 =	vor.u32 v6, v28;
	v61 =	vmul.f32 v50, v13;
	v55 =	vld.idx.msk [tilespmem:v43+s31+$0x0], $0xffff;
	[tilespmem:v56+s31+$0x0] =	vst.idx.msk $0xffff, v60  }
0x3d8: {  	v44 =	vor.u32 v7, v36;
	[tilespmem:v57+s31+$0x0] =	vst.idx.msk $0xffff, v31;
	v39 =	vmul.f32 v39, v15;
	v36 =	vld.idx.msk [tilespmem:v35+s31+$0x0], $0xffff  }
0x3d9: {  	v30 =	vor.u32 v5, v29;
	[tilespmem:v48+s31+$0x0] =	vst.idx.msk $0xffff, v61;
	v62 =	vmul.f32 v52, v13;
	v52 =	vld.idx.msk [tilespmem:v45+s31+$0x0], $0xffff  }
0x3da: {  	v33 =	vor.u32 v3, v17;
	[tilespmem:v51+s31+$0x0] =	vst.idx.msk $0xffff, v39;
	v50 =	vld.idx.msk [tilespmem:v37+s31+$0x0], $0xffff;
	v32 =	vmul.f32 v63, v12  }
0x3db: {  	v25 =	vor.u32 v5, v17;
	v51 =	vld.idx.msk [tilespmem:v42+s31+$0x0], $0xffff;
	[tilespmem:v54+s31+$0x0] =	vst.idx.msk $0xffff, v62;
	v63 =	vmul.f32 v59, v12  }
0x3dc: {  	v39 =	vor.u32 v3, v21;
	v48 =	vld.idx.msk [tilespmem:v38+s31+$0x0], $0xffff;
	[tilespmem:v58+s31+$0x0] =	vst.idx.msk $0xffff, v32;
	v31 =	vmul.f32 v53, v11  }
0x3dd: {  	s14 =	simm.s32 $0x2C;
	s16 =	simm.s32 $0x8;
	[tilespmem:v46+s31+$0x0] =	vst.idx.msk $0xffff, v63;
	v49 =	vld.idx.msk [tilespmem:v44+s31+$0x0], $0xffff;
	v46 =	vor.u32 v7, v34;
	v32 =	vmul.f32 v55, v11  }
.LBB2_7:
0x3de: {  	s15 =	sadd.s32 $0xFFFFFFFC, s14;
	v55 =	vadd.s32 s14, v0;
	s16 =	sadd.s32 $0x2, s16;
	[tilespmem:v41+s31+$0x0] =	vst.idx.msk $0xffff, v31;
	v41 =	vor.u32 v7, v28;
	v28 =	vmul.f32 v36, v11  }
0x3df: {  	v50 =	vmul.f32 v50, v12;
	v36 =	vadd.s32 s15, v0;
	v31 =	vand.u32 $0x7F, v55;
	p1 =	slt.u32 s16, $0x1E;
	v53 =	vld.idx.msk [tilespmem:v40+s31+$0x0], $0xffff;
	[tilespmem:v43+s31+$0x0] =	vst.idx.msk $0xffff, v32  }
0x3e0: {  	v34 =	vmovc v22;
	v32 =	vmul.f32 v51, v14;
	v36 =	vand.u32 $0x7F, v36;
	v43 =	vor.u32 v1, v31;
	v54 =	vld.idx.msk [tilespmem:v47+s31+$0x0], $0xffff  }
0x3e1: {  	v22 =	vadd.s32 s15, v8;
	v55 =	vor.u32 v3, v24;
	v51 =	vor.u32 v1, v36;
	[tilespmem:v37+s31+$0x0] =	vst.idx.msk $0xffff, v50  }
0x3e2: {  	v58 =	vadd.s32 s15, v9;
	v37 =	vand.u32 $0x7F, v22;
	v50 =	vmul.f32 v52, v16;
	v52 =	vld.idx.msk [tilespmem:v46+s31+$0x0], $0xffff;
	[tilespmem:v42+s31+$0x0] =	vst.idx.msk $0xffff, v32  }
0x3e3: {  	v57 =	vadd.s32 s23, v8;
	v42 =	vand.u32 $0x7F, v58;
	v49 =	vmul.f32 v49, v11;
	v56 =	vld.idx.msk [tilespmem:v30+s31+$0x0], $0xffff;
	[tilespmem:v35+s31+$0x0] =	vst.idx.msk $0xffff, v28  }
0x3e4: {  	v32 =	vand.u32 $0x7F, v57;
	v22 =	vmovc v23;
	v28 =	vadd.s32 s4, v9;
	v35 =	vmul.f32 v48, v12;
	[tilespmem:v45+s31+$0x0] =	vst.idx.msk $0xffff, v50  }
0x3e5: {  	v53 =	vmul.f32 v53, v16;
	v45 =	vld.idx.msk [tilespmem:v43+s31+$0x0], $0xffff;
	[tilespmem:v44+s31+$0x0] =	vst.idx.msk $0xffff, v49;
	v44 =	vor.u32 v1, v32  }
0x3e6: {  	v28 =	vand.u32 $0x7F, v28;
	v49 =	vadd.s32 s15, v10;
	v48 =	vld.idx.msk [tilespmem:v51+s31+$0x0], $0xffff;
	[tilespmem:v38+s31+$0x0] =	vst.idx.msk $0xffff, v35;
	v35 =	vmul.f32 v54, v16  }
0x3e7: {  	v23 =	vmov v42;
	v50 =	vor.u32 v1, v28;
	v38 =	vand.u32 $0x7F, v49;
	v49 =	vld.idx.msk [tilespmem:v55+s31+$0x0], $0xffff;
	[tilespmem:v40+s31+$0x0] =	vst.idx.msk $0xffff, v53  }
0x3e8: {  	v40 =	vmul.f32 v52, v11;
	v42 =	vld.idx.msk [tilespmem:v39+s31+$0x0], $0xffff;
	[tilespmem:v47+s31+$0x0] =	vst.idx.msk $0xffff, v35;
	v47 =	vor.u32 v6, v29  }
0x3e9: {  	v52 =	vor.u32 v3, v31;
	v53 =	vor.u32 v4, v24;
	v35 =	vmul.f32 v56, v13;
	v54 =	vld.idx.msk [tilespmem:v33+s31+$0x0], $0xffff  }
0x3ea: {  	v56 =	vor.u32 v3, v36;
	v57 =	vld.idx.msk [tilespmem:v44+s31+$0x0], $0xffff;
	[tilespmem:v46+s31+$0x0] =	vst.idx.msk $0xffff, v40;
	v40 =	vor.u32 v4, v21  }
0x3eb: {  	v58 =	vor.u32 v4, v17;
	v45 =	vmul.f32 v45, v16;
	v46 =	vld.idx.msk [tilespmem:v41+s31+$0x0], $0xffff;
	[tilespmem:v30+s31+$0x0] =	vst.idx.msk $0xffff, v35  }
0x3ec: {  	v59 =	vor.u32 v5, v21;
	v60 =	vor.u32 v7, v29;
	v30 =	vmul.f32 v48, v16;
	v48 =	vld.idx.msk [tilespmem:v50+s31+$0x0], $0xffff  }
0x3ed: {  	v29 =	vmul.f32 v49, v15;
	v35 =	vmov v17;
	[tilespmem:v43+s31+$0x0] =	vst.idx.msk $0xffff, v45;
	v43 =	vadd.s32 s21, v10;
	v45 =	vld.idx.msk [tilespmem:v47+s31+$0x0], $0xffff;
	s21 =	smov.u32 s4;
	s4 =	smov.u32 s23;
	s23 =	smov.u32 s14  }
0x3ee: {  	v49 =	vor.u32 v3, v32;
	v42 =	vmul.f32 v42, v15;
	[tilespmem:v51+s31+$0x0] =	vst.idx.msk $0xffff, v30;
	v30 =	vld.idx.msk [tilespmem:v52+s31+$0x0], $0xffff  }
0x3ef: {  	v17 =	vmov v18;
	v51 =	vld.idx.msk [tilespmem:v56+s31+$0x0], $0xffff;
	[tilespmem:v55+s31+$0x0] =	vst.idx.msk $0xffff, v29;
	v29 =	vand.u32 $0x7F, v43;
	v43 =	vmul.f32 v54, v15  }
0x3f0: {  	v18 =	vmul.f32 v57, v16;
	v55 =	vor.u32 v3, v28;
	v54 =	vld.idx.msk [tilespmem:v53+s31+$0x0], $0xffff;
	[tilespmem:v39+s31+$0x0] =	vst.idx.msk $0xffff, v42  }
0x3f1: {  	v39 =	vor.u32 v5, v24;
	v46 =	vmul.f32 v46, v11;
	v42 =	vld.idx.msk [tilespmem:v40+s31+$0x0], $0xffff;
	[tilespmem:v33+s31+$0x0] =	vst.idx.msk $0xffff, v43  }
0x3f2: {  	v33 =	vor.u32 v4, v31;
	v57 =	vmul.f32 v48, v16;
	[tilespmem:v44+s31+$0x0] =	vst.idx.msk $0xffff, v18;
	v43 =	vld.idx.msk [tilespmem:v58+s31+$0x0], $0xffff  }
0x3f3: {  	v44 =	vor.u32 v4, v36;
	v48 =	vld.idx.msk [tilespmem:v49+s31+$0x0], $0xffff;
	[tilespmem:v41+s31+$0x0] =	vst.idx.msk $0xffff, v46;
	v41 =	vmul.f32 v45, v12  }
0x3f4: {  	v45 =	vmul.f32 v30, v15;
	v30 =	vor.u32 v5, v29;
	v18 =	vmov v19;
	[tilespmem:v50+s31+$0x0] =	vst.idx.msk $0xffff, v57  }
0x3f5: {  	v19 =	vmov v20;
	v20 =	vmov v38;
	v46 =	vmul.f32 v51, v15;
	v50 =	vld.idx.msk [tilespmem:v55+s31+$0x0], $0xffff;
	[tilespmem:v47+s31+$0x0] =	vst.idx.msk $0xffff, v41  }
0x3f6: {  	v38 =	vmul.f32 v54, v14;
	[tilespmem:v52+s31+$0x0] =	vst.idx.msk $0xffff, v45;
	v41 =	vld.idx.msk [tilespmem:v60+s31+$0x0], $0xffff  }
0x3f7: {  	v42 =	vmul.f32 v42, v14;
	[tilespmem:v56+s31+$0x0] =	vst.idx.msk $0xffff, v46;
	v45 =	vld.idx.msk [tilespmem:v33+s31+$0x0], $0xffff;
	v46 =	vor.u32 v4, v32  }
0x3f8: {  	v43 =	vmul.f32 v43, v14;
	v47 =	vld.idx.msk [tilespmem:v44+s31+$0x0], $0xffff;
	[tilespmem:v53+s31+$0x0] =	vst.idx.msk $0xffff, v38;
	v38 =	vor.u32 v1, v29  }
0x3f9: {  	v52 =	vor.u32 v4, v28;
	v48 =	vmul.f32 v48, v15;
	v51 =	vld.idx.msk [tilespmem:v39+s31+$0x0], $0xffff;
	[tilespmem:v40+s31+$0x0] =	vst.idx.msk $0xffff, v42  }
0x3fa: {  	v40 =	vor.u32 v6, v24;
	v42 =	vld.idx.msk [tilespmem:v59+s31+$0x0], $0xffff;
	[tilespmem:v58+s31+$0x0] =	vst.idx.msk $0xffff, v43  }
0x3fb: {  	v53 =	vor.u32 v5, v31;
	v43 =	vmul.f32 v50, v15;
	[tilespmem:v49+s31+$0x0] =	vst.idx.msk $0xffff, v48;
	v48 =	vld.idx.msk [tilespmem:v25+s31+$0x0], $0xffff  }
0x3fc: {  	v54 =	vor.u32 v6, v21;
	v49 =	vor.u32 v5, v36;
	v41 =	vmul.f32 v41, v11;
	v50 =	vld.idx.msk [tilespmem:v46+s31+$0x0], $0xffff  }
0x3fd: {  	v45 =	vmul.f32 v45, v14;
	[tilespmem:v55+s31+$0x0] =	vst.idx.msk $0xffff, v43;
	v43 =	vld.idx.msk [tilespmem:v38+s31+$0x0], $0xffff;
	v55 =	vor.u32 v6, v35  }
0x3fe: {  	v47 =	vmul.f32 v47, v14;
	v56 =	vld.idx.msk [tilespmem:v52+s31+$0x0], $0xffff;
	[tilespmem:v60+s31+$0x0] =	vst.idx.msk $0xffff, v41  }
0x3ff: {  	[tilespmem:v33+s31+$0x0] =	vst.idx.msk $0xffff, v45;
	v33 =	vmul.f32 v51, v13;
	v51 =	vor.u32 v3, v29  }
0x400: {  	v42 =	vmul.f32 v42, v13;
	[tilespmem:v44+s31+$0x0] =	vst.idx.msk $0xffff, v47;
	v44 =	vld.idx.msk [tilespmem:v53+s31+$0x0], $0xffff;
	v47 =	vor.u32 v5, v32  }
0x401: {  	v41 =	vor.u32 v7, v24;
	v24 =	vmul.f32 v48, v13;
	v45 =	vld.idx.msk [tilespmem:v49+s31+$0x0], $0xffff;
	[tilespmem:v39+s31+$0x0] =	vst.idx.msk $0xffff, v33  }
0x402: {  	v48 =	vor.u32 v5, v28;
	v33 =	vmul.f32 v50, v14;
	v39 =	vld.idx.msk [tilespmem:v40+s31+$0x0], $0xffff;
	[tilespmem:v59+s31+$0x0] =	vst.idx.msk $0xffff, v42  }
0x403: {  	v57 =	vor.u32 v7, v27;
	v42 =	vmul.f32 v43, v16;
	v50 =	vld.idx.msk [tilespmem:v54+s31+$0x0], $0xffff;
	[tilespmem:v25+s31+$0x0] =	vst.idx.msk $0xffff, v24  }
0x404: {  	v58 =	vor.u32 v6, v31;
	v56 =	vmul.f32 v56, v14;
	[tilespmem:v46+s31+$0x0] =	vst.idx.msk $0xffff, v33;
	v25 =	vld.idx.msk [tilespmem:v55+s31+$0x0], $0xffff  }
0x405: {  	v43 =	vor.u32 v7, v21;
	v46 =	vor.u32 v6, v36;
	v33 =	vld.idx.msk [tilespmem:v47+s31+$0x0], $0xffff;
	[tilespmem:v38+s31+$0x0] =	vst.idx.msk $0xffff, v42  }
0x406: {  	v27 =	vmov v36;
	v24 =	vmov v26;
	v38 =	vmul.f32 v44, v13;
	[tilespmem:v52+s31+$0x0] =	vst.idx.msk $0xffff, v56;
	v44 =	vld.idx.msk [tilespmem:v51+s31+$0x0], $0xffff  }
0x407: {  	v35 =	vor.u32 v7, v35;
	v21 =	vmovc v34;
	v26 =	vmov v37;
	v36 =	vmul.f32 v45, v13;
	v52 =	vld.idx.msk [tilespmem:v48+s31+$0x0], $0xffff  }
0x408: {  	v42 =	vor.u32 v4, v29;
	[tilespmem:v53+s31+$0x0] =	vst.idx.msk $0xffff, v38;
	v34 =	vld.idx.msk [tilespmem:v57+s31+$0x0], $0xffff;
	v38 =	vmul.f32 v39, v12  }
0x409: {  	v37 =	vor.u32 v6, v32;
	[tilespmem:v49+s31+$0x0] =	vst.idx.msk $0xffff, v36;
	v39 =	vld.idx.msk [tilespmem:v58+s31+$0x0], $0xffff;
	v36 =	vmul.f32 v50, v12  }
0x40a: {  	v25 =	vmul.f32 v25, v12;
	v49 =	vld.idx.msk [tilespmem:v46+s31+$0x0], $0xffff;
	[tilespmem:v40+s31+$0x0] =	vst.idx.msk $0xffff, v38;
	v40 =	vor.u32 v1, v21  }
0x40b: {  	v33 =	vmul.f32 v33, v13;
	v38 =	vor.u32 v6, v28;
	v53 =	vld.idx.msk [tilespmem:v41+s31+$0x0], $0xffff;
	[tilespmem:v54+s31+$0x0] =	vst.idx.msk $0xffff, v36  }
0x40c: {  	v45 =	vor.u32 v1, v24;
	v56 =	vmul.f32 v44, v15;
	v54 =	vld.idx.msk [tilespmem:v43+s31+$0x0], $0xffff;
	[tilespmem:v55+s31+$0x0] =	vst.idx.msk $0xffff, v25  }
0x40d: {  	v44 =	vor.u32 v7, v31;
	v31 =	vmul.f32 v52, v13;
	[tilespmem:v47+s31+$0x0] =	vst.idx.msk $0xffff, v33;
	v36 =	vld.idx.msk [tilespmem:v35+s31+$0x0], $0xffff  }
.Ltmp4:
0x40e: {  	v25 =	vor.u32 v5, v17;
	v34 =	vmul.f32 v34, v11;
	v50 =	vld.idx.msk [tilespmem:v37+s31+$0x0], $0xffff;
	[tilespmem:v51+s31+$0x0] =	vst.idx.msk $0xffff, v56;
	(pc) =	sbr.rel @p1 .LBB2_7-.Ltmp4, $4  }
0x40f: {  	v33 =	vor.u32 v3, v17;
	v39 =	vmul.f32 v39, v12;
	[tilespmem:v48+s31+$0x0] =	vst.idx.msk $0xffff, v31;
	v51 =	vld.idx.msk [tilespmem:v42+s31+$0x0], $0xffff  }
0x410: {  	v47 =	vor.u32 v1, v17;
	v49 =	vmul.f32 v49, v12;
	[tilespmem:v57+s31+$0x0] =	vst.idx.msk $0xffff, v34;
	v48 =	vld.idx.msk [tilespmem:v38+s31+$0x0], $0xffff  }
0x411: {  	v31 =	vmul.f32 v53, v11;
	[tilespmem:v58+s31+$0x0] =	vst.idx.msk $0xffff, v39;
	v52 =	vld.idx.msk [tilespmem:v45+s31+$0x0], $0xffff;
	v39 =	vor.u32 v3, v21  }
0x412: {  	s14 =	sadd.s32 $0x8, s14;
	[tilespmem:v46+s31+$0x0] =	vst.idx.msk $0xffff, v49;
	v49 =	vld.idx.msk [tilespmem:v44+s31+$0x0], $0xffff;
	v46 =	vor.u32 v7, v32;
	v32 =	vmul.f32 v54, v11  }
0x413: {  	_ =	sdelay $0x3  }
0x414: {  	[tilespmem:v41+s31+$0x0] =	vst.idx.msk $0xffff, v31  }
0x415: {  	v31 =	vld.idx.msk [tilespmem:v40+s31+$0x0], $0xffff;
	[tilespmem:v43+s31+$0x0] =	vst.idx.msk $0xffff, v32  }
0x416: {  	v55 =	vmul.f32 v50, v12;
	v34 =	vld.idx.msk [tilespmem:v47+s31+$0x0], $0xffff  }
0x417: {  	v41 =	vor.u32 v3, v24;
	v56 =	vmul.f32 v51, v14  }
0x418: {  	v58 =	vadd.s32 s23, v8;
	[tilespmem:v37+s31+$0x0] =	vst.idx.msk $0xffff, v55;
	v57 =	vmul.f32 v52, v16  }
0x419: {  	v37 =	vand.u32 $0x7F, v58;
	[tilespmem:v42+s31+$0x0] =	vst.idx.msk $0xffff, v56;
	v49 =	vmul.f32 v49, v11  }
0x41a: {  	v59 =	vld.idx.msk [tilespmem:v46+s31+$0x0], $0xffff;
	v32 =	vor.u32 v1, v37;
	[tilespmem:v45+s31+$0x0] =	vst.idx.msk $0xffff, v57;
	v60 =	vmul.f32 v31, v16  }
0x41b: {  	v43 =	vld.idx.msk [tilespmem:v30+s31+$0x0], $0xffff;
	v31 =	vadd.s32 s4, v9;
	[tilespmem:v44+s31+$0x0] =	vst.idx.msk $0xffff, v49;
	v34 =	vmul.f32 v34, v16  }
0x41c: {  	v45 =	vld.idx.msk [tilespmem:v41+s31+$0x0], $0xffff;
	v49 =	vor.u32 v7, v28;
	v31 =	vand.u32 $0x7F, v31;
	[tilespmem:v40+s31+$0x0] =	vst.idx.msk $0xffff, v60  }
0x41d: {  	v40 =	vor.u32 v1, v31;
	v42 =	vld.idx.msk [tilespmem:v39+s31+$0x0], $0xffff;
	[tilespmem:v47+s31+$0x0] =	vst.idx.msk $0xffff, v34  }
0x41e: {  	v56 =	vmul.f32 v48, v12;
	v34 =	vor.u32 v6, v29;
	v62 =	vld.idx.msk [tilespmem:v33+s31+$0x0], $0xffff  }
0x41f: {  	v50 =	vor.u32 v4, v24;
	v61 =	vmul.f32 v59, v11  }
0x420: {  	[tilespmem:v38+s31+$0x0] =	vst.idx.msk $0xffff, v56;
	v44 =	vor.u32 v4, v21;
	v63 =	vld.idx.msk [tilespmem:v32+s31+$0x0], $0xffff;
	v43 =	vmul.f32 v43, v13  }
0x421: {  	v55 =	vor.u32 v4, v17;
	[tilespmem:v46+s31+$0x0] =	vst.idx.msk $0xffff, v61;
	v28 =	vmul.f32 v45, v15;
	v61 =	vld.idx.msk [tilespmem:v49+s31+$0x0], $0xffff  }
0x422: {  	[tilespmem:v30+s31+$0x0] =	vst.idx.msk $0xffff, v43;
	v30 =	vld.idx.msk [tilespmem:v40+s31+$0x0], $0xffff;
	v42 =	vmul.f32 v42, v15  }
0x423: {  	[tilespmem:v41+s31+$0x0] =	vst.idx.msk $0xffff, v28;
	v57 =	vld.idx.msk [tilespmem:v34+s31+$0x0], $0xffff;
	v59 =	vmul.f32 v62, v15  }
0x424: {  	v36 =	vmul.f32 v36, v11;
	v58 =	vor.u32 v3, v37;
	v60 =	vld.idx.msk [tilespmem:v50+s31+$0x0], $0xffff;
	[tilespmem:v39+s31+$0x0] =	vst.idx.msk $0xffff, v42  }
0x425: {  	v38 =	vor.u32 v3, v31;
	v62 =	vmul.f32 v63, v16;
	v39 =	vld.idx.msk [tilespmem:v44+s31+$0x0], $0xffff;
	[tilespmem:v33+s31+$0x0] =	vst.idx.msk $0xffff, v59  }
0x426: {  	[tilespmem:v35+s31+$0x0] =	vst.idx.msk $0xffff, v36;
	v28 =	vor.u32 v7, v29;
	v52 =	vmul.f32 v61, v11;
	v63 =	vld.idx.msk [tilespmem:v55+s31+$0x0], $0xffff  }
0x427: {  	v33 =	vor.u32 v5, v24;
	[tilespmem:v32+s31+$0x0] =	vst.idx.msk $0xffff, v62;
	v30 =	vmul.f32 v30, v16  }
0x428: {  	v29 =	vor.u32 v5, v21;
	[tilespmem:v49+s31+$0x0] =	vst.idx.msk $0xffff, v52;
	v46 =	vmul.f32 v57, v12  }
0x429: {  	v51 =	vor.u32 v7, v27;
	v47 =	vld.idx.msk [tilespmem:v58+s31+$0x0], $0xffff;
	[tilespmem:v40+s31+$0x0] =	vst.idx.msk $0xffff, v30;
	v30 =	vmul.f32 v60, v14  }
0x42a: {  	v40 =	vld.idx.msk [tilespmem:v38+s31+$0x0], $0xffff;
	[tilespmem:v34+s31+$0x0] =	vst.idx.msk $0xffff, v46;
	v48 =	vmul.f32 v39, v14  }
0x42b: {  	v27 =	vld.idx.msk [tilespmem:v28+s31+$0x0], $0xffff;
	[tilespmem:v50+s31+$0x0] =	vst.idx.msk $0xffff, v30;
	v30 =	vmul.f32 v63, v14  }
0x42c: {  	v53 =	vld.idx.msk [tilespmem:v33+s31+$0x0], $0xffff;
	[tilespmem:v44+s31+$0x0] =	vst.idx.msk $0xffff, v48  }
0x42d: {  	v32 =	vld.idx.msk [tilespmem:v29+s31+$0x0], $0xffff;
	[tilespmem:v55+s31+$0x0] =	vst.idx.msk $0xffff, v30  }
0x42e: {  	v30 =	vld.idx.msk [tilespmem:v51+s31+$0x0], $0xffff;
	_ =	sdelay $0x2  }
0x42f: {  	v54 =	vor.u32 v1, v26;
	_ =	sdelay $0x1  }
0x430: {  	v30 =	vmul.f32 v30, v11;
	_ =	sdelay $0x1  }
0x431: {  	[tilespmem:v51+s31+$0x0] =	vst.idx.msk $0xffff, v30  }
0x432: {  	v30 =	vld.idx.msk [tilespmem:v54+s31+$0x0], $0xffff;
	_ =	sdelay $0x2  }
0x433: {  	v55 =	vor.u32 v3, v26;
	_ =	sdelay $0x1  }
0x434: {  	v30 =	vmul.f32 v30, v16;
	_ =	sdelay $0x1  }
0x435: {  	[tilespmem:v54+s31+$0x0] =	vst.idx.msk $0xffff, v30  }
0x436: {  	v30 =	vld.idx.msk [tilespmem:v55+s31+$0x0], $0xffff;
	_ =	sdelay $0x1  }
0x437: {  	v56 =	vor.u32 v4, v37  }
0x438: {  	v57 =	vor.u32 v4, v26  }
0x439: {  	v36 =	vmul.f32 v47, v15  }
0x43a: {  	v30 =	vmul.f32 v30, v15  }
0x43b: {  	[tilespmem:v58+s31+$0x0] =	vst.idx.msk $0xffff, v36  }
0x43c: {  	v36 =	vld.idx.msk [tilespmem:v56+s31+$0x0], $0xffff;
	[tilespmem:v55+s31+$0x0] =	vst.idx.msk $0xffff, v30  }
0x43d: {  	v30 =	vld.idx.msk [tilespmem:v57+s31+$0x0], $0xffff;
	_ =	sdelay $0x1  }
0x43e: {  	v58 =	vor.u32 v5, v37  }
0x43f: {  	v59 =	vor.u32 v5, v26  }
0x440: {  	v36 =	vmul.f32 v36, v14  }
0x441: {  	v30 =	vmul.f32 v30, v14  }
0x442: {  	[tilespmem:v56+s31+$0x0] =	vst.idx.msk $0xffff, v36  }
0x443: {  	v36 =	vld.idx.msk [tilespmem:v58+s31+$0x0], $0xffff;
	[tilespmem:v57+s31+$0x0] =	vst.idx.msk $0xffff, v30  }
0x444: {  	v30 =	vld.idx.msk [tilespmem:v59+s31+$0x0], $0xffff  }
0x445: {  	v60 =	vor.u32 v6, v24  }
0x446: {  	v61 =	vor.u32 v6, v37  }
0x447: {  	v62 =	vor.u32 v6, v26;
	v35 =	vmul.f32 v53, v13  }
0x448: {  	v36 =	vmul.f32 v36, v13  }
0x449: {  	[tilespmem:v33+s31+$0x0] =	vst.idx.msk $0xffff, v35;
	v30 =	vmul.f32 v30, v13  }
0x44a: {  	v33 =	vld.idx.msk [tilespmem:v60+s31+$0x0], $0xffff;
	[tilespmem:v58+s31+$0x0] =	vst.idx.msk $0xffff, v36  }
0x44b: {  	v34 =	vld.idx.msk [tilespmem:v61+s31+$0x0], $0xffff;
	[tilespmem:v59+s31+$0x0] =	vst.idx.msk $0xffff, v30  }
0x44c: {  	v30 =	vld.idx.msk [tilespmem:v62+s31+$0x0], $0xffff  }
0x44d: {  	v24 =	vor.u32 v7, v24  }
0x44e: {  	v63 =	vor.u32 v7, v37  }
0x44f: {  	v26 =	vor.u32 v7, v26;
	v33 =	vmul.f32 v33, v12  }
0x450: {  	v34 =	vmul.f32 v34, v12  }
0x451: {  	[tilespmem:v60+s31+$0x0] =	vst.idx.msk $0xffff, v33;
	v30 =	vmul.f32 v30, v12  }
0x452: {  	v33 =	vld.idx.msk [tilespmem:v24+s31+$0x0], $0xffff;
	[tilespmem:v61+s31+$0x0] =	vst.idx.msk $0xffff, v34  }
0x453: {  	v34 =	vld.idx.msk [tilespmem:v63+s31+$0x0], $0xffff;
	[tilespmem:v62+s31+$0x0] =	vst.idx.msk $0xffff, v30  }
0x454: {  	v30 =	vadd.s32 s23, v9;
	v44 =	vld.idx.msk [tilespmem:v26+s31+$0x0], $0xffff  }
0x455: {  	v45 =	vor.u32 v1, v22;
	v30 =	vand.u32 $0x7F, v30  }
0x456: {  	v46 =	vor.u32 v1, v30  }
0x457: {  	v47 =	vor.u32 v1, v23;
	v33 =	vmul.f32 v33, v11  }
0x458: {  	v34 =	vmul.f32 v34, v11  }
0x459: {  	[tilespmem:v24+s31+$0x0] =	vst.idx.msk $0xffff, v33;
	v24 =	vmul.f32 v44, v11  }
0x45a: {  	v33 =	vld.idx.msk [tilespmem:v45+s31+$0x0], $0xffff;
	[tilespmem:v63+s31+$0x0] =	vst.idx.msk $0xffff, v34  }
0x45b: {  	v34 =	vld.idx.msk [tilespmem:v46+s31+$0x0], $0xffff;
	[tilespmem:v26+s31+$0x0] =	vst.idx.msk $0xffff, v24  }
0x45c: {  	v24 =	vld.idx.msk [tilespmem:v47+s31+$0x0], $0xffff  }
0x45d: {  	v26 =	vor.u32 v3, v22  }
0x45e: {  	v48 =	vor.u32 v3, v30  }
0x45f: {  	v49 =	vor.u32 v3, v23;
	v33 =	vmul.f32 v33, v16  }
0x460: {  	v34 =	vmul.f32 v34, v16  }
0x461: {  	[tilespmem:v45+s31+$0x0] =	vst.idx.msk $0xffff, v33;
	v24 =	vmul.f32 v24, v16  }
0x462: {  	v33 =	vld.idx.msk [tilespmem:v26+s31+$0x0], $0xffff;
	[tilespmem:v46+s31+$0x0] =	vst.idx.msk $0xffff, v34  }
0x463: {  	v34 =	vld.idx.msk [tilespmem:v48+s31+$0x0], $0xffff;
	[tilespmem:v47+s31+$0x0] =	vst.idx.msk $0xffff, v24  }
0x464: {  	v24 =	vor.u32 v4, v31;
	v50 =	vld.idx.msk [tilespmem:v49+s31+$0x0], $0xffff  }
0x465: {  	v51 =	vor.u32 v4, v22  }
0x466: {  	v40 =	vmul.f32 v40, v15;
	v52 =	vor.u32 v4, v30  }
0x467: {  	v53 =	vor.u32 v4, v23;
	v33 =	vmul.f32 v33, v15  }
0x468: {  	[tilespmem:v38+s31+$0x0] =	vst.idx.msk $0xffff, v40;
	v34 =	vmul.f32 v34, v15  }
0x469: {  	[tilespmem:v26+s31+$0x0] =	vst.idx.msk $0xffff, v33;
	v38 =	vld.idx.msk [tilespmem:v24+s31+$0x0], $0xffff;
	v26 =	vmul.f32 v50, v15  }
0x46a: {  	v33 =	vld.idx.msk [tilespmem:v51+s31+$0x0], $0xffff;
	[tilespmem:v48+s31+$0x0] =	vst.idx.msk $0xffff, v34  }
0x46b: {  	v34 =	vld.idx.msk [tilespmem:v52+s31+$0x0], $0xffff;
	[tilespmem:v49+s31+$0x0] =	vst.idx.msk $0xffff, v26  }
0x46c: {  	v26 =	vor.u32 v5, v31;
	v54 =	vld.idx.msk [tilespmem:v53+s31+$0x0], $0xffff  }
0x46d: {  	v55 =	vor.u32 v5, v22  }
0x46e: {  	v57 =	vor.u32 v5, v30;
	v56 =	vmul.f32 v38, v14  }
0x46f: {  	v58 =	vor.u32 v5, v23;
	v33 =	vmul.f32 v33, v14  }
0x470: {  	[tilespmem:v24+s31+$0x0] =	vst.idx.msk $0xffff, v56;
	v24 =	vmul.f32 v34, v14  }
0x471: {  	[tilespmem:v51+s31+$0x0] =	vst.idx.msk $0xffff, v33;
	v59 =	vld.idx.msk [tilespmem:v26+s31+$0x0], $0xffff;
	v60 =	vmul.f32 v54, v14  }
0x472: {  	v61 =	vld.idx.msk [tilespmem:v55+s31+$0x0], $0xffff;
	[tilespmem:v52+s31+$0x0] =	vst.idx.msk $0xffff, v24  }
0x473: {  	v24 =	vor.u32 v6, v21;
	v62 =	vld.idx.msk [tilespmem:v57+s31+$0x0], $0xffff;
	[tilespmem:v53+s31+$0x0] =	vst.idx.msk $0xffff, v60  }
0x474: {  	v63 =	vor.u32 v6, v31;
	v45 =	vld.idx.msk [tilespmem:v58+s31+$0x0], $0xffff  }
0x475: {  	v32 =	vmul.f32 v32, v13;
	v46 =	vor.u32 v6, v22  }
0x476: {  	v47 =	vor.u32 v6, v30;
	v34 =	vmul.f32 v59, v13  }
0x477: {  	[tilespmem:v29+s31+$0x0] =	vst.idx.msk $0xffff, v32;
	v48 =	vor.u32 v6, v23;
	v29 =	vmul.f32 v61, v13  }
0x478: {  	v49 =	vld.idx.msk [tilespmem:v24+s31+$0x0], $0xffff;
	[tilespmem:v26+s31+$0x0] =	vst.idx.msk $0xffff, v34;
	v26 =	vmul.f32 v62, v13  }
0x479: {  	[tilespmem:v55+s31+$0x0] =	vst.idx.msk $0xffff, v29;
	v34 =	vld.idx.msk [tilespmem:v63+s31+$0x0], $0xffff;
	v29 =	vmul.f32 v45, v13  }
0x47a: {  	v36 =	vld.idx.msk [tilespmem:v46+s31+$0x0], $0xffff;
	[tilespmem:v57+s31+$0x0] =	vst.idx.msk $0xffff, v26  }
0x47b: {  	v26 =	vor.u32 v7, v21;
	v21 =	vld.idx.msk [tilespmem:v47+s31+$0x0], $0xffff;
	[tilespmem:v58+s31+$0x0] =	vst.idx.msk $0xffff, v29  }
0x47c: {  	v29 =	vor.u32 v7, v31;
	v31 =	vld.idx.msk [tilespmem:v48+s31+$0x0], $0xffff  }
0x47d: {  	v50 =	vor.u32 v7, v22;
	v35 =	vmul.f32 v49, v12  }
0x47e: {  	v30 =	vor.u32 v7, v30;
	v22 =	vmul.f32 v34, v12  }
0x47f: {  	v51 =	vor.u32 v7, v23;
	[tilespmem:v24+s31+$0x0] =	vst.idx.msk $0xffff, v35;
	v24 =	vmul.f32 v36, v12  }
0x480: {  	v23 =	vadd.s32 s21, v10;
	v35 =	vld.idx.msk [tilespmem:v26+s31+$0x0], $0xffff;
	[tilespmem:v63+s31+$0x0] =	vst.idx.msk $0xffff, v22;
	v22 =	vmul.f32 v21, v12  }
0x481: {  	v21 =	vand.u32 $0x7F, v23;
	[tilespmem:v46+s31+$0x0] =	vst.idx.msk $0xffff, v24;
	v33 =	vld.idx.msk [tilespmem:v29+s31+$0x0], $0xffff;
	v24 =	vmul.f32 v31, v12  }
0x482: {  	v23 =	vadd.s32 s4, v10;
	v52 =	vld.idx.msk [tilespmem:v50+s31+$0x0], $0xffff;
	v31 =	vor.u32 v1, v21;
	[tilespmem:v47+s31+$0x0] =	vst.idx.msk $0xffff, v22  }
0x483: {  	v53 =	vor.u32 v1, v18;
	v23 =	vand.u32 $0x7F, v23;
	v54 =	vld.idx.msk [tilespmem:v30+s31+$0x0], $0xffff;
	[tilespmem:v48+s31+$0x0] =	vst.idx.msk $0xffff, v24  }
0x484: {  	v22 =	vadd.s32 s23, v10;
	v24 =	vor.u32 v1, v23;
	v32 =	vld.idx.msk [tilespmem:v51+s31+$0x0], $0xffff  }
0x485: {  	v55 =	vor.u32 v1, v19;
	v22 =	vand.u32 $0x7F, v22;
	v35 =	vmul.f32 v35, v11  }
0x486: {  	v56 =	vor.u32 v1, v22;
	v33 =	vmul.f32 v33, v11  }
0x487: {  	v58 =	vor.u32 v1, v20;
	[tilespmem:v26+s31+$0x0] =	vst.idx.msk $0xffff, v35;
	v26 =	vmul.f32 v52, v11;
	v57 =	vld.idx.msk [tilespmem:v31+s31+$0x0], $0xffff  }
0x488: {  	v59 =	vld.idx.msk [tilespmem:v53+s31+$0x0], $0xffff;
	[tilespmem:v29+s31+$0x0] =	vst.idx.msk $0xffff, v33;
	v29 =	vmul.f32 v54, v11  }
0x489: {  	[tilespmem:v50+s31+$0x0] =	vst.idx.msk $0xffff, v26;
	v33 =	vld.idx.msk [tilespmem:v24+s31+$0x0], $0xffff;
	v26 =	vmul.f32 v32, v11  }
0x48a: {  	v60 =	vor.u32 v3, v21;
	v37 =	vld.idx.msk [tilespmem:v55+s31+$0x0], $0xffff;
	[tilespmem:v30+s31+$0x0] =	vst.idx.msk $0xffff, v29  }
0x48b: {  	v29 =	vor.u32 v3, v18;
	v30 =	vld.idx.msk [tilespmem:v56+s31+$0x0], $0xffff;
	[tilespmem:v51+s31+$0x0] =	vst.idx.msk $0xffff, v26  }
0x48c: {  	v61 =	vor.u32 v3, v23;
	v26 =	vmul.f32 v57, v16;
	v62 =	vld.idx.msk [tilespmem:v58+s31+$0x0], $0xffff  }
0x48d: {  	v63 =	vor.u32 v3, v19;
	v36 =	vmul.f32 v59, v16  }
0x48e: {  	[tilespmem:v31+s31+$0x0] =	vst.idx.msk $0xffff, v26;
	v26 =	vmul.f32 v33, v16;
	v31 =	vor.u32 v3, v22  }
0x48f: {  	v47 =	vor.u32 v3, v20;
	[tilespmem:v53+s31+$0x0] =	vst.idx.msk $0xffff, v36;
	v46 =	vmul.f32 v37, v16;
	v45 =	vld.idx.msk [tilespmem:v60+s31+$0x0], $0xffff  }
0x490: {  	v38 =	vld.idx.msk [tilespmem:v29+s31+$0x0], $0xffff;
	[tilespmem:v24+s31+$0x0] =	vst.idx.msk $0xffff, v26;
	v24 =	vmul.f32 v30, v16  }
0x491: {  	[tilespmem:v55+s31+$0x0] =	vst.idx.msk $0xffff, v46;
	v26 =	vld.idx.msk [tilespmem:v61+s31+$0x0], $0xffff;
	v16 =	vmul.f32 v62, v16  }
0x492: {  	v30 =	vor.u32 v4, v21;
	v36 =	vld.idx.msk [tilespmem:v63+s31+$0x0], $0xffff;
	[tilespmem:v56+s31+$0x0] =	vst.idx.msk $0xffff, v24  }
0x493: {  	v24 =	vor.u32 v4, v18;
	v48 =	vld.idx.msk [tilespmem:v31+s31+$0x0], $0xffff;
	[tilespmem:v58+s31+$0x0] =	vst.idx.msk $0xffff, v16  }
0x494: {  	v49 =	vor.u32 v4, v23;
	v16 =	vmul.f32 v45, v15;
	v35 =	vld.idx.msk [tilespmem:v47+s31+$0x0], $0xffff  }
0x495: {  	v50 =	vor.u32 v4, v19;
	v38 =	vmul.f32 v38, v15  }
0x496: {  	[tilespmem:v60+s31+$0x0] =	vst.idx.msk $0xffff, v16;
	v16 =	vmul.f32 v26, v15;
	v26 =	vor.u32 v4, v22  }
0x497: {  	v51 =	vor.u32 v4, v20;
	[tilespmem:v29+s31+$0x0] =	vst.idx.msk $0xffff, v38;
	v29 =	vmul.f32 v36, v15;
	v32 =	vld.idx.msk [tilespmem:v30+s31+$0x0], $0xffff  }
0x498: {  	v38 =	vld.idx.msk [tilespmem:v24+s31+$0x0], $0xffff;
	[tilespmem:v61+s31+$0x0] =	vst.idx.msk $0xffff, v16;
	v16 =	vmul.f32 v48, v15  }
0x499: {  	[tilespmem:v63+s31+$0x0] =	vst.idx.msk $0xffff, v29;
	v34 =	vld.idx.msk [tilespmem:v49+s31+$0x0], $0xffff;
	v15 =	vmul.f32 v35, v15  }
0x49a: {  	v29 =	vor.u32 v5, v21;
	v52 =	vld.idx.msk [tilespmem:v50+s31+$0x0], $0xffff;
	[tilespmem:v31+s31+$0x0] =	vst.idx.msk $0xffff, v16  }
0x49b: {  	v16 =	vor.u32 v5, v18;
	v31 =	vld.idx.msk [tilespmem:v26+s31+$0x0], $0xffff;
	[tilespmem:v47+s31+$0x0] =	vst.idx.msk $0xffff, v15  }
0x49c: {  	v53 =	vor.u32 v5, v23;
	v15 =	vmul.f32 v32, v14;
	v37 =	vld.idx.msk [tilespmem:v51+s31+$0x0], $0xffff  }
0x49d: {  	v54 =	vor.u32 v5, v19;
	v38 =	vmul.f32 v38, v14  }
0x49e: {  	v55 =	vld.idx.msk [tilespmem:v25+s31+$0x0], $0xffff;
	[tilespmem:v30+s31+$0x0] =	vst.idx.msk $0xffff, v15;
	v15 =	vmul.f32 v34, v14;
	v30 =	vor.u32 v5, v22  }
0x49f: {  	v57 =	vor.u32 v5, v20;
	[tilespmem:v24+s31+$0x0] =	vst.idx.msk $0xffff, v38;
	v24 =	vmul.f32 v52, v14;
	v56 =	vld.idx.msk [tilespmem:v29+s31+$0x0], $0xffff  }
0x4a0: {  	v38 =	vld.idx.msk [tilespmem:v16+s31+$0x0], $0xffff;
	[tilespmem:v49+s31+$0x0] =	vst.idx.msk $0xffff, v15;
	v15 =	vmul.f32 v31, v14  }
0x4a1: {  	v31 =	vor.u32 v6, v17;
	[tilespmem:v50+s31+$0x0] =	vst.idx.msk $0xffff, v24;
	v33 =	vld.idx.msk [tilespmem:v53+s31+$0x0], $0xffff;
	v14 =	vmul.f32 v37, v14  }
0x4a2: {  	v24 =	vor.u32 v6, v21;
	v58 =	vld.idx.msk [tilespmem:v54+s31+$0x0], $0xffff;
	[tilespmem:v26+s31+$0x0] =	vst.idx.msk $0xffff, v15  }
0x4a3: {  	v15 =	vmul.f32 v55, v13;
	v26 =	vor.u32 v6, v18;
	v59 =	vld.idx.msk [tilespmem:v30+s31+$0x0], $0xffff;
	[tilespmem:v51+s31+$0x0] =	vst.idx.msk $0xffff, v14  }
0x4a4: {  	v60 =	vor.u32 v6, v23;
	v14 =	vmul.f32 v56, v13;
	v36 =	vld.idx.msk [tilespmem:v57+s31+$0x0], $0xffff  }
0x4a5: {  	[tilespmem:v25+s31+$0x0] =	vst.idx.msk $0xffff, v15;
	v15 =	vmul.f32 v38, v13;
	v25 =	vor.u32 v6, v19  }
0x4a6: {  	v61 =	vld.idx.msk [tilespmem:v31+s31+$0x0], $0xffff;
	[tilespmem:v29+s31+$0x0] =	vst.idx.msk $0xffff, v14;
	v14 =	vmul.f32 v33, v13;
	v29 =	vor.u32 v6, v22  }
0x4a7: {  	[tilespmem:v16+s31+$0x0] =	vst.idx.msk $0xffff, v15;
	v15 =	vmul.f32 v58, v13;
	v16 =	vor.u32 v6, v20;
	v62 =	vld.idx.msk [tilespmem:v24+s31+$0x0], $0xffff  }
0x4a8: {  	v63 =	vld.idx.msk [tilespmem:v26+s31+$0x0], $0xffff;
	[tilespmem:v53+s31+$0x0] =	vst.idx.msk $0xffff, v14;
	v14 =	vmul.f32 v59, v13  }
0x4a9: {  	v17 =	vor.u32 v7, v17;
	[tilespmem:v54+s31+$0x0] =	vst.idx.msk $0xffff, v15;
	v32 =	vld.idx.msk [tilespmem:v60+s31+$0x0], $0xffff;
	v13 =	vmul.f32 v36, v13  }
0x4aa: {  	v15 =	vor.u32 v7, v21;
	v21 =	vld.idx.msk [tilespmem:v25+s31+$0x0], $0xffff;
	[tilespmem:v30+s31+$0x0] =	vst.idx.msk $0xffff, v14  }
0x4ab: {  	v18 =	vor.u32 v7, v18;
	v14 =	vmul.f32 v61, v12;
	v30 =	vld.idx.msk [tilespmem:v29+s31+$0x0], $0xffff;
	[tilespmem:v57+s31+$0x0] =	vst.idx.msk $0xffff, v13  }
0x4ac: {  	v23 =	vor.u32 v7, v23;
	v13 =	vmul.f32 v62, v12;
	v36 =	vld.idx.msk [tilespmem:v16+s31+$0x0], $0xffff  }
0x4ad: {  	v19 =	vor.u32 v7, v19;
	[tilespmem:v31+s31+$0x0] =	vst.idx.msk $0xffff, v14;
	v14 =	vmul.f32 v63, v12  }
0x4ae: {  	v22 =	vor.u32 v7, v22;
	v31 =	vld.idx.msk [tilespmem:v17+s31+$0x0], $0xffff;
	[tilespmem:v24+s31+$0x0] =	vst.idx.msk $0xffff, v13;
	v13 =	vmul.f32 v32, v12  }
0x4af: {  	v20 =	vor.u32 v7, v20;
	[tilespmem:v26+s31+$0x0] =	vst.idx.msk $0xffff, v14;
	v14 =	vmul.f32 v21, v12;
	v24 =	vld.idx.msk [tilespmem:v15+s31+$0x0], $0xffff  }
0x4b0: {  	v21 =	vld.idx.msk [tilespmem:v18+s31+$0x0], $0xffff;
	[tilespmem:v60+s31+$0x0] =	vst.idx.msk $0xffff, v13;
	v13 =	vmul.f32 v30, v12  }
0x4b1: {  	[tilespmem:v25+s31+$0x0] =	vst.idx.msk $0xffff, v14;
	v26 =	vld.idx.msk [tilespmem:v23+s31+$0x0], $0xffff;
	v12 =	vmul.f32 v36, v12  }
0x4b2: {  	v14 =	vmul.f32 v27, v11;
	v25 =	vld.idx.msk [tilespmem:v19+s31+$0x0], $0xffff;
	[tilespmem:v29+s31+$0x0] =	vst.idx.msk $0xffff, v13  }
0x4b3: {  	v13 =	vmul.f32 v31, v11;
	v27 =	vld.idx.msk [tilespmem:v22+s31+$0x0], $0xffff;
	[tilespmem:v16+s31+$0x0] =	vst.idx.msk $0xffff, v12  }
0x4b4: {  	[tilespmem:v28+s31+$0x0] =	vst.idx.msk $0xffff, v14;
	v12 =	vmul.f32 v24, v11;
	v14 =	vld.idx.msk [tilespmem:v20+s31+$0x0], $0xffff  }
0x4b5: {  	[tilespmem:v17+s31+$0x0] =	vst.idx.msk $0xffff, v13;
	v13 =	vmul.f32 v21, v11  }
0x4b6: {  	[tilespmem:v15+s31+$0x0] =	vst.idx.msk $0xffff, v12;
	v12 =	vmul.f32 v26, v11  }
0x4b7: {  	[tilespmem:v18+s31+$0x0] =	vst.idx.msk $0xffff, v13;
	v13 =	vmul.f32 v25, v11  }
0x4b8: {  	[tilespmem:v23+s31+$0x0] =	vst.idx.msk $0xffff, v12;
	v12 =	vmul.f32 v27, v11  }
0x4b9: {  	[tilespmem:v19+s31+$0x0] =	vst.idx.msk $0xffff, v13;
	v11 =	vmul.f32 v14, v11  }
0x4ba: {  	[tilespmem:v22+s31+$0x0] =	vst.idx.msk $0xffff, v12  }
0x4bb: {  	[tilespmem:v20+s31+$0x0] =	vst.idx.msk $0xffff, v11  }
0x4bc: {  	[spmem:s2] =	stream.indirect.scatter.add.f32 [tilespmem:s31], [sflag:$0x5], $0x80, s9, s25, $0xb8;
	[tilespmem:$0x1EE00] =	vst v63  }
0x4bd: {  	s14 =	simm.s32 $0x9380  }
0x4be: {  	[spmem:s3] =	stream.indirect.scatter.add.f32 [tilespmem:s14], [sflag:$0x5], $0x1, s9, s25, $0xb8;
	[tilespmem:$0x1EE00] =	vst v63  }
0x4bf: {  	_ =	swait.ge [sflag:s20], $0x3000  }
0x4c0: {  	[sflag:s20] =	ssyncset.done $0x0  }
0x4c1: {  	[sflag:s20] =	ssyncadd.s32 $0xFFFFD000  }
0x4c2: {  	_ =	swait.ge [sflag:s20], $0x60  }
0x4c3: {  	[sflag:s20] =	ssyncset.done $0x0  }
0x4c4: {  	s4 =	simm.s32 @!p0 $0x7;
	[sflag:s20] =	ssyncadd.s32 $0xFFFFFFA0  }
0x4c5: {  	_ =	swait.ge @!p0 [sflag:s4], $0x100  }
0x4c6: {  	s15 =	simm.s32 @!p0 $0x300;
	[sflag:s4] =	ssyncset.done @!p0 $0x0  }
0x4c7: {  	s14 =	simm.s32 @!p0 $0x80;
	[sflag:s4] =	ssyncadd.s32 @!p0 $0xFFFFFF00;
	s4 =	simm.s32 @!p0 $0x60  }
0x4c8: {  	[tilespmem:s15], [sflag:$0x1] =	stream.indirect.gather @!p0 [hbm4b:s1+s4], $0x80, s14, s4, $0xb8;
	[tilespmem:$0x1EE00] =	vst v63  }
0x4c9: {  	s16 =	simm.s32 @!p0 $0x9480;
	s15 =	simm.s32 @!p0 $0x0  }
0x4ca: {  	[tilespmem:s16], [sflag:$0x1] =	stream.indirect.gather @!p0 [hbm4b:s6+s4], $0x1, s15, s4, $0xb8;
	[tilespmem:$0x1EE00] =	vst v63  }
0x4cb: {  	s16 =	simm.s32 @!p0 $0x9600  }
0x4cc: {  	[tilespmem:s16], [sflag:$0x1] =	stream.indirect.gather @!p0 [hbm4b:s7+s4], $0x1, s14, s4, $0xb8;
	[tilespmem:$0x1EE00] =	vst v63  }
0x4cd: {  	s4 =	rddreg [dreg:$0xb]  }
0x4ce: {  	s4 =	sadd.s32 @!p0 s24, s4  }
0x4cf: {  	s4 =	sshll.u32 @!p0 s4, $0x5  }
0x4d0: {  	s4 =	sand.u32 @!p0 $0xFFFFFE0, s4  }
0x4d1: {  	s14 =	simm.s32 @!p0 $0x100;
	s4 =	sadd.s32 @!p0 s8, s4  }
0x4d2: {  	[tilespmem:s14], [sflag:$0x8] =	stream.linear.gather @!p0 [hbm4b:s4+s15], $0x100, $0x38;
	[tilespmem:$0x1EE00] =	vst v63  }
0x4d3: {  	_ =	swait.ge [sflag:s5], $0x3000  }
0x4d4: {  	[sflag:s5] =	ssyncset.done $0x0  }
0x4d5: {  	[sflag:s5] =	ssyncadd.s32 $0xFFFFD000  }
0x4d6: {  	_ =	swait.ge [sflag:s5], $0x60  }
0x4d7: {  	[sflag:s5] =	ssyncset.done $0x0  }
0x4d8: {  	[sflag:s5] =	ssyncadd.s32 $0xFFFFFFA0  }
0x4d9: {  	_ =	swait.ge [sflag:s5], $0x60  }
0x4da: {  	[sflag:s5] =	ssyncset.done $0x0  }
0x4db: {  	[sflag:s5] =	ssyncadd.s32 $0xFFFFFFA0  }
0x4dc: {  	v11 =	vld [tilespmem:$0x9580]  }
0x4dd: {  	v12 =	vld [tilespmem:$0x9700]  }
0x4de: {  	v13 =	vld [tilespmem:$0x9590]  }
0x4df: {  	v14 =	vld [tilespmem:$0x9710]  }
0x4e0: {  	v15 =	vld [tilespmem:$0x95A0]  }
0x4e1: {  	v16 =	vld [tilespmem:$0x9720];
	_ =	sdelay $0x1  }
0x4e2: {  	v11 =	vadd.f32 v12, v11  }
0x4e3: {  	v12 =	vld [tilespmem:$0x95B0]  }
0x4e4: {  	v13 =	vadd.f32 v14, v13;
	v14 =	vld [tilespmem:$0x9730];
	v17 =	vmul.f32 $2.000000030e-01, v11  }
0x4e5: {  	v18 =	vld [tilespmem:$0x9740];
	v15 =	vadd.f32 v16, v15;
	vm0 =	vgt.f32 v11, $0.0e+00  }
0x4e6: {  	v16 =	vld [tilespmem:$0x95C0];
	v11 =	vsel vm0, v11, v17;
	v17 =	vmul.f32 $2.000000030e-01, v13  }
0x4e7: {  	v20 =	vld [tilespmem:$0x95D0];
	vm11 =	vgt.f32 v13, $0.0e+00;
	v19 =	vmul.f32 $2.000000030e-01, v15;
	v11 =	vsub.f32 $0.0e+00, v11  }
0x4e8: {  	vm12 =	vgt.f32 v15, $0.0e+00;
	v13 =	vsel vm11, v13, v17;
	v17 =	vld [tilespmem:$0x9750]  }
0x4e9: {  	v15 =	vsel vm12, v15, v19;
	v12 =	vadd.f32 v14, v12;
	v11 =	vmul.f32 $1.442695020e+00, v11  }
0x4ea: {  	v14 =	vsub.f32 $0.0e+00, v15;
	v13 =	vsub.f32 $0.0e+00, v13  }
0x4eb: {  	v15 =	vadd.f32 v18, v16;
	(erf) = vpow2.f32 v11;
	v11 =	vmul.f32 $2.000000030e-01, v12  }
0x4ec: {  	vm13 =	vgt.f32 v12, $0.0e+00;
	v13 =	vmul.f32 $1.442695020e+00, v13  }
0x4ed: {  	v11 =	vsel vm13, v12, v11;
	v12 =	vmul.f32 $2.000000030e-01, v15;
	v16 =	vadd.f32 v17, v20  }
0x4ee: {  	v14 =	vmul.f32 $1.442695020e+00, v14;
	vm14 =	vgt.f32 v15, $0.0e+00;
	v11 =	vsub.f32 $0.0e+00, v11  }
0x4ef: {  	(erf) = vpow2.f32 v13;
	v12 =	vsel vm14, v15, v12;
	v13 =	vmul.f32 $2.000000030e-01, v16  }
0x4f0: {  	v18 =	vld [tilespmem:$0x250];
	vm15 =	vgt.f32 v16, $0.0e+00;
	v11 =	vmul.f32 $1.442695020e+00, v11;
	v12 =	vsub.f32 $0.0e+00, v12  }
0x4f1: {  	v17 =	vld [tilespmem:$0x240];
	(erf) = vpow2.f32 v14;
	v13 =	vsel vm15, v16, v13  }
0x4f2: {  	v14 =	vld [tilespmem:$0x200];
	(erf) = vpow2.f32 v11;
	v11 =	vmul.f32 $1.442695020e+00, v12;
	v12 =	vsub.f32 $0.0e+00, v13;
	_ =	sdelay $0x1  }
0x4f3: {  	(erf) = vpow2.f32 v11;
	v11 =	vmul.f32 $1.442695020e+00, v12  }
0x4f4: {  	[tilespmem:$0x98D0] =	vst v18;
	v12 =	vld [tilespmem:$0x220]  }
0x4f5: {  	v13 =	vld [tilespmem:$0x210];
	[tilespmem:$0x98C0] =	vst v17;
	v16 =	vpop (erf);
	(erf) = vpow2.f32 v11  }
0x4f6: {  	[tilespmem:$0x9880] =	vst v14  }
0x4f7: {  	[tilespmem:$0x9400] =	vst v16;
	v15 =	vpop (erf);
	v11 =	vld [tilespmem:$0x230]  }
0x4f8: {  	s23 =	simm.s32 $0x4;
	[tilespmem:$0x9410] =	vst v15  }
0x4f9: {  	[tilespmem:$0x98A0] =	vst v12;
	v12 =	vadd.s32 s23, v0  }
0x4fa: {  	v14 =	vpop (erf);
	[tilespmem:$0x9890] =	vst v13;
	v19 =	vand.u32 $0x7F, v12  }
0x4fb: {  	[tilespmem:$0x9420] =	vst v14;
	v20 =	vor.u32 v1, v19  }
0x4fc: {  	v13 =	vpop (erf);
	[tilespmem:$0x98B0] =	vst v11  }
0x4fd: {  	[tilespmem:$0x9430] =	vst v13;
	v12 =	vpop (erf)  }
0x4fe: {  	[tilespmem:$0x9440] =	vst v12;
	v11 =	vpop (erf)  }
0x4ff: {  	[tilespmem:$0x9450] =	vst v11  }
0x500: {  	v17 =	vld.idx.msk [tilespmem:v20+s18+$0x0], $0xffff;
	_ =	sdelay $0x2  }
0x501: {  	v18 =	vor.u32 v3, v19;
	_ =	sdelay $0x1  }
0x502: {  	v17 =	vmul.f32 v17, v16;
	_ =	sdelay $0x1  }
0x503: {  	[tilespmem:v20+s18+$0x0] =	vst.idx.msk $0xffff, v17  }
0x504: {  	v17 =	vld.idx.msk [tilespmem:v18+s18+$0x0], $0xffff;
	_ =	sdelay $0x2  }
0x505: {  	v20 =	vor.u32 v4, v19;
	_ =	sdelay $0x1  }
0x506: {  	v17 =	vmul.f32 v17, v15  }
0x507: {  	s15 =	simm.s32 $0x0  }
0x508: {  	v21 =	vadd.s32 s15, v0;
	[tilespmem:v18+s18+$0x0] =	vst.idx.msk $0xffff, v17  }
0x509: {  	v17 =	vand.u32 $0x7F, v21;
	v18 =	vld.idx.msk [tilespmem:v20+s18+$0x0], $0xffff  }
0x50a: {  	v21 =	vor.u32 v1, v17;
	_ =	sdelay $0x1  }
0x50b: {  	v22 =	vor.u32 v5, v19;
	_ =	sdelay $0x1  }
0x50c: {  	v18 =	vmul.f32 v18, v14  }
0x50d: {  	v23 =	vld.idx.msk [tilespmem:v21+s18+$0x0], $0xffff  }
0x50e: {  	[tilespmem:v20+s18+$0x0] =	vst.idx.msk $0xffff, v18  }
0x50f: {  	v18 =	vld.idx.msk [tilespmem:v22+s18+$0x0], $0xffff  }
0x510: {  	s16 =	simm.s32 $0xC;
	v20 =	vor.u32 v3, v17  }
0x511: {  	v24 =	vadd.s32 s16, v0  }
0x512: {  	v24 =	vand.u32 $0x7F, v24;
	v25 =	vor.u32 v6, v19;
	v23 =	vmul.f32 v23, v16  }
0x513: {  	v26 =	vor.u32 v1, v24  }
0x514: {  	[tilespmem:v21+s18+$0x0] =	vst.idx.msk $0xffff, v23;
	v18 =	vmul.f32 v18, v13  }
0x515: {  	v21 =	vld.idx.msk [tilespmem:v20+s18+$0x0], $0xffff  }
0x516: {  	[tilespmem:v22+s18+$0x0] =	vst.idx.msk $0xffff, v18  }
0x517: {  	v18 =	vld.idx.msk [tilespmem:v25+s18+$0x0], $0xffff  }
0x518: {  	v23 =	vld.idx.msk [tilespmem:v26+s18+$0x0], $0xffff;
	v22 =	vor.u32 v4, v17;
	_ =	sdelay $0x1  }
0x519: {  	v19 =	vor.u32 v7, v19;
	v21 =	vmul.f32 v21, v15  }
0x51a: {  	v27 =	vor.u32 v3, v24  }
0x51b: {  	[tilespmem:v20+s18+$0x0] =	vst.idx.msk $0xffff, v21;
	v18 =	vmul.f32 v18, v12  }
0x51c: {  	v21 =	vmul.f32 v23, v16;
	v20 =	vld.idx.msk [tilespmem:v22+s18+$0x0], $0xffff  }
0x51d: {  	[tilespmem:v25+s18+$0x0] =	vst.idx.msk $0xffff, v18  }
0x51e: {  	[tilespmem:v26+s18+$0x0] =	vst.idx.msk $0xffff, v21;
	v18 =	vld.idx.msk [tilespmem:v19+s18+$0x0], $0xffff  }
0x51f: {  	v23 =	vadd.s32 s23, v8;
	v21 =	vor.u32 v5, v17;
	v25 =	vld.idx.msk [tilespmem:v27+s18+$0x0], $0xffff  }
0x520: {  	v23 =	vand.u32 $0x7F, v23  }
0x521: {  	v26 =	vor.u32 v1, v23;
	v20 =	vmul.f32 v20, v14  }
0x522: {  	v28 =	vor.u32 v4, v24  }
0x523: {  	[tilespmem:v22+s18+$0x0] =	vst.idx.msk $0xffff, v20;
	v18 =	vmul.f32 v18, v11  }
0x524: {  	v22 =	vmul.f32 v25, v15;
	v20 =	vld.idx.msk [tilespmem:v21+s18+$0x0], $0xffff  }
0x525: {  	[tilespmem:v19+s18+$0x0] =	vst.idx.msk $0xffff, v18  }
0x526: {  	[tilespmem:v27+s18+$0x0] =	vst.idx.msk $0xffff, v22;
	v18 =	vld.idx.msk [tilespmem:v26+s18+$0x0], $0xffff  }
0x527: {  	v19 =	vor.u32 v6, v17;
	v22 =	vld.idx.msk [tilespmem:v28+s18+$0x0], $0xffff;
	_ =	sdelay $0x1  }
0x528: {  	v25 =	vor.u32 v3, v23;
	v20 =	vmul.f32 v20, v13  }
0x529: {  	v27 =	vor.u32 v5, v24  }
0x52a: {  	[tilespmem:v21+s18+$0x0] =	vst.idx.msk $0xffff, v20;
	v18 =	vmul.f32 v18, v16  }
0x52b: {  	v21 =	vmul.f32 v22, v14;
	v20 =	vld.idx.msk [tilespmem:v19+s18+$0x0], $0xffff  }
0x52c: {  	[tilespmem:v26+s18+$0x0] =	vst.idx.msk $0xffff, v18  }
0x52d: {  	[tilespmem:v28+s18+$0x0] =	vst.idx.msk $0xffff, v21;
	v18 =	vld.idx.msk [tilespmem:v25+s18+$0x0], $0xffff  }
0x52e: {  	v17 =	vor.u32 v7, v17;
	v21 =	vld.idx.msk [tilespmem:v27+s18+$0x0], $0xffff;
	_ =	sdelay $0x1  }
0x52f: {  	v22 =	vor.u32 v4, v23;
	v20 =	vmul.f32 v20, v12  }
0x530: {  	s28 =	simm.s32 $0x8;
	v26 =	vor.u32 v6, v24  }
0x531: {  	[tilespmem:v19+s18+$0x0] =	vst.idx.msk $0xffff, v20;
	v19 =	vadd.s32 s28, v0;
	v18 =	vmul.f32 v18, v15  }
0x532: {  	v20 =	vmul.f32 v21, v13;
	v19 =	vand.u32 $0x7F, v19;
	v21 =	vld.idx.msk [tilespmem:v17+s18+$0x0], $0xffff  }
0x533: {  	v28 =	vadd.s32 s15, v8;
	v29 =	vor.u32 v1, v19;
	[tilespmem:v25+s18+$0x0] =	vst.idx.msk $0xffff, v18  }
0x534: {  	[tilespmem:v27+s18+$0x0] =	vst.idx.msk $0xffff, v20;
	v25 =	vand.u32 $0x7F, v28;
	v18 =	vld.idx.msk [tilespmem:v22+s18+$0x0], $0xffff  }
0x535: {  	v20 =	vld.idx.msk [tilespmem:v26+s18+$0x0], $0xffff;
	v27 =	vor.u32 v1, v25;
	_ =	sdelay $0x1  }
0x536: {  	v28 =	vor.u32 v5, v23;
	v21 =	vmul.f32 v21, v11  }
0x537: {  	v24 =	vor.u32 v7, v24;
	v30 =	vld.idx.msk [tilespmem:v29+s18+$0x0], $0xffff  }
0x538: {  	s21 =	simm.s32 $0x14;
	[tilespmem:v17+s18+$0x0] =	vst.idx.msk $0xffff, v21;
	v18 =	vmul.f32 v18, v14  }
0x539: {  	v17 =	vmul.f32 v20, v12;
	v21 =	vadd.s32 s21, v0;
	v20 =	vld.idx.msk [tilespmem:v27+s18+$0x0], $0xffff  }
0x53a: {  	v31 =	vor.u32 v3, v19;
	v21 =	vand.u32 $0x7F, v21;
	[tilespmem:v22+s18+$0x0] =	vst.idx.msk $0xffff, v18  }
0x53b: {  	[tilespmem:v26+s18+$0x0] =	vst.idx.msk $0xffff, v17;
	v17 =	vor.u32 v1, v21;
	v18 =	vld.idx.msk [tilespmem:v28+s18+$0x0], $0xffff  }
0x53c: {  	v26 =	vld.idx.msk [tilespmem:v24+s18+$0x0], $0xffff;
	v22 =	vmul.f32 v30, v16;
	v30 =	vor.u32 v3, v25  }
0x53d: {  	v38 =	vadd.s32 s16, v8  }
0x53e: {  	[tilespmem:v29+s18+$0x0] =	vst.idx.msk $0xffff, v22;
	v22 =	vor.u32 v6, v23;
	v20 =	vmul.f32 v20, v16;
	v29 =	vand.u32 $0x7F, v38  }
0x53f: {  	v39 =	vld.idx.msk [tilespmem:v31+s18+$0x0], $0xffff;
	v40 =	vor.u32 v1, v29  }
0x540: {  	[tilespmem:v27+s18+$0x0] =	vst.idx.msk $0xffff, v20;
	v20 =	vld.idx.msk [tilespmem:v17+s18+$0x0], $0xffff;
	v18 =	vmul.f32 v18, v13  }
0x541: {  	v26 =	vmul.f32 v26, v11;
	v27 =	vld.idx.msk [tilespmem:v30+s18+$0x0], $0xffff  }
0x542: {  	v41 =	vor.u32 v4, v19;
	[tilespmem:v28+s18+$0x0] =	vst.idx.msk $0xffff, v18  }
0x543: {  	[tilespmem:v24+s18+$0x0] =	vst.idx.msk $0xffff, v26;
	v24 =	vor.u32 v3, v21;
	v18 =	vld.idx.msk [tilespmem:v22+s18+$0x0], $0xffff  }
0x544: {  	v28 =	vor.u32 v4, v25;
	v26 =	vmul.f32 v39, v15;
	v42 =	vld.idx.msk [tilespmem:v40+s18+$0x0], $0xffff  }
0x545: {  	v20 =	vmul.f32 v20, v16  }
0x546: {  	v23 =	vor.u32 v7, v23;
	[tilespmem:v31+s18+$0x0] =	vst.idx.msk $0xffff, v26;
	v26 =	vmul.f32 v27, v15  }
0x547: {  	v27 =	vld.idx.msk [tilespmem:v41+s18+$0x0], $0xffff;
	[tilespmem:v17+s18+$0x0] =	vst.idx.msk $0xffff, v20;
	v20 =	vor.u32 v3, v29  }
0x548: {  	[tilespmem:v30+s18+$0x0] =	vst.idx.msk $0xffff, v26;
	v17 =	vmul.f32 v18, v12;
	v18 =	vld.idx.msk [tilespmem:v24+s18+$0x0], $0xffff  }
0x549: {  	v26 =	vmul.f32 v42, v16;
	v30 =	vld.idx.msk [tilespmem:v28+s18+$0x0], $0xffff  }
0x54a: {  	v31 =	vor.u32 v5, v19;
	[tilespmem:v22+s18+$0x0] =	vst.idx.msk $0xffff, v17  }
0x54b: {  	v43 =	vor.u32 v4, v21;
	[tilespmem:v40+s18+$0x0] =	vst.idx.msk $0xffff, v26;
	v22 =	vld.idx.msk [tilespmem:v23+s18+$0x0], $0xffff  }
0x54c: {  	v17 =	vadd.s32 s23, v9;
	v26 =	vmul.f32 v27, v14;
	v27 =	vor.u32 v5, v25;
	v33 =	vld.idx.msk [tilespmem:v20+s18+$0x0], $0xffff  }
0x54d: {  	s14 =	simm.s32 $0x10;
	v17 =	vand.u32 $0x7F, v17;
	v44 =	vmul.f32 v18, v15  }
0x54e: {  	[tilespmem:v41+s18+$0x0] =	vst.idx.msk $0xffff, v26;
	v18 =	vadd.s32 s14, v0;
	v26 =	vor.u32 v1, v17;
	v30 =	vmul.f32 v30, v14  }
0x54f: {  	v34 =	vld.idx.msk [tilespmem:v31+s18+$0x0], $0xffff;
	v18 =	vand.u32 $0x7F, v18;
	[tilespmem:v24+s18+$0x0] =	vst.idx.msk $0xffff, v44;
	v24 =	vor.u32 v4, v29  }
0x550: {  	v45 =	vor.u32 v1, v18;
	[tilespmem:v28+s18+$0x0] =	vst.idx.msk $0xffff, v30;
	v22 =	vmul.f32 v22, v11;
	v46 =	vld.idx.msk [tilespmem:v43+s18+$0x0], $0xffff  }
0x551: {  	v28 =	vmul.f32 v33, v15;
	v30 =	vld.idx.msk [tilespmem:v27+s18+$0x0], $0xffff  }
0x552: {  	v47 =	vor.u32 v6, v19;
	[tilespmem:v23+s18+$0x0] =	vst.idx.msk $0xffff, v22  }
0x553: {  	v23 =	vor.u32 v5, v21;
	[tilespmem:v20+s18+$0x0] =	vst.idx.msk $0xffff, v28;
	v22 =	vld.idx.msk [tilespmem:v26+s18+$0x0], $0xffff  }
0x554: {  	v28 =	vor.u32 v6, v25;
	v20 =	vmul.f32 v34, v13;
	v48 =	vld.idx.msk [tilespmem:v24+s18+$0x0], $0xffff  }
0x555: {  	v49 =	vld.idx.msk [tilespmem:v45+s18+$0x0], $0xffff;
	v36 =	vmul.f32 v46, v14  }
0x556: {  	[tilespmem:v31+s18+$0x0] =	vst.idx.msk $0xffff, v20;
	v20 =	vor.u32 v3, v17;
	v30 =	vmul.f32 v30, v13  }
0x557: {  	v50 =	vor.u32 v5, v29;
	v31 =	vld.idx.msk [tilespmem:v47+s18+$0x0], $0xffff;
	[tilespmem:v43+s18+$0x0] =	vst.idx.msk $0xffff, v36  }
0x558: {  	v51 =	vor.u32 v3, v18;
	[tilespmem:v27+s18+$0x0] =	vst.idx.msk $0xffff, v30;
	v22 =	vmul.f32 v22, v16;
	v52 =	vld.idx.msk [tilespmem:v23+s18+$0x0], $0xffff  }
0x559: {  	v30 =	vld.idx.msk [tilespmem:v28+s18+$0x0], $0xffff;
	v27 =	vmul.f32 v48, v14  }
0x55a: {  	v19 =	vor.u32 v7, v19;
	v53 =	vmul.f32 v49, v16;
	[tilespmem:v26+s18+$0x0] =	vst.idx.msk $0xffff, v22  }
0x55b: {  	v26 =	vor.u32 v6, v21;
	v22 =	vld.idx.msk [tilespmem:v20+s18+$0x0], $0xffff;
	[tilespmem:v24+s18+$0x0] =	vst.idx.msk $0xffff, v27  }
0x55c: {  	v25 =	vor.u32 v7, v25;
	v24 =	vmul.f32 v31, v12;
	[tilespmem:v45+s18+$0x0] =	vst.idx.msk $0xffff, v53;
	v27 =	vld.idx.msk [tilespmem:v50+s18+$0x0], $0xffff  }
0x55d: {  	v31 =	vld.idx.msk [tilespmem:v51+s18+$0x0], $0xffff;
	v54 =	vmul.f32 v52, v13  }
0x55e: {  	[tilespmem:v47+s18+$0x0] =	vst.idx.msk $0xffff, v24;
	v24 =	vor.u32 v4, v17;
	v30 =	vmul.f32 v30, v12  }
0x55f: {  	v55 =	vor.u32 v6, v29;
	v33 =	vld.idx.msk [tilespmem:v19+s18+$0x0], $0xffff;
	[tilespmem:v23+s18+$0x0] =	vst.idx.msk $0xffff, v54  }
0x560: {  	v56 =	vor.u32 v4, v18;
	[tilespmem:v28+s18+$0x0] =	vst.idx.msk $0xffff, v30;
	v22 =	vmul.f32 v22, v15;
	v57 =	vld.idx.msk [tilespmem:v26+s18+$0x0], $0xffff  }
0x561: {  	v60 =	vor.u32 v5, v17;
	v23 =	vadd.s32 s28, v8;
	v28 =	vld.idx.msk [tilespmem:v25+s18+$0x0], $0xffff;
	v27 =	vmul.f32 v27, v13  }
0x562: {  	v30 =	vadd.s32 s15, v9;
	v23 =	vand.u32 $0x7F, v23;
	v31 =	vmul.f32 v31, v15;
	[tilespmem:v20+s18+$0x0] =	vst.idx.msk $0xffff, v22  }
0x563: {  	v22 =	vand.u32 $0x7F, v30;
	v30 =	vor.u32 v1, v23;
	v20 =	vld.idx.msk [tilespmem:v24+s18+$0x0], $0xffff;
	[tilespmem:v50+s18+$0x0] =	vst.idx.msk $0xffff, v27  }
0x564: {  	[tilespmem:v51+s18+$0x0] =	vst.idx.msk $0xffff, v31;
	v27 =	vor.u32 v1, v22;
	v31 =	vmul.f32 v33, v11;
	v32 =	vld.idx.msk [tilespmem:v55+s18+$0x0], $0xffff  }
0x565: {  	v29 =	vor.u32 v7, v29;
	v21 =	vor.u32 v7, v21;
	v58 =	vld.idx.msk [tilespmem:v56+s18+$0x0], $0xffff;
	v59 =	vmul.f32 v57, v12  }
0x566: {  	s4 =	simm.s32 $0x1C;
	v37 =	vadd.s32 s15, v10;
	v48 =	vor.u32 v6, v18;
	[tilespmem:v19+s18+$0x0] =	vst.idx.msk $0xffff, v31;
	v19 =	vmul.f32 v28, v11  }
0x567: {  	s15 =	simm.s32 $0x18;
	v42 =	vor.u32 v3, v23;
	v28 =	vor.u32 v5, v18;
	[tilespmem:v26+s18+$0x0] =	vst.idx.msk $0xffff, v59;
	v26 =	vadd.s32 s4, v0  }
0x568: {  	v31 =	vld.idx.msk [tilespmem:v30+s18+$0x0], $0xffff;
	[tilespmem:v25+s18+$0x0] =	vst.idx.msk $0xffff, v19;
	v19 =	vadd.s32 s15, v0;
	v20 =	vmul.f32 v20, v14;
	v26 =	vand.u32 $0x7F, v26  }
0x569: {  	v61 =	vld.idx.msk [tilespmem:v27+s18+$0x0], $0xffff;
	v25 =	vand.u32 $0x7F, v19;
	v32 =	vmul.f32 v32, v12;
	v62 =	vor.u32 v1, v26  }
0x56a: {  	v19 =	vmul.f32 v58, v14;
	v33 =	vor.u32 v1, v25;
	[tilespmem:v24+s18+$0x0] =	vst.idx.msk $0xffff, v20;
	v20 =	vld.idx.msk [tilespmem:v21+s18+$0x0], $0xffff  }
0x56b: {  	v45 =	vor.u32 v5, v23;
	v24 =	vadd.s32 s21, v8;
	v63 =	vld.idx.msk [tilespmem:v60+s18+$0x0], $0xffff;
	[tilespmem:v55+s18+$0x0] =	vst.idx.msk $0xffff, v32  }
0x56c: {  	v34 =	vor.u32 v3, v22;
	[tilespmem:v56+s18+$0x0] =	vst.idx.msk $0xffff, v19;
	v24 =	vand.u32 $0x7F, v24;
	v52 =	vld.idx.msk [tilespmem:v29+s18+$0x0], $0xffff  }
0x56d: {  	v19 =	vadd.s32 s16, v9;
	v55 =	vor.u32 v6, v17;
	v53 =	vld.idx.msk [tilespmem:v28+s18+$0x0], $0xffff;
	v31 =	vmul.f32 v31, v16  }
0x56e: {  	v54 =	vor.u32 v1, v24;
	v19 =	vand.u32 $0x7F, v19;
	v36 =	vmul.f32 v61, v16;
	v56 =	vld.idx.msk [tilespmem:v62+s18+$0x0], $0xffff  }
0x56f: {  	v39 =	vor.u32 v6, v24;
	[tilespmem:v30+s18+$0x0] =	vst.idx.msk $0xffff, v31;
	v30 =	vld.idx.msk [tilespmem:v33+s18+$0x0], $0xffff;
	v20 =	vmul.f32 v20, v11  }
0x570: {  	v40 =	vadd.s32 s28, v9;
	v57 =	vor.u32 v1, v19;
	[tilespmem:v27+s18+$0x0] =	vst.idx.msk $0xffff, v36;
	v31 =	vmul.f32 v63, v13  }
0x571: {  	v61 =	vor.u32 v4, v23;
	v58 =	vld.idx.msk [tilespmem:v42+s18+$0x0], $0xffff;
	[tilespmem:v21+s18+$0x0] =	vst.idx.msk $0xffff, v20;
	v20 =	vmul.f32 v52, v11  }
0x572: {  	v27 =	vor.u32 v3, v26;
	v21 =	vld.idx.msk [tilespmem:v34+s18+$0x0], $0xffff;
	v59 =	vmul.f32 v53, v13;
	[tilespmem:v60+s18+$0x0] =	vst.idx.msk $0xffff, v31  }
0x573: {  	v60 =	vor.u32 v3, v25;
	v31 =	vld.idx.msk [tilespmem:v54+s18+$0x0], $0xffff;
	[tilespmem:v29+s18+$0x0] =	vst.idx.msk $0xffff, v20;
	v20 =	vmul.f32 v56, v16  }
0x574: {  	v41 =	vor.u32 v5, v19;
	v38 =	vld.idx.msk [tilespmem:v55+s18+$0x0], $0xffff;
	[tilespmem:v28+s18+$0x0] =	vst.idx.msk $0xffff, v59;
	v28 =	vmul.f32 v30, v16  }
0x575: {  	v63 =	vor.u32 v7, v17;
	v29 =	vor.u32 v4, v22;
	v30 =	vld.idx.msk [tilespmem:v57+s18+$0x0], $0xffff;
	[tilespmem:v62+s18+$0x0] =	vst.idx.msk $0xffff, v20  }
0x576: {  	v35 =	vld.idx.msk [tilespmem:v48+s18+$0x0], $0xffff;
	v20 =	vmul.f32 v58, v15;
	v62 =	vor.u32 v3, v24;
	[tilespmem:v33+s18+$0x0] =	vst.idx.msk $0xffff, v28  }
0x577: {  	v28 =	vand.u32 $0x7F, v37;
	v37 =	vor.u32 v4, v25;
	v49 =	vld.idx.msk [tilespmem:v27+s18+$0x0], $0xffff;
	v17 =	vmul.f32 v21, v15  }
0x578: {  	v21 =	vld.idx.msk [tilespmem:v60+s18+$0x0], $0xffff;
	[tilespmem:v42+s18+$0x0] =	vst.idx.msk $0xffff, v20;
	v20 =	vmul.f32 v31, v16;
	v42 =	vor.u32 v3, v19  }
0x579: {  	v31 =	vand.u32 $0x7F, v40;
	v50 =	vmul.f32 v38, v12;
	v51 =	vld.idx.msk [tilespmem:v61+s18+$0x0], $0xffff;
	[tilespmem:v34+s18+$0x0] =	vst.idx.msk $0xffff, v17  }
0x57a: {  	v40 =	vor.u32 v4, v26;
	v34 =	vld.idx.msk [tilespmem:v29+s18+$0x0], $0xffff;
	[tilespmem:v54+s18+$0x0] =	vst.idx.msk $0xffff, v20;
	v20 =	vmul.f32 v30, v16  }
0x57b: {  	v58 =	vor.u32 v4, v19;
	v35 =	vmul.f32 v35, v12;
	[tilespmem:v55+s18+$0x0] =	vst.idx.msk $0xffff, v50;
	v52 =	vld.idx.msk [tilespmem:v62+s18+$0x0], $0xffff  }
0x57c: {  	v54 =	vor.u32 v5, v22;
	v53 =	vld.idx.msk [tilespmem:v63+s18+$0x0], $0xffff;
	v33 =	vmul.f32 v49, v15;
	[tilespmem:v57+s18+$0x0] =	vst.idx.msk $0xffff, v20  }
0x57d: {  	v32 =	vadd.s32 s28, v10;
	v20 =	vadd.s32 s23, v10;
	[tilespmem:v48+s18+$0x0] =	vst.idx.msk $0xffff, v35;
	v21 =	vmul.f32 v21, v15;
	v47 =	vld.idx.msk [tilespmem:v42+s18+$0x0], $0xffff  }
0x57e: {  	v55 =	vor.u32 v4, v24;
	v20 =	vand.u32 $0x7F, v20;
	[tilespmem:v27+s18+$0x0] =	vst.idx.msk $0xffff, v33;
	v27 =	vmul.f32 v51, v14  }
0x57f: {  	v56 =	vor.u32 v1, v20;
	[tilespmem:v60+s18+$0x0] =	vst.idx.msk $0xffff, v21;
	v21 =	vld.idx.msk [tilespmem:v40+s18+$0x0], $0xffff;
	v34 =	vmul.f32 v34, v14  }
0x580: {  	v17 =	vand.u32 $0x7F, v32;
	v30 =	vadd.s32 s14, v8;
	v57 =	vld.idx.msk [tilespmem:v37+s18+$0x0], $0xffff;
	[tilespmem:v61+s18+$0x0] =	vst.idx.msk $0xffff, v27;
	v27 =	vmul.f32 v52, v15  }
0x581: {  	v32 =	vand.u32 $0x7F, v30;
	v30 =	vadd.s32 s14, v9;
	v44 =	vmul.f32 v53, v11;
	v59 =	vld.idx.msk [tilespmem:v45+s18+$0x0], $0xffff;
	[tilespmem:v29+s18+$0x0] =	vst.idx.msk $0xffff, v34  }
0x582: {  	v60 =	vor.u32 v5, v26;
	v29 =	vld.idx.msk [tilespmem:v54+s18+$0x0], $0xffff;
	[tilespmem:v62+s18+$0x0] =	vst.idx.msk $0xffff, v27;
	v27 =	vmul.f32 v47, v15  }
0x583: {  	v48 =	vor.u32 v6, v26;
	v61 =	vor.u32 v5, v25;
	[tilespmem:v63+s18+$0x0] =	vst.idx.msk $0xffff, v44;
	v62 =	vld.idx.msk [tilespmem:v55+s18+$0x0], $0xffff  }
0x584: {  	v63 =	vor.u32 v6, v23;
	v51 =	vmul.f32 v21, v14;
	[tilespmem:v42+s18+$0x0] =	vst.idx.msk $0xffff, v27;
	v27 =	vld.idx.msk [tilespmem:v56+s18+$0x0], $0xffff  }
0x585: {  	v49 =	vor.u32 v1, v31;
	v52 =	vor.u32 v6, v22;
	v38 =	vmul.f32 v57, v14;
	v42 =	vld.idx.msk [tilespmem:v58+s18+$0x0], $0xffff  }
0x586: {  	v21 =	vand.u32 $0x7F, v30;
	[tilespmem:v40+s18+$0x0] =	vst.idx.msk $0xffff, v51;
	v30 =	vmul.f32 v59, v13;
	v40 =	vor.u32 v5, v24  }
0x587: {  	v47 =	vor.u32 v3, v20;
	[tilespmem:v37+s18+$0x0] =	vst.idx.msk $0xffff, v38;
	v53 =	vld.idx.msk [tilespmem:v60+s18+$0x0], $0xffff;
	v29 =	vmul.f32 v29, v13  }
0x588: {  	v43 =	vor.u32 v1, v32;
	v38 =	vld.idx.msk [tilespmem:v61+s18+$0x0], $0xffff;
	[tilespmem:v45+s18+$0x0] =	vst.idx.msk $0xffff, v30;
	v30 =	vmul.f32 v62, v14  }
0x589: {  	v45 =	vld.idx.msk [tilespmem:v63+s18+$0x0], $0xffff;
	[tilespmem:v54+s18+$0x0] =	vst.idx.msk $0xffff, v29;
	v29 =	vor.u32 v7, v18;
	v18 =	vmul.f32 v27, v16  }
0x58a: {  	v36 =	vor.u32 v5, v20;
	v46 =	vld.idx.msk [tilespmem:v52+s18+$0x0], $0xffff;
	[tilespmem:v55+s18+$0x0] =	vst.idx.msk $0xffff, v30;
	v30 =	vmul.f32 v42, v14  }
0x58b: {  	v33 =	vor.u32 v5, v28;
	v42 =	vor.u32 v6, v25;
	v55 =	vld.idx.msk [tilespmem:v40+s18+$0x0], $0xffff;
	[tilespmem:v56+s18+$0x0] =	vst.idx.msk $0xffff, v18  }
0x58c: {  	v37 =	vor.u32 v7, v23;
	v56 =	vmul.f32 v53, v13;
	[tilespmem:v58+s18+$0x0] =	vst.idx.msk $0xffff, v30;
	v30 =	vld.idx.msk [tilespmem:v47+s18+$0x0], $0xffff  }
0x58d: {  	v26 =	vor.u32 v7, v26;
	v22 =	vor.u32 v7, v22;
	v23 =	vmul.f32 v38, v13;
	v57 =	vld.idx.msk [tilespmem:v41+s18+$0x0], $0xffff  }
0x58e: {  	v27 =	vadd.s32 s14, v10;
	v54 =	vadd.s32 s15, v8;
	[tilespmem:v60+s18+$0x0] =	vst.idx.msk $0xffff, v56;
	v58 =	vld.idx.msk [tilespmem:v29+s18+$0x0], $0xffff;
	v59 =	vmul.f32 v45, v12  }
0x58f: {  	v18 =	vand.u32 $0x7F, v27;
	v27 =	vand.u32 $0x7F, v54;
	[tilespmem:v61+s18+$0x0] =	vst.idx.msk $0xffff, v23;
	v23 =	vld.idx.msk [tilespmem:v48+s18+$0x0], $0xffff;
	v60 =	vmul.f32 v46, v12  }
0x590: {  	v45 =	vor.u32 v4, v20;
	v61 =	vld.idx.msk [tilespmem:v42+s18+$0x0], $0xffff;
	[tilespmem:v63+s18+$0x0] =	vst.idx.msk $0xffff, v59;
	v62 =	vmul.f32 v55, v13  }
0x591: {  	v38 =	vor.u32 v5, v31;
	[tilespmem:v52+s18+$0x0] =	vst.idx.msk $0xffff, v60;
	v30 =	vmul.f32 v30, v15;
	v52 =	vld.idx.msk [tilespmem:v37+s18+$0x0], $0xffff  }
0x592: {  	v46 =	vor.u32 v3, v31;
	[tilespmem:v40+s18+$0x0] =	vst.idx.msk $0xffff, v62;
	v53 =	vmul.f32 v57, v13;
	v54 =	vld.idx.msk [tilespmem:v22+s18+$0x0], $0xffff  }
0x593: {  	s23 =	simm.s32 $0x24;
	v55 =	vmul.f32 v58, v11;
	[tilespmem:v47+s18+$0x0] =	vst.idx.msk $0xffff, v30;
	v47 =	vor.u32 v6, v19;
	v30 =	vld.idx.msk [tilespmem:v39+s18+$0x0], $0xffff  }
0x594: {  	v63 =	vadd.s32 s15, v9;
	v59 =	vadd.s32 s23, v0;
	v56 =	vmul.f32 v23, v12;
	[tilespmem:v41+s18+$0x0] =	vst.idx.msk $0xffff, v53  }
0x595: {  	v40 =	vor.u32 v3, v28;
	v41 =	vor.u32 v1, v28;
	[tilespmem:v29+s18+$0x0] =	vst.idx.msk $0xffff, v55;
	v29 =	vld.idx.msk [tilespmem:v45+s18+$0x0], $0xffff  }
0x596: {  	v53 =	vor.u32 v3, v32;
	[tilespmem:v48+s18+$0x0] =	vst.idx.msk $0xffff, v56;
	v58 =	vld.idx.msk [tilespmem:v43+s18+$0x0], $0xffff;
	v35 =	vmul.f32 v52, v11  }
0x597: {  	s28 =	simm.s32 $0x20;
	v57 =	vmul.f32 v61, v12;
	v48 =	vor.u32 v7, v24;
	v34 =	vld.idx.msk [tilespmem:v26+s18+$0x0], $0xffff;
	v24 =	vmul.f32 v54, v11  }
0x598: {  	v60 =	vadd.s32 s28, v0;
	v50 =	vld.idx.msk [tilespmem:v47+s18+$0x0], $0xffff;
	[tilespmem:v37+s18+$0x0] =	vst.idx.msk $0xffff, v35;
	v35 =	vand.u32 $0x7F, v59;
	v61 =	vmul.f32 v30, v12  }
0x599: {  	v23 =	vand.u32 $0x7F, v63;
	v30 =	vand.u32 $0x7F, v60;
	v63 =	vld.idx.msk [tilespmem:v49+s18+$0x0], $0xffff;
	[tilespmem:v22+s18+$0x0] =	vst.idx.msk $0xffff, v24;
	v22 =	vor.u32 v1, v35  }
0x59a: {  	[tilespmem:v42+s18+$0x0] =	vst.idx.msk $0xffff, v57;
	v52 =	vor.u32 v1, v30;
	v24 =	vld.idx.msk [tilespmem:v41+s18+$0x0], $0xffff;
	v29 =	vmul.f32 v29, v14  }
0x59b: {  	v62 =	vadd.s32 s15, v10;
	v37 =	vor.u32 v7, v19;
	[tilespmem:v39+s18+$0x0] =	vst.idx.msk $0xffff, v61;
	v56 =	vmul.f32 v58, v16  }
0x59c: {  	v57 =	vadd.s32 s28, v8;
	v59 =	vadd.s32 s4, v8;
	v58 =	vld.idx.msk [tilespmem:v48+s18+$0x0], $0xffff;
	[tilespmem:v45+s18+$0x0] =	vst.idx.msk $0xffff, v29;
	v29 =	vmul.f32 v34, v11  }
0x59d: {  	v60 =	vadd.s32 s21, v9;
	v42 =	vand.u32 $0x7F, v59;
	v45 =	vld.idx.msk [tilespmem:v36+s18+$0x0], $0xffff;
	[tilespmem:v43+s18+$0x0] =	vst.idx.msk $0xffff, v56;
	v61 =	vmul.f32 v50, v12  }
0x59e: {  	v50 =	vor.u32 v1, v42;
	v43 =	vld.idx.msk [tilespmem:v22+s18+$0x0], $0xffff;
	[tilespmem:v26+s18+$0x0] =	vst.idx.msk $0xffff, v29;
	v51 =	vmul.f32 v63, v16  }
0x59f: {  	v19 =	vand.u32 $0x7F, v62;
	v55 =	vld.idx.msk [tilespmem:v52+s18+$0x0], $0xffff;
	v26 =	vand.u32 $0x7F, v60;
	[tilespmem:v47+s18+$0x0] =	vst.idx.msk $0xffff, v61;
	v62 =	vmul.f32 v24, v16  }
0x5a0: {  	v34 =	vor.u32 v6, v20;
	v63 =	vld.idx.msk [tilespmem:v53+s18+$0x0], $0xffff;
	v39 =	vor.u32 v1, v26;
	[tilespmem:v49+s18+$0x0] =	vst.idx.msk $0xffff, v51  }
0x5a1: {  	v54 =	vadd.s32 s28, v9;
	v29 =	vand.u32 $0x7F, v57;
	v44 =	vmul.f32 v58, v11;
	v60 =	vld.idx.msk [tilespmem:v46+s18+$0x0], $0xffff;
	[tilespmem:v41+s18+$0x0] =	vst.idx.msk $0xffff, v62  }
0x5a2: {  	v24 =	vand.u32 $0x7F, v54;
	v41 =	vor.u32 v3, v35;
	v61 =	vld.idx.msk [tilespmem:v40+s18+$0x0], $0xffff;
	v45 =	vmul.f32 v45, v13  }
0x5a3: {  	v54 =	vor.u32 v3, v30;
	v56 =	vld.idx.msk [tilespmem:v50+s18+$0x0], $0xffff;
	[tilespmem:v48+s18+$0x0] =	vst.idx.msk $0xffff, v44;
	v43 =	vmul.f32 v43, v16  }
0x5a4: {  	v49 =	vor.u32 v4, v32;
	v48 =	vld.idx.msk [tilespmem:v37+s18+$0x0], $0xffff;
	v62 =	vmul.f32 v55, v16;
	[tilespmem:v36+s18+$0x0] =	vst.idx.msk $0xffff, v45  }
0x5a5: {  	v44 =	vor.u32 v4, v31;
	v55 =	vld.idx.msk [tilespmem:v39+s18+$0x0], $0xffff;
	[tilespmem:v22+s18+$0x0] =	vst.idx.msk $0xffff, v43;
	v22 =	vmul.f32 v63, v15  }
0x5a6: {  	v45 =	vor.u32 v4, v28;
	v43 =	vld.idx.msk [tilespmem:v34+s18+$0x0], $0xffff;
	[tilespmem:v52+s18+$0x0] =	vst.idx.msk $0xffff, v62;
	v63 =	vmul.f32 v60, v15  }
0x5a7: {  	v52 =	vor.u32 v3, v42;
	v47 =	vld.idx.msk [tilespmem:v41+s18+$0x0], $0xffff;
	[tilespmem:v53+s18+$0x0] =	vst.idx.msk $0xffff, v22;
	v22 =	vmul.f32 v61, v15  }
0x5a8: {  	v60 =	vld.idx.msk [tilespmem:v54+s18+$0x0], $0xffff;
	v61 =	vmul.f32 v56, v16;
	v56 =	vor.u32 v3, v26;
	[tilespmem:v46+s18+$0x0] =	vst.idx.msk $0xffff, v63  }
0x5a9: {  	v36 =	vor.u32 v7, v20;
	v20 =	vmul.f32 v48, v11;
	v62 =	vld.idx.msk [tilespmem:v49+s18+$0x0], $0xffff;
	[tilespmem:v40+s18+$0x0] =	vst.idx.msk $0xffff, v22  }
0x5aa: {  	v48 =	vor.u32 v4, v35;
	v63 =	vld.idx.msk [tilespmem:v44+s18+$0x0], $0xffff;
	[tilespmem:v50+s18+$0x0] =	vst.idx.msk $0xffff, v61;
	v22 =	vmul.f32 v55, v16  }
0x5ab: {  	v53 =	vor.u32 v4, v30;
	[tilespmem:v37+s18+$0x0] =	vst.idx.msk $0xffff, v20;
	v57 =	vld.idx.msk [tilespmem:v45+s18+$0x0], $0xffff;
	v20 =	vmul.f32 v43, v12  }
0x5ac: {  	v37 =	vor.u32 v5, v32;
	v58 =	vld.idx.msk [tilespmem:v52+s18+$0x0], $0xffff;
	v47 =	vmul.f32 v47, v15;
	[tilespmem:v39+s18+$0x0] =	vst.idx.msk $0xffff, v22  }
0x5ad: {  	v46 =	vor.u32 v4, v42;
	v51 =	vmul.f32 v60, v15;
	v60 =	vld.idx.msk [tilespmem:v56+s18+$0x0], $0xffff;
	[tilespmem:v34+s18+$0x0] =	vst.idx.msk $0xffff, v20  }
0x5ae: {  	v59 =	vadd.s32 s16, v10;
	v22 =	vadd.s32 s28, v10;
	[tilespmem:v41+s18+$0x0] =	vst.idx.msk $0xffff, v47;
	v61 =	vmul.f32 v62, v14;
	v62 =	vld.idx.msk [tilespmem:v36+s18+$0x0], $0xffff  }
0x5af: {  	v20 =	vand.u32 $0x7F, v22;
	v22 =	vand.u32 $0x7F, v59;
	[tilespmem:v54+s18+$0x0] =	vst.idx.msk $0xffff, v51;
	v41 =	vld.idx.msk [tilespmem:v48+s18+$0x0], $0xffff;
	v40 =	vmul.f32 v63, v14  }
0x5b0: {  	v34 =	vor.u32 v1, v22;
	v63 =	vld.idx.msk [tilespmem:v53+s18+$0x0], $0xffff;
	[tilespmem:v49+s18+$0x0] =	vst.idx.msk $0xffff, v61;
	v54 =	vmul.f32 v57, v14  }
0x5b1: {  	v51 =	vor.u32 v4, v26;
	v43 =	vmul.f32 v58, v15;
	v57 =	vld.idx.msk [tilespmem:v37+s18+$0x0], $0xffff;
	[tilespmem:v44+s18+$0x0] =	vst.idx.msk $0xffff, v40  }
0x5b2: {  	v44 =	vor.u32 v5, v35;
	v40 =	vld.idx.msk [tilespmem:v38+s18+$0x0], $0xffff;
	[tilespmem:v45+s18+$0x0] =	vst.idx.msk $0xffff, v54;
	v58 =	vmul.f32 v60, v15  }
0x5b3: {  	v49 =	vor.u32 v5, v30;
	[tilespmem:v52+s18+$0x0] =	vst.idx.msk $0xffff, v43;
	v59 =	vld.idx.msk [tilespmem:v33+s18+$0x0], $0xffff;
	v39 =	vmul.f32 v62, v11  }
0x5b4: {  	v52 =	vor.u32 v6, v32;
	v60 =	vld.idx.msk [tilespmem:v46+s18+$0x0], $0xffff;
	v41 =	vmul.f32 v41, v14;
	[tilespmem:v56+s18+$0x0] =	vst.idx.msk $0xffff, v58  }
0x5b5: {  	v55 =	vor.u32 v6, v31;
	v45 =	vld.idx.msk [tilespmem:v34+s18+$0x0], $0xffff;
	v47 =	vmul.f32 v63, v14;
	[tilespmem:v36+s18+$0x0] =	vst.idx.msk $0xffff, v39  }
0x5b6: {  	v36 =	vor.u32 v6, v28;
	v39 =	vld.idx.msk [tilespmem:v51+s18+$0x0], $0xffff;
	[tilespmem:v48+s18+$0x0] =	vst.idx.msk $0xffff, v41;
	v61 =	vmul.f32 v57, v13  }
0x5b7: {  	v50 =	vor.u32 v5, v42;
	[tilespmem:v53+s18+$0x0] =	vst.idx.msk $0xffff, v47;
	v47 =	vld.idx.msk [tilespmem:v44+s18+$0x0], $0xffff;
	v40 =	vmul.f32 v40, v13  }
0x5b8: {  	v53 =	vor.u32 v3, v22;
	v48 =	vld.idx.msk [tilespmem:v49+s18+$0x0], $0xffff;
	[tilespmem:v37+s18+$0x0] =	vst.idx.msk $0xffff, v61;
	v62 =	vmul.f32 v59, v13  }
0x5b9: {  	v56 =	vor.u32 v5, v26;
	v63 =	vmul.f32 v60, v14;
	v60 =	vld.idx.msk [tilespmem:v52+s18+$0x0], $0xffff;
	[tilespmem:v38+s18+$0x0] =	vst.idx.msk $0xffff, v40  }
0x5ba: {  	v61 =	vmul.f32 v45, v16;
	v40 =	vor.u32 v7, v25;
	v38 =	vld.idx.msk [tilespmem:v55+s18+$0x0], $0xffff;
	[tilespmem:v33+s18+$0x0] =	vst.idx.msk $0xffff, v62  }
0x5bb: {  	v57 =	vor.u32 v6, v35;
	[tilespmem:v46+s18+$0x0] =	vst.idx.msk $0xffff, v63;
	v62 =	vmul.f32 v39, v14;
	v37 =	vld.idx.msk [tilespmem:v36+s18+$0x0], $0xffff  }
0x5bc: {  	v43 =	vor.u32 v7, v32;
	v46 =	vor.u32 v6, v30;
	[tilespmem:v34+s18+$0x0] =	vst.idx.msk $0xffff, v61;
	v63 =	vld.idx.msk [tilespmem:v50+s18+$0x0], $0xffff  }
0x5bd: {  	v32 =	vor.u32 v3, v17;
	v47 =	vmul.f32 v47, v13;
	[tilespmem:v51+s18+$0x0] =	vst.idx.msk $0xffff, v62;
	v51 =	vld.idx.msk [tilespmem:v53+s18+$0x0], $0xffff  }
0x5be: {  	v41 =	vor.u32 v1, v21;
	v34 =	vor.u32 v7, v31;
	v48 =	vmul.f32 v48, v13;
	v58 =	vld.idx.msk [tilespmem:v56+s18+$0x0], $0xffff  }
0x5bf: {  	v31 =	vor.u32 v7, v28;
	[tilespmem:v44+s18+$0x0] =	vst.idx.msk $0xffff, v47;
	v28 =	vld.idx.msk [tilespmem:v40+s18+$0x0], $0xffff;
	v60 =	vmul.f32 v60, v12  }
0x5c0: {  	v45 =	vor.u32 v6, v42;
	[tilespmem:v49+s18+$0x0] =	vst.idx.msk $0xffff, v48;
	v49 =	vld.idx.msk [tilespmem:v57+s18+$0x0], $0xffff;
	v61 =	vmul.f32 v38, v12  }
0x5c1: {  	v33 =	vor.u32 v4, v22;
	v54 =	vld.idx.msk [tilespmem:v46+s18+$0x0], $0xffff;
	[tilespmem:v52+s18+$0x0] =	vst.idx.msk $0xffff, v60;
	v62 =	vmul.f32 v37, v12  }
0x5c2: {  	v38 =	vor.u32 v6, v26;
	v63 =	vmul.f32 v63, v13;
	v59 =	vld.idx.msk [tilespmem:v43+s18+$0x0], $0xffff;
	[tilespmem:v55+s18+$0x0] =	vst.idx.msk $0xffff, v61  }
0x5c3: {  	v47 =	vor.u32 v1, v27;
	v51 =	vmul.f32 v51, v15;
	v60 =	vld.idx.msk [tilespmem:v34+s18+$0x0], $0xffff;
	[tilespmem:v36+s18+$0x0] =	vst.idx.msk $0xffff, v62  }
0x5c4: {  	v48 =	vor.u32 v7, v35;
	[tilespmem:v50+s18+$0x0] =	vst.idx.msk $0xffff, v63;
	v61 =	vmul.f32 v58, v13;
	v35 =	vld.idx.msk [tilespmem:v31+s18+$0x0], $0xffff  }
0x5c5: {  	v25 =	vor.u32 v5, v22;
	v62 =	vmul.f32 v28, v11;
	v44 =	vld.idx.msk [tilespmem:v45+s18+$0x0], $0xffff;
	[tilespmem:v53+s18+$0x0] =	vst.idx.msk $0xffff, v51  }
0x5c6: {  	v39 =	vor.u32 v3, v21;
	v49 =	vmul.f32 v49, v12;
	[tilespmem:v56+s18+$0x0] =	vst.idx.msk $0xffff, v61;
	v37 =	vld.idx.msk [tilespmem:v33+s18+$0x0], $0xffff  }
0x5c7: {  	v36 =	vor.u32 v1, v17;
	v63 =	vmul.f32 v54, v12;
	[tilespmem:v40+s18+$0x0] =	vst.idx.msk $0xffff, v62;
	v40 =	vld.idx.msk [tilespmem:v38+s18+$0x0], $0xffff  }
0x5c8: {  	v28 =	vor.u32 v5, v17;
	[tilespmem:v57+s18+$0x0] =	vst.idx.msk $0xffff, v49;
	v50 =	vld.idx.msk [tilespmem:v47+s18+$0x0], $0xffff;
	v49 =	vmul.f32 v59, v11  }
0x5c9: {  	s14 =	simm.s32 $0x2C;
	s16 =	simm.s32 $0x8;
	[tilespmem:v46+s18+$0x0] =	vst.idx.msk $0xffff, v63;
	v46 =	vor.u32 v7, v42;
	v51 =	vld.idx.msk [tilespmem:v48+s18+$0x0], $0xffff;
	v42 =	vmul.f32 v60, v11  }
.LBB2_9:
0x5ca: {  	s15 =	sadd.s32 $0xFFFFFFFC, s14;
	v52 =	vadd.s32 s14, v0;
	s16 =	sadd.s32 $0x2, s16;
	[tilespmem:v43+s18+$0x0] =	vst.idx.msk $0xffff, v49;
	v43 =	vor.u32 v7, v26;
	v26 =	vmul.f32 v35, v11  }
0x5cb: {  	v49 =	vadd.s32 s15, v0;
	v35 =	vand.u32 $0x7F, v52;
	p1 =	slt.u32 s16, $0x1E;
	v52 =	vmul.f32 v44, v12;
	v53 =	vld.idx.msk [tilespmem:v41+s18+$0x0], $0xffff;
	[tilespmem:v34+s18+$0x0] =	vst.idx.msk $0xffff, v42  }
0x5cc: {  	v42 =	vmul.f32 v37, v14;
	v37 =	vmovc v23;
	v44 =	vand.u32 $0x7F, v49;
	v34 =	vor.u32 v1, v35;
	v49 =	vld.idx.msk [tilespmem:v36+s18+$0x0], $0xffff  }
0x5cd: {  	v55 =	vor.u32 v3, v27;
	v23 =	vadd.s32 s15, v8;
	v54 =	vor.u32 v1, v44;
	[tilespmem:v45+s18+$0x0] =	vst.idx.msk $0xffff, v52  }
0x5ce: {  	v58 =	vadd.s32 s15, v9;
	v45 =	vand.u32 $0x7F, v23;
	v50 =	vmul.f32 v50, v16;
	v52 =	vld.idx.msk [tilespmem:v46+s18+$0x0], $0xffff;
	[tilespmem:v33+s18+$0x0] =	vst.idx.msk $0xffff, v42  }
0x5cf: {  	v57 =	vadd.s32 s23, v8;
	v33 =	vand.u32 $0x7F, v58;
	v51 =	vmul.f32 v51, v11;
	v56 =	vld.idx.msk [tilespmem:v25+s18+$0x0], $0xffff;
	[tilespmem:v31+s18+$0x0] =	vst.idx.msk $0xffff, v26  }
0x5d0: {  	v42 =	vand.u32 $0x7F, v57;
	v23 =	vmovc v24;
	v26 =	vadd.s32 s4, v9;
	v31 =	vmul.f32 v40, v12;
	[tilespmem:v47+s18+$0x0] =	vst.idx.msk $0xffff, v50  }
0x5d1: {  	v47 =	vor.u32 v1, v42;
	v40 =	vld.idx.msk [tilespmem:v34+s18+$0x0], $0xffff;
	[tilespmem:v48+s18+$0x0] =	vst.idx.msk $0xffff, v51;
	v51 =	vmul.f32 v53, v16  }
0x5d2: {  	v50 =	vadd.s32 s15, v10;
	v26 =	vand.u32 $0x7F, v26;
	v48 =	vld.idx.msk [tilespmem:v54+s18+$0x0], $0xffff;
	[tilespmem:v38+s18+$0x0] =	vst.idx.msk $0xffff, v31;
	v31 =	vmul.f32 v49, v16  }
0x5d3: {  	v24 =	vmov v33;
	v38 =	vand.u32 $0x7F, v50;
	v50 =	vor.u32 v1, v26;
	v49 =	vld.idx.msk [tilespmem:v55+s18+$0x0], $0xffff;
	[tilespmem:v41+s18+$0x0] =	vst.idx.msk $0xffff, v51  }
0x5d4: {  	v33 =	vmul.f32 v52, v11;
	v41 =	vld.idx.msk [tilespmem:v39+s18+$0x0], $0xffff;
	[tilespmem:v36+s18+$0x0] =	vst.idx.msk $0xffff, v31;
	v36 =	vor.u32 v6, v22  }
0x5d5: {  	v51 =	vor.u32 v3, v35;
	v52 =	vor.u32 v4, v27;
	v31 =	vmul.f32 v56, v13;
	v53 =	vld.idx.msk [tilespmem:v32+s18+$0x0], $0xffff  }
0x5d6: {  	v56 =	vor.u32 v3, v44;
	v57 =	vld.idx.msk [tilespmem:v47+s18+$0x0], $0xffff;
	[tilespmem:v46+s18+$0x0] =	vst.idx.msk $0xffff, v33;
	v33 =	vor.u32 v4, v21  }
0x5d7: {  	v58 =	vor.u32 v4, v17;
	v40 =	vmul.f32 v40, v16;
	v46 =	vld.idx.msk [tilespmem:v43+s18+$0x0], $0xffff;
	[tilespmem:v25+s18+$0x0] =	vst.idx.msk $0xffff, v31  }
0x5d8: {  	v59 =	vor.u32 v5, v21;
	v60 =	vor.u32 v7, v22;
	v25 =	vmul.f32 v48, v16;
	v48 =	vld.idx.msk [tilespmem:v50+s18+$0x0], $0xffff  }
0x5d9: {  	v22 =	vmul.f32 v49, v15;
	v31 =	vmov v17;
	[tilespmem:v34+s18+$0x0] =	vst.idx.msk $0xffff, v40;
	v34 =	vadd.s32 s21, v10;
	v40 =	vld.idx.msk [tilespmem:v36+s18+$0x0], $0xffff;
	s21 =	smov.u32 s4;
	s4 =	smov.u32 s23;
	s23 =	smov.u32 s14  }
0x5da: {  	v49 =	vor.u32 v3, v42;
	v41 =	vmul.f32 v41, v15;
	[tilespmem:v54+s18+$0x0] =	vst.idx.msk $0xffff, v25;
	v25 =	vld.idx.msk [tilespmem:v51+s18+$0x0], $0xffff  }
0x5db: {  	v17 =	vmov v18;
	v54 =	vld.idx.msk [tilespmem:v56+s18+$0x0], $0xffff;
	[tilespmem:v55+s18+$0x0] =	vst.idx.msk $0xffff, v22;
	v22 =	vand.u32 $0x7F, v34;
	v34 =	vmul.f32 v53, v15  }
0x5dc: {  	v18 =	vmul.f32 v57, v16;
	v55 =	vor.u32 v3, v26;
	v53 =	vld.idx.msk [tilespmem:v52+s18+$0x0], $0xffff;
	[tilespmem:v39+s18+$0x0] =	vst.idx.msk $0xffff, v41  }
0x5dd: {  	v39 =	vor.u32 v5, v27;
	v46 =	vmul.f32 v46, v11;
	v41 =	vld.idx.msk [tilespmem:v33+s18+$0x0], $0xffff;
	[tilespmem:v32+s18+$0x0] =	vst.idx.msk $0xffff, v34  }
0x5de: {  	v32 =	vor.u32 v4, v35;
	v57 =	vmul.f32 v48, v16;
	[tilespmem:v47+s18+$0x0] =	vst.idx.msk $0xffff, v18;
	v34 =	vld.idx.msk [tilespmem:v58+s18+$0x0], $0xffff  }
0x5df: {  	v47 =	vor.u32 v4, v44;
	v40 =	vmul.f32 v40, v12;
	v48 =	vld.idx.msk [tilespmem:v49+s18+$0x0], $0xffff;
	[tilespmem:v43+s18+$0x0] =	vst.idx.msk $0xffff, v46  }
0x5e0: {  	v43 =	vmul.f32 v25, v15;
	v25 =	vor.u32 v5, v22;
	v18 =	vmov v19;
	[tilespmem:v50+s18+$0x0] =	vst.idx.msk $0xffff, v57  }
0x5e1: {  	v19 =	vmov v20;
	v20 =	vmov v38;
	v46 =	vmul.f32 v54, v15;
	v50 =	vld.idx.msk [tilespmem:v55+s18+$0x0], $0xffff;
	[tilespmem:v36+s18+$0x0] =	vst.idx.msk $0xffff, v40  }
0x5e2: {  	v36 =	vmul.f32 v53, v14;
	[tilespmem:v51+s18+$0x0] =	vst.idx.msk $0xffff, v43;
	v38 =	vld.idx.msk [tilespmem:v60+s18+$0x0], $0xffff  }
0x5e3: {  	v41 =	vmul.f32 v41, v14;
	[tilespmem:v56+s18+$0x0] =	vst.idx.msk $0xffff, v46;
	v40 =	vld.idx.msk [tilespmem:v32+s18+$0x0], $0xffff;
	v46 =	vor.u32 v4, v42  }
0x5e4: {  	v34 =	vmul.f32 v34, v14;
	v43 =	vld.idx.msk [tilespmem:v47+s18+$0x0], $0xffff;
	[tilespmem:v52+s18+$0x0] =	vst.idx.msk $0xffff, v36;
	v36 =	vor.u32 v1, v22  }
0x5e5: {  	v48 =	vmul.f32 v48, v15;
	v52 =	vor.u32 v4, v26;
	v51 =	vld.idx.msk [tilespmem:v39+s18+$0x0], $0xffff;
	[tilespmem:v33+s18+$0x0] =	vst.idx.msk $0xffff, v41  }
0x5e6: {  	v41 =	vor.u32 v6, v27;
	v33 =	vld.idx.msk [tilespmem:v59+s18+$0x0], $0xffff;
	[tilespmem:v58+s18+$0x0] =	vst.idx.msk $0xffff, v34  }
0x5e7: {  	v53 =	vor.u32 v5, v35;
	v34 =	vmul.f32 v50, v15;
	[tilespmem:v49+s18+$0x0] =	vst.idx.msk $0xffff, v48;
	v48 =	vld.idx.msk [tilespmem:v28+s18+$0x0], $0xffff  }
0x5e8: {  	v54 =	vor.u32 v6, v21;
	v49 =	vor.u32 v5, v44;
	v38 =	vmul.f32 v38, v11;
	v50 =	vld.idx.msk [tilespmem:v46+s18+$0x0], $0xffff  }
0x5e9: {  	v40 =	vmul.f32 v40, v14;
	[tilespmem:v55+s18+$0x0] =	vst.idx.msk $0xffff, v34;
	v34 =	vld.idx.msk [tilespmem:v36+s18+$0x0], $0xffff;
	v55 =	vor.u32 v6, v31  }
0x5ea: {  	v43 =	vmul.f32 v43, v14;
	v56 =	vld.idx.msk [tilespmem:v52+s18+$0x0], $0xffff;
	[tilespmem:v60+s18+$0x0] =	vst.idx.msk $0xffff, v38  }
0x5eb: {  	[tilespmem:v32+s18+$0x0] =	vst.idx.msk $0xffff, v40;
	v32 =	vmul.f32 v51, v13;
	v40 =	vor.u32 v3, v22  }
0x5ec: {  	v51 =	vor.u32 v5, v42;
	v33 =	vmul.f32 v33, v13;
	[tilespmem:v47+s18+$0x0] =	vst.idx.msk $0xffff, v43;
	v38 =	vld.idx.msk [tilespmem:v53+s18+$0x0], $0xffff  }
0x5ed: {  	v43 =	vor.u32 v7, v27;
	v27 =	vmul.f32 v48, v13;
	v47 =	vld.idx.msk [tilespmem:v49+s18+$0x0], $0xffff;
	[tilespmem:v39+s18+$0x0] =	vst.idx.msk $0xffff, v32  }
0x5ee: {  	v32 =	vmul.f32 v50, v14;
	v50 =	vor.u32 v5, v26;
	v39 =	vld.idx.msk [tilespmem:v41+s18+$0x0], $0xffff;
	[tilespmem:v59+s18+$0x0] =	vst.idx.msk $0xffff, v33  }
0x5ef: {  	v57 =	vor.u32 v7, v30;
	v59 =	vmul.f32 v34, v16;
	v48 =	vld.idx.msk [tilespmem:v54+s18+$0x0], $0xffff;
	[tilespmem:v28+s18+$0x0] =	vst.idx.msk $0xffff, v27  }
0x5f0: {  	v58 =	vor.u32 v6, v35;
	v56 =	vmul.f32 v56, v14;
	[tilespmem:v46+s18+$0x0] =	vst.idx.msk $0xffff, v32;
	v28 =	vld.idx.msk [tilespmem:v55+s18+$0x0], $0xffff  }
0x5f1: {  	v34 =	vor.u32 v7, v21;
	v46 =	vor.u32 v6, v44;
	v32 =	vld.idx.msk [tilespmem:v51+s18+$0x0], $0xffff;
	[tilespmem:v36+s18+$0x0] =	vst.idx.msk $0xffff, v59  }
0x5f2: {  	v30 =	vmov v44;
	v27 =	vmov v29;
	v33 =	vmul.f32 v38, v13;
	[tilespmem:v52+s18+$0x0] =	vst.idx.msk $0xffff, v56;
	v36 =	vld.idx.msk [tilespmem:v40+s18+$0x0], $0xffff  }
0x5f3: {  	v31 =	vor.u32 v7, v31;
	v21 =	vmovc v37;
	v29 =	vmov v45;
	v38 =	vmul.f32 v47, v13;
	v44 =	vld.idx.msk [tilespmem:v50+s18+$0x0], $0xffff  }
0x5f4: {  	v39 =	vmul.f32 v39, v12;
	[tilespmem:v53+s18+$0x0] =	vst.idx.msk $0xffff, v33;
	v37 =	vld.idx.msk [tilespmem:v57+s18+$0x0], $0xffff;
	v33 =	vor.u32 v4, v22  }
0x5f5: {  	v45 =	vor.u32 v6, v42;
	v47 =	vmul.f32 v48, v12;
	[tilespmem:v49+s18+$0x0] =	vst.idx.msk $0xffff, v38;
	v49 =	vld.idx.msk [tilespmem:v58+s18+$0x0], $0xffff  }
0x5f6: {  	v28 =	vmul.f32 v28, v12;
	v52 =	vld.idx.msk [tilespmem:v46+s18+$0x0], $0xffff;
	[tilespmem:v41+s18+$0x0] =	vst.idx.msk $0xffff, v39;
	v41 =	vor.u32 v1, v21  }
0x5f7: {  	v38 =	vor.u32 v6, v26;
	v32 =	vmul.f32 v32, v13;
	v39 =	vld.idx.msk [tilespmem:v43+s18+$0x0], $0xffff;
	[tilespmem:v54+s18+$0x0] =	vst.idx.msk $0xffff, v47  }
0x5f8: {  	v47 =	vor.u32 v1, v27;
	v36 =	vmul.f32 v36, v15;
	v53 =	vld.idx.msk [tilespmem:v34+s18+$0x0], $0xffff;
	[tilespmem:v55+s18+$0x0] =	vst.idx.msk $0xffff, v28  }
0x5f9: {  	v48 =	vor.u32 v7, v35;
	[tilespmem:v51+s18+$0x0] =	vst.idx.msk $0xffff, v32;
	v32 =	vmul.f32 v44, v13;
	v35 =	vld.idx.msk [tilespmem:v31+s18+$0x0], $0xffff  }
.Ltmp5:
0x5fa: {  	v28 =	vor.u32 v5, v17;
	v51 =	vmul.f32 v37, v11;
	v44 =	vld.idx.msk [tilespmem:v45+s18+$0x0], $0xffff;
	[tilespmem:v40+s18+$0x0] =	vst.idx.msk $0xffff, v36;
	(pc) =	sbr.rel @p1 .LBB2_9-.Ltmp5, $4  }
0x5fb: {  	v49 =	vmul.f32 v49, v12;
	[tilespmem:v50+s18+$0x0] =	vst.idx.msk $0xffff, v32;
	v32 =	vor.u32 v3, v17;
	v37 =	vld.idx.msk [tilespmem:v33+s18+$0x0], $0xffff  }
0x5fc: {  	v36 =	vor.u32 v1, v17;
	v52 =	vmul.f32 v52, v12;
	[tilespmem:v57+s18+$0x0] =	vst.idx.msk $0xffff, v51;
	v40 =	vld.idx.msk [tilespmem:v38+s18+$0x0], $0xffff  }
0x5fd: {  	[tilespmem:v58+s18+$0x0] =	vst.idx.msk $0xffff, v49;
	v50 =	vld.idx.msk [tilespmem:v47+s18+$0x0], $0xffff;
	v49 =	vmul.f32 v39, v11;
	v39 =	vor.u32 v3, v21  }
0x5fe: {  	s14 =	sadd.s32 $0x8, s14;
	[tilespmem:v46+s18+$0x0] =	vst.idx.msk $0xffff, v52;
	v51 =	vld.idx.msk [tilespmem:v48+s18+$0x0], $0xffff;
	v46 =	vor.u32 v7, v42;
	v42 =	vmul.f32 v53, v11  }
0x5ff: {  	v30 =	vor.u32 v7, v30;
	_ =	sdelay $0x4  }
0x600: {  	v52 =	vadd.s32 s23, v8;
	v53 =	vld.idx.msk [tilespmem:v30+s18+$0x0], $0xffff  }
0x601: {  	v52 =	vand.u32 $0x7F, v52  }
0x602: {  	v54 =	vor.u32 v1, v52  }
0x603: {  	v55 =	vor.u32 v1, v29  }
0x604: {  	v51 =	vmul.f32 v51, v11  }
0x605: {  	v53 =	vmul.f32 v53, v11  }
0x606: {  	[tilespmem:v48+s18+$0x0] =	vst.idx.msk $0xffff, v51  }
0x607: {  	v48 =	vld.idx.msk [tilespmem:v54+s18+$0x0], $0xffff;
	[tilespmem:v30+s18+$0x0] =	vst.idx.msk $0xffff, v53  }
0x608: {  	v30 =	vld.idx.msk [tilespmem:v55+s18+$0x0], $0xffff  }
0x609: {  	v62 =	vor.u32 v3, v27  }
0x60a: {  	v63 =	vor.u32 v3, v52  }
0x60b: {  	v56 =	vor.u32 v3, v29;
	v50 =	vmul.f32 v50, v16  }
0x60c: {  	v48 =	vmul.f32 v48, v16  }
0x60d: {  	[tilespmem:v47+s18+$0x0] =	vst.idx.msk $0xffff, v50;
	v30 =	vmul.f32 v30, v16  }
0x60e: {  	v47 =	vld.idx.msk [tilespmem:v62+s18+$0x0], $0xffff;
	[tilespmem:v54+s18+$0x0] =	vst.idx.msk $0xffff, v48  }
0x60f: {  	v48 =	vld.idx.msk [tilespmem:v63+s18+$0x0], $0xffff;
	[tilespmem:v55+s18+$0x0] =	vst.idx.msk $0xffff, v30  }
0x610: {  	v30 =	vld.idx.msk [tilespmem:v56+s18+$0x0], $0xffff  }
0x611: {  	v50 =	vor.u32 v4, v27  }
0x612: {  	v54 =	vor.u32 v4, v52  }
0x613: {  	v60 =	vor.u32 v4, v29;
	v47 =	vmul.f32 v47, v15  }
0x614: {  	v48 =	vmul.f32 v48, v15  }
0x615: {  	[tilespmem:v62+s18+$0x0] =	vst.idx.msk $0xffff, v47;
	v30 =	vmul.f32 v30, v15  }
0x616: {  	v47 =	vld.idx.msk [tilespmem:v50+s18+$0x0], $0xffff;
	[tilespmem:v63+s18+$0x0] =	vst.idx.msk $0xffff, v48  }
0x617: {  	v48 =	vld.idx.msk [tilespmem:v54+s18+$0x0], $0xffff;
	[tilespmem:v56+s18+$0x0] =	vst.idx.msk $0xffff, v30  }
0x618: {  	v30 =	vld.idx.msk [tilespmem:v60+s18+$0x0], $0xffff  }
0x619: {  	v61 =	vor.u32 v5, v27  }
0x61a: {  	v62 =	vor.u32 v5, v52  }
0x61b: {  	v47 =	vmul.f32 v47, v14;
	v63 =	vor.u32 v5, v29  }
0x61c: {  	v48 =	vmul.f32 v48, v14  }
0x61d: {  	[tilespmem:v50+s18+$0x0] =	vst.idx.msk $0xffff, v47;
	v30 =	vmul.f32 v30, v14  }
0x61e: {  	v47 =	vld.idx.msk [tilespmem:v61+s18+$0x0], $0xffff;
	[tilespmem:v54+s18+$0x0] =	vst.idx.msk $0xffff, v48  }
0x61f: {  	v48 =	vld.idx.msk [tilespmem:v62+s18+$0x0], $0xffff;
	[tilespmem:v60+s18+$0x0] =	vst.idx.msk $0xffff, v30  }
0x620: {  	v30 =	vld.idx.msk [tilespmem:v63+s18+$0x0], $0xffff  }
0x621: {  	v57 =	vor.u32 v6, v27  }
0x622: {  	v58 =	vor.u32 v6, v52  }
0x623: {  	v59 =	vor.u32 v6, v29;
	v47 =	vmul.f32 v47, v13  }
0x624: {  	v48 =	vmul.f32 v48, v13  }
0x625: {  	[tilespmem:v61+s18+$0x0] =	vst.idx.msk $0xffff, v47;
	v30 =	vmul.f32 v30, v13  }
0x626: {  	v47 =	vld.idx.msk [tilespmem:v57+s18+$0x0], $0xffff;
	[tilespmem:v62+s18+$0x0] =	vst.idx.msk $0xffff, v48  }
0x627: {  	v48 =	vld.idx.msk [tilespmem:v58+s18+$0x0], $0xffff;
	[tilespmem:v63+s18+$0x0] =	vst.idx.msk $0xffff, v30  }
0x628: {  	v30 =	vld.idx.msk [tilespmem:v59+s18+$0x0], $0xffff  }
0x629: {  	v27 =	vor.u32 v7, v27  }
0x62a: {  	v44 =	vmul.f32 v44, v12;
	v51 =	vor.u32 v7, v52  }
0x62b: {  	v29 =	vor.u32 v7, v29;
	v47 =	vmul.f32 v47, v12  }
0x62c: {  	[tilespmem:v45+s18+$0x0] =	vst.idx.msk $0xffff, v44;
	v60 =	vmul.f32 v48, v12  }
0x62d: {  	v45 =	vld.idx.msk [tilespmem:v46+s18+$0x0], $0xffff;
	[tilespmem:v57+s18+$0x0] =	vst.idx.msk $0xffff, v47;
	v30 =	vmul.f32 v30, v12  }
0x62e: {  	v61 =	vadd.s32 s4, v9;
	v62 =	vld.idx.msk [tilespmem:v27+s18+$0x0], $0xffff;
	[tilespmem:v58+s18+$0x0] =	vst.idx.msk $0xffff, v60  }
0x62f: {  	v44 =	vand.u32 $0x7F, v61;
	v63 =	vld.idx.msk [tilespmem:v51+s18+$0x0], $0xffff;
	[tilespmem:v59+s18+$0x0] =	vst.idx.msk $0xffff, v30  }
0x630: {  	v57 =	vadd.s32 s23, v9;
	v30 =	vor.u32 v1, v44;
	v58 =	vld.idx.msk [tilespmem:v29+s18+$0x0], $0xffff  }
0x631: {  	v53 =	vor.u32 v1, v23;
	v50 =	vand.u32 $0x7F, v57  }
0x632: {  	v45 =	vmul.f32 v45, v11;
	v59 =	vor.u32 v1, v50  }
0x633: {  	[tilespmem:v43+s18+$0x0] =	vst.idx.msk $0xffff, v49;
	v48 =	vor.u32 v1, v24;
	v60 =	vmul.f32 v62, v11  }
0x634: {  	[tilespmem:v46+s18+$0x0] =	vst.idx.msk $0xffff, v45;
	v61 =	vld.idx.msk [tilespmem:v41+s18+$0x0], $0xffff;
	v62 =	vmul.f32 v63, v11  }
0x635: {  	[tilespmem:v27+s18+$0x0] =	vst.idx.msk $0xffff, v60;
	v63 =	vld.idx.msk [tilespmem:v30+s18+$0x0], $0xffff;
	v55 =	vmul.f32 v58, v11  }
0x636: {  	v43 =	vld.idx.msk [tilespmem:v53+s18+$0x0], $0xffff;
	[tilespmem:v51+s18+$0x0] =	vst.idx.msk $0xffff, v62  }
0x637: {  	v46 =	vld.idx.msk [tilespmem:v59+s18+$0x0], $0xffff;
	[tilespmem:v29+s18+$0x0] =	vst.idx.msk $0xffff, v55  }
0x638: {  	v27 =	vor.u32 v3, v44;
	v29 =	vld.idx.msk [tilespmem:v48+s18+$0x0], $0xffff  }
0x639: {  	v49 =	vor.u32 v3, v23;
	v45 =	vmul.f32 v61, v16  }
0x63a: {  	v51 =	vor.u32 v3, v50;
	v47 =	vmul.f32 v63, v16  }
0x63b: {  	[tilespmem:v41+s18+$0x0] =	vst.idx.msk $0xffff, v45;
	v56 =	vmul.f32 v43, v16;
	v43 =	vor.u32 v3, v24  }
0x63c: {  	v45 =	vld.idx.msk [tilespmem:v39+s18+$0x0], $0xffff;
	v57 =	vmul.f32 v46, v16;
	[tilespmem:v30+s18+$0x0] =	vst.idx.msk $0xffff, v47  }
0x63d: {  	[tilespmem:v53+s18+$0x0] =	vst.idx.msk $0xffff, v56;
	v58 =	vld.idx.msk [tilespmem:v27+s18+$0x0], $0xffff;
	v29 =	vmul.f32 v29, v16  }
0x63e: {  	v41 =	vld.idx.msk [tilespmem:v49+s18+$0x0], $0xffff;
	[tilespmem:v59+s18+$0x0] =	vst.idx.msk $0xffff, v57  }
0x63f: {  	v59 =	vor.u32 v4, v21;
	v60 =	vld.idx.msk [tilespmem:v51+s18+$0x0], $0xffff;
	[tilespmem:v48+s18+$0x0] =	vst.idx.msk $0xffff, v29  }
0x640: {  	v61 =	vor.u32 v4, v44;
	v48 =	vld.idx.msk [tilespmem:v43+s18+$0x0], $0xffff  }
0x641: {  	v45 =	vmul.f32 v45, v15;
	v62 =	vor.u32 v4, v23  }
0x642: {  	v53 =	vor.u32 v4, v50;
	v46 =	vmul.f32 v58, v15  }
0x643: {  	v54 =	vor.u32 v4, v24;
	[tilespmem:v39+s18+$0x0] =	vst.idx.msk $0xffff, v45;
	v63 =	vmul.f32 v41, v15  }
0x644: {  	v45 =	vld.idx.msk [tilespmem:v59+s18+$0x0], $0xffff;
	v55 =	vmul.f32 v60, v15;
	[tilespmem:v27+s18+$0x0] =	vst.idx.msk $0xffff, v46  }
0x645: {  	[tilespmem:v49+s18+$0x0] =	vst.idx.msk $0xffff, v63;
	v46 =	vld.idx.msk [tilespmem:v61+s18+$0x0], $0xffff;
	v56 =	vmul.f32 v48, v15  }
0x646: {  	v57 =	vld.idx.msk [tilespmem:v62+s18+$0x0], $0xffff;
	[tilespmem:v51+s18+$0x0] =	vst.idx.msk $0xffff, v55  }
0x647: {  	v27 =	vor.u32 v5, v21;
	v58 =	vld.idx.msk [tilespmem:v53+s18+$0x0], $0xffff;
	[tilespmem:v43+s18+$0x0] =	vst.idx.msk $0xffff, v56  }
0x648: {  	v39 =	vor.u32 v5, v44;
	v43 =	vld.idx.msk [tilespmem:v54+s18+$0x0], $0xffff  }
0x649: {  	v49 =	vor.u32 v5, v23;
	v45 =	vmul.f32 v45, v14  }
0x64a: {  	v51 =	vor.u32 v5, v50;
	v46 =	vmul.f32 v46, v14  }
0x64b: {  	[tilespmem:v59+s18+$0x0] =	vst.idx.msk $0xffff, v45;
	v59 =	vmul.f32 v57, v14;
	v45 =	vor.u32 v5, v24  }
0x64c: {  	v60 =	vld.idx.msk [tilespmem:v27+s18+$0x0], $0xffff;
	[tilespmem:v61+s18+$0x0] =	vst.idx.msk $0xffff, v46;
	v61 =	vmul.f32 v58, v14  }
0x64d: {  	[tilespmem:v62+s18+$0x0] =	vst.idx.msk $0xffff, v59;
	v46 =	vld.idx.msk [tilespmem:v39+s18+$0x0], $0xffff;
	v62 =	vmul.f32 v43, v14  }
0x64e: {  	v63 =	vld.idx.msk [tilespmem:v49+s18+$0x0], $0xffff;
	[tilespmem:v53+s18+$0x0] =	vst.idx.msk $0xffff, v61  }
0x64f: {  	v56 =	vor.u32 v6, v21;
	v57 =	vld.idx.msk [tilespmem:v51+s18+$0x0], $0xffff;
	[tilespmem:v54+s18+$0x0] =	vst.idx.msk $0xffff, v62  }
0x650: {  	v58 =	vor.u32 v6, v44;
	v41 =	vld.idx.msk [tilespmem:v45+s18+$0x0], $0xffff  }
0x651: {  	v59 =	vor.u32 v6, v23;
	v47 =	vmul.f32 v60, v13  }
0x652: {  	v53 =	vor.u32 v6, v50;
	v46 =	vmul.f32 v46, v13  }
0x653: {  	v43 =	vor.u32 v6, v24;
	[tilespmem:v27+s18+$0x0] =	vst.idx.msk $0xffff, v47;
	v60 =	vmul.f32 v63, v13  }
0x654: {  	v61 =	vld.idx.msk [tilespmem:v56+s18+$0x0], $0xffff;
	[tilespmem:v39+s18+$0x0] =	vst.idx.msk $0xffff, v46;
	v62 =	vmul.f32 v57, v13  }
0x655: {  	[tilespmem:v49+s18+$0x0] =	vst.idx.msk $0xffff, v60;
	v63 =	vld.idx.msk [tilespmem:v58+s18+$0x0], $0xffff;
	v41 =	vmul.f32 v41, v13  }
0x656: {  	v26 =	vor.u32 v7, v26;
	v48 =	vld.idx.msk [tilespmem:v59+s18+$0x0], $0xffff;
	[tilespmem:v51+s18+$0x0] =	vst.idx.msk $0xffff, v62  }
0x657: {  	v46 =	vor.u32 v7, v21;
	v49 =	vld.idx.msk [tilespmem:v53+s18+$0x0], $0xffff;
	[tilespmem:v45+s18+$0x0] =	vst.idx.msk $0xffff, v41  }
0x658: {  	v40 =	vmul.f32 v40, v12;
	v41 =	vor.u32 v7, v44;
	v51 =	vld.idx.msk [tilespmem:v43+s18+$0x0], $0xffff  }
0x659: {  	v39 =	vmul.f32 v61, v12;
	v45 =	vor.u32 v7, v23  }
0x65a: {  	[tilespmem:v38+s18+$0x0] =	vst.idx.msk $0xffff, v40;
	v27 =	vor.u32 v7, v50;
	v54 =	vmul.f32 v63, v12  }
0x65b: {  	v38 =	vld.idx.msk [tilespmem:v26+s18+$0x0], $0xffff;
	[tilespmem:v56+s18+$0x0] =	vst.idx.msk $0xffff, v39;
	v55 =	vmul.f32 v48, v12;
	v39 =	vor.u32 v7, v24  }
0x65c: {  	v56 =	vadd.s32 s21, v10;
	v57 =	vld.idx.msk [tilespmem:v46+s18+$0x0], $0xffff;
	[tilespmem:v58+s18+$0x0] =	vst.idx.msk $0xffff, v54;
	v21 =	vmul.f32 v49, v12  }
0x65d: {  	v23 =	vand.u32 $0x7F, v56;
	[tilespmem:v59+s18+$0x0] =	vst.idx.msk $0xffff, v55;
	v30 =	vld.idx.msk [tilespmem:v41+s18+$0x0], $0xffff;
	v58 =	vmul.f32 v51, v12  }
0x65e: {  	v29 =	vor.u32 v1, v23;
	v59 =	vadd.s32 s4, v10;
	v60 =	vld.idx.msk [tilespmem:v45+s18+$0x0], $0xffff;
	[tilespmem:v53+s18+$0x0] =	vst.idx.msk $0xffff, v21  }
0x65f: {  	v48 =	vor.u32 v1, v18;
	v21 =	vand.u32 $0x7F, v59;
	v61 =	vld.idx.msk [tilespmem:v27+s18+$0x0], $0xffff;
	[tilespmem:v43+s18+$0x0] =	vst.idx.msk $0xffff, v58  }
0x660: {  	v38 =	vmul.f32 v38, v11;
	v62 =	vadd.s32 s23, v10;
	v43 =	vor.u32 v1, v21;
	v63 =	vld.idx.msk [tilespmem:v39+s18+$0x0], $0xffff  }
0x661: {  	[tilespmem:v34+s18+$0x0] =	vst.idx.msk $0xffff, v42;
	v40 =	vor.u32 v1, v19;
	v24 =	vand.u32 $0x7F, v62;
	v51 =	vmul.f32 v57, v11  }
0x662: {  	v42 =	vld.idx.msk [tilespmem:v36+s18+$0x0], $0xffff;
	[tilespmem:v26+s18+$0x0] =	vst.idx.msk $0xffff, v38;
	v52 =	vmul.f32 v30, v11;
	v30 =	vor.u32 v1, v24  }
0x663: {  	v38 =	vld.idx.msk [tilespmem:v29+s18+$0x0], $0xffff;
	[tilespmem:v46+s18+$0x0] =	vst.idx.msk $0xffff, v51;
	v46 =	vor.u32 v1, v20;
	v53 =	vmul.f32 v60, v11  }
0x664: {  	v54 =	vld.idx.msk [tilespmem:v48+s18+$0x0], $0xffff;
	[tilespmem:v41+s18+$0x0] =	vst.idx.msk $0xffff, v52;
	v55 =	vmul.f32 v61, v11  }
0x665: {  	[tilespmem:v45+s18+$0x0] =	vst.idx.msk $0xffff, v53;
	v41 =	vld.idx.msk [tilespmem:v43+s18+$0x0], $0xffff;
	v56 =	vmul.f32 v63, v11  }
0x666: {  	v44 =	vor.u32 v3, v23;
	v45 =	vld.idx.msk [tilespmem:v40+s18+$0x0], $0xffff;
	[tilespmem:v27+s18+$0x0] =	vst.idx.msk $0xffff, v55  }
0x667: {  	v57 =	vmul.f32 v42, v16;
	v27 =	vor.u32 v3, v18;
	v58 =	vld.idx.msk [tilespmem:v30+s18+$0x0], $0xffff;
	[tilespmem:v39+s18+$0x0] =	vst.idx.msk $0xffff, v56  }
0x668: {  	v59 =	vmul.f32 v38, v16;
	v38 =	vor.u32 v3, v21;
	v39 =	vld.idx.msk [tilespmem:v46+s18+$0x0], $0xffff  }
0x669: {  	[tilespmem:v36+s18+$0x0] =	vst.idx.msk $0xffff, v57;
	v36 =	vor.u32 v3, v19;
	v60 =	vmul.f32 v54, v16  }
0x66a: {  	v34 =	vor.u32 v3, v24;
	v61 =	vld.idx.msk [tilespmem:v32+s18+$0x0], $0xffff;
	[tilespmem:v29+s18+$0x0] =	vst.idx.msk $0xffff, v59;
	v62 =	vmul.f32 v41, v16  }
0x66b: {  	v63 =	vld.idx.msk [tilespmem:v44+s18+$0x0], $0xffff;
	[tilespmem:v48+s18+$0x0] =	vst.idx.msk $0xffff, v60;
	v52 =	vmul.f32 v45, v16;
	v45 =	vor.u32 v3, v20  }
0x66c: {  	v48 =	vld.idx.msk [tilespmem:v27+s18+$0x0], $0xffff;
	[tilespmem:v43+s18+$0x0] =	vst.idx.msk $0xffff, v62;
	v53 =	vmul.f32 v58, v16  }
0x66d: {  	v42 =	vor.u32 v4, v17;
	[tilespmem:v40+s18+$0x0] =	vst.idx.msk $0xffff, v52;
	v43 =	vld.idx.msk [tilespmem:v38+s18+$0x0], $0xffff;
	v54 =	vmul.f32 v39, v16  }
0x66e: {  	v55 =	vmul.f32 v37, v14;
	v37 =	vor.u32 v4, v23;
	v56 =	vld.idx.msk [tilespmem:v36+s18+$0x0], $0xffff;
	[tilespmem:v30+s18+$0x0] =	vst.idx.msk $0xffff, v53  }
0x66f: {  	v57 =	vmul.f32 v61, v15;
	v30 =	vor.u32 v4, v18;
	v58 =	vld.idx.msk [tilespmem:v34+s18+$0x0], $0xffff;
	[tilespmem:v46+s18+$0x0] =	vst.idx.msk $0xffff, v54  }
0x670: {  	v26 =	vor.u32 v4, v21;
	[tilespmem:v33+s18+$0x0] =	vst.idx.msk $0xffff, v55;
	v59 =	vmul.f32 v63, v15;
	v60 =	vld.idx.msk [tilespmem:v45+s18+$0x0], $0xffff  }
0x671: {  	[tilespmem:v32+s18+$0x0] =	vst.idx.msk $0xffff, v57;
	v32 =	vor.u32 v4, v19;
	v61 =	vmul.f32 v48, v15  }
0x672: {  	v62 =	vld.idx.msk [tilespmem:v42+s18+$0x0], $0xffff;
	[tilespmem:v44+s18+$0x0] =	vst.idx.msk $0xffff, v59;
	v63 =	vmul.f32 v43, v15;
	v43 =	vor.u32 v4, v24  }
0x673: {  	v29 =	vor.u32 v4, v20;
	v44 =	vld.idx.msk [tilespmem:v37+s18+$0x0], $0xffff;
	[tilespmem:v27+s18+$0x0] =	vst.idx.msk $0xffff, v61;
	v46 =	vmul.f32 v56, v15  }
0x674: {  	v47 =	vld.idx.msk [tilespmem:v30+s18+$0x0], $0xffff;
	[tilespmem:v38+s18+$0x0] =	vst.idx.msk $0xffff, v63;
	v48 =	vmul.f32 v58, v15  }
0x675: {  	[tilespmem:v36+s18+$0x0] =	vst.idx.msk $0xffff, v46;
	v38 =	vld.idx.msk [tilespmem:v26+s18+$0x0], $0xffff;
	v49 =	vmul.f32 v60, v15  }
0x676: {  	v50 =	vmul.f32 v35, v11;
	v33 =	vor.u32 v5, v23;
	v51 =	vld.idx.msk [tilespmem:v32+s18+$0x0], $0xffff;
	[tilespmem:v34+s18+$0x0] =	vst.idx.msk $0xffff, v48  }
0x677: {  	v52 =	vmul.f32 v62, v14;
	v34 =	vor.u32 v5, v18;
	v53 =	vld.idx.msk [tilespmem:v43+s18+$0x0], $0xffff;
	[tilespmem:v45+s18+$0x0] =	vst.idx.msk $0xffff, v49  }
0x678: {  	[tilespmem:v31+s18+$0x0] =	vst.idx.msk $0xffff, v50;
	v27 =	vor.u32 v5, v21;
	v54 =	vmul.f32 v44, v14;
	v55 =	vld.idx.msk [tilespmem:v29+s18+$0x0], $0xffff  }
0x679: {  	v39 =	vor.u32 v5, v19;
	v56 =	vld.idx.msk [tilespmem:v25+s18+$0x0], $0xffff;
	[tilespmem:v42+s18+$0x0] =	vst.idx.msk $0xffff, v52;
	v57 =	vmul.f32 v47, v14  }
0x67a: {  	v58 =	vld.idx.msk [tilespmem:v28+s18+$0x0], $0xffff;
	[tilespmem:v37+s18+$0x0] =	vst.idx.msk $0xffff, v54;
	v37 =	vor.u32 v5, v24;
	v59 =	vmul.f32 v38, v14  }
0x67b: {  	v60 =	vld.idx.msk [tilespmem:v33+s18+$0x0], $0xffff;
	[tilespmem:v30+s18+$0x0] =	vst.idx.msk $0xffff, v57;
	v61 =	vmul.f32 v51, v14;
	v30 =	vor.u32 v5, v20  }
0x67c: {  	v35 =	vor.u32 v6, v22;
	v62 =	vld.idx.msk [tilespmem:v34+s18+$0x0], $0xffff;
	[tilespmem:v26+s18+$0x0] =	vst.idx.msk $0xffff, v59;
	v63 =	vmul.f32 v53, v14  }
0x67d: {  	v26 =	vor.u32 v6, v17;
	[tilespmem:v32+s18+$0x0] =	vst.idx.msk $0xffff, v61;
	v44 =	vld.idx.msk [tilespmem:v27+s18+$0x0], $0xffff;
	v45 =	vmul.f32 v55, v14  }
0x67e: {  	v31 =	vor.u32 v6, v23;
	v46 =	vmul.f32 v56, v13;
	v32 =	vld.idx.msk [tilespmem:v39+s18+$0x0], $0xffff;
	[tilespmem:v43+s18+$0x0] =	vst.idx.msk $0xffff, v63  }
0x67f: {  	v40 =	vor.u32 v6, v18;
	v47 =	vmul.f32 v58, v13;
	v48 =	vld.idx.msk [tilespmem:v37+s18+$0x0], $0xffff;
	[tilespmem:v29+s18+$0x0] =	vst.idx.msk $0xffff, v45  }
0x680: {  	v16 =	vor.u32 v6, v21;
	[tilespmem:v25+s18+$0x0] =	vst.idx.msk $0xffff, v46;
	v49 =	vmul.f32 v60, v13;
	v50 =	vld.idx.msk [tilespmem:v30+s18+$0x0], $0xffff  }
0x681: {  	v51 =	vld.idx.msk [tilespmem:v35+s18+$0x0], $0xffff;
	[tilespmem:v28+s18+$0x0] =	vst.idx.msk $0xffff, v47;
	v53 =	vor.u32 v6, v19;
	v52 =	vmul.f32 v62, v13  }
0x682: {  	[tilespmem:v33+s18+$0x0] =	vst.idx.msk $0xffff, v49;
	v33 =	vor.u32 v6, v24;
	v54 =	vld.idx.msk [tilespmem:v26+s18+$0x0], $0xffff;
	v55 =	vmul.f32 v44, v13  }
0x683: {  	v56 =	vld.idx.msk [tilespmem:v31+s18+$0x0], $0xffff;
	[tilespmem:v34+s18+$0x0] =	vst.idx.msk $0xffff, v52;
	v57 =	vmul.f32 v32, v13;
	v32 =	vor.u32 v6, v20  }
0x684: {  	v58 =	vor.u32 v7, v22;
	v34 =	vld.idx.msk [tilespmem:v40+s18+$0x0], $0xffff;
	[tilespmem:v27+s18+$0x0] =	vst.idx.msk $0xffff, v55;
	v59 =	vmul.f32 v48, v13  }
0x685: {  	v60 =	vor.u32 v7, v17;
	[tilespmem:v39+s18+$0x0] =	vst.idx.msk $0xffff, v57;
	v27 =	vld.idx.msk [tilespmem:v16+s18+$0x0], $0xffff;
	v61 =	vmul.f32 v50, v13  }
0x686: {  	v23 =	vor.u32 v7, v23;
	v62 =	vmul.f32 v51, v12;
	v63 =	vld.idx.msk [tilespmem:v53+s18+$0x0], $0xffff;
	[tilespmem:v37+s18+$0x0] =	vst.idx.msk $0xffff, v59  }
0x687: {  	v38 =	vor.u32 v7, v18;
	v37 =	vmul.f32 v54, v12;
	v39 =	vld.idx.msk [tilespmem:v33+s18+$0x0], $0xffff;
	[tilespmem:v30+s18+$0x0] =	vst.idx.msk $0xffff, v61  }
0x688: {  	v42 =	vor.u32 v7, v21;
	[tilespmem:v35+s18+$0x0] =	vst.idx.msk $0xffff, v62;
	v41 =	vmul.f32 v56, v12;
	v43 =	vld.idx.msk [tilespmem:v32+s18+$0x0], $0xffff  }
0x689: {  	v46 =	vor.u32 v7, v19;
	v44 =	vld.idx.msk [tilespmem:v58+s18+$0x0], $0xffff;
	[tilespmem:v26+s18+$0x0] =	vst.idx.msk $0xffff, v37;
	v45 =	vmul.f32 v34, v12  }
0x68a: {  	v24 =	vor.u32 v7, v24;
	[tilespmem:v31+s18+$0x0] =	vst.idx.msk $0xffff, v41;
	v26 =	vld.idx.msk [tilespmem:v60+s18+$0x0], $0xffff;
	v47 =	vmul.f32 v27, v12  }
0x68b: {  	v50 =	vor.u32 v7, v20;
	v48 =	vld.idx.msk [tilespmem:v23+s18+$0x0], $0xffff;
	[tilespmem:v40+s18+$0x0] =	vst.idx.msk $0xffff, v45;
	v49 =	vmul.f32 v63, v12  }
0x68c: {  	v51 =	vld.idx.msk [tilespmem:v38+s18+$0x0], $0xffff;
	[tilespmem:v16+s18+$0x0] =	vst.idx.msk $0xffff, v47;
	v52 =	vmul.f32 v39, v12  }
0x68d: {  	[tilespmem:v53+s18+$0x0] =	vst.idx.msk $0xffff, v49;
	v16 =	vld.idx.msk [tilespmem:v42+s18+$0x0], $0xffff;
	v53 =	vmul.f32 v43, v12  }
0x68e: {  	v54 =	vmul.f32 v44, v11;
	v55 =	vld.idx.msk [tilespmem:v46+s18+$0x0], $0xffff;
	[tilespmem:v33+s18+$0x0] =	vst.idx.msk $0xffff, v52  }
0x68f: {  	v56 =	vmul.f32 v26, v11;
	v57 =	vld.idx.msk [tilespmem:v24+s18+$0x0], $0xffff;
	[tilespmem:v32+s18+$0x0] =	vst.idx.msk $0xffff, v53  }
0x690: {  	[tilespmem:v58+s18+$0x0] =	vst.idx.msk $0xffff, v54;
	v58 =	vmul.f32 v48, v11;
	v59 =	vld.idx.msk [tilespmem:v50+s18+$0x0], $0xffff  }
0x691: {  	[tilespmem:v60+s18+$0x0] =	vst.idx.msk $0xffff, v56;
	v60 =	vmul.f32 v51, v11  }
0x692: {  	[tilespmem:v23+s18+$0x0] =	vst.idx.msk $0xffff, v58;
	v61 =	vmul.f32 v16, v11  }
0x693: {  	[tilespmem:v38+s18+$0x0] =	vst.idx.msk $0xffff, v60;
	v62 =	vmul.f32 v55, v11  }
0x694: {  	[tilespmem:v42+s18+$0x0] =	vst.idx.msk $0xffff, v61;
	v63 =	vmul.f32 v57, v11  }
0x695: {  	[tilespmem:v46+s18+$0x0] =	vst.idx.msk $0xffff, v62;
	v11 =	vmul.f32 v59, v11  }
0x696: {  	[tilespmem:v24+s18+$0x0] =	vst.idx.msk $0xffff, v63  }
0x697: {  	[tilespmem:v50+s18+$0x0] =	vst.idx.msk $0xffff, v11  }
0x698: {  	[spmem:s2] =	stream.indirect.scatter.add.f32 [tilespmem:s18], [sflag:$0x6], $0x80, s0, s25, $0xb8;
	[tilespmem:$0x1EE00] =	vst v63  }
0x699: {  	s23 =	simm.s32 $0x9400  }
0x69a: {  	[spmem:s3] =	stream.indirect.scatter.add.f32 [tilespmem:s23], [sflag:$0x6], $0x1, s0, s25, $0xb8;
	[tilespmem:$0x1EE00] =	vst v63  }
0x69b: {  	_ =	swait.ge [sflag:s12], $0x3000  }
.Ltmp6:
0x69c: {  	[sflag:s12] =	ssyncset.done $0x0;
	(pc) =	sbr.rel @p0 .LBB2_12-.Ltmp6, $4  }
0x69d: {  	[sflag:s12] =	ssyncadd.s32 $0xFFFFD000  }
0x69e: {  	_ =	swait.ge [sflag:s12], $0x60  }
0x69f: {  	[sflag:s12] =	ssyncset.done $0x0  }
0x6a0: {  	s28 =	simm.s32 $0x200;
	[sflag:s12] =	ssyncadd.s32 $0xFFFFFFA0  }
0x6a1: {  	_ =	swait.ge [sflag:s29], $0x100  }
0x6a2: {  	[sflag:s29] =	ssyncset.done $0x0  }
0x6a3: {  	[sflag:s29] =	ssyncadd.s32 $0xFFFFFF00  }
0x6a4: {  	[tilespmem:s31], [sflag:$0x2] =	stream.indirect.gather [hbm4b:s1+s25], $0x80, s30, s25, $0xb8;
	[tilespmem:$0x1EE00] =	vst v63  }
0x6a5: {  	s4 =	simm.s32 $0x100;
	s14 =	simm.s32 $0x9500;
	s23 =	rddreg [dreg:$0xc]  }
0x6a6: {  	[tilespmem:s14], [sflag:$0x2] =	stream.indirect.gather [hbm4b:s6+s25], $0x1, s4, s25, $0xb8;
	[tilespmem:$0x1EE00] =	vst v63  }
0x6a7: {  	s4 =	sadd.s32 s24, s23  }
.Ltmp7:
0x6a8: {  	s21 =	simm.s32 $0x9680;
	s4 =	sshll.u32 s4, $0x5;
	(pc) =	sbr.rel .LBB2_4-.Ltmp7, $4  }
0x6a9: {  	[tilespmem:s21], [sflag:$0x2] =	stream.indirect.gather [hbm4b:s7+s25], $0x1, s30, s25, $0xb8;
	[tilespmem:$0x1EE00] =	vst v63  }
0x6aa: {  	s4 =	sand.u32 $0xFFFFFE0, s4  }
0x6ab: {  	s19 =	sadd.s32 $0x1, s19;
	s24 =	simm.s32 $0x0;
	s4 =	sadd.s32 s8, s4  }
0x6ac: {  	[tilespmem:s28], [sflag:$0x9] =	stream.linear.gather [hbm4b:s4+s24], $0x100, $0x38;
	[tilespmem:$0x1EE00] =	vst v63  }
.LBB2_13:
0x6ad: {  	_ =	sfence.sel $0x180000  }
0x6ae: {  	[bflag:$0x0] =	sbarrier.arrive $0xFFFF  }
0x6af: {  	_ =	strace $0x90000047  }
0x6b0: {  	s0 =	stileid.u32;
	[bflag:$0x2] =	sbarrier.arrive $0xFFFF  }
0x6b1: {  	p0 =	sne.s32 s0, $0x0;
	s0 =	rddreg [dreg:$0x4]  }
0x6b2: {  	s0 =	sadd.s32 @!p0 $0x100000, s0  }
0x6b3: {  	[sflag:s0] =	ssyncadd.tile.s32 @!p0 $0x1;
	_ =	shalt  }
.Lfunc_end2:
_tile_overlayer_lowered:
.L_overlay_start_2:
0x6b4: {  	(tag) =	ssettag $0x2  }
0x6b5: {  	s0 =	rddreg [dreg:$0x0];
	s2 =	stileid.u32  }
0x6b6: {  	s1 =	rddreg [dreg:$0x1];
	p0 =	sne.s32 s2, $0x0  }
0x6b7: {  	s3 =	rddreg [dreg:$0x2];
	[bflag:$0x3] =	sbarrier.arrive $0xFFFF;
	s2 =	simm.s32 @!p0 $0x1C0A  }
0x6b8: {  	[timem:s3], [sflag:s2] =	dma.local @!p0 [hbm:s0], s1  }
0x6b9: {  	s0 =	simm.s32 @!p0 $0xA  }
0x6ba: {  	_ =	swait.ge @!p0 [sflag:s0], s1  }
0x6bb: {  	s1 =	ssub.s32 @!p0 $0x0, s1;
	[sflag:s0] =	ssyncset.done @!p0 $0x0  }
0x6bc: {  	[sflag:s0] =	ssyncadd.s32 @!p0 s1  }
0x6bd: {  	[bflag:$0x3] =	sbarrier.arrive $0xFFFF  }
0x6be: {  	_ =	shalt  }

</sc_bundles>
